<compile_context>
chip_gen: v7x
topology: tpu7x:2x2x1
jax: 0.10.2.dev20260603
libtpu: 0.0.44.dev20260713+nightly
codegen_flags: <defaults>
</compile_context>

<pallas_src>
import functools

import jax
import jax.numpy as jnp
from jax import lax
from jax.experimental import pallas as pl
from jax.experimental.pallas import tpu as pltpu
from jax.experimental.pallas import tpu_sc as plsc

N = 10000
E = 320000
NP = 10240
B = 128
S1 = 79
RPT = NP // 16
R = 512
NG = NP // R

_f32 = jnp.float32
_i32 = jnp.int32



def _zero_rows_dt(rows, ncols, dt):
    w = 16 if dt == _f32 else 32
    zerov = jnp.zeros((w,), dt)

    def zrow(r, carry):
        for k in range(ncols // w):
            rows[r, pl.ds(k * w, w)] = zerov
        return carry

    lax.fori_loop(0, B, zrow, 0)


def _zero_acc(rows, acc, row0):
    def zchunk(i, carry):
        pltpu.sync_copy(rows, acc.at[pl.ds(row0 + i * B, B)])
        return carry

    lax.fori_loop(0, RPT // B, zchunk, 0)


def _make_sc_edgesplit(F, with_deg, toff, dt=_f32, notc=False):
    mesh = plsc.VectorSubcoreMesh(core_axis_name="c", subcore_axis_name="s")
    out_type = [jax.ShapeDtypeStruct((2, NP, F), dt)]
    scratch = [
        pltpu.VMEM((S1, B), _i32),
        pltpu.VMEM((2, B), _i32),
        pltpu.VMEM((B, F), dt),
        pltpu.VMEM((B, F), dt),
        pltpu.VMEM_SHARED((NP, F), dt),
        pltpu.SemaphoreType.DMA,
        pltpu.SemaphoreType.DMA,
        pltpu.SemaphoreType.DMA,
        pltpu.SemaphoreType.DMA,
    ]
    if with_deg:
        out_type.append(jax.ShapeDtypeStruct((2, NP), _f32))
        scratch += [
            pltpu.VMEM((B,), _f32),
            pltpu.VMEM((RPT,), _f32),
            pltpu.VMEM_SHARED((NP,), _f32),
        ]
    cp = pltpu.CompilerParams(use_tc_tiling_on_sc=False) if notc else None

    @functools.partial(pl.kernel, out_type=out_type, mesh=mesh,
                       scratch_types=scratch, compiler_params=cp)
    def k(table, srcs, dsts, *refs):
        if with_deg:
            (out, deg, src_v, dst_v, rows0, rows1, acc,
             gs0, gs1, ds0, ds1, ones_v, zd, accd) = refs
        else:
            (out, src_v, dst_v, rows0, rows1, acc,
             gs0, gs1, ds0, ds1) = refs
        rows = (rows0, rows1)
        gsem = (gs0, gs1)
        dsem = (ds0, ds1)
        c = lax.axis_index("c")
        s = lax.axis_index("s")
        wid = c * 16 + s
        row0 = s * RPT

        pltpu.sync_copy(srcs.at[wid], src_v)

        off = c * toff

        def offrow(j, carry):
            for kk in range(B // 16):
                src_v[j, pl.ds(kk * 16, 16)] = (
                    src_v[j, pl.ds(kk * 16, 16)] + off)
            return carry

        lax.fori_loop(0, S1, offrow, 0)

        _zero_rows_dt(rows0, F, dt)
        _zero_acc(rows0, acc, row0)
        if with_deg:
            one16 = jnp.ones((16,), _f32)
            zero16 = jnp.zeros((16,), _f32)
            for kk in range(B // 16):
                ones_v[pl.ds(kk * 16, 16)] = one16
            for kk in range(RPT // 16):
                zd[pl.ds(kk * 16, 16)] = zero16
            pltpu.sync_copy(zd, accd.at[pl.ds(row0, RPT)])
        plsc.subcore_barrier()

        dbase = wid * S1
        for b in range(2):
            pltpu.async_copy(table.at[src_v.at[b]], rows[b], gsem[b])
            pltpu.async_copy(dsts.at[dbase + b], dst_v.at[b], dsem[b])

        def emit(j, b, issue):
            pltpu.make_async_copy(
                table.at[pl.ds(0, B)], rows[b], gsem[b]).wait()
            pltpu.make_async_copy(
                dsts.at[dbase], dst_v.at[b], dsem[b]).wait()
            pltpu.sync_copy(rows[b], acc.at[dst_v.at[b]], add=True)
            if with_deg:
                pltpu.sync_copy(ones_v, accd.at[dst_v.at[b]], add=True)
            if issue:
                pltpu.async_copy(table.at[src_v.at[j + 2]], rows[b], gsem[b])
                pltpu.async_copy(dsts.at[dbase + j + 2], dst_v.at[b], dsem[b])

        def step(i, carry):
            g = i * 2
            for b in range(2):
                emit(g + b, b, True)
            return carry

        lax.fori_loop(0, (S1 - 3) // 2, step, 0)
        emit(S1 - 3, 0, True)
        emit(S1 - 2, 1, False)
        emit(S1 - 1, 0, False)
        plsc.subcore_barrier()

        pltpu.sync_copy(acc.at[pl.ds(row0, RPT)],
                        out.at[c, pl.ds(row0, RPT)])
        if with_deg:
            pltpu.sync_copy(accd.at[pl.ds(row0, RPT)],
                            deg.at[c, pl.ds(row0, RPT)])

    return k


def _make_sc_colblock():
    F = 128
    bf16 = jnp.bfloat16
    mesh = plsc.VectorSubcoreMesh(core_axis_name="c", subcore_axis_name="s")
    out_type = [jax.ShapeDtypeStruct((2, NP, F), bf16)]
    scratch = [
        pltpu.VMEM((S1, B), _i32),
        pltpu.VMEM((2, B), _i32),
        pltpu.VMEM((B, F), bf16),
        pltpu.VMEM((B, F), bf16),
        pltpu.VMEM_SHARED((NP, F), bf16),
        pltpu.SemaphoreType.DMA,
        pltpu.SemaphoreType.DMA,
        pltpu.SemaphoreType.DMA,
        pltpu.SemaphoreType.DMA,
    ]

    @functools.partial(
        pl.kernel, out_type=out_type, mesh=mesh, scratch_types=scratch,
        compiler_params=pltpu.CompilerParams(use_tc_tiling_on_sc=False))
    def k(table, srcs, dsts, out, src_v, dst_v, rows0, rows1, acc,
          gs0, gs1, ds0, ds1):
        rows = (rows0, rows1)
        gsem = (gs0, gs1)
        dsem = (ds0, ds1)
        c = lax.axis_index("c")
        s = lax.axis_index("s")
        row0 = s * RPT
        off = c * NP

        zero32 = jnp.zeros((32,), jnp.bfloat16)

        def zrow(r, carry):
            for kk in range(F // 32):
                rows1[r, pl.ds(kk * 32, 32)] = zero32
            return carry

        lax.fori_loop(0, B, zrow, 0)
        _zero_acc(rows1, acc, row0)
        plsc.subcore_barrier()

        for h in range(2):
            pltpu.sync_copy(srcs.at[h * 16 + s], src_v)

            def offrow(j, carry):
                for kk in range(B // 16):
                    src_v[j, pl.ds(kk * 16, 16)] = (
                        src_v[j, pl.ds(kk * 16, 16)] + off)
                return carry

            lax.fori_loop(0, S1, offrow, 0)

            dbase = (h * 16 + s) * S1
            for b in range(2):
                pltpu.async_copy(table.at[src_v.at[b]], rows[b], gsem[b])
                pltpu.async_copy(dsts.at[dbase + b], dst_v.at[b], dsem[b])

            def emit(j, b, issue):
                pltpu.make_async_copy(
                    table.at[pl.ds(0, B)], rows[b], gsem[b]).wait()
                pltpu.make_async_copy(
                    dsts.at[dbase], dst_v.at[b], dsem[b]).wait()
                pltpu.sync_copy(rows[b], acc.at[dst_v.at[b]], add=True)
                if issue:
                    pltpu.async_copy(
                        table.at[src_v.at[j + 2]], rows[b], gsem[b])
                    pltpu.async_copy(
                        dsts.at[dbase + j + 2], dst_v.at[b], dsem[b])

            def step(i, carry):
                g = i * 2
                for b in range(2):
                    emit(g + b, b, True)
                return carry

            lax.fori_loop(0, (S1 - 3) // 2, step, 0)
            emit(S1 - 3, 0, True)
            emit(S1 - 2, 1, False)
            emit(S1 - 1, 0, False)

        plsc.subcore_barrier()

        pltpu.sync_copy(acc.at[pl.ds(row0, RPT)],
                        out.at[c, pl.ds(row0, RPT)])

    return k



def _inv_deg(da, db):
    return 1.0 / jnp.maximum(da[...] + db[...], 1.0)



def _self0_body(x, Ws, b, zs):
    zs[...] = jnp.dot(x[...], Ws[...], preferred_element_type=_f32) + b[...]


def _self1_body(h, Ws, b, zs):
    zs[...] = (jnp.dot(h[0], Ws[0:128, :], preferred_element_type=_f32)
               + jnp.dot(h[1], Ws[128:256, :], preferred_element_type=_f32)
               + b[...])


def _stats_upd(i, zv, st):
    rows = lax.broadcasted_iota(_i32, (R, 1), 0) + i * R
    m = (rows < N).astype(_f32)
    zm = zv * m
    s1 = jnp.sum(zm, axis=0, keepdims=True)
    s2 = jnp.sum(zm * zm, axis=0, keepdims=True)
    upd = jnp.concatenate(
        [s1, s2, jnp.zeros((6, s1.shape[1]), _f32)], axis=0)

    @pl.when(i == 0)
    def _():
        st[...] = upd

    @pl.when(i != 0)
    def _():
        st[...] = st[...] + upd


def _bn_relu(zv, st, gamma, beta):
    mu = st[0:1, :] * (1.0 / N)
    ms = st[1:2, :] * (1.0 / N)
    rstd = lax.rsqrt(ms - mu * mu + 1e-5)
    return jnp.maximum((zv - mu) * rstd * gamma[...] + beta[...], 0.0)


def _fuse0_body(zs, agg, da, db, Wn, gamma, beta, z, st, h, hb):
    p = pl.program_id(0)
    i = pl.program_id(1)

    @pl.when(p == 0)
    def _():
        inv = _inv_deg(da, db)
        hn = (agg[0].astype(_f32) + agg[1].astype(_f32)) * inv
        zv = zs[...] + jnp.dot(hn, Wn[...], preferred_element_type=_f32)
        z[...] = zv
        _stats_upd(i, zv, st)

    @pl.when(p == 1)
    def _():
        hv = _bn_relu(zs[...], st, gamma, beta)
        h[0] = hv[:, 0:128]
        h[1] = hv[:, 128:256]
        hvb = hv.astype(jnp.bfloat16)
        hb[0] = hvb[:, 0:128]
        hb[1] = hvb[:, 128:256]


def _fuse1_body(zs, p1, da, db, Wn, gamma, beta, Wn2, z, st, h, p2):
    p = pl.program_id(0)
    i = pl.program_id(1)

    @pl.when(p == 0)
    def _():
        inv = _inv_deg(da, db)
        a0 = p1[0].astype(_f32) * inv
        a1 = p1[1].astype(_f32) * inv
        zv = (zs[...]
              + jnp.dot(a0, Wn[0:128, :], preferred_element_type=_f32)
              + jnp.dot(a1, Wn[128:256, :], preferred_element_type=_f32))
        z[...] = zv
        _stats_upd(i, zv, st)

    @pl.when(p == 1)
    def _():
        hv = _bn_relu(zs[...], st, gamma, beta)
        h[0] = hv[:, 0:128]
        h[1] = hv[:, 128:256]
        pv = (jnp.dot(hv[:, 0:128], Wn2[0:128, :],
                      preferred_element_type=_f32)
              + jnp.dot(hv[:, 128:256], Wn2[128:256, :],
                        preferred_element_type=_f32)).astype(jnp.bfloat16)
        p2[0] = pv
        p2[1] = pv


def _final_body(t2, q, da, db, o):
    o[...] = (t2[...]
              + (q[0].astype(_f32) + q[1].astype(_f32)) * _inv_deg(da, db))


def _row_spec(w):
    return pl.BlockSpec((R, w), lambda i: (i, 0))


def _row2_spec(w):
    return pl.BlockSpec((2, R, w), lambda i: (0, i, 0))


def _whole_spec(shape):
    nd = len(shape)
    return pl.BlockSpec(shape, lambda i: (0,) * nd)


_ARB = pltpu.CompilerParams(dimension_semantics=("arbitrary",))


def _tc_call(body, in_specs, out_specs, out_shape):
    return pl.pallas_call(
        body, grid=(NG,), in_specs=in_specs, out_specs=out_specs,
        out_shape=out_shape, compiler_params=_ARB)


_self0 = _tc_call(
    _self0_body,
    [_row_spec(128), _whole_spec((128, 256)), _whole_spec((1, 256))],
    [_row_spec(256)],
    [jax.ShapeDtypeStruct((NP, 256), _f32)])

_self1 = _tc_call(
    _self1_body,
    [_row2_spec(128), _whole_spec((256, 256)), _whole_spec((1, 256))],
    [_row_spec(256)],
    [jax.ShapeDtypeStruct((NP, 256), _f32)])

def _phase_row(w):
    return pl.BlockSpec((R, w), lambda p, i: (i * (1 - p), 0))


def _phase_row2(w):
    return pl.BlockSpec((2, R, w), lambda p, i: (0, i * (1 - p), 0))


def _phase_out2(w):
    return pl.BlockSpec((2, R, w), lambda p, i: (0, i * p, 0))


def _whole2(shape):
    nd = len(shape)
    return pl.BlockSpec(shape, lambda p, i: (0,) * nd)


_ARB2 = pltpu.CompilerParams(
    dimension_semantics=("arbitrary", "arbitrary"))

_fuse0 = pl.pallas_call(
    _fuse0_body, grid=(2, NG),
    in_specs=[pl.BlockSpec((R, 256), lambda p, i: (i, 0)),
              _phase_row2(128), _phase_row(1),
              _phase_row(1), _whole2((128, 256)), _whole2((1, 256)),
              _whole2((1, 256))],
    out_specs=[pl.BlockSpec((R, 256), lambda p, i: (i, 0)),
               _whole2((8, 256)), _phase_out2(128), _phase_out2(128)],
    out_shape=[jax.ShapeDtypeStruct((NP, 256), _f32),
               jax.ShapeDtypeStruct((8, 256), _f32),
               jax.ShapeDtypeStruct((2, NP, 128), _f32),
               jax.ShapeDtypeStruct((2, NP, 128), jnp.bfloat16)],
    input_output_aliases={0: 0},
    compiler_params=_ARB2)

_fuse1 = pl.pallas_call(
    _fuse1_body, grid=(2, NG),
    in_specs=[pl.BlockSpec((R, 256), lambda p, i: (i, 0)),
              _phase_row2(128), _phase_row(1),
              _phase_row(1), _whole2((256, 256)), _whole2((1, 256)),
              _whole2((1, 256)), _whole2((256, 64))],
    out_specs=[pl.BlockSpec((R, 256), lambda p, i: (i, 0)),
               _whole2((8, 256)), _phase_out2(128), _phase_out2(64)],
    out_shape=[jax.ShapeDtypeStruct((NP, 256), _f32),
               jax.ShapeDtypeStruct((8, 256), _f32),
               jax.ShapeDtypeStruct((2, NP, 128), _f32),
               jax.ShapeDtypeStruct((2, NP, 64), jnp.bfloat16)],
    input_output_aliases={0: 0},
    compiler_params=_ARB2)

_t2k = _tc_call(
    _self1_body,
    [_row2_spec(128), _whole_spec((256, 64)), _whole_spec((1, 64))],
    [_row_spec(64)],
    [jax.ShapeDtypeStruct((NP, 64), _f32)])

_final = _tc_call(
    _final_body,
    [_row_spec(64), _row2_spec(64), _row_spec(1), _row_spec(1)],
    [_row_spec(64)],
    [jax.ShapeDtypeStruct((NP, 64), _f32)])


_sc_edge128 = _make_sc_edgesplit(128, with_deg=True, toff=N,
                                 dt=jnp.bfloat16, notc=True)
_sc_edge64 = _make_sc_edgesplit(64, with_deg=False, toff=NP,
                                dt=jnp.bfloat16, notc=True)
_sc_colblock = _make_sc_colblock()

_EH = 16 * S1 * B


def _pad_edges(s, d, n_groups):
    tot = n_groups * S1 * B
    pad = tot - s.shape[0]
    trash = N + (jnp.arange(pad, dtype=_i32) % (NP - N))
    sp = jnp.concatenate([s, jnp.zeros((pad,), _i32)]).reshape(n_groups, S1, B)
    dp = jnp.concatenate([d, trash]).reshape(n_groups, S1, B)
    return sp, dp


def kernel(x, edge_index, W_self0, W_neigh0, b0, W_self1, W_neigh1, b1,
           W_self2, W_neigh2, b2, gamma0, beta0, gamma1, beta1):
    src = edge_index[0].astype(_i32)
    dst = edge_index[1].astype(_i32)

    srcES, dstES = _pad_edges(src, dst, 32)
    dstES = dstES.reshape(32 * S1, B)

    xp = jnp.pad(x, ((0, NP - N), (0, 0)))
    x2 = jnp.concatenate([x, x], axis=0).astype(jnp.bfloat16)

    agg0, deg = _sc_edge128(x2, srcES, dstES)
    (zs0,) = _self0(xp, W_self0, b0.reshape(1, -1))
    da = deg[0].reshape(NP, 1)
    db = deg[1].reshape(NP, 1)
    z0, st0, h0, h0b = _fuse0(zs0, agg0, da, db, W_neigh0,
                              gamma0.reshape(1, -1), beta0.reshape(1, -1))

    h0s = h0b.reshape(2 * NP, 128)
    (p1,) = _sc_colblock(h0s, srcES, dstES)
    (zs1,) = _self1(h0, W_self1, b1.reshape(1, -1))
    Wn2p = jnp.pad(W_neigh2, ((0, 0), (0, 24)))
    Ws2p = jnp.pad(W_self2, ((0, 0), (0, 24)))
    b2p = jnp.pad(b2, (0, 24)).reshape(1, -1)
    z1, st1, h1, pr2 = _fuse1(zs1, p1, da, db, W_neigh1,
                              gamma1.reshape(1, -1), beta1.reshape(1, -1),
                              Wn2p)

    (q2,) = _sc_edge64(pr2.reshape(2 * NP, 64), srcES, dstES)
    (t2,) = _t2k(h1, Ws2p, b2p)
    (o,) = _final(t2, q2, da, db)
    return o[:N, :40]

# --- scband reference (transcript-rebuilt; emitter-appended) ---
"""Pipeline reference for scband-graph-sage-46591805227036 (READ-ONLY COPY).

The authoritative reference and input builder live on the scoring server;
editing this copy changes nothing except your own understanding.
"""

import jax, jax.numpy as jnp
import numpy as np

N = 10000
E = 320000
IN_FEATS = 128
HID = 256
NCLS = 40


def setup_inputs(seed: int = 0):
    key = jax.random.key(seed)
    ks = jax.random.split(key, 16)
    x = jax.random.normal(ks[0], (N, IN_FEATS), dtype=jnp.float32)
    edge_index = jax.random.randint(ks[1], (2, E), 0, N)
    dims = [(IN_FEATS, HID), (HID, HID), (HID, NCLS)]
    inp = {"x": x, "edge_index": edge_index}
    for i, (di, do) in enumerate(dims):
        scale = 1.0 / np.sqrt(di)
        inp[f"W_self{i}"] = jax.random.normal(ks[2 + 3 * i], (di, do), dtype=jnp.float32) * scale
        inp[f"W_neigh{i}"] = jax.random.normal(ks[3 + 3 * i], (di, do), dtype=jnp.float32) * scale
        inp[f"b{i}"] = jnp.zeros((do,), dtype=jnp.float32)
    inp["gamma0"] = jnp.ones((HID,), dtype=jnp.float32)
    inp["beta0"] = jnp.zeros((HID,), dtype=jnp.float32)
    inp["gamma1"] = jnp.ones((HID,), dtype=jnp.float32)
    inp["beta1"] = jnp.zeros((HID,), dtype=jnp.float32)
    return inp


def _sage_conv(h, src, dst, Ws, Wn, b):
    # DGL SAGEConv with 'mean' aggregator: fc_self(h) + fc_neigh(mean_{u in N(v)} h_u) + bias
    msg = h[src]
    s = jax.ops.segment_sum(msg, dst, num_segments=N)
    deg = jax.ops.segment_sum(jnp.ones((src.shape[0],), dtype=h.dtype), dst, num_segments=N)
    h_neigh = s / jnp.clip(deg, 1.0)[:, None]
    return h @ Ws + h_neigh @ Wn + b


def _bn(h, gamma, beta, eps=1e-5):
    mu = jnp.mean(h, axis=0, keepdims=True)
    var = jnp.var(h, axis=0, keepdims=True)
    return (h - mu) / jnp.sqrt(var + eps) * gamma + beta


def reference(x, edge_index, W_self0, W_neigh0, b0, W_self1, W_neigh1, b1, W_self2, W_neigh2, b2, gamma0, beta0, gamma1, beta1):
    src = edge_index[0]
    dst = edge_index[1]
    h = _sage_conv(x, src, dst, W_self0, W_neigh0, b0)
    h = jax.nn.relu(_bn(h, gamma0, beta0))
    # dropout is identity in deterministic/eval reference
    h = _sage_conv(h, src, dst, W_self1, W_neigh1, b1)
    h = jax.nn.relu(_bn(h, gamma1, beta1))
    h = _sage_conv(h, src, dst, W_self2, W_neigh2, b2)
    return h

if __name__ == "__main__":
    import jax
    _d = setup_inputs()
    print(jax.jit(kernel)(*tuple(_d.values())))

</pallas_src>

<mosaic_0001>
#map = affine_map<(d0, d1) -> (0, 0)>
#map1 = affine_map<(d0, d1) -> (0, 0, 0)>
module attributes {stable_mosaic.version = 14 : i64} {
  func.func @k(%arg0: i32, %arg1: i32, %arg2: memref<20480x128xbf16, #tpu.memory_space<hbm>>, %arg3: memref<32x79x128xi32, #tpu.memory_space<hbm>>, %arg4: memref<2528x128xi32, #tpu.memory_space<hbm>>, %arg5: memref<2x10240x128xbf16, #tpu.memory_space<hbm>>, %arg6: memref<79x128xi32, #tpu.memory_space<vmem>>, %arg7: memref<2x128xi32, #tpu.memory_space<vmem>>, %arg8: memref<128x128xbf16, #tpu.memory_space<vmem>>, %arg9: memref<128x128xbf16, #tpu.memory_space<vmem>>, %arg10: memref<10240x128xbf16, #tpu.memory_space<vmem_shared>>, %arg11: memref<!tpu.dma_semaphore, #tpu.memory_space<semaphore_mem>>, %arg12: memref<!tpu.dma_semaphore, #tpu.memory_space<semaphore_mem>>, %arg13: memref<!tpu.dma_semaphore, #tpu.memory_space<semaphore_mem>>, %arg14: memref<!tpu.dma_semaphore, #tpu.memory_space<semaphore_mem>>) attributes {dimension_semantics = [#tpu.dimension_semantics<core_parallel>, #tpu.dimension_semantics<subcore_parallel>], iteration_bounds = array<i64: 2, 16>, scalar_prefetch = 0 : i64, scratch_operands = 9 : i64, tpu.core_type = #tpu.core_type<sc_vector_subcore>, window_params = [{transform_indices = #map}, {transform_indices = #map1}, {transform_indices = #map}, {transform_indices = #map1}]} {
    %mul3A = arith.constant 640 : i32
    %mul3A_0 = arith.muli %arg1, %mul3A : i32
    %mul3A_1 = arith.constant 10240 : i32
    %mul3A_2 = arith.muli %arg0, %mul3A_1 : i32
    %broadcast_in_dim3A = arith.constant 0.000000e+00 : bf16
    %broadcast_in_dim3A_3 = vector.broadcast %broadcast_in_dim3A : bf16 to vector<32xbf16>
    %scan3A = arith.constant 0 : i32
    %scan3A_4 = arith.constant 0 : i32
    %scan3A_5 = arith.constant 128 : i32
    %scan3A_6 = arith.addi %scan3A_4, %scan3A_5 : i32
    %scan3A_7 = arith.constant 1 : i32
    scf.for %scan3A_304 = %scan3A_4 to %scan3A_6 step %scan3A_7  : i32 {
      %swap3A = arith.index_cast %scan3A_304 : i32 to index
      %swap3A_305 = arith.constant 0 : index
      %swap3A_306 = tpu.vector_load %arg9[%swap3A, %swap3A_305] {strides = array<i32>} : memref<128x128xbf16, #tpu.memory_space<vmem>>, vector<1x32xbf16>,
      %swap3A_307 = vector.shape_cast %swap3A_306 : vector<1x32xbf16> to vector<32xbf16>
      %swap3A_308 = vector.shape_cast %broadcast_in_dim3A_3 : vector<32xbf16> to vector<1x32xbf16>
      tpu.vector_store %arg9[%swap3A, %swap3A_305], %swap3A_308 {strides = array<i32>} : memref<128x128xbf16, #tpu.memory_space<vmem>>, vector<1x32xbf16>,
      %swap3A_309 = arith.index_cast %scan3A_304 : i32 to index
      %swap3A_310 = arith.constant 32 : index
      %swap3A_311 = tpu.vector_load %arg9[%swap3A_309, %swap3A_310] {strides = array<i32>} : memref<128x128xbf16, #tpu.memory_space<vmem>>, vector<1x32xbf16>,
      %swap3A_312 = vector.shape_cast %swap3A_311 : vector<1x32xbf16> to vector<32xbf16>
      %swap3A_313 = vector.shape_cast %broadcast_in_dim3A_3 : vector<32xbf16> to vector<1x32xbf16>
      tpu.vector_store %arg9[%swap3A_309, %swap3A_310], %swap3A_313 {strides = array<i32>} : memref<128x128xbf16, #tpu.memory_space<vmem>>, vector<1x32xbf16>,
      %swap3A_314 = arith.index_cast %scan3A_304 : i32 to index
      %swap3A_315 = arith.constant 64 : index
      %swap3A_316 = tpu.vector_load %arg9[%swap3A_314, %swap3A_315] {strides = array<i32>} : memref<128x128xbf16, #tpu.memory_space<vmem>>, vector<1x32xbf16>,
      %swap3A_317 = vector.shape_cast %swap3A_316 : vector<1x32xbf16> to vector<32xbf16>
      %swap3A_318 = vector.shape_cast %broadcast_in_dim3A_3 : vector<32xbf16> to vector<1x32xbf16>
      tpu.vector_store %arg9[%swap3A_314, %swap3A_315], %swap3A_318 {strides = array<i32>} : memref<128x128xbf16, #tpu.memory_space<vmem>>, vector<1x32xbf16>,
      %swap3A_319 = arith.index_cast %scan3A_304 : i32 to index
      %swap3A_320 = arith.constant 96 : index
      %swap3A_321 = tpu.vector_load %arg9[%swap3A_319, %swap3A_320] {strides = array<i32>} : memref<128x128xbf16, #tpu.memory_space<vmem>>, vector<1x32xbf16>,
      %swap3A_322 = vector.shape_cast %swap3A_321 : vector<1x32xbf16> to vector<32xbf16>
      %swap3A_323 = vector.shape_cast %broadcast_in_dim3A_3 : vector<32xbf16> to vector<1x32xbf16>
      tpu.vector_store %arg9[%swap3A_319, %swap3A_320], %swap3A_323 {strides = array<i32>} : memref<128x128xbf16, #tpu.memory_space<vmem>>, vector<1x32xbf16>,
    }
    %scan3A_8 = arith.constant 128 : i32
    %scan3A_9 = arith.constant 0 : i32
    %scan3A_10 = arith.constant 0 : i32
    %scan3A_11 = arith.constant 5 : i32
    %scan3A_12 = arith.addi %scan3A_10, %scan3A_11 : i32
    %scan3A_13 = arith.constant 1 : i32
    scf.for %scan3A_304 = %scan3A_10 to %scan3A_12 step %scan3A_13  : i32 {
      %mul3A_305 = arith.constant 128 : i32
      %mul3A_306 = arith.muli %scan3A_304, %mul3A_305 : i32
      %add3A_307 = arith.addi %mul3A_0, %mul3A_306 : i32
      "tpu.region"() ({
        %run_scoped3A_308 = tpu.sem_alloc : memref<!tpu.dma_semaphore, #tpu.memory_space<semaphore_mem>>
        %dma_start3A_309 = arith.constant 0 : i32
        %dma_start3A_310 = tpu.memref_slice %arg10[%add3A_307, %dma_start3A_309] : memref<10240x128xbf16, #tpu.memory_space<vmem_shared>> -> memref<128x128xbf16, #tpu.memory_space<vmem_shared>>
        %dma_start3A_311 = arith.constant 0 : i32
        %dma_start3A_312 = tpu.memref_slice %arg10[%add3A_307, %dma_start3A_311] : memref<10240x128xbf16, #tpu.memory_space<vmem_shared>> -> memref<128x128xbf16, #tpu.memory_space<vmem_shared>>
        tpu.enqueue_dma source(%arg9 : memref<128x128xbf16, #tpu.memory_space<vmem>>) target(%dma_start3A_312 : memref<128x128xbf16, #tpu.memory_space<vmem_shared>>) target_semaphore(%run_scoped3A_308 : memref<!tpu.dma_semaphore, #tpu.memory_space<semaphore_mem>>)
        %dma_wait3A_313 = arith.constant 0 : i32
        %dma_wait3A_314 = tpu.memref_slice %arg10[%add3A_307, %dma_wait3A_313] : memref<10240x128xbf16, #tpu.memory_space<vmem_shared>> -> memref<128x128xbf16, #tpu.memory_space<vmem_shared>>
        %dma_wait3A_315 = arith.constant 0 : i32
        %dma_wait3A_316 = tpu.memref_slice %arg10[%add3A_307, %dma_wait3A_315] : memref<10240x128xbf16, #tpu.memory_space<vmem_shared>> -> memref<128x128xbf16, #tpu.memory_space<vmem_shared>>
        tpu.wait_dma2 semaphore(%run_scoped3A_308 : memref<!tpu.dma_semaphore, #tpu.memory_space<semaphore_mem>>) src(%arg9 : memref<128x128xbf16, #tpu.memory_space<vmem>>) dst(%dma_wait3A_316 : memref<128x128xbf16, #tpu.memory_space<vmem_shared>>)
        tpu.yield
      }) : () -> ()
    }
    %scan3A_14 = arith.constant 5 : i32
    %barrier3A = arith.constant 0 : index
    tpu.barrier barrier_id(%barrier3A)
    %add3A = arith.constant 0 : i32
    %add3A_15 = arith.addi %add3A, %arg1 : i32
    "tpu.region"() ({
      %run_scoped3A_304 = tpu.sem_alloc : memref<!tpu.dma_semaphore, #tpu.memory_space<semaphore_mem>>
      %dma_start3A_305 = arith.constant 0 : i32
      %dma_start3A_306 = arith.constant 0 : i32
      %dma_start3A_307 = tpu.memref_slice %arg3[%add3A_15, %dma_start3A_305, %dma_start3A_306] : memref<32x79x128xi32, #tpu.memory_space<hbm>> -> memref<1x79x128xi32, #tpu.memory_space<hbm>>
      %dma_start3A_308 = tpu.memref_squeeze %dma_start3A_307 : memref<1x79x128xi32, #tpu.memory_space<hbm>> -> memref<79x128xi32, #tpu.memory_space<hbm>>
      %dma_start3A_309 = arith.constant 0 : i32
      %dma_start3A_310 = arith.constant 0 : i32
      %dma_start3A_311 = tpu.memref_slice %arg3[%add3A_15, %dma_start3A_309, %dma_start3A_310] : memref<32x79x128xi32, #tpu.memory_space<hbm>> -> memref<1x79x128xi32, #tpu.memory_space<hbm>>
      %dma_start3A_312 = tpu.memref_squeeze %dma_start3A_311 : memref<1x79x128xi32, #tpu.memory_space<hbm>> -> memref<79x128xi32, #tpu.memory_space<hbm>>
      tpu.enqueue_dma source(%dma_start3A_312 : memref<79x128xi32, #tpu.memory_space<hbm>>) target(%arg6 : memref<79x128xi32, #tpu.memory_space<vmem>>) target_semaphore(%run_scoped3A_304 : memref<!tpu.dma_semaphore, #tpu.memory_space<semaphore_mem>>)
      %dma_wait3A_313 = arith.constant 0 : i32
      %dma_wait3A_314 = arith.constant 0 : i32
      %dma_wait3A_315 = tpu.memref_slice %arg3[%add3A_15, %dma_wait3A_313, %dma_wait3A_314] : memref<32x79x128xi32, #tpu.memory_space<hbm>> -> memref<1x79x128xi32, #tpu.memory_space<hbm>>
      %dma_wait3A_316 = tpu.memref_squeeze %dma_wait3A_315 : memref<1x79x128xi32, #tpu.memory_space<hbm>> -> memref<79x128xi32, #tpu.memory_space<hbm>>
      %dma_wait3A_317 = arith.constant 0 : i32
      %dma_wait3A_318 = arith.constant 0 : i32
      %dma_wait3A_319 = tpu.memref_slice %arg3[%add3A_15, %dma_wait3A_317, %dma_wait3A_318] : memref<32x79x128xi32, #tpu.memory_space<hbm>> -> memref<1x79x128xi32, #tpu.memory_space<hbm>>
      %dma_wait3A_320 = tpu.memref_squeeze %dma_wait3A_319 : memref<1x79x128xi32, #tpu.memory_space<hbm>> -> memref<79x128xi32, #tpu.memory_space<hbm>>
      tpu.wait_dma2 semaphore(%run_scoped3A_304 : memref<!tpu.dma_semaphore, #tpu.memory_space<semaphore_mem>>) src(%dma_wait3A_320 : memref<79x128xi32, #tpu.memory_space<hbm>>) dst(%arg6 : memref<79x128xi32, #tpu.memory_space<vmem>>)
      tpu.yield
    }) : () -> ()
    %scan3A_16 = arith.constant 0 : i32
    %scan3A_17 = arith.constant 0 : i32
    %scan3A_18 = arith.constant 79 : i32
    %scan3A_19 = arith.addi %scan3A_17, %scan3A_18 : i32
    %scan3A_20 = arith.constant 1 : i32
    scf.for %scan3A_304 = %scan3A_17 to %scan3A_19 step %scan3A_20  : i32 {
      %get3A = arith.index_cast %scan3A_304 : i32 to index
      %get3A_305 = arith.constant 0 : index
      %get3A_306 = tpu.vector_load %arg6[%get3A, %get3A_305] {strides = array<i32>} : memref<79x128xi32, #tpu.memory_space<vmem>>, vector<1x16xi32>,
      %get3A_307 = vector.shape_cast %get3A_306 : vector<1x16xi32> to vector<16xi32>
      %add3A_308 = vector.broadcast %mul3A_2 : i32 to vector<16xi32>
      %add3A_309 = arith.addi %get3A_307, %add3A_308 : vector<16xi32>
      %swap3A = arith.index_cast %scan3A_304 : i32 to index
      %swap3A_310 = arith.constant 0 : index
      %swap3A_311 = tpu.vector_load %arg6[%swap3A, %swap3A_310] {strides = array<i32>} : memref<79x128xi32, #tpu.memory_space<vmem>>, vector<1x16xi32>,
      %swap3A_312 = vector.shape_cast %swap3A_311 : vector<1x16xi32> to vector<16xi32>
      %swap3A_313 = vector.shape_cast %add3A_309 : vector<16xi32> to vector<1x16xi32>
      tpu.vector_store %arg6[%swap3A, %swap3A_310], %swap3A_313 {strides = array<i32>} : memref<79x128xi32, #tpu.memory_space<vmem>>, vector<1x16xi32>,
      %get3A_314 = arith.index_cast %scan3A_304 : i32 to index
      %get3A_315 = arith.constant 16 : index
      %get3A_316 = tpu.vector_load %arg6[%get3A_314, %get3A_315] {strides = array<i32>} : memref<79x128xi32, #tpu.memory_space<vmem>>, vector<1x16xi32>,
      %get3A_317 = vector.shape_cast %get3A_316 : vector<1x16xi32> to vector<16xi32>
      %add3A_318 = vector.broadcast %mul3A_2 : i32 to vector<16xi32>
      %add3A_319 = arith.addi %get3A_317, %add3A_318 : vector<16xi32>
      %swap3A_320 = arith.index_cast %scan3A_304 : i32 to index
      %swap3A_321 = arith.constant 16 : index
      %swap3A_322 = tpu.vector_load %arg6[%swap3A_320, %swap3A_321] {strides = array<i32>} : memref<79x128xi32, #tpu.memory_space<vmem>>, vector<1x16xi32>,
      %swap3A_323 = vector.shape_cast %swap3A_322 : vector<1x16xi32> to vector<16xi32>
      %swap3A_324 = vector.shape_cast %add3A_319 : vector<16xi32> to vector<1x16xi32>
      tpu.vector_store %arg6[%swap3A_320, %swap3A_321], %swap3A_324 {strides = array<i32>} : memref<79x128xi32, #tpu.memory_space<vmem>>, vector<1x16xi32>,
      %get3A_325 = arith.index_cast %scan3A_304 : i32 to index
      %get3A_326 = arith.constant 32 : index
      %get3A_327 = tpu.vector_load %arg6[%get3A_325, %get3A_326] {strides = array<i32>} : memref<79x128xi32, #tpu.memory_space<vmem>>, vector<1x16xi32>,
      %get3A_328 = vector.shape_cast %get3A_327 : vector<1x16xi32> to vector<16xi32>
      %add3A_329 = vector.broadcast %mul3A_2 : i32 to vector<16xi32>
      %add3A_330 = arith.addi %get3A_328, %add3A_329 : vector<16xi32>
      %swap3A_331 = arith.index_cast %scan3A_304 : i32 to index
      %swap3A_332 = arith.constant 32 : index
      %swap3A_333 = tpu.vector_load %arg6[%swap3A_331, %swap3A_332] {strides = array<i32>} : memref<79x128xi32, #tpu.memory_space<vmem>>, vector<1x16xi32>,
      %swap3A_334 = vector.shape_cast %swap3A_333 : vector<1x16xi32> to vector<16xi32>
      %swap3A_335 = vector.shape_cast %add3A_330 : vector<16xi32> to vector<1x16xi32>
      tpu.vector_store %arg6[%swap3A_331, %swap3A_332], %swap3A_335 {strides = array<i32>} : memref<79x128xi32, #tpu.memory_space<vmem>>, vector<1x16xi32>,
      %get3A_336 = arith.index_cast %scan3A_304 : i32 to index
      %get3A_337 = arith.constant 48 : index
      %get3A_338 = tpu.vector_load %arg6[%get3A_336, %get3A_337] {strides = array<i32>} : memref<79x128xi32, #tpu.memory_space<vmem>>, vector<1x16xi32>,
      %get3A_339 = vector.shape_cast %get3A_338 : vector<1x16xi32> to vector<16xi32>
      %add3A_340 = vector.broadcast %mul3A_2 : i32 to vector<16xi32>
      %add3A_341 = arith.addi %get3A_339, %add3A_340 : vector<16xi32>
      %swap3A_342 = arith.index_cast %scan3A_304 : i32 to index
      %swap3A_343 = arith.constant 48 : index
      %swap3A_344 = tpu.vector_load %arg6[%swap3A_342, %swap3A_343] {strides = array<i32>} : memref<79x128xi32, #tpu.memory_space<vmem>>, vector<1x16xi32>,
      %swap3A_345 = vector.shape_cast %swap3A_344 : vector<1x16xi32> to vector<16xi32>
      %swap3A_346 = vector.shape_cast %add3A_341 : vector<16xi32> to vector<1x16xi32>
      tpu.vector_store %arg6[%swap3A_342, %swap3A_343], %swap3A_346 {strides = array<i32>} : memref<79x128xi32, #tpu.memory_space<vmem>>, vector<1x16xi32>,
      %get3A_347 = arith.index_cast %scan3A_304 : i32 to index
      %get3A_348 = arith.constant 64 : index
      %get3A_349 = tpu.vector_load %arg6[%get3A_347, %get3A_348] {strides = array<i32>} : memref<79x128xi32, #tpu.memory_space<vmem>>, vector<1x16xi32>,
      %get3A_350 = vector.shape_cast %get3A_349 : vector<1x16xi32> to vector<16xi32>
      %add3A_351 = vector.broadcast %mul3A_2 : i32 to vector<16xi32>
      %add3A_352 = arith.addi %get3A_350, %add3A_351 : vector<16xi32>
      %swap3A_353 = arith.index_cast %scan3A_304 : i32 to index
      %swap3A_354 = arith.constant 64 : index
      %swap3A_355 = tpu.vector_load %arg6[%swap3A_353, %swap3A_354] {strides = array<i32>} : memref<79x128xi32, #tpu.memory_space<vmem>>, vector<1x16xi32>,
      %swap3A_356 = vector.shape_cast %swap3A_355 : vector<1x16xi32> to vector<16xi32>
      %swap3A_357 = vector.shape_cast %add3A_352 : vector<16xi32> to vector<1x16xi32>
      tpu.vector_store %arg6[%swap3A_353, %swap3A_354], %swap3A_357 {strides = array<i32>} : memref<79x128xi32, #tpu.memory_space<vmem>>, vector<1x16xi32>,
      %get3A_358 = arith.index_cast %scan3A_304 : i32 to index
      %get3A_359 = arith.constant 80 : index
      %get3A_360 = tpu.vector_load %arg6[%get3A_358, %get3A_359] {strides = array<i32>} : memref<79x128xi32, #tpu.memory_space<vmem>>, vector<1x16xi32>,
      %get3A_361 = vector.shape_cast %get3A_360 : vector<1x16xi32> to vector<16xi32>
      %add3A_362 = vector.broadcast %mul3A_2 : i32 to vector<16xi32>
      %add3A_363 = arith.addi %get3A_361, %add3A_362 : vector<16xi32>
      %swap3A_364 = arith.index_cast %scan3A_304 : i32 to index
      %swap3A_365 = arith.constant 80 : index
      %swap3A_366 = tpu.vector_load %arg6[%swap3A_364, %swap3A_365] {strides = array<i32>} : memref<79x128xi32, #tpu.memory_space<vmem>>, vector<1x16xi32>,
      %swap3A_367 = vector.shape_cast %swap3A_366 : vector<1x16xi32> to vector<16xi32>
      %swap3A_368 = vector.shape_cast %add3A_363 : vector<16xi32> to vector<1x16xi32>
      tpu.vector_store %arg6[%swap3A_364, %swap3A_365], %swap3A_368 {strides = array<i32>} : memref<79x128xi32, #tpu.memory_space<vmem>>, vector<1x16xi32>,
      %get3A_369 = arith.index_cast %scan3A_304 : i32 to index
      %get3A_370 = arith.constant 96 : index
      %get3A_371 = tpu.vector_load %arg6[%get3A_369, %get3A_370] {strides = array<i32>} : memref<79x128xi32, #tpu.memory_space<vmem>>, vector<1x16xi32>,
      %get3A_372 = vector.shape_cast %get3A_371 : vector<1x16xi32> to vector<16xi32>
      %add3A_373 = vector.broadcast %mul3A_2 : i32 to vector<16xi32>
      %add3A_374 = arith.addi %get3A_372, %add3A_373 : vector<16xi32>
      %swap3A_375 = arith.index_cast %scan3A_304 : i32 to index
      %swap3A_376 = arith.constant 96 : index
      %swap3A_377 = tpu.vector_load %arg6[%swap3A_375, %swap3A_376] {strides = array<i32>} : memref<79x128xi32, #tpu.memory_space<vmem>>, vector<1x16xi32>,
      %swap3A_378 = vector.shape_cast %swap3A_377 : vector<1x16xi32> to vector<16xi32>
      %swap3A_379 = vector.shape_cast %add3A_374 : vector<16xi32> to vector<1x16xi32>
      tpu.vector_store %arg6[%swap3A_375, %swap3A_376], %swap3A_379 {strides = array<i32>} : memref<79x128xi32, #tpu.memory_space<vmem>>, vector<1x16xi32>,
      %get3A_380 = arith.index_cast %scan3A_304 : i32 to index
      %get3A_381 = arith.constant 112 : index
      %get3A_382 = tpu.vector_load %arg6[%get3A_380, %get3A_381] {strides = array<i32>} : memref<79x128xi32, #tpu.memory_space<vmem>>, vector<1x16xi32>,
      %get3A_383 = vector.shape_cast %get3A_382 : vector<1x16xi32> to vector<16xi32>
      %add3A_384 = vector.broadcast %mul3A_2 : i32 to vector<16xi32>
      %add3A_385 = arith.addi %get3A_383, %add3A_384 : vector<16xi32>
      %swap3A_386 = arith.index_cast %scan3A_304 : i32 to index
      %swap3A_387 = arith.constant 112 : index
      %swap3A_388 = tpu.vector_load %arg6[%swap3A_386, %swap3A_387] {strides = array<i32>} : memref<79x128xi32, #tpu.memory_space<vmem>>, vector<1x16xi32>,
      %swap3A_389 = vector.shape_cast %swap3A_388 : vector<1x16xi32> to vector<16xi32>
      %swap3A_390 = vector.shape_cast %add3A_385 : vector<16xi32> to vector<1x16xi32>
      tpu.vector_store %arg6[%swap3A_386, %swap3A_387], %swap3A_390 {strides = array<i32>} : memref<79x128xi32, #tpu.memory_space<vmem>>, vector<1x16xi32>,
    }
    %scan3A_21 = arith.constant 79 : i32
    %add3A_22 = arith.constant 0 : i32
    %add3A_23 = arith.addi %add3A_22, %arg1 : i32
    %mul3A_24 = arith.constant 79 : i32
    %mul3A_25 = arith.muli %add3A_23, %mul3A_24 : i32
    %dma_start3A = arith.constant 0 : i32
    %dma_start3A_26 = arith.constant 0 : i32
    %dma_start3A_27 = tpu.memref_slice %arg6[%dma_start3A, %dma_start3A_26] : memref<79x128xi32, #tpu.memory_space<vmem>> -> memref<1x128xi32, #tpu.memory_space<vmem>>
    %dma_start3A_28 = tpu.memref_squeeze %dma_start3A_27 : memref<1x128xi32, #tpu.memory_space<vmem>> -> memref<128xi32, #tpu.memory_space<vmem>>
    %dma_start3A_29 = arith.constant 0 : i32
    %dma_start3A_30 = arith.constant 0 : i32
    %dma_start3A_31 = tpu.memref_slice %arg2[%dma_start3A_29, %dma_start3A_30] : memref<20480x128xbf16, #tpu.memory_space<hbm>> -> memref<20480x128xbf16, #tpu.memory_space<hbm>>
    tpu.enqueue_indirect_dma source(%dma_start3A_31 : memref<20480x128xbf16, #tpu.memory_space<hbm>>) target(%arg8 : memref<128x128xbf16, #tpu.memory_space<vmem>>) offsets(%dma_start3A_28 : memref<128xi32, #tpu.memory_space<vmem>>) semaphore(%arg11 : memref<!tpu.dma_semaphore, #tpu.memory_space<semaphore_mem>>)
    %add3A_32 = arith.constant 0 : i32
    %add3A_33 = arith.addi %mul3A_25, %add3A_32 : i32
    %dma_start3A_34 = arith.constant 0 : i32
    %dma_start3A_35 = arith.constant 0 : i32
    %dma_start3A_36 = tpu.memref_slice %arg7[%dma_start3A_34, %dma_start3A_35] : memref<2x128xi32, #tpu.memory_space<vmem>> -> memref<1x128xi32, #tpu.memory_space<vmem>>
    %dma_start3A_37 = tpu.memref_squeeze %dma_start3A_36 : memref<1x128xi32, #tpu.memory_space<vmem>> -> memref<128xi32, #tpu.memory_space<vmem>>
    %dma_start3A_38 = arith.constant 0 : i32
    %dma_start3A_39 = tpu.memref_slice %arg4[%add3A_33, %dma_start3A_38] : memref<2528x128xi32, #tpu.memory_space<hbm>> -> memref<1x128xi32, #tpu.memory_space<hbm>>
    %dma_start3A_40 = tpu.memref_squeeze %dma_start3A_39 : memref<1x128xi32, #tpu.memory_space<hbm>> -> memref<128xi32, #tpu.memory_space<hbm>>
    %dma_start3A_41 = arith.constant 0 : i32
    %dma_start3A_42 = tpu.memref_slice %arg7[%dma_start3A_34, %dma_start3A_41] : memref<2x128xi32, #tpu.memory_space<vmem>> -> memref<1x128xi32, #tpu.memory_space<vmem>>
    %dma_start3A_43 = tpu.memref_squeeze %dma_start3A_42 : memref<1x128xi32, #tpu.memory_space<vmem>> -> memref<128xi32, #tpu.memory_space<vmem>>
    %dma_start3A_44 = arith.constant 0 : i32
    %dma_start3A_45 = tpu.memref_slice %arg4[%add3A_33, %dma_start3A_44] : memref<2528x128xi32, #tpu.memory_space<hbm>> -> memref<1x128xi32, #tpu.memory_space<hbm>>
    %dma_start3A_46 = tpu.memref_squeeze %dma_start3A_45 : memref<1x128xi32, #tpu.memory_space<hbm>> -> memref<128xi32, #tpu.memory_space<hbm>>
    tpu.enqueue_dma source(%dma_start3A_46 : memref<128xi32, #tpu.memory_space<hbm>>) target(%dma_start3A_43 : memref<128xi32, #tpu.memory_space<vmem>>) target_semaphore(%arg13 : memref<!tpu.dma_semaphore, #tpu.memory_space<semaphore_mem>>)
    %dma_start3A_47 = arith.constant 1 : i32
    %dma_start3A_48 = arith.constant 0 : i32
    %dma_start3A_49 = tpu.memref_slice %arg6[%dma_start3A_47, %dma_start3A_48] : memref<79x128xi32, #tpu.memory_space<vmem>> -> memref<1x128xi32, #tpu.memory_space<vmem>>
    %dma_start3A_50 = tpu.memref_squeeze %dma_start3A_49 : memref<1x128xi32, #tpu.memory_space<vmem>> -> memref<128xi32, #tpu.memory_space<vmem>>
    %dma_start3A_51 = arith.constant 0 : i32
    %dma_start3A_52 = arith.constant 0 : i32
    %dma_start3A_53 = tpu.memref_slice %arg2[%dma_start3A_51, %dma_start3A_52] : memref<20480x128xbf16, #tpu.memory_space<hbm>> -> memref<20480x128xbf16, #tpu.memory_space<hbm>>
    tpu.enqueue_indirect_dma source(%dma_start3A_53 : memref<20480x128xbf16, #tpu.memory_space<hbm>>) target(%arg9 : memref<128x128xbf16, #tpu.memory_space<vmem>>) offsets(%dma_start3A_50 : memref<128xi32, #tpu.memory_space<vmem>>) semaphore(%arg12 : memref<!tpu.dma_semaphore, #tpu.memory_space<semaphore_mem>>)
    %add3A_54 = arith.constant 1 : i32
    %add3A_55 = arith.addi %mul3A_25, %add3A_54 : i32
    %dma_start3A_56 = arith.constant 1 : i32
    %dma_start3A_57 = arith.constant 0 : i32
    %dma_start3A_58 = tpu.memref_slice %arg7[%dma_start3A_56, %dma_start3A_57] : memref<2x128xi32, #tpu.memory_space<vmem>> -> memref<1x128xi32, #tpu.memory_space<vmem>>
    %dma_start3A_59 = tpu.memref_squeeze %dma_start3A_58 : memref<1x128xi32, #tpu.memory_space<vmem>> -> memref<128xi32, #tpu.memory_space<vmem>>
    %dma_start3A_60 = arith.constant 0 : i32
    %dma_start3A_61 = tpu.memref_slice %arg4[%add3A_55, %dma_start3A_60] : memref<2528x128xi32, #tpu.memory_space<hbm>> -> memref<1x128xi32, #tpu.memory_space<hbm>>
    %dma_start3A_62 = tpu.memref_squeeze %dma_start3A_61 : memref<1x128xi32, #tpu.memory_space<hbm>> -> memref<128xi32, #tpu.memory_space<hbm>>
    %dma_start3A_63 = arith.constant 0 : i32
    %dma_start3A_64 = tpu.memref_slice %arg7[%dma_start3A_56, %dma_start3A_63] : memref<2x128xi32, #tpu.memory_space<vmem>> -> memref<1x128xi32, #tpu.memory_space<vmem>>
    %dma_start3A_65 = tpu.memref_squeeze %dma_start3A_64 : memref<1x128xi32, #tpu.memory_space<vmem>> -> memref<128xi32, #tpu.memory_space<vmem>>
    %dma_start3A_66 = arith.constant 0 : i32
    %dma_start3A_67 = tpu.memref_slice %arg4[%add3A_55, %dma_start3A_66] : memref<2528x128xi32, #tpu.memory_space<hbm>> -> memref<1x128xi32, #tpu.memory_space<hbm>>
    %dma_start3A_68 = tpu.memref_squeeze %dma_start3A_67 : memref<1x128xi32, #tpu.memory_space<hbm>> -> memref<128xi32, #tpu.memory_space<hbm>>
    tpu.enqueue_dma source(%dma_start3A_68 : memref<128xi32, #tpu.memory_space<hbm>>) target(%dma_start3A_65 : memref<128xi32, #tpu.memory_space<vmem>>) target_semaphore(%arg14 : memref<!tpu.dma_semaphore, #tpu.memory_space<semaphore_mem>>)
    %scan3A_69 = arith.constant 0 : i32
    %scan3A_70 = arith.constant 0 : i32
    %scan3A_71 = arith.constant 38 : i32
    %scan3A_72 = arith.addi %scan3A_70, %scan3A_71 : i32
    %scan3A_73 = arith.constant 1 : i32
    scf.for %scan3A_304 = %scan3A_70 to %scan3A_72 step %scan3A_73  : i32 {
      %mul3A_305 = arith.constant 2 : i32
      %mul3A_306 = arith.muli %scan3A_304, %mul3A_305 : i32
      %add3A_307 = arith.constant 0 : i32
      %add3A_308 = arith.addi %mul3A_306, %add3A_307 : i32
      %dma_wait3A_309 = arith.constant 0 : i32
      %dma_wait3A_310 = arith.constant 0 : i32
      %dma_wait3A_311 = tpu.memref_slice %arg2[%dma_wait3A_309, %dma_wait3A_310] : memref<20480x128xbf16, #tpu.memory_space<hbm>> -> memref<128x128xbf16, #tpu.memory_space<hbm>>
      %dma_wait3A_312 = arith.constant 0 : i32
      %dma_wait3A_313 = arith.constant 0 : i32
      %dma_wait3A_314 = tpu.memref_slice %arg2[%dma_wait3A_312, %dma_wait3A_313] : memref<20480x128xbf16, #tpu.memory_space<hbm>> -> memref<128x128xbf16, #tpu.memory_space<hbm>>
      tpu.wait_dma2 semaphore(%arg11 : memref<!tpu.dma_semaphore, #tpu.memory_space<semaphore_mem>>) src(%dma_wait3A_314 : memref<128x128xbf16, #tpu.memory_space<hbm>>) dst(%arg8 : memref<128x128xbf16, #tpu.memory_space<vmem>>)
      %dma_wait3A_315 = arith.constant 0 : i32
      %dma_wait3A_316 = arith.constant 0 : i32
      %dma_wait3A_317 = tpu.memref_slice %arg7[%dma_wait3A_315, %dma_wait3A_316] : memref<2x128xi32, #tpu.memory_space<vmem>> -> memref<1x128xi32, #tpu.memory_space<vmem>>
      %dma_wait3A_318 = tpu.memref_squeeze %dma_wait3A_317 : memref<1x128xi32, #tpu.memory_space<vmem>> -> memref<128xi32, #tpu.memory_space<vmem>>
      %dma_wait3A_319 = arith.constant 0 : i32
      %dma_wait3A_320 = tpu.memref_slice %arg4[%mul3A_25, %dma_wait3A_319] : memref<2528x128xi32, #tpu.memory_space<hbm>> -> memref<1x128xi32, #tpu.memory_space<hbm>>
      %dma_wait3A_321 = tpu.memref_squeeze %dma_wait3A_320 : memref<1x128xi32, #tpu.memory_space<hbm>> -> memref<128xi32, #tpu.memory_space<hbm>>
      %dma_wait3A_322 = arith.constant 0 : i32
      %dma_wait3A_323 = tpu.memref_slice %arg7[%dma_wait3A_315, %dma_wait3A_322] : memref<2x128xi32, #tpu.memory_space<vmem>> -> memref<1x128xi32, #tpu.memory_space<vmem>>
      %dma_wait3A_324 = tpu.memref_squeeze %dma_wait3A_323 : memref<1x128xi32, #tpu.memory_space<vmem>> -> memref<128xi32, #tpu.memory_space<vmem>>
      %dma_wait3A_325 = arith.constant 0 : i32
      %dma_wait3A_326 = tpu.memref_slice %arg4[%mul3A_25, %dma_wait3A_325] : memref<2528x128xi32, #tpu.memory_space<hbm>> -> memref<1x128xi32, #tpu.memory_space<hbm>>
      %dma_wait3A_327 = tpu.memref_squeeze %dma_wait3A_326 : memref<1x128xi32, #tpu.memory_space<hbm>> -> memref<128xi32, #tpu.memory_space<hbm>>
      tpu.wait_dma2 semaphore(%arg13 : memref<!tpu.dma_semaphore, #tpu.memory_space<semaphore_mem>>) src(%dma_wait3A_327 : memref<128xi32, #tpu.memory_space<hbm>>) dst(%dma_wait3A_324 : memref<128xi32, #tpu.memory_space<vmem>>)
      %run_scoped3A_328 = arith.constant 0 : i32
      "tpu.region"() ({
        %run_scoped3A_399 = tpu.sem_alloc : memref<!tpu.dma_semaphore, #tpu.memory_space<semaphore_mem>>
        %dma_start3A_400 = arith.constant 0 : i32
        %dma_start3A_401 = tpu.memref_slice %arg7[%run_scoped3A_328, %dma_start3A_400] : memref<2x128xi32, #tpu.memory_space<vmem>> -> memref<1x128xi32, #tpu.memory_space<vmem>>
        %dma_start3A_402 = tpu.memref_squeeze %dma_start3A_401 : memref<1x128xi32, #tpu.memory_space<vmem>> -> memref<128xi32, #tpu.memory_space<vmem>>
        %dma_start3A_403 = arith.constant 0 : i32
        %dma_start3A_404 = arith.constant 0 : i32
        %dma_start3A_405 = tpu.memref_slice %arg10[%dma_start3A_403, %dma_start3A_404] : memref<10240x128xbf16, #tpu.memory_space<vmem_shared>> -> memref<10240x128xbf16, #tpu.memory_space<vmem_shared>>
        tpu.enqueue_indirect_dma source(%arg8 : memref<128x128xbf16, #tpu.memory_space<vmem>>) target(%dma_start3A_405 : memref<10240x128xbf16, #tpu.memory_space<vmem_shared>>) offsets(%dma_start3A_402 : memref<128xi32, #tpu.memory_space<vmem>>) semaphore(%run_scoped3A_399 : memref<!tpu.dma_semaphore, #tpu.memory_space<semaphore_mem>>) {add = true}
        %dma_wait3A_406 = arith.constant 0 : i32
        %dma_wait3A_407 = tpu.memref_slice %arg7[%run_scoped3A_328, %dma_wait3A_406] : memref<2x128xi32, #tpu.memory_space<vmem>> -> memref<1x128xi32, #tpu.memory_space<vmem>>
        %dma_wait3A_408 = tpu.memref_squeeze %dma_wait3A_407 : memref<1x128xi32, #tpu.memory_space<vmem>> -> memref<128xi32, #tpu.memory_space<vmem>>
        %dma_wait3A_409 = arith.constant 0 : i32
        %dma_wait3A_410 = arith.constant 0 : i32
        %dma_wait3A_411 = tpu.memref_slice %arg10[%dma_wait3A_409, %dma_wait3A_410] : memref<10240x128xbf16, #tpu.memory_space<vmem_shared>> -> memref<10240x128xbf16, #tpu.memory_space<vmem_shared>>
        tpu.wait_indirect_dma semaphore(%run_scoped3A_399 : memref<!tpu.dma_semaphore, #tpu.memory_space<semaphore_mem>>) src(%arg8 : memref<128x128xbf16, #tpu.memory_space<vmem>>) dst(%dma_wait3A_411 : memref<10240x128xbf16, #tpu.memory_space<vmem_shared>>)
        tpu.yield
      }) : () -> ()
      %add3A_329 = arith.constant 2 : i32
      %add3A_330 = arith.addi %add3A_308, %add3A_329 : i32
      %dma_start3A_331 = arith.constant 0 : i32
      %dma_start3A_332 = tpu.memref_slice %arg6[%add3A_330, %dma_start3A_331] : memref<79x128xi32, #tpu.memory_space<vmem>> -> memref<1x128xi32, #tpu.memory_space<vmem>>
      %dma_start3A_333 = tpu.memref_squeeze %dma_start3A_332 : memref<1x128xi32, #tpu.memory_space<vmem>> -> memref<128xi32, #tpu.memory_space<vmem>>
      %dma_start3A_334 = arith.constant 0 : i32
      %dma_start3A_335 = arith.constant 0 : i32
      %dma_start3A_336 = tpu.memref_slice %arg2[%dma_start3A_334, %dma_start3A_335] : memref<20480x128xbf16, #tpu.memory_space<hbm>> -> memref<20480x128xbf16, #tpu.memory_space<hbm>>
      tpu.enqueue_indirect_dma source(%dma_start3A_336 : memref<20480x128xbf16, #tpu.memory_space<hbm>>) target(%arg8 : memref<128x128xbf16, #tpu.memory_space<vmem>>) offsets(%dma_start3A_333 : memref<128xi32, #tpu.memory_space<vmem>>) semaphore(%arg11 : memref<!tpu.dma_semaphore, #tpu.memory_space<semaphore_mem>>)
      %add3A_337 = arith.addi %mul3A_25, %add3A_308 : i32
      %add3A_338 = arith.constant 2 : i32
      %add3A_339 = arith.addi %add3A_337, %add3A_338 : i32
      %dma_start3A_340 = arith.constant 0 : i32
      %dma_start3A_341 = arith.constant 0 : i32
      %dma_start3A_342 = tpu.memref_slice %arg7[%dma_start3A_340, %dma_start3A_341] : memref<2x128xi32, #tpu.memory_space<vmem>> -> memref<1x128xi32, #tpu.memory_space<vmem>>
      %dma_start3A_343 = tpu.memref_squeeze %dma_start3A_342 : memref<1x128xi32, #tpu.memory_space<vmem>> -> memref<128xi32, #tpu.memory_space<vmem>>
      %dma_start3A_344 = arith.constant 0 : i32
      %dma_start3A_345 = tpu.memref_slice %arg4[%add3A_339, %dma_start3A_344] : memref<2528x128xi32, #tpu.memory_space<hbm>> -> memref<1x128xi32, #tpu.memory_space<hbm>>
      %dma_start3A_346 = tpu.memref_squeeze %dma_start3A_345 : memref<1x128xi32, #tpu.memory_space<hbm>> -> memref<128xi32, #tpu.memory_space<hbm>>
      %dma_start3A_347 = arith.constant 0 : i32
      %dma_start3A_348 = tpu.memref_slice %arg7[%dma_start3A_340, %dma_start3A_347] : memref<2x128xi32, #tpu.memory_space<vmem>> -> memref<1x128xi32, #tpu.memory_space<vmem>>
      %dma_start3A_349 = tpu.memref_squeeze %dma_start3A_348 : memref<1x128xi32, #tpu.memory_space<vmem>> -> memref<128xi32, #tpu.memory_space<vmem>>
      %dma_start3A_350 = arith.constant 0 : i32
      %dma_start3A_351 = tpu.memref_slice %arg4[%add3A_339, %dma_start3A_350] : memref<2528x128xi32, #tpu.memory_space<hbm>> -> memref<1x128xi32, #tpu.memory_space<hbm>>
      %dma_start3A_352 = tpu.memref_squeeze %dma_start3A_351 : memref<1x128xi32, #tpu.memory_space<hbm>> -> memref<128xi32, #tpu.memory_space<hbm>>
      tpu.enqueue_dma source(%dma_start3A_352 : memref<128xi32, #tpu.memory_space<hbm>>) target(%dma_start3A_349 : memref<128xi32, #tpu.memory_space<vmem>>) target_semaphore(%arg13 : memref<!tpu.dma_semaphore, #tpu.memory_space<semaphore_mem>>)
      %add3A_353 = arith.constant 1 : i32
      %add3A_354 = arith.addi %mul3A_306, %add3A_353 : i32
      %dma_wait3A_355 = arith.constant 0 : i32
      %dma_wait3A_356 = arith.constant 0 : i32
      %dma_wait3A_357 = tpu.memref_slice %arg2[%dma_wait3A_355, %dma_wait3A_356] : memref<20480x128xbf16, #tpu.memory_space<hbm>> -> memref<128x128xbf16, #tpu.memory_space<hbm>>
      %dma_wait3A_358 = arith.constant 0 : i32
      %dma_wait3A_359 = arith.constant 0 : i32
      %dma_wait3A_360 = tpu.memref_slice %arg2[%dma_wait3A_358, %dma_wait3A_359] : memref<20480x128xbf16, #tpu.memory_space<hbm>> -> memref<128x128xbf16, #tpu.memory_space<hbm>>
      tpu.wait_dma2 semaphore(%arg12 : memref<!tpu.dma_semaphore, #tpu.memory_space<semaphore_mem>>) src(%dma_wait3A_360 : memref<128x128xbf16, #tpu.memory_space<hbm>>) dst(%arg9 : memref<128x128xbf16, #tpu.memory_space<vmem>>)
      %dma_wait3A_361 = arith.constant 1 : i32
      %dma_wait3A_362 = arith.constant 0 : i32
      %dma_wait3A_363 = tpu.memref_slice %arg7[%dma_wait3A_361, %dma_wait3A_362] : memref<2x128xi32, #tpu.memory_space<vmem>> -> memref<1x128xi32, #tpu.memory_space<vmem>>
      %dma_wait3A_364 = tpu.memref_squeeze %dma_wait3A_363 : memref<1x128xi32, #tpu.memory_space<vmem>> -> memref<128xi32, #tpu.memory_space<vmem>>
      %dma_wait3A_365 = arith.constant 0 : i32
      %dma_wait3A_366 = tpu.memref_slice %arg4[%mul3A_25, %dma_wait3A_365] : memref<2528x128xi32, #tpu.memory_space<hbm>> -> memref<1x128xi32, #tpu.memory_space<hbm>>
      %dma_wait3A_367 = tpu.memref_squeeze %dma_wait3A_366 : memref<1x128xi32, #tpu.memory_space<hbm>> -> memref<128xi32, #tpu.memory_space<hbm>>
      %dma_wait3A_368 = arith.constant 0 : i32
      %dma_wait3A_369 = tpu.memref_slice %arg7[%dma_wait3A_361, %dma_wait3A_368] : memref<2x128xi32, #tpu.memory_space<vmem>> -> memref<1x128xi32, #tpu.memory_space<vmem>>
      %dma_wait3A_370 = tpu.memref_squeeze %dma_wait3A_369 : memref<1x128xi32, #tpu.memory_space<vmem>> -> memref<128xi32, #tpu.memory_space<vmem>>
      %dma_wait3A_371 = arith.constant 0 : i32
      %dma_wait3A_372 = tpu.memref_slice %arg4[%mul3A_25, %dma_wait3A_371] : memref<2528x128xi32, #tpu.memory_space<hbm>> -> memref<1x128xi32, #tpu.memory_space<hbm>>
      %dma_wait3A_373 = tpu.memref_squeeze %dma_wait3A_372 : memref<1x128xi32, #tpu.memory_space<hbm>> -> memref<128xi32, #tpu.memory_space<hbm>>
      tpu.wait_dma2 semaphore(%arg14 : memref<!tpu.dma_semaphore, #tpu.memory_space<semaphore_mem>>) src(%dma_wait3A_373 : memref<128xi32, #tpu.memory_space<hbm>>) dst(%dma_wait3A_370 : memref<128xi32, #tpu.memory_space<vmem>>)
      %run_scoped3A_374 = arith.constant 1 : i32
      "tpu.region"() ({
        %run_scoped3A_399 = tpu.sem_alloc : memref<!tpu.dma_semaphore, #tpu.memory_space<semaphore_mem>>
        %dma_start3A_400 = arith.constant 0 : i32
        %dma_start3A_401 = tpu.memref_slice %arg7[%run_scoped3A_374, %dma_start3A_400] : memref<2x128xi32, #tpu.memory_space<vmem>> -> memref<1x128xi32, #tpu.memory_space<vmem>>
        %dma_start3A_402 = tpu.memref_squeeze %dma_start3A_401 : memref<1x128xi32, #tpu.memory_space<vmem>> -> memref<128xi32, #tpu.memory_space<vmem>>
        %dma_start3A_403 = arith.constant 0 : i32
        %dma_start3A_404 = arith.constant 0 : i32
        %dma_start3A_405 = tpu.memref_slice %arg10[%dma_start3A_403, %dma_start3A_404] : memref<10240x128xbf16, #tpu.memory_space<vmem_shared>> -> memref<10240x128xbf16, #tpu.memory_space<vmem_shared>>
        tpu.enqueue_indirect_dma source(%arg9 : memref<128x128xbf16, #tpu.memory_space<vmem>>) target(%dma_start3A_405 : memref<10240x128xbf16, #tpu.memory_space<vmem_shared>>) offsets(%dma_start3A_402 : memref<128xi32, #tpu.memory_space<vmem>>) semaphore(%run_scoped3A_399 : memref<!tpu.dma_semaphore, #tpu.memory_space<semaphore_mem>>) {add = true}
        %dma_wait3A_406 = arith.constant 0 : i32
        %dma_wait3A_407 = tpu.memref_slice %arg7[%run_scoped3A_374, %dma_wait3A_406] : memref<2x128xi32, #tpu.memory_space<vmem>> -> memref<1x128xi32, #tpu.memory_space<vmem>>
        %dma_wait3A_408 = tpu.memref_squeeze %dma_wait3A_407 : memref<1x128xi32, #tpu.memory_space<vmem>> -> memref<128xi32, #tpu.memory_space<vmem>>
        %dma_wait3A_409 = arith.constant 0 : i32
        %dma_wait3A_410 = arith.constant 0 : i32
        %dma_wait3A_411 = tpu.memref_slice %arg10[%dma_wait3A_409, %dma_wait3A_410] : memref<10240x128xbf16, #tpu.memory_space<vmem_shared>> -> memref<10240x128xbf16, #tpu.memory_space<vmem_shared>>
        tpu.wait_indirect_dma semaphore(%run_scoped3A_399 : memref<!tpu.dma_semaphore, #tpu.memory_space<semaphore_mem>>) src(%arg9 : memref<128x128xbf16, #tpu.memory_space<vmem>>) dst(%dma_wait3A_411 : memref<10240x128xbf16, #tpu.memory_space<vmem_shared>>)
        tpu.yield
      }) : () -> ()
      %add3A_375 = arith.constant 2 : i32
      %add3A_376 = arith.addi %add3A_354, %add3A_375 : i32
      %dma_start3A_377 = arith.constant 0 : i32
      %dma_start3A_378 = tpu.memref_slice %arg6[%add3A_376, %dma_start3A_377] : memref<79x128xi32, #tpu.memory_space<vmem>> -> memref<1x128xi32, #tpu.memory_space<vmem>>
      %dma_start3A_379 = tpu.memref_squeeze %dma_start3A_378 : memref<1x128xi32, #tpu.memory_space<vmem>> -> memref<128xi32, #tpu.memory_space<vmem>>
      %dma_start3A_380 = arith.constant 0 : i32
      %dma_start3A_381 = arith.constant 0 : i32
      %dma_start3A_382 = tpu.memref_slice %arg2[%dma_start3A_380, %dma_start3A_381] : memref<20480x128xbf16, #tpu.memory_space<hbm>> -> memref<20480x128xbf16, #tpu.memory_space<hbm>>
      tpu.enqueue_indirect_dma source(%dma_start3A_382 : memref<20480x128xbf16, #tpu.memory_space<hbm>>) target(%arg9 : memref<128x128xbf16, #tpu.memory_space<vmem>>) offsets(%dma_start3A_379 : memref<128xi32, #tpu.memory_space<vmem>>) semaphore(%arg12 : memref<!tpu.dma_semaphore, #tpu.memory_space<semaphore_mem>>)
      %add3A_383 = arith.addi %mul3A_25, %add3A_354 : i32
      %add3A_384 = arith.constant 2 : i32
      %add3A_385 = arith.addi %add3A_383, %add3A_384 : i32
      %dma_start3A_386 = arith.constant 1 : i32
      %dma_start3A_387 = arith.constant 0 : i32
      %dma_start3A_388 = tpu.memref_slice %arg7[%dma_start3A_386, %dma_start3A_387] : memref<2x128xi32, #tpu.memory_space<vmem>> -> memref<1x128xi32, #tpu.memory_space<vmem>>
      %dma_start3A_389 = tpu.memref_squeeze %dma_start3A_388 : memref<1x128xi32, #tpu.memory_space<vmem>> -> memref<128xi32, #tpu.memory_space<vmem>>
      %dma_start3A_390 = arith.constant 0 : i32
      %dma_start3A_391 = tpu.memref_slice %arg4[%add3A_385, %dma_start3A_390] : memref<2528x128xi32, #tpu.memory_space<hbm>> -> memref<1x128xi32, #tpu.memory_space<hbm>>
      %dma_start3A_392 = tpu.memref_squeeze %dma_start3A_391 : memref<1x128xi32, #tpu.memory_space<hbm>> -> memref<128xi32, #tpu.memory_space<hbm>>
      %dma_start3A_393 = arith.constant 0 : i32
      %dma_start3A_394 = tpu.memref_slice %arg7[%dma_start3A_386, %dma_start3A_393] : memref<2x128xi32, #tpu.memory_space<vmem>> -> memref<1x128xi32, #tpu.memory_space<vmem>>
      %dma_start3A_395 = tpu.memref_squeeze %dma_start3A_394 : memref<1x128xi32, #tpu.memory_space<vmem>> -> memref<128xi32, #tpu.memory_space<vmem>>
      %dma_start3A_396 = arith.constant 0 : i32
      %dma_start3A_397 = tpu.memref_slice %arg4[%add3A_385, %dma_start3A_396] : memref<2528x128xi32, #tpu.memory_space<hbm>> -> memref<1x128xi32, #tpu.memory_space<hbm>>
      %dma_start3A_398 = tpu.memref_squeeze %dma_start3A_397 : memref<1x128xi32, #tpu.memory_space<hbm>> -> memref<128xi32, #tpu.memory_space<hbm>>
      tpu.enqueue_dma source(%dma_start3A_398 : memref<128xi32, #tpu.memory_space<hbm>>) target(%dma_start3A_395 : memref<128xi32, #tpu.memory_space<vmem>>) target_semaphore(%arg14 : memref<!tpu.dma_semaphore, #tpu.memory_space<semaphore_mem>>)
    }
    %scan3A_74 = arith.constant 38 : i32
    %dma_wait3A = arith.constant 0 : i32
    %dma_wait3A_75 = arith.constant 0 : i32
    %dma_wait3A_76 = tpu.memref_slice %arg2[%dma_wait3A, %dma_wait3A_75] : memref<20480x128xbf16, #tpu.memory_space<hbm>> -> memref<128x128xbf16, #tpu.memory_space<hbm>>
    %dma_wait3A_77 = arith.constant 0 : i32
    %dma_wait3A_78 = arith.constant 0 : i32
    %dma_wait3A_79 = tpu.memref_slice %arg2[%dma_wait3A_77, %dma_wait3A_78] : memref<20480x128xbf16, #tpu.memory_space<hbm>> -> memref<128x128xbf16, #tpu.memory_space<hbm>>
    tpu.wait_dma2 semaphore(%arg11 : memref<!tpu.dma_semaphore, #tpu.memory_space<semaphore_mem>>) src(%dma_wait3A_79 : memref<128x128xbf16, #tpu.memory_space<hbm>>) dst(%arg8 : memref<128x128xbf16, #tpu.memory_space<vmem>>)
    %dma_wait3A_80 = arith.constant 0 : i32
    %dma_wait3A_81 = arith.constant 0 : i32
    %dma_wait3A_82 = tpu.memref_slice %arg7[%dma_wait3A_80, %dma_wait3A_81] : memref<2x128xi32, #tpu.memory_space<vmem>> -> memref<1x128xi32, #tpu.memory_space<vmem>>
    %dma_wait3A_83 = tpu.memref_squeeze %dma_wait3A_82 : memref<1x128xi32, #tpu.memory_space<vmem>> -> memref<128xi32, #tpu.memory_space<vmem>>
    %dma_wait3A_84 = arith.constant 0 : i32
    %dma_wait3A_85 = tpu.memref_slice %arg4[%mul3A_25, %dma_wait3A_84] : memref<2528x128xi32, #tpu.memory_space<hbm>> -> memref<1x128xi32, #tpu.memory_space<hbm>>
    %dma_wait3A_86 = tpu.memref_squeeze %dma_wait3A_85 : memref<1x128xi32, #tpu.memory_space<hbm>> -> memref<128xi32, #tpu.memory_space<hbm>>
    %dma_wait3A_87 = arith.constant 0 : i32
    %dma_wait3A_88 = tpu.memref_slice %arg7[%dma_wait3A_80, %dma_wait3A_87] : memref<2x128xi32, #tpu.memory_space<vmem>> -> memref<1x128xi32, #tpu.memory_space<vmem>>
    %dma_wait3A_89 = tpu.memref_squeeze %dma_wait3A_88 : memref<1x128xi32, #tpu.memory_space<vmem>> -> memref<128xi32, #tpu.memory_space<vmem>>
    %dma_wait3A_90 = arith.constant 0 : i32
    %dma_wait3A_91 = tpu.memref_slice %arg4[%mul3A_25, %dma_wait3A_90] : memref<2528x128xi32, #tpu.memory_space<hbm>> -> memref<1x128xi32, #tpu.memory_space<hbm>>
    %dma_wait3A_92 = tpu.memref_squeeze %dma_wait3A_91 : memref<1x128xi32, #tpu.memory_space<hbm>> -> memref<128xi32, #tpu.memory_space<hbm>>
    tpu.wait_dma2 semaphore(%arg13 : memref<!tpu.dma_semaphore, #tpu.memory_space<semaphore_mem>>) src(%dma_wait3A_92 : memref<128xi32, #tpu.memory_space<hbm>>) dst(%dma_wait3A_89 : memref<128xi32, #tpu.memory_space<vmem>>)
    %run_scoped3A = arith.constant 0 : i32
    "tpu.region"() ({
      %run_scoped3A_304 = tpu.sem_alloc : memref<!tpu.dma_semaphore, #tpu.memory_space<semaphore_mem>>
      %dma_start3A_305 = arith.constant 0 : i32
      %dma_start3A_306 = tpu.memref_slice %arg7[%run_scoped3A, %dma_start3A_305] : memref<2x128xi32, #tpu.memory_space<vmem>> -> memref<1x128xi32, #tpu.memory_space<vmem>>
      %dma_start3A_307 = tpu.memref_squeeze %dma_start3A_306 : memref<1x128xi32, #tpu.memory_space<vmem>> -> memref<128xi32, #tpu.memory_space<vmem>>
      %dma_start3A_308 = arith.constant 0 : i32
      %dma_start3A_309 = arith.constant 0 : i32
      %dma_start3A_310 = tpu.memref_slice %arg10[%dma_start3A_308, %dma_start3A_309] : memref<10240x128xbf16, #tpu.memory_space<vmem_shared>> -> memref<10240x128xbf16, #tpu.memory_space<vmem_shared>>
      tpu.enqueue_indirect_dma source(%arg8 : memref<128x128xbf16, #tpu.memory_space<vmem>>) target(%dma_start3A_310 : memref<10240x128xbf16, #tpu.memory_space<vmem_shared>>) offsets(%dma_start3A_307 : memref<128xi32, #tpu.memory_space<vmem>>) semaphore(%run_scoped3A_304 : memref<!tpu.dma_semaphore, #tpu.memory_space<semaphore_mem>>) {add = true}
      %dma_wait3A_311 = arith.constant 0 : i32
      %dma_wait3A_312 = tpu.memref_slice %arg7[%run_scoped3A, %dma_wait3A_311] : memref<2x128xi32, #tpu.memory_space<vmem>> -> memref<1x128xi32, #tpu.memory_space<vmem>>
      %dma_wait3A_313 = tpu.memref_squeeze %dma_wait3A_312 : memref<1x128xi32, #tpu.memory_space<vmem>> -> memref<128xi32, #tpu.memory_space<vmem>>
      %dma_wait3A_314 = arith.constant 0 : i32
      %dma_wait3A_315 = arith.constant 0 : i32
      %dma_wait3A_316 = tpu.memref_slice %arg10[%dma_wait3A_314, %dma_wait3A_315] : memref<10240x128xbf16, #tpu.memory_space<vmem_shared>> -> memref<10240x128xbf16, #tpu.memory_space<vmem_shared>>
      tpu.wait_indirect_dma semaphore(%run_scoped3A_304 : memref<!tpu.dma_semaphore, #tpu.memory_space<semaphore_mem>>) src(%arg8 : memref<128x128xbf16, #tpu.memory_space<vmem>>) dst(%dma_wait3A_316 : memref<10240x128xbf16, #tpu.memory_space<vmem_shared>>)
      tpu.yield
    }) : () -> ()
    %dma_start3A_93 = arith.constant 78 : i32
    %dma_start3A_94 = arith.constant 0 : i32
    %dma_start3A_95 = tpu.memref_slice %arg6[%dma_start3A_93, %dma_start3A_94] : memref<79x128xi32, #tpu.memory_space<vmem>> -> memref<1x128xi32, #tpu.memory_space<vmem>>
    %dma_start3A_96 = tpu.memref_squeeze %dma_start3A_95 : memref<1x128xi32, #tpu.memory_space<vmem>> -> memref<128xi32, #tpu.memory_space<vmem>>
    %dma_start3A_97 = arith.constant 0 : i32
    %dma_start3A_98 = arith.constant 0 : i32
    %dma_start3A_99 = tpu.memref_slice %arg2[%dma_start3A_97, %dma_start3A_98] : memref<20480x128xbf16, #tpu.memory_space<hbm>> -> memref<20480x128xbf16, #tpu.memory_space<hbm>>
    tpu.enqueue_indirect_dma source(%dma_start3A_99 : memref<20480x128xbf16, #tpu.memory_space<hbm>>) target(%arg8 : memref<128x128xbf16, #tpu.memory_space<vmem>>) offsets(%dma_start3A_96 : memref<128xi32, #tpu.memory_space<vmem>>) semaphore(%arg11 : memref<!tpu.dma_semaphore, #tpu.memory_space<semaphore_mem>>)
    %add3A_100 = arith.constant 76 : i32
    %add3A_101 = arith.addi %mul3A_25, %add3A_100 : i32
    %add3A_102 = arith.constant 2 : i32
    %add3A_103 = arith.addi %add3A_101, %add3A_102 : i32
    %dma_start3A_104 = arith.constant 0 : i32
    %dma_start3A_105 = arith.constant 0 : i32
    %dma_start3A_106 = tpu.memref_slice %arg7[%dma_start3A_104, %dma_start3A_105] : memref<2x128xi32, #tpu.memory_space<vmem>> -> memref<1x128xi32, #tpu.memory_space<vmem>>
    %dma_start3A_107 = tpu.memref_squeeze %dma_start3A_106 : memref<1x128xi32, #tpu.memory_space<vmem>> -> memref<128xi32, #tpu.memory_space<vmem>>
    %dma_start3A_108 = arith.constant 0 : i32
    %dma_start3A_109 = tpu.memref_slice %arg4[%add3A_103, %dma_start3A_108] : memref<2528x128xi32, #tpu.memory_space<hbm>> -> memref<1x128xi32, #tpu.memory_space<hbm>>
    %dma_start3A_110 = tpu.memref_squeeze %dma_start3A_109 : memref<1x128xi32, #tpu.memory_space<hbm>> -> memref<128xi32, #tpu.memory_space<hbm>>
    %dma_start3A_111 = arith.constant 0 : i32
    %dma_start3A_112 = tpu.memref_slice %arg7[%dma_start3A_104, %dma_start3A_111] : memref<2x128xi32, #tpu.memory_space<vmem>> -> memref<1x128xi32, #tpu.memory_space<vmem>>
    %dma_start3A_113 = tpu.memref_squeeze %dma_start3A_112 : memref<1x128xi32, #tpu.memory_space<vmem>> -> memref<128xi32, #tpu.memory_space<vmem>>
    %dma_start3A_114 = arith.constant 0 : i32
    %dma_start3A_115 = tpu.memref_slice %arg4[%add3A_103, %dma_start3A_114] : memref<2528x128xi32, #tpu.memory_space<hbm>> -> memref<1x128xi32, #tpu.memory_space<hbm>>
    %dma_start3A_116 = tpu.memref_squeeze %dma_start3A_115 : memref<1x128xi32, #tpu.memory_space<hbm>> -> memref<128xi32, #tpu.memory_space<hbm>>
    tpu.enqueue_dma source(%dma_start3A_116 : memref<128xi32, #tpu.memory_space<hbm>>) target(%dma_start3A_113 : memref<128xi32, #tpu.memory_space<vmem>>) target_semaphore(%arg13 : memref<!tpu.dma_semaphore, #tpu.memory_space<semaphore_mem>>)
    %dma_wait3A_117 = arith.constant 0 : i32
    %dma_wait3A_118 = arith.constant 0 : i32
    %dma_wait3A_119 = tpu.memref_slice %arg2[%dma_wait3A_117, %dma_wait3A_118] : memref<20480x128xbf16, #tpu.memory_space<hbm>> -> memref<128x128xbf16, #tpu.memory_space<hbm>>
    %dma_wait3A_120 = arith.constant 0 : i32
    %dma_wait3A_121 = arith.constant 0 : i32
    %dma_wait3A_122 = tpu.memref_slice %arg2[%dma_wait3A_120, %dma_wait3A_121] : memref<20480x128xbf16, #tpu.memory_space<hbm>> -> memref<128x128xbf16, #tpu.memory_space<hbm>>
    tpu.wait_dma2 semaphore(%arg12 : memref<!tpu.dma_semaphore, #tpu.memory_space<semaphore_mem>>) src(%dma_wait3A_122 : memref<128x128xbf16, #tpu.memory_space<hbm>>) dst(%arg9 : memref<128x128xbf16, #tpu.memory_space<vmem>>)
    %dma_wait3A_123 = arith.constant 1 : i32
    %dma_wait3A_124 = arith.constant 0 : i32
    %dma_wait3A_125 = tpu.memref_slice %arg7[%dma_wait3A_123, %dma_wait3A_124] : memref<2x128xi32, #tpu.memory_space<vmem>> -> memref<1x128xi32, #tpu.memory_space<vmem>>
    %dma_wait3A_126 = tpu.memref_squeeze %dma_wait3A_125 : memref<1x128xi32, #tpu.memory_space<vmem>> -> memref<128xi32, #tpu.memory_space<vmem>>
    %dma_wait3A_127 = arith.constant 0 : i32
    %dma_wait3A_128 = tpu.memref_slice %arg4[%mul3A_25, %dma_wait3A_127] : memref<2528x128xi32, #tpu.memory_space<hbm>> -> memref<1x128xi32, #tpu.memory_space<hbm>>
    %dma_wait3A_129 = tpu.memref_squeeze %dma_wait3A_128 : memref<1x128xi32, #tpu.memory_space<hbm>> -> memref<128xi32, #tpu.memory_space<hbm>>
    %dma_wait3A_130 = arith.constant 0 : i32
    %dma_wait3A_131 = tpu.memref_slice %arg7[%dma_wait3A_123, %dma_wait3A_130] : memref<2x128xi32, #tpu.memory_space<vmem>> -> memref<1x128xi32, #tpu.memory_space<vmem>>
    %dma_wait3A_132 = tpu.memref_squeeze %dma_wait3A_131 : memref<1x128xi32, #tpu.memory_space<vmem>> -> memref<128xi32, #tpu.memory_space<vmem>>
    %dma_wait3A_133 = arith.constant 0 : i32
    %dma_wait3A_134 = tpu.memref_slice %arg4[%mul3A_25, %dma_wait3A_133] : memref<2528x128xi32, #tpu.memory_space<hbm>> -> memref<1x128xi32, #tpu.memory_space<hbm>>
    %dma_wait3A_135 = tpu.memref_squeeze %dma_wait3A_134 : memref<1x128xi32, #tpu.memory_space<hbm>> -> memref<128xi32, #tpu.memory_space<hbm>>
    tpu.wait_dma2 semaphore(%arg14 : memref<!tpu.dma_semaphore, #tpu.memory_space<semaphore_mem>>) src(%dma_wait3A_135 : memref<128xi32, #tpu.memory_space<hbm>>) dst(%dma_wait3A_132 : memref<128xi32, #tpu.memory_space<vmem>>)
    %run_scoped3A_136 = arith.constant 1 : i32
    "tpu.region"() ({
      %run_scoped3A_304 = tpu.sem_alloc : memref<!tpu.dma_semaphore, #tpu.memory_space<semaphore_mem>>
      %dma_start3A_305 = arith.constant 0 : i32
      %dma_start3A_306 = tpu.memref_slice %arg7[%run_scoped3A_136, %dma_start3A_305] : memref<2x128xi32, #tpu.memory_space<vmem>> -> memref<1x128xi32, #tpu.memory_space<vmem>>
      %dma_start3A_307 = tpu.memref_squeeze %dma_start3A_306 : memref<1x128xi32, #tpu.memory_space<vmem>> -> memref<128xi32, #tpu.memory_space<vmem>>
      %dma_start3A_308 = arith.constant 0 : i32
      %dma_start3A_309 = arith.constant 0 : i32
      %dma_start3A_310 = tpu.memref_slice %arg10[%dma_start3A_308, %dma_start3A_309] : memref<10240x128xbf16, #tpu.memory_space<vmem_shared>> -> memref<10240x128xbf16, #tpu.memory_space<vmem_shared>>
      tpu.enqueue_indirect_dma source(%arg9 : memref<128x128xbf16, #tpu.memory_space<vmem>>) target(%dma_start3A_310 : memref<10240x128xbf16, #tpu.memory_space<vmem_shared>>) offsets(%dma_start3A_307 : memref<128xi32, #tpu.memory_space<vmem>>) semaphore(%run_scoped3A_304 : memref<!tpu.dma_semaphore, #tpu.memory_space<semaphore_mem>>) {add = true}
      %dma_wait3A_311 = arith.constant 0 : i32
      %dma_wait3A_312 = tpu.memref_slice %arg7[%run_scoped3A_136, %dma_wait3A_311] : memref<2x128xi32, #tpu.memory_space<vmem>> -> memref<1x128xi32, #tpu.memory_space<vmem>>
      %dma_wait3A_313 = tpu.memref_squeeze %dma_wait3A_312 : memref<1x128xi32, #tpu.memory_space<vmem>> -> memref<128xi32, #tpu.memory_space<vmem>>
      %dma_wait3A_314 = arith.constant 0 : i32
      %dma_wait3A_315 = arith.constant 0 : i32
      %dma_wait3A_316 = tpu.memref_slice %arg10[%dma_wait3A_314, %dma_wait3A_315] : memref<10240x128xbf16, #tpu.memory_space<vmem_shared>> -> memref<10240x128xbf16, #tpu.memory_space<vmem_shared>>
      tpu.wait_indirect_dma semaphore(%run_scoped3A_304 : memref<!tpu.dma_semaphore, #tpu.memory_space<semaphore_mem>>) src(%arg9 : memref<128x128xbf16, #tpu.memory_space<vmem>>) dst(%dma_wait3A_316 : memref<10240x128xbf16, #tpu.memory_space<vmem_shared>>)
      tpu.yield
    }) : () -> ()
    %dma_wait3A_137 = arith.constant 0 : i32
    %dma_wait3A_138 = arith.constant 0 : i32
    %dma_wait3A_139 = tpu.memref_slice %arg2[%dma_wait3A_137, %dma_wait3A_138] : memref<20480x128xbf16, #tpu.memory_space<hbm>> -> memref<128x128xbf16, #tpu.memory_space<hbm>>
    %dma_wait3A_140 = arith.constant 0 : i32
    %dma_wait3A_141 = arith.constant 0 : i32
    %dma_wait3A_142 = tpu.memref_slice %arg2[%dma_wait3A_140, %dma_wait3A_141] : memref<20480x128xbf16, #tpu.memory_space<hbm>> -> memref<128x128xbf16, #tpu.memory_space<hbm>>
    tpu.wait_dma2 semaphore(%arg11 : memref<!tpu.dma_semaphore, #tpu.memory_space<semaphore_mem>>) src(%dma_wait3A_142 : memref<128x128xbf16, #tpu.memory_space<hbm>>) dst(%arg8 : memref<128x128xbf16, #tpu.memory_space<vmem>>)
    %dma_wait3A_143 = arith.constant 0 : i32
    %dma_wait3A_144 = arith.constant 0 : i32
    %dma_wait3A_145 = tpu.memref_slice %arg7[%dma_wait3A_143, %dma_wait3A_144] : memref<2x128xi32, #tpu.memory_space<vmem>> -> memref<1x128xi32, #tpu.memory_space<vmem>>
    %dma_wait3A_146 = tpu.memref_squeeze %dma_wait3A_145 : memref<1x128xi32, #tpu.memory_space<vmem>> -> memref<128xi32, #tpu.memory_space<vmem>>
    %dma_wait3A_147 = arith.constant 0 : i32
    %dma_wait3A_148 = tpu.memref_slice %arg4[%mul3A_25, %dma_wait3A_147] : memref<2528x128xi32, #tpu.memory_space<hbm>> -> memref<1x128xi32, #tpu.memory_space<hbm>>
    %dma_wait3A_149 = tpu.memref_squeeze %dma_wait3A_148 : memref<1x128xi32, #tpu.memory_space<hbm>> -> memref<128xi32, #tpu.memory_space<hbm>>
    %dma_wait3A_150 = arith.constant 0 : i32
    %dma_wait3A_151 = tpu.memref_slice %arg7[%dma_wait3A_143, %dma_wait3A_150] : memref<2x128xi32, #tpu.memory_space<vmem>> -> memref<1x128xi32, #tpu.memory_space<vmem>>
    %dma_wait3A_152 = tpu.memref_squeeze %dma_wait3A_151 : memref<1x128xi32, #tpu.memory_space<vmem>> -> memref<128xi32, #tpu.memory_space<vmem>>
    %dma_wait3A_153 = arith.constant 0 : i32
    %dma_wait3A_154 = tpu.memref_slice %arg4[%mul3A_25, %dma_wait3A_153] : memref<2528x128xi32, #tpu.memory_space<hbm>> -> memref<1x128xi32, #tpu.memory_space<hbm>>
    %dma_wait3A_155 = tpu.memref_squeeze %dma_wait3A_154 : memref<1x128xi32, #tpu.memory_space<hbm>> -> memref<128xi32, #tpu.memory_space<hbm>>
    tpu.wait_dma2 semaphore(%arg13 : memref<!tpu.dma_semaphore, #tpu.memory_space<semaphore_mem>>) src(%dma_wait3A_155 : memref<128xi32, #tpu.memory_space<hbm>>) dst(%dma_wait3A_152 : memref<128xi32, #tpu.memory_space<vmem>>)
    %run_scoped3A_156 = arith.constant 0 : i32
    "tpu.region"() ({
      %run_scoped3A_304 = tpu.sem_alloc : memref<!tpu.dma_semaphore, #tpu.memory_space<semaphore_mem>>
      %dma_start3A_305 = arith.constant 0 : i32
      %dma_start3A_306 = tpu.memref_slice %arg7[%run_scoped3A_156, %dma_start3A_305] : memref<2x128xi32, #tpu.memory_space<vmem>> -> memref<1x128xi32, #tpu.memory_space<vmem>>
      %dma_start3A_307 = tpu.memref_squeeze %dma_start3A_306 : memref<1x128xi32, #tpu.memory_space<vmem>> -> memref<128xi32, #tpu.memory_space<vmem>>
      %dma_start3A_308 = arith.constant 0 : i32
      %dma_start3A_309 = arith.constant 0 : i32
      %dma_start3A_310 = tpu.memref_slice %arg10[%dma_start3A_308, %dma_start3A_309] : memref<10240x128xbf16, #tpu.memory_space<vmem_shared>> -> memref<10240x128xbf16, #tpu.memory_space<vmem_shared>>
      tpu.enqueue_indirect_dma source(%arg8 : memref<128x128xbf16, #tpu.memory_space<vmem>>) target(%dma_start3A_310 : memref<10240x128xbf16, #tpu.memory_space<vmem_shared>>) offsets(%dma_start3A_307 : memref<128xi32, #tpu.memory_space<vmem>>) semaphore(%run_scoped3A_304 : memref<!tpu.dma_semaphore, #tpu.memory_space<semaphore_mem>>) {add = true}
      %dma_wait3A_311 = arith.constant 0 : i32
      %dma_wait3A_312 = tpu.memref_slice %arg7[%run_scoped3A_156, %dma_wait3A_311] : memref<2x128xi32, #tpu.memory_space<vmem>> -> memref<1x128xi32, #tpu.memory_space<vmem>>
      %dma_wait3A_313 = tpu.memref_squeeze %dma_wait3A_312 : memref<1x128xi32, #tpu.memory_space<vmem>> -> memref<128xi32, #tpu.memory_space<vmem>>
      %dma_wait3A_314 = arith.constant 0 : i32
      %dma_wait3A_315 = arith.constant 0 : i32
      %dma_wait3A_316 = tpu.memref_slice %arg10[%dma_wait3A_314, %dma_wait3A_315] : memref<10240x128xbf16, #tpu.memory_space<vmem_shared>> -> memref<10240x128xbf16, #tpu.memory_space<vmem_shared>>
      tpu.wait_indirect_dma semaphore(%run_scoped3A_304 : memref<!tpu.dma_semaphore, #tpu.memory_space<semaphore_mem>>) src(%arg8 : memref<128x128xbf16, #tpu.memory_space<vmem>>) dst(%dma_wait3A_316 : memref<10240x128xbf16, #tpu.memory_space<vmem_shared>>)
      tpu.yield
    }) : () -> ()
    %add3A_157 = arith.constant 16 : i32
    %add3A_158 = arith.addi %add3A_157, %arg1 : i32
    "tpu.region"() ({
      %run_scoped3A_304 = tpu.sem_alloc : memref<!tpu.dma_semaphore, #tpu.memory_space<semaphore_mem>>
      %dma_start3A_305 = arith.constant 0 : i32
      %dma_start3A_306 = arith.constant 0 : i32
      %dma_start3A_307 = tpu.memref_slice %arg3[%add3A_158, %dma_start3A_305, %dma_start3A_306] : memref<32x79x128xi32, #tpu.memory_space<hbm>> -> memref<1x79x128xi32, #tpu.memory_space<hbm>>
      %dma_start3A_308 = tpu.memref_squeeze %dma_start3A_307 : memref<1x79x128xi32, #tpu.memory_space<hbm>> -> memref<79x128xi32, #tpu.memory_space<hbm>>
      %dma_start3A_309 = arith.constant 0 : i32
      %dma_start3A_310 = arith.constant 0 : i32
      %dma_start3A_311 = tpu.memref_slice %arg3[%add3A_158, %dma_start3A_309, %dma_start3A_310] : memref<32x79x128xi32, #tpu.memory_space<hbm>> -> memref<1x79x128xi32, #tpu.memory_space<hbm>>
      %dma_start3A_312 = tpu.memref_squeeze %dma_start3A_311 : memref<1x79x128xi32, #tpu.memory_space<hbm>> -> memref<79x128xi32, #tpu.memory_space<hbm>>
      tpu.enqueue_dma source(%dma_start3A_312 : memref<79x128xi32, #tpu.memory_space<hbm>>) target(%arg6 : memref<79x128xi32, #tpu.memory_space<vmem>>) target_semaphore(%run_scoped3A_304 : memref<!tpu.dma_semaphore, #tpu.memory_space<semaphore_mem>>)
      %dma_wait3A_313 = arith.constant 0 : i32
      %dma_wait3A_314 = arith.constant 0 : i32
      %dma_wait3A_315 = tpu.memref_slice %arg3[%add3A_158, %dma_wait3A_313, %dma_wait3A_314] : memref<32x79x128xi32, #tpu.memory_space<hbm>> -> memref<1x79x128xi32, #tpu.memory_space<hbm>>
      %dma_wait3A_316 = tpu.memref_squeeze %dma_wait3A_315 : memref<1x79x128xi32, #tpu.memory_space<hbm>> -> memref<79x128xi32, #tpu.memory_space<hbm>>
      %dma_wait3A_317 = arith.constant 0 : i32
      %dma_wait3A_318 = arith.constant 0 : i32
      %dma_wait3A_319 = tpu.memref_slice %arg3[%add3A_158, %dma_wait3A_317, %dma_wait3A_318] : memref<32x79x128xi32, #tpu.memory_space<hbm>> -> memref<1x79x128xi32, #tpu.memory_space<hbm>>
      %dma_wait3A_320 = tpu.memref_squeeze %dma_wait3A_319 : memref<1x79x128xi32, #tpu.memory_space<hbm>> -> memref<79x128xi32, #tpu.memory_space<hbm>>
      tpu.wait_dma2 semaphore(%run_scoped3A_304 : memref<!tpu.dma_semaphore, #tpu.memory_space<semaphore_mem>>) src(%dma_wait3A_320 : memref<79x128xi32, #tpu.memory_space<hbm>>) dst(%arg6 : memref<79x128xi32, #tpu.memory_space<vmem>>)
      tpu.yield
    }) : () -> ()
    %scan3A_159 = arith.constant 0 : i32
    %scan3A_160 = arith.constant 0 : i32
    %scan3A_161 = arith.constant 79 : i32
    %scan3A_162 = arith.addi %scan3A_160, %scan3A_161 : i32
    %scan3A_163 = arith.constant 1 : i32
    scf.for %scan3A_304 = %scan3A_160 to %scan3A_162 step %scan3A_163  : i32 {
      %get3A = arith.index_cast %scan3A_304 : i32 to index
      %get3A_305 = arith.constant 0 : index
      %get3A_306 = tpu.vector_load %arg6[%get3A, %get3A_305] {strides = array<i32>} : memref<79x128xi32, #tpu.memory_space<vmem>>, vector<1x16xi32>,
      %get3A_307 = vector.shape_cast %get3A_306 : vector<1x16xi32> to vector<16xi32>
      %add3A_308 = vector.broadcast %mul3A_2 : i32 to vector<16xi32>
      %add3A_309 = arith.addi %get3A_307, %add3A_308 : vector<16xi32>
      %swap3A = arith.index_cast %scan3A_304 : i32 to index
      %swap3A_310 = arith.constant 0 : index
      %swap3A_311 = tpu.vector_load %arg6[%swap3A, %swap3A_310] {strides = array<i32>} : memref<79x128xi32, #tpu.memory_space<vmem>>, vector<1x16xi32>,
      %swap3A_312 = vector.shape_cast %swap3A_311 : vector<1x16xi32> to vector<16xi32>
      %swap3A_313 = vector.shape_cast %add3A_309 : vector<16xi32> to vector<1x16xi32>
      tpu.vector_store %arg6[%swap3A, %swap3A_310], %swap3A_313 {strides = array<i32>} : memref<79x128xi32, #tpu.memory_space<vmem>>, vector<1x16xi32>,
      %get3A_314 = arith.index_cast %scan3A_304 : i32 to index
      %get3A_315 = arith.constant 16 : index
      %get3A_316 = tpu.vector_load %arg6[%get3A_314, %get3A_315] {strides = array<i32>} : memref<79x128xi32, #tpu.memory_space<vmem>>, vector<1x16xi32>,
      %get3A_317 = vector.shape_cast %get3A_316 : vector<1x16xi32> to vector<16xi32>
      %add3A_318 = vector.broadcast %mul3A_2 : i32 to vector<16xi32>
      %add3A_319 = arith.addi %get3A_317, %add3A_318 : vector<16xi32>
      %swap3A_320 = arith.index_cast %scan3A_304 : i32 to index
      %swap3A_321 = arith.constant 16 : index
      %swap3A_322 = tpu.vector_load %arg6[%swap3A_320, %swap3A_321] {strides = array<i32>} : memref<79x128xi32, #tpu.memory_space<vmem>>, vector<1x16xi32>,
      %swap3A_323 = vector.shape_cast %swap3A_322 : vector<1x16xi32> to vector<16xi32>
      %swap3A_324 = vector.shape_cast %add3A_319 : vector<16xi32> to vector<1x16xi32>
      tpu.vector_store %arg6[%swap3A_320, %swap3A_321], %swap3A_324 {strides = array<i32>} : memref<79x128xi32, #tpu.memory_space<vmem>>, vector<1x16xi32>,
      %get3A_325 = arith.index_cast %scan3A_304 : i32 to index
      %get3A_326 = arith.constant 32 : index
      %get3A_327 = tpu.vector_load %arg6[%get3A_325, %get3A_326] {strides = array<i32>} : memref<79x128xi32, #tpu.memory_space<vmem>>, vector<1x16xi32>,
      %get3A_328 = vector.shape_cast %get3A_327 : vector<1x16xi32> to vector<16xi32>
      %add3A_329 = vector.broadcast %mul3A_2 : i32 to vector<16xi32>
      %add3A_330 = arith.addi %get3A_328, %add3A_329 : vector<16xi32>
      %swap3A_331 = arith.index_cast %scan3A_304 : i32 to index
      %swap3A_332 = arith.constant 32 : index
      %swap3A_333 = tpu.vector_load %arg6[%swap3A_331, %swap3A_332] {strides = array<i32>} : memref<79x128xi32, #tpu.memory_space<vmem>>, vector<1x16xi32>,
      %swap3A_334 = vector.shape_cast %swap3A_333 : vector<1x16xi32> to vector<16xi32>
      %swap3A_335 = vector.shape_cast %add3A_330 : vector<16xi32> to vector<1x16xi32>
      tpu.vector_store %arg6[%swap3A_331, %swap3A_332], %swap3A_335 {strides = array<i32>} : memref<79x128xi32, #tpu.memory_space<vmem>>, vector<1x16xi32>,
      %get3A_336 = arith.index_cast %scan3A_304 : i32 to index
      %get3A_337 = arith.constant 48 : index
      %get3A_338 = tpu.vector_load %arg6[%get3A_336, %get3A_337] {strides = array<i32>} : memref<79x128xi32, #tpu.memory_space<vmem>>, vector<1x16xi32>,
      %get3A_339 = vector.shape_cast %get3A_338 : vector<1x16xi32> to vector<16xi32>
      %add3A_340 = vector.broadcast %mul3A_2 : i32 to vector<16xi32>
      %add3A_341 = arith.addi %get3A_339, %add3A_340 : vector<16xi32>
      %swap3A_342 = arith.index_cast %scan3A_304 : i32 to index
      %swap3A_343 = arith.constant 48 : index
      %swap3A_344 = tpu.vector_load %arg6[%swap3A_342, %swap3A_343] {strides = array<i32>} : memref<79x128xi32, #tpu.memory_space<vmem>>, vector<1x16xi32>,
      %swap3A_345 = vector.shape_cast %swap3A_344 : vector<1x16xi32> to vector<16xi32>
      %swap3A_346 = vector.shape_cast %add3A_341 : vector<16xi32> to vector<1x16xi32>
      tpu.vector_store %arg6[%swap3A_342, %swap3A_343], %swap3A_346 {strides = array<i32>} : memref<79x128xi32, #tpu.memory_space<vmem>>, vector<1x16xi32>,
      %get3A_347 = arith.index_cast %scan3A_304 : i32 to index
      %get3A_348 = arith.constant 64 : index
      %get3A_349 = tpu.vector_load %arg6[%get3A_347, %get3A_348] {strides = array<i32>} : memref<79x128xi32, #tpu.memory_space<vmem>>, vector<1x16xi32>,
      %get3A_350 = vector.shape_cast %get3A_349 : vector<1x16xi32> to vector<16xi32>
      %add3A_351 = vector.broadcast %mul3A_2 : i32 to vector<16xi32>
      %add3A_352 = arith.addi %get3A_350, %add3A_351 : vector<16xi32>
      %swap3A_353 = arith.index_cast %scan3A_304 : i32 to index
      %swap3A_354 = arith.constant 64 : index
      %swap3A_355 = tpu.vector_load %arg6[%swap3A_353, %swap3A_354] {strides = array<i32>} : memref<79x128xi32, #tpu.memory_space<vmem>>, vector<1x16xi32>,
      %swap3A_356 = vector.shape_cast %swap3A_355 : vector<1x16xi32> to vector<16xi32>
      %swap3A_357 = vector.shape_cast %add3A_352 : vector<16xi32> to vector<1x16xi32>
      tpu.vector_store %arg6[%swap3A_353, %swap3A_354], %swap3A_357 {strides = array<i32>} : memref<79x128xi32, #tpu.memory_space<vmem>>, vector<1x16xi32>,
      %get3A_358 = arith.index_cast %scan3A_304 : i32 to index
      %get3A_359 = arith.constant 80 : index
      %get3A_360 = tpu.vector_load %arg6[%get3A_358, %get3A_359] {strides = array<i32>} : memref<79x128xi32, #tpu.memory_space<vmem>>, vector<1x16xi32>,
      %get3A_361 = vector.shape_cast %get3A_360 : vector<1x16xi32> to vector<16xi32>
      %add3A_362 = vector.broadcast %mul3A_2 : i32 to vector<16xi32>
      %add3A_363 = arith.addi %get3A_361, %add3A_362 : vector<16xi32>
      %swap3A_364 = arith.index_cast %scan3A_304 : i32 to index
      %swap3A_365 = arith.constant 80 : index
      %swap3A_366 = tpu.vector_load %arg6[%swap3A_364, %swap3A_365] {strides = array<i32>} : memref<79x128xi32, #tpu.memory_space<vmem>>, vector<1x16xi32>,
      %swap3A_367 = vector.shape_cast %swap3A_366 : vector<1x16xi32> to vector<16xi32>
      %swap3A_368 = vector.shape_cast %add3A_363 : vector<16xi32> to vector<1x16xi32>
      tpu.vector_store %arg6[%swap3A_364, %swap3A_365], %swap3A_368 {strides = array<i32>} : memref<79x128xi32, #tpu.memory_space<vmem>>, vector<1x16xi32>,
      %get3A_369 = arith.index_cast %scan3A_304 : i32 to index
      %get3A_370 = arith.constant 96 : index
      %get3A_371 = tpu.vector_load %arg6[%get3A_369, %get3A_370] {strides = array<i32>} : memref<79x128xi32, #tpu.memory_space<vmem>>, vector<1x16xi32>,
      %get3A_372 = vector.shape_cast %get3A_371 : vector<1x16xi32> to vector<16xi32>
      %add3A_373 = vector.broadcast %mul3A_2 : i32 to vector<16xi32>
      %add3A_374 = arith.addi %get3A_372, %add3A_373 : vector<16xi32>
      %swap3A_375 = arith.index_cast %scan3A_304 : i32 to index
      %swap3A_376 = arith.constant 96 : index
      %swap3A_377 = tpu.vector_load %arg6[%swap3A_375, %swap3A_376] {strides = array<i32>} : memref<79x128xi32, #tpu.memory_space<vmem>>, vector<1x16xi32>,
      %swap3A_378 = vector.shape_cast %swap3A_377 : vector<1x16xi32> to vector<16xi32>
      %swap3A_379 = vector.shape_cast %add3A_374 : vector<16xi32> to vector<1x16xi32>
      tpu.vector_store %arg6[%swap3A_375, %swap3A_376], %swap3A_379 {strides = array<i32>} : memref<79x128xi32, #tpu.memory_space<vmem>>, vector<1x16xi32>,
      %get3A_380 = arith.index_cast %scan3A_304 : i32 to index
      %get3A_381 = arith.constant 112 : index
      %get3A_382 = tpu.vector_load %arg6[%get3A_380, %get3A_381] {strides = array<i32>} : memref<79x128xi32, #tpu.memory_space<vmem>>, vector<1x16xi32>,
      %get3A_383 = vector.shape_cast %get3A_382 : vector<1x16xi32> to vector<16xi32>
      %add3A_384 = vector.broadcast %mul3A_2 : i32 to vector<16xi32>
      %add3A_385 = arith.addi %get3A_383, %add3A_384 : vector<16xi32>
      %swap3A_386 = arith.index_cast %scan3A_304 : i32 to index
      %swap3A_387 = arith.constant 112 : index
      %swap3A_388 = tpu.vector_load %arg6[%swap3A_386, %swap3A_387] {strides = array<i32>} : memref<79x128xi32, #tpu.memory_space<vmem>>, vector<1x16xi32>,
      %swap3A_389 = vector.shape_cast %swap3A_388 : vector<1x16xi32> to vector<16xi32>
      %swap3A_390 = vector.shape_cast %add3A_385 : vector<16xi32> to vector<1x16xi32>
      tpu.vector_store %arg6[%swap3A_386, %swap3A_387], %swap3A_390 {strides = array<i32>} : memref<79x128xi32, #tpu.memory_space<vmem>>, vector<1x16xi32>,
    }
    %scan3A_164 = arith.constant 79 : i32
    %add3A_165 = arith.constant 16 : i32
    %add3A_166 = arith.addi %add3A_165, %arg1 : i32
    %mul3A_167 = arith.constant 79 : i32
    %mul3A_168 = arith.muli %add3A_166, %mul3A_167 : i32
    %dma_start3A_169 = arith.constant 0 : i32
    %dma_start3A_170 = arith.constant 0 : i32
    %dma_start3A_171 = tpu.memref_slice %arg6[%dma_start3A_169, %dma_start3A_170] : memref<79x128xi32, #tpu.memory_space<vmem>> -> memref<1x128xi32, #tpu.memory_space<vmem>>
    %dma_start3A_172 = tpu.memref_squeeze %dma_start3A_171 : memref<1x128xi32, #tpu.memory_space<vmem>> -> memref<128xi32, #tpu.memory_space<vmem>>
    %dma_start3A_173 = arith.constant 0 : i32
    %dma_start3A_174 = arith.constant 0 : i32
    %dma_start3A_175 = tpu.memref_slice %arg2[%dma_start3A_173, %dma_start3A_174] : memref<20480x128xbf16, #tpu.memory_space<hbm>> -> memref<20480x128xbf16, #tpu.memory_space<hbm>>
    tpu.enqueue_indirect_dma source(%dma_start3A_175 : memref<20480x128xbf16, #tpu.memory_space<hbm>>) target(%arg8 : memref<128x128xbf16, #tpu.memory_space<vmem>>) offsets(%dma_start3A_172 : memref<128xi32, #tpu.memory_space<vmem>>) semaphore(%arg11 : memref<!tpu.dma_semaphore, #tpu.memory_space<semaphore_mem>>)
    %add3A_176 = arith.constant 0 : i32
    %add3A_177 = arith.addi %mul3A_168, %add3A_176 : i32
    %dma_start3A_178 = arith.constant 0 : i32
    %dma_start3A_179 = arith.constant 0 : i32
    %dma_start3A_180 = tpu.memref_slice %arg7[%dma_start3A_178, %dma_start3A_179] : memref<2x128xi32, #tpu.memory_space<vmem>> -> memref<1x128xi32, #tpu.memory_space<vmem>>
    %dma_start3A_181 = tpu.memref_squeeze %dma_start3A_180 : memref<1x128xi32, #tpu.memory_space<vmem>> -> memref<128xi32, #tpu.memory_space<vmem>>
    %dma_start3A_182 = arith.constant 0 : i32
    %dma_start3A_183 = tpu.memref_slice %arg4[%add3A_177, %dma_start3A_182] : memref<2528x128xi32, #tpu.memory_space<hbm>> -> memref<1x128xi32, #tpu.memory_space<hbm>>
    %dma_start3A_184 = tpu.memref_squeeze %dma_start3A_183 : memref<1x128xi32, #tpu.memory_space<hbm>> -> memref<128xi32, #tpu.memory_space<hbm>>
    %dma_start3A_185 = arith.constant 0 : i32
    %dma_start3A_186 = tpu.memref_slice %arg7[%dma_start3A_178, %dma_start3A_185] : memref<2x128xi32, #tpu.memory_space<vmem>> -> memref<1x128xi32, #tpu.memory_space<vmem>>
    %dma_start3A_187 = tpu.memref_squeeze %dma_start3A_186 : memref<1x128xi32, #tpu.memory_space<vmem>> -> memref<128xi32, #tpu.memory_space<vmem>>
    %dma_start3A_188 = arith.constant 0 : i32
    %dma_start3A_189 = tpu.memref_slice %arg4[%add3A_177, %dma_start3A_188] : memref<2528x128xi32, #tpu.memory_space<hbm>> -> memref<1x128xi32, #tpu.memory_space<hbm>>
    %dma_start3A_190 = tpu.memref_squeeze %dma_start3A_189 : memref<1x128xi32, #tpu.memory_space<hbm>> -> memref<128xi32, #tpu.memory_space<hbm>>
    tpu.enqueue_dma source(%dma_start3A_190 : memref<128xi32, #tpu.memory_space<hbm>>) target(%dma_start3A_187 : memref<128xi32, #tpu.memory_space<vmem>>) target_semaphore(%arg13 : memref<!tpu.dma_semaphore, #tpu.memory_space<semaphore_mem>>)
    %dma_start3A_191 = arith.constant 1 : i32
    %dma_start3A_192 = arith.constant 0 : i32
    %dma_start3A_193 = tpu.memref_slice %arg6[%dma_start3A_191, %dma_start3A_192] : memref<79x128xi32, #tpu.memory_space<vmem>> -> memref<1x128xi32, #tpu.memory_space<vmem>>
    %dma_start3A_194 = tpu.memref_squeeze %dma_start3A_193 : memref<1x128xi32, #tpu.memory_space<vmem>> -> memref<128xi32, #tpu.memory_space<vmem>>
    %dma_start3A_195 = arith.constant 0 : i32
    %dma_start3A_196 = arith.constant 0 : i32
    %dma_start3A_197 = tpu.memref_slice %arg2[%dma_start3A_195, %dma_start3A_196] : memref<20480x128xbf16, #tpu.memory_space<hbm>> -> memref<20480x128xbf16, #tpu.memory_space<hbm>>
    tpu.enqueue_indirect_dma source(%dma_start3A_197 : memref<20480x128xbf16, #tpu.memory_space<hbm>>) target(%arg9 : memref<128x128xbf16, #tpu.memory_space<vmem>>) offsets(%dma_start3A_194 : memref<128xi32, #tpu.memory_space<vmem>>) semaphore(%arg12 : memref<!tpu.dma_semaphore, #tpu.memory_space<semaphore_mem>>)
    %add3A_198 = arith.constant 1 : i32
    %add3A_199 = arith.addi %mul3A_168, %add3A_198 : i32
    %dma_start3A_200 = arith.constant 1 : i32
    %dma_start3A_201 = arith.constant 0 : i32
    %dma_start3A_202 = tpu.memref_slice %arg7[%dma_start3A_200, %dma_start3A_201] : memref<2x128xi32, #tpu.memory_space<vmem>> -> memref<1x128xi32, #tpu.memory_space<vmem>>
    %dma_start3A_203 = tpu.memref_squeeze %dma_start3A_202 : memref<1x128xi32, #tpu.memory_space<vmem>> -> memref<128xi32, #tpu.memory_space<vmem>>
    %dma_start3A_204 = arith.constant 0 : i32
    %dma_start3A_205 = tpu.memref_slice %arg4[%add3A_199, %dma_start3A_204] : memref<2528x128xi32, #tpu.memory_space<hbm>> -> memref<1x128xi32, #tpu.memory_space<hbm>>
    %dma_start3A_206 = tpu.memref_squeeze %dma_start3A_205 : memref<1x128xi32, #tpu.memory_space<hbm>> -> memref<128xi32, #tpu.memory_space<hbm>>
    %dma_start3A_207 = arith.constant 0 : i32
    %dma_start3A_208 = tpu.memref_slice %arg7[%dma_start3A_200, %dma_start3A_207] : memref<2x128xi32, #tpu.memory_space<vmem>> -> memref<1x128xi32, #tpu.memory_space<vmem>>
    %dma_start3A_209 = tpu.memref_squeeze %dma_start3A_208 : memref<1x128xi32, #tpu.memory_space<vmem>> -> memref<128xi32, #tpu.memory_space<vmem>>
    %dma_start3A_210 = arith.constant 0 : i32
    %dma_start3A_211 = tpu.memref_slice %arg4[%add3A_199, %dma_start3A_210] : memref<2528x128xi32, #tpu.memory_space<hbm>> -> memref<1x128xi32, #tpu.memory_space<hbm>>
    %dma_start3A_212 = tpu.memref_squeeze %dma_start3A_211 : memref<1x128xi32, #tpu.memory_space<hbm>> -> memref<128xi32, #tpu.memory_space<hbm>>
    tpu.enqueue_dma source(%dma_start3A_212 : memref<128xi32, #tpu.memory_space<hbm>>) target(%dma_start3A_209 : memref<128xi32, #tpu.memory_space<vmem>>) target_semaphore(%arg14 : memref<!tpu.dma_semaphore, #tpu.memory_space<semaphore_mem>>)
    %scan3A_213 = arith.constant 0 : i32
    %scan3A_214 = arith.constant 0 : i32
    %scan3A_215 = arith.constant 38 : i32
    %scan3A_216 = arith.addi %scan3A_214, %scan3A_215 : i32
    %scan3A_217 = arith.constant 1 : i32
    scf.for %scan3A_304 = %scan3A_214 to %scan3A_216 step %scan3A_217  : i32 {
      %mul3A_305 = arith.constant 2 : i32
      %mul3A_306 = arith.muli %scan3A_304, %mul3A_305 : i32
      %add3A_307 = arith.constant 0 : i32
      %add3A_308 = arith.addi %mul3A_306, %add3A_307 : i32
      %dma_wait3A_309 = arith.constant 0 : i32
      %dma_wait3A_310 = arith.constant 0 : i32
      %dma_wait3A_311 = tpu.memref_slice %arg2[%dma_wait3A_309, %dma_wait3A_310] : memref<20480x128xbf16, #tpu.memory_space<hbm>> -> memref<128x128xbf16, #tpu.memory_space<hbm>>
      %dma_wait3A_312 = arith.constant 0 : i32
      %dma_wait3A_313 = arith.constant 0 : i32
      %dma_wait3A_314 = tpu.memref_slice %arg2[%dma_wait3A_312, %dma_wait3A_313] : memref<20480x128xbf16, #tpu.memory_space<hbm>> -> memref<128x128xbf16, #tpu.memory_space<hbm>>
      tpu.wait_dma2 semaphore(%arg11 : memref<!tpu.dma_semaphore, #tpu.memory_space<semaphore_mem>>) src(%dma_wait3A_314 : memref<128x128xbf16, #tpu.memory_space<hbm>>) dst(%arg8 : memref<128x128xbf16, #tpu.memory_space<vmem>>)
      %dma_wait3A_315 = arith.constant 0 : i32
      %dma_wait3A_316 = arith.constant 0 : i32
      %dma_wait3A_317 = tpu.memref_slice %arg7[%dma_wait3A_315, %dma_wait3A_316] : memref<2x128xi32, #tpu.memory_space<vmem>> -> memref<1x128xi32, #tpu.memory_space<vmem>>
      %dma_wait3A_318 = tpu.memref_squeeze %dma_wait3A_317 : memref<1x128xi32, #tpu.memory_space<vmem>> -> memref<128xi32, #tpu.memory_space<vmem>>
      %dma_wait3A_319 = arith.constant 0 : i32
      %dma_wait3A_320 = tpu.memref_slice %arg4[%mul3A_168, %dma_wait3A_319] : memref<2528x128xi32, #tpu.memory_space<hbm>> -> memref<1x128xi32, #tpu.memory_space<hbm>>
      %dma_wait3A_321 = tpu.memref_squeeze %dma_wait3A_320 : memref<1x128xi32, #tpu.memory_space<hbm>> -> memref<128xi32, #tpu.memory_space<hbm>>
      %dma_wait3A_322 = arith.constant 0 : i32
      %dma_wait3A_323 = tpu.memref_slice %arg7[%dma_wait3A_315, %dma_wait3A_322] : memref<2x128xi32, #tpu.memory_space<vmem>> -> memref<1x128xi32, #tpu.memory_space<vmem>>
      %dma_wait3A_324 = tpu.memref_squeeze %dma_wait3A_323 : memref<1x128xi32, #tpu.memory_space<vmem>> -> memref<128xi32, #tpu.memory_space<vmem>>
      %dma_wait3A_325 = arith.constant 0 : i32
      %dma_wait3A_326 = tpu.memref_slice %arg4[%mul3A_168, %dma_wait3A_325] : memref<2528x128xi32, #tpu.memory_space<hbm>> -> memref<1x128xi32, #tpu.memory_space<hbm>>
      %dma_wait3A_327 = tpu.memref_squeeze %dma_wait3A_326 : memref<1x128xi32, #tpu.memory_space<hbm>> -> memref<128xi32, #tpu.memory_space<hbm>>
      tpu.wait_dma2 semaphore(%arg13 : memref<!tpu.dma_semaphore, #tpu.memory_space<semaphore_mem>>) src(%dma_wait3A_327 : memref<128xi32, #tpu.memory_space<hbm>>) dst(%dma_wait3A_324 : memref<128xi32, #tpu.memory_space<vmem>>)
      %run_scoped3A_328 = arith.constant 0 : i32
      "tpu.region"() ({
        %run_scoped3A_399 = tpu.sem_alloc : memref<!tpu.dma_semaphore, #tpu.memory_space<semaphore_mem>>
        %dma_start3A_400 = arith.constant 0 : i32
        %dma_start3A_401 = tpu.memref_slice %arg7[%run_scoped3A_328, %dma_start3A_400] : memref<2x128xi32, #tpu.memory_space<vmem>> -> memref<1x128xi32, #tpu.memory_space<vmem>>
        %dma_start3A_402 = tpu.memref_squeeze %dma_start3A_401 : memref<1x128xi32, #tpu.memory_space<vmem>> -> memref<128xi32, #tpu.memory_space<vmem>>
        %dma_start3A_403 = arith.constant 0 : i32
        %dma_start3A_404 = arith.constant 0 : i32
        %dma_start3A_405 = tpu.memref_slice %arg10[%dma_start3A_403, %dma_start3A_404] : memref<10240x128xbf16, #tpu.memory_space<vmem_shared>> -> memref<10240x128xbf16, #tpu.memory_space<vmem_shared>>
        tpu.enqueue_indirect_dma source(%arg8 : memref<128x128xbf16, #tpu.memory_space<vmem>>) target(%dma_start3A_405 : memref<10240x128xbf16, #tpu.memory_space<vmem_shared>>) offsets(%dma_start3A_402 : memref<128xi32, #tpu.memory_space<vmem>>) semaphore(%run_scoped3A_399 : memref<!tpu.dma_semaphore, #tpu.memory_space<semaphore_mem>>) {add = true}
        %dma_wait3A_406 = arith.constant 0 : i32
        %dma_wait3A_407 = tpu.memref_slice %arg7[%run_scoped3A_328, %dma_wait3A_406] : memref<2x128xi32, #tpu.memory_space<vmem>> -> memref<1x128xi32, #tpu.memory_space<vmem>>
        %dma_wait3A_408 = tpu.memref_squeeze %dma_wait3A_407 : memref<1x128xi32, #tpu.memory_space<vmem>> -> memref<128xi32, #tpu.memory_space<vmem>>
        %dma_wait3A_409 = arith.constant 0 : i32
        %dma_wait3A_410 = arith.constant 0 : i32
        %dma_wait3A_411 = tpu.memref_slice %arg10[%dma_wait3A_409, %dma_wait3A_410] : memref<10240x128xbf16, #tpu.memory_space<vmem_shared>> -> memref<10240x128xbf16, #tpu.memory_space<vmem_shared>>
        tpu.wait_indirect_dma semaphore(%run_scoped3A_399 : memref<!tpu.dma_semaphore, #tpu.memory_space<semaphore_mem>>) src(%arg8 : memref<128x128xbf16, #tpu.memory_space<vmem>>) dst(%dma_wait3A_411 : memref<10240x128xbf16, #tpu.memory_space<vmem_shared>>)
        tpu.yield
      }) : () -> ()
      %add3A_329 = arith.constant 2 : i32
      %add3A_330 = arith.addi %add3A_308, %add3A_329 : i32
      %dma_start3A_331 = arith.constant 0 : i32
      %dma_start3A_332 = tpu.memref_slice %arg6[%add3A_330, %dma_start3A_331] : memref<79x128xi32, #tpu.memory_space<vmem>> -> memref<1x128xi32, #tpu.memory_space<vmem>>
      %dma_start3A_333 = tpu.memref_squeeze %dma_start3A_332 : memref<1x128xi32, #tpu.memory_space<vmem>> -> memref<128xi32, #tpu.memory_space<vmem>>
      %dma_start3A_334 = arith.constant 0 : i32
      %dma_start3A_335 = arith.constant 0 : i32
      %dma_start3A_336 = tpu.memref_slice %arg2[%dma_start3A_334, %dma_start3A_335] : memref<20480x128xbf16, #tpu.memory_space<hbm>> -> memref<20480x128xbf16, #tpu.memory_space<hbm>>
      tpu.enqueue_indirect_dma source(%dma_start3A_336 : memref<20480x128xbf16, #tpu.memory_space<hbm>>) target(%arg8 : memref<128x128xbf16, #tpu.memory_space<vmem>>) offsets(%dma_start3A_333 : memref<128xi32, #tpu.memory_space<vmem>>) semaphore(%arg11 : memref<!tpu.dma_semaphore, #tpu.memory_space<semaphore_mem>>)
      %add3A_337 = arith.addi %mul3A_168, %add3A_308 : i32
      %add3A_338 = arith.constant 2 : i32
      %add3A_339 = arith.addi %add3A_337, %add3A_338 : i32
      %dma_start3A_340 = arith.constant 0 : i32
      %dma_start3A_341 = arith.constant 0 : i32
      %dma_start3A_342 = tpu.memref_slice %arg7[%dma_start3A_340, %dma_start3A_341] : memref<2x128xi32, #tpu.memory_space<vmem>> -> memref<1x128xi32, #tpu.memory_space<vmem>>
      %dma_start3A_343 = tpu.memref_squeeze %dma_start3A_342 : memref<1x128xi32, #tpu.memory_space<vmem>> -> memref<128xi32, #tpu.memory_space<vmem>>
      %dma_start3A_344 = arith.constant 0 : i32
      %dma_start3A_345 = tpu.memref_slice %arg4[%add3A_339, %dma_start3A_344] : memref<2528x128xi32, #tpu.memory_space<hbm>> -> memref<1x128xi32, #tpu.memory_space<hbm>>
      %dma_start3A_346 = tpu.memref_squeeze %dma_start3A_345 : memref<1x128xi32, #tpu.memory_space<hbm>> -> memref<128xi32, #tpu.memory_space<hbm>>
      %dma_start3A_347 = arith.constant 0 : i32
      %dma_start3A_348 = tpu.memref_slice %arg7[%dma_start3A_340, %dma_start3A_347] : memref<2x128xi32, #tpu.memory_space<vmem>> -> memref<1x128xi32, #tpu.memory_space<vmem>>
      %dma_start3A_349 = tpu.memref_squeeze %dma_start3A_348 : memref<1x128xi32, #tpu.memory_space<vmem>> -> memref<128xi32, #tpu.memory_space<vmem>>
      %dma_start3A_350 = arith.constant 0 : i32
      %dma_start3A_351 = tpu.memref_slice %arg4[%add3A_339, %dma_start3A_350] : memref<2528x128xi32, #tpu.memory_space<hbm>> -> memref<1x128xi32, #tpu.memory_space<hbm>>
      %dma_start3A_352 = tpu.memref_squeeze %dma_start3A_351 : memref<1x128xi32, #tpu.memory_space<hbm>> -> memref<128xi32, #tpu.memory_space<hbm>>
      tpu.enqueue_dma source(%dma_start3A_352 : memref<128xi32, #tpu.memory_space<hbm>>) target(%dma_start3A_349 : memref<128xi32, #tpu.memory_space<vmem>>) target_semaphore(%arg13 : memref<!tpu.dma_semaphore, #tpu.memory_space<semaphore_mem>>)
      %add3A_353 = arith.constant 1 : i32
      %add3A_354 = arith.addi %mul3A_306, %add3A_353 : i32
      %dma_wait3A_355 = arith.constant 0 : i32
      %dma_wait3A_356 = arith.constant 0 : i32
      %dma_wait3A_357 = tpu.memref_slice %arg2[%dma_wait3A_355, %dma_wait3A_356] : memref<20480x128xbf16, #tpu.memory_space<hbm>> -> memref<128x128xbf16, #tpu.memory_space<hbm>>
      %dma_wait3A_358 = arith.constant 0 : i32
      %dma_wait3A_359 = arith.constant 0 : i32
      %dma_wait3A_360 = tpu.memref_slice %arg2[%dma_wait3A_358, %dma_wait3A_359] : memref<20480x128xbf16, #tpu.memory_space<hbm>> -> memref<128x128xbf16, #tpu.memory_space<hbm>>
      tpu.wait_dma2 semaphore(%arg12 : memref<!tpu.dma_semaphore, #tpu.memory_space<semaphore_mem>>) src(%dma_wait3A_360 : memref<128x128xbf16, #tpu.memory_space<hbm>>) dst(%arg9 : memref<128x128xbf16, #tpu.memory_space<vmem>>)
      %dma_wait3A_361 = arith.constant 1 : i32
      %dma_wait3A_362 = arith.constant 0 : i32
      %dma_wait3A_363 = tpu.memref_slice %arg7[%dma_wait3A_361, %dma_wait3A_362] : memref<2x128xi32, #tpu.memory_space<vmem>> -> memref<1x128xi32, #tpu.memory_space<vmem>>
      %dma_wait3A_364 = tpu.memref_squeeze %dma_wait3A_363 : memref<1x128xi32, #tpu.memory_space<vmem>> -> memref<128xi32, #tpu.memory_space<vmem>>
      %dma_wait3A_365 = arith.constant 0 : i32
      %dma_wait3A_366 = tpu.memref_slice %arg4[%mul3A_168, %dma_wait3A_365] : memref<2528x128xi32, #tpu.memory_space<hbm>> -> memref<1x128xi32, #tpu.memory_space<hbm>>
      %dma_wait3A_367 = tpu.memref_squeeze %dma_wait3A_366 : memref<1x128xi32, #tpu.memory_space<hbm>> -> memref<128xi32, #tpu.memory_space<hbm>>
      %dma_wait3A_368 = arith.constant 0 : i32
      %dma_wait3A_369 = tpu.memref_slice %arg7[%dma_wait3A_361, %dma_wait3A_368] : memref<2x128xi32, #tpu.memory_space<vmem>> -> memref<1x128xi32, #tpu.memory_space<vmem>>
      %dma_wait3A_370 = tpu.memref_squeeze %dma_wait3A_369 : memref<1x128xi32, #tpu.memory_space<vmem>> -> memref<128xi32, #tpu.memory_space<vmem>>
      %dma_wait3A_371 = arith.constant 0 : i32
      %dma_wait3A_372 = tpu.memref_slice %arg4[%mul3A_168, %dma_wait3A_371] : memref<2528x128xi32, #tpu.memory_space<hbm>> -> memref<1x128xi32, #tpu.memory_space<hbm>>
      %dma_wait3A_373 = tpu.memref_squeeze %dma_wait3A_372 : memref<1x128xi32, #tpu.memory_space<hbm>> -> memref<128xi32, #tpu.memory_space<hbm>>
      tpu.wait_dma2 semaphore(%arg14 : memref<!tpu.dma_semaphore, #tpu.memory_space<semaphore_mem>>) src(%dma_wait3A_373 : memref<128xi32, #tpu.memory_space<hbm>>) dst(%dma_wait3A_370 : memref<128xi32, #tpu.memory_space<vmem>>)
      %run_scoped3A_374 = arith.constant 1 : i32
      "tpu.region"() ({
        %run_scoped3A_399 = tpu.sem_alloc : memref<!tpu.dma_semaphore, #tpu.memory_space<semaphore_mem>>
        %dma_start3A_400 = arith.constant 0 : i32
        %dma_start3A_401 = tpu.memref_slice %arg7[%run_scoped3A_374, %dma_start3A_400] : memref<2x128xi32, #tpu.memory_space<vmem>> -> memref<1x128xi32, #tpu.memory_space<vmem>>
        %dma_start3A_402 = tpu.memref_squeeze %dma_start3A_401 : memref<1x128xi32, #tpu.memory_space<vmem>> -> memref<128xi32, #tpu.memory_space<vmem>>
        %dma_start3A_403 = arith.constant 0 : i32
        %dma_start3A_404 = arith.constant 0 : i32
        %dma_start3A_405 = tpu.memref_slice %arg10[%dma_start3A_403, %dma_start3A_404] : memref<10240x128xbf16, #tpu.memory_space<vmem_shared>> -> memref<10240x128xbf16, #tpu.memory_space<vmem_shared>>
        tpu.enqueue_indirect_dma source(%arg9 : memref<128x128xbf16, #tpu.memory_space<vmem>>) target(%dma_start3A_405 : memref<10240x128xbf16, #tpu.memory_space<vmem_shared>>) offsets(%dma_start3A_402 : memref<128xi32, #tpu.memory_space<vmem>>) semaphore(%run_scoped3A_399 : memref<!tpu.dma_semaphore, #tpu.memory_space<semaphore_mem>>) {add = true}
        %dma_wait3A_406 = arith.constant 0 : i32
        %dma_wait3A_407 = tpu.memref_slice %arg7[%run_scoped3A_374, %dma_wait3A_406] : memref<2x128xi32, #tpu.memory_space<vmem>> -> memref<1x128xi32, #tpu.memory_space<vmem>>
        %dma_wait3A_408 = tpu.memref_squeeze %dma_wait3A_407 : memref<1x128xi32, #tpu.memory_space<vmem>> -> memref<128xi32, #tpu.memory_space<vmem>>
        %dma_wait3A_409 = arith.constant 0 : i32
        %dma_wait3A_410 = arith.constant 0 : i32
        %dma_wait3A_411 = tpu.memref_slice %arg10[%dma_wait3A_409, %dma_wait3A_410] : memref<10240x128xbf16, #tpu.memory_space<vmem_shared>> -> memref<10240x128xbf16, #tpu.memory_space<vmem_shared>>
        tpu.wait_indirect_dma semaphore(%run_scoped3A_399 : memref<!tpu.dma_semaphore, #tpu.memory_space<semaphore_mem>>) src(%arg9 : memref<128x128xbf16, #tpu.memory_space<vmem>>) dst(%dma_wait3A_411 : memref<10240x128xbf16, #tpu.memory_space<vmem_shared>>)
        tpu.yield
      }) : () -> ()
      %add3A_375 = arith.constant 2 : i32
      %add3A_376 = arith.addi %add3A_354, %add3A_375 : i32
      %dma_start3A_377 = arith.constant 0 : i32
      %dma_start3A_378 = tpu.memref_slice %arg6[%add3A_376, %dma_start3A_377] : memref<79x128xi32, #tpu.memory_space<vmem>> -> memref<1x128xi32, #tpu.memory_space<vmem>>
      %dma_start3A_379 = tpu.memref_squeeze %dma_start3A_378 : memref<1x128xi32, #tpu.memory_space<vmem>> -> memref<128xi32, #tpu.memory_space<vmem>>
      %dma_start3A_380 = arith.constant 0 : i32
      %dma_start3A_381 = arith.constant 0 : i32
      %dma_start3A_382 = tpu.memref_slice %arg2[%dma_start3A_380, %dma_start3A_381] : memref<20480x128xbf16, #tpu.memory_space<hbm>> -> memref<20480x128xbf16, #tpu.memory_space<hbm>>
      tpu.enqueue_indirect_dma source(%dma_start3A_382 : memref<20480x128xbf16, #tpu.memory_space<hbm>>) target(%arg9 : memref<128x128xbf16, #tpu.memory_space<vmem>>) offsets(%dma_start3A_379 : memref<128xi32, #tpu.memory_space<vmem>>) semaphore(%arg12 : memref<!tpu.dma_semaphore, #tpu.memory_space<semaphore_mem>>)
      %add3A_383 = arith.addi %mul3A_168, %add3A_354 : i32
      %add3A_384 = arith.constant 2 : i32
      %add3A_385 = arith.addi %add3A_383, %add3A_384 : i32
      %dma_start3A_386 = arith.constant 1 : i32
      %dma_start3A_387 = arith.constant 0 : i32
      %dma_start3A_388 = tpu.memref_slice %arg7[%dma_start3A_386, %dma_start3A_387] : memref<2x128xi32, #tpu.memory_space<vmem>> -> memref<1x128xi32, #tpu.memory_space<vmem>>
      %dma_start3A_389 = tpu.memref_squeeze %dma_start3A_388 : memref<1x128xi32, #tpu.memory_space<vmem>> -> memref<128xi32, #tpu.memory_space<vmem>>
      %dma_start3A_390 = arith.constant 0 : i32
      %dma_start3A_391 = tpu.memref_slice %arg4[%add3A_385, %dma_start3A_390] : memref<2528x128xi32, #tpu.memory_space<hbm>> -> memref<1x128xi32, #tpu.memory_space<hbm>>
      %dma_start3A_392 = tpu.memref_squeeze %dma_start3A_391 : memref<1x128xi32, #tpu.memory_space<hbm>> -> memref<128xi32, #tpu.memory_space<hbm>>
      %dma_start3A_393 = arith.constant 0 : i32
      %dma_start3A_394 = tpu.memref_slice %arg7[%dma_start3A_386, %dma_start3A_393] : memref<2x128xi32, #tpu.memory_space<vmem>> -> memref<1x128xi32, #tpu.memory_space<vmem>>
      %dma_start3A_395 = tpu.memref_squeeze %dma_start3A_394 : memref<1x128xi32, #tpu.memory_space<vmem>> -> memref<128xi32, #tpu.memory_space<vmem>>
      %dma_start3A_396 = arith.constant 0 : i32
      %dma_start3A_397 = tpu.memref_slice %arg4[%add3A_385, %dma_start3A_396] : memref<2528x128xi32, #tpu.memory_space<hbm>> -> memref<1x128xi32, #tpu.memory_space<hbm>>
      %dma_start3A_398 = tpu.memref_squeeze %dma_start3A_397 : memref<1x128xi32, #tpu.memory_space<hbm>> -> memref<128xi32, #tpu.memory_space<hbm>>
      tpu.enqueue_dma source(%dma_start3A_398 : memref<128xi32, #tpu.memory_space<hbm>>) target(%dma_start3A_395 : memref<128xi32, #tpu.memory_space<vmem>>) target_semaphore(%arg14 : memref<!tpu.dma_semaphore, #tpu.memory_space<semaphore_mem>>)
    }
    %scan3A_218 = arith.constant 38 : i32
    %dma_wait3A_219 = arith.constant 0 : i32
    %dma_wait3A_220 = arith.constant 0 : i32
    %dma_wait3A_221 = tpu.memref_slice %arg2[%dma_wait3A_219, %dma_wait3A_220] : memref<20480x128xbf16, #tpu.memory_space<hbm>> -> memref<128x128xbf16, #tpu.memory_space<hbm>>
    %dma_wait3A_222 = arith.constant 0 : i32
    %dma_wait3A_223 = arith.constant 0 : i32
    %dma_wait3A_224 = tpu.memref_slice %arg2[%dma_wait3A_222, %dma_wait3A_223] : memref<20480x128xbf16, #tpu.memory_space<hbm>> -> memref<128x128xbf16, #tpu.memory_space<hbm>>
    tpu.wait_dma2 semaphore(%arg11 : memref<!tpu.dma_semaphore, #tpu.memory_space<semaphore_mem>>) src(%dma_wait3A_224 : memref<128x128xbf16, #tpu.memory_space<hbm>>) dst(%arg8 : memref<128x128xbf16, #tpu.memory_space<vmem>>)
    %dma_wait3A_225 = arith.constant 0 : i32
    %dma_wait3A_226 = arith.constant 0 : i32
    %dma_wait3A_227 = tpu.memref_slice %arg7[%dma_wait3A_225, %dma_wait3A_226] : memref<2x128xi32, #tpu.memory_space<vmem>> -> memref<1x128xi32, #tpu.memory_space<vmem>>
    %dma_wait3A_228 = tpu.memref_squeeze %dma_wait3A_227 : memref<1x128xi32, #tpu.memory_space<vmem>> -> memref<128xi32, #tpu.memory_space<vmem>>
    %dma_wait3A_229 = arith.constant 0 : i32
    %dma_wait3A_230 = tpu.memref_slice %arg4[%mul3A_168, %dma_wait3A_229] : memref<2528x128xi32, #tpu.memory_space<hbm>> -> memref<1x128xi32, #tpu.memory_space<hbm>>
    %dma_wait3A_231 = tpu.memref_squeeze %dma_wait3A_230 : memref<1x128xi32, #tpu.memory_space<hbm>> -> memref<128xi32, #tpu.memory_space<hbm>>
    %dma_wait3A_232 = arith.constant 0 : i32
    %dma_wait3A_233 = tpu.memref_slice %arg7[%dma_wait3A_225, %dma_wait3A_232] : memref<2x128xi32, #tpu.memory_space<vmem>> -> memref<1x128xi32, #tpu.memory_space<vmem>>
    %dma_wait3A_234 = tpu.memref_squeeze %dma_wait3A_233 : memref<1x128xi32, #tpu.memory_space<vmem>> -> memref<128xi32, #tpu.memory_space<vmem>>
    %dma_wait3A_235 = arith.constant 0 : i32
    %dma_wait3A_236 = tpu.memref_slice %arg4[%mul3A_168, %dma_wait3A_235] : memref<2528x128xi32, #tpu.memory_space<hbm>> -> memref<1x128xi32, #tpu.memory_space<hbm>>
    %dma_wait3A_237 = tpu.memref_squeeze %dma_wait3A_236 : memref<1x128xi32, #tpu.memory_space<hbm>> -> memref<128xi32, #tpu.memory_space<hbm>>
    tpu.wait_dma2 semaphore(%arg13 : memref<!tpu.dma_semaphore, #tpu.memory_space<semaphore_mem>>) src(%dma_wait3A_237 : memref<128xi32, #tpu.memory_space<hbm>>) dst(%dma_wait3A_234 : memref<128xi32, #tpu.memory_space<vmem>>)
    %run_scoped3A_238 = arith.constant 0 : i32
    "tpu.region"() ({
      %run_scoped3A_304 = tpu.sem_alloc : memref<!tpu.dma_semaphore, #tpu.memory_space<semaphore_mem>>
      %dma_start3A_305 = arith.constant 0 : i32
      %dma_start3A_306 = tpu.memref_slice %arg7[%run_scoped3A_238, %dma_start3A_305] : memref<2x128xi32, #tpu.memory_space<vmem>> -> memref<1x128xi32, #tpu.memory_space<vmem>>
      %dma_start3A_307 = tpu.memref_squeeze %dma_start3A_306 : memref<1x128xi32, #tpu.memory_space<vmem>> -> memref<128xi32, #tpu.memory_space<vmem>>
      %dma_start3A_308 = arith.constant 0 : i32
      %dma_start3A_309 = arith.constant 0 : i32
      %dma_start3A_310 = tpu.memref_slice %arg10[%dma_start3A_308, %dma_start3A_309] : memref<10240x128xbf16, #tpu.memory_space<vmem_shared>> -> memref<10240x128xbf16, #tpu.memory_space<vmem_shared>>
      tpu.enqueue_indirect_dma source(%arg8 : memref<128x128xbf16, #tpu.memory_space<vmem>>) target(%dma_start3A_310 : memref<10240x128xbf16, #tpu.memory_space<vmem_shared>>) offsets(%dma_start3A_307 : memref<128xi32, #tpu.memory_space<vmem>>) semaphore(%run_scoped3A_304 : memref<!tpu.dma_semaphore, #tpu.memory_space<semaphore_mem>>) {add = true}
      %dma_wait3A_311 = arith.constant 0 : i32
      %dma_wait3A_312 = tpu.memref_slice %arg7[%run_scoped3A_238, %dma_wait3A_311] : memref<2x128xi32, #tpu.memory_space<vmem>> -> memref<1x128xi32, #tpu.memory_space<vmem>>
      %dma_wait3A_313 = tpu.memref_squeeze %dma_wait3A_312 : memref<1x128xi32, #tpu.memory_space<vmem>> -> memref<128xi32, #tpu.memory_space<vmem>>
      %dma_wait3A_314 = arith.constant 0 : i32
      %dma_wait3A_315 = arith.constant 0 : i32
      %dma_wait3A_316 = tpu.memref_slice %arg10[%dma_wait3A_314, %dma_wait3A_315] : memref<10240x128xbf16, #tpu.memory_space<vmem_shared>> -> memref<10240x128xbf16, #tpu.memory_space<vmem_shared>>
      tpu.wait_indirect_dma semaphore(%run_scoped3A_304 : memref<!tpu.dma_semaphore, #tpu.memory_space<semaphore_mem>>) src(%arg8 : memref<128x128xbf16, #tpu.memory_space<vmem>>) dst(%dma_wait3A_316 : memref<10240x128xbf16, #tpu.memory_space<vmem_shared>>)
      tpu.yield
    }) : () -> ()
    %dma_start3A_239 = arith.constant 78 : i32
    %dma_start3A_240 = arith.constant 0 : i32
    %dma_start3A_241 = tpu.memref_slice %arg6[%dma_start3A_239, %dma_start3A_240] : memref<79x128xi32, #tpu.memory_space<vmem>> -> memref<1x128xi32, #tpu.memory_space<vmem>>
    %dma_start3A_242 = tpu.memref_squeeze %dma_start3A_241 : memref<1x128xi32, #tpu.memory_space<vmem>> -> memref<128xi32, #tpu.memory_space<vmem>>
    %dma_start3A_243 = arith.constant 0 : i32
    %dma_start3A_244 = arith.constant 0 : i32
    %dma_start3A_245 = tpu.memref_slice %arg2[%dma_start3A_243, %dma_start3A_244] : memref<20480x128xbf16, #tpu.memory_space<hbm>> -> memref<20480x128xbf16, #tpu.memory_space<hbm>>
    tpu.enqueue_indirect_dma source(%dma_start3A_245 : memref<20480x128xbf16, #tpu.memory_space<hbm>>) target(%arg8 : memref<128x128xbf16, #tpu.memory_space<vmem>>) offsets(%dma_start3A_242 : memref<128xi32, #tpu.memory_space<vmem>>) semaphore(%arg11 : memref<!tpu.dma_semaphore, #tpu.memory_space<semaphore_mem>>)
    %add3A_246 = arith.constant 76 : i32
    %add3A_247 = arith.addi %mul3A_168, %add3A_246 : i32
    %add3A_248 = arith.constant 2 : i32
    %add3A_249 = arith.addi %add3A_247, %add3A_248 : i32
    %dma_start3A_250 = arith.constant 0 : i32
    %dma_start3A_251 = arith.constant 0 : i32
    %dma_start3A_252 = tpu.memref_slice %arg7[%dma_start3A_250, %dma_start3A_251] : memref<2x128xi32, #tpu.memory_space<vmem>> -> memref<1x128xi32, #tpu.memory_space<vmem>>
    %dma_start3A_253 = tpu.memref_squeeze %dma_start3A_252 : memref<1x128xi32, #tpu.memory_space<vmem>> -> memref<128xi32, #tpu.memory_space<vmem>>
    %dma_start3A_254 = arith.constant 0 : i32
    %dma_start3A_255 = tpu.memref_slice %arg4[%add3A_249, %dma_start3A_254] : memref<2528x128xi32, #tpu.memory_space<hbm>> -> memref<1x128xi32, #tpu.memory_space<hbm>>
    %dma_start3A_256 = tpu.memref_squeeze %dma_start3A_255 : memref<1x128xi32, #tpu.memory_space<hbm>> -> memref<128xi32, #tpu.memory_space<hbm>>
    %dma_start3A_257 = arith.constant 0 : i32
    %dma_start3A_258 = tpu.memref_slice %arg7[%dma_start3A_250, %dma_start3A_257] : memref<2x128xi32, #tpu.memory_space<vmem>> -> memref<1x128xi32, #tpu.memory_space<vmem>>
    %dma_start3A_259 = tpu.memref_squeeze %dma_start3A_258 : memref<1x128xi32, #tpu.memory_space<vmem>> -> memref<128xi32, #tpu.memory_space<vmem>>
    %dma_start3A_260 = arith.constant 0 : i32
    %dma_start3A_261 = tpu.memref_slice %arg4[%add3A_249, %dma_start3A_260] : memref<2528x128xi32, #tpu.memory_space<hbm>> -> memref<1x128xi32, #tpu.memory_space<hbm>>
    %dma_start3A_262 = tpu.memref_squeeze %dma_start3A_261 : memref<1x128xi32, #tpu.memory_space<hbm>> -> memref<128xi32, #tpu.memory_space<hbm>>
    tpu.enqueue_dma source(%dma_start3A_262 : memref<128xi32, #tpu.memory_space<hbm>>) target(%dma_start3A_259 : memref<128xi32, #tpu.memory_space<vmem>>) target_semaphore(%arg13 : memref<!tpu.dma_semaphore, #tpu.memory_space<semaphore_mem>>)
    %dma_wait3A_263 = arith.constant 0 : i32
    %dma_wait3A_264 = arith.constant 0 : i32
    %dma_wait3A_265 = tpu.memref_slice %arg2[%dma_wait3A_263, %dma_wait3A_264] : memref<20480x128xbf16, #tpu.memory_space<hbm>> -> memref<128x128xbf16, #tpu.memory_space<hbm>>
    %dma_wait3A_266 = arith.constant 0 : i32
    %dma_wait3A_267 = arith.constant 0 : i32
    %dma_wait3A_268 = tpu.memref_slice %arg2[%dma_wait3A_266, %dma_wait3A_267] : memref<20480x128xbf16, #tpu.memory_space<hbm>> -> memref<128x128xbf16, #tpu.memory_space<hbm>>
    tpu.wait_dma2 semaphore(%arg12 : memref<!tpu.dma_semaphore, #tpu.memory_space<semaphore_mem>>) src(%dma_wait3A_268 : memref<128x128xbf16, #tpu.memory_space<hbm>>) dst(%arg9 : memref<128x128xbf16, #tpu.memory_space<vmem>>)
    %dma_wait3A_269 = arith.constant 1 : i32
    %dma_wait3A_270 = arith.constant 0 : i32
    %dma_wait3A_271 = tpu.memref_slice %arg7[%dma_wait3A_269, %dma_wait3A_270] : memref<2x128xi32, #tpu.memory_space<vmem>> -> memref<1x128xi32, #tpu.memory_space<vmem>>
    %dma_wait3A_272 = tpu.memref_squeeze %dma_wait3A_271 : memref<1x128xi32, #tpu.memory_space<vmem>> -> memref<128xi32, #tpu.memory_space<vmem>>
    %dma_wait3A_273 = arith.constant 0 : i32
    %dma_wait3A_274 = tpu.memref_slice %arg4[%mul3A_168, %dma_wait3A_273] : memref<2528x128xi32, #tpu.memory_space<hbm>> -> memref<1x128xi32, #tpu.memory_space<hbm>>
    %dma_wait3A_275 = tpu.memref_squeeze %dma_wait3A_274 : memref<1x128xi32, #tpu.memory_space<hbm>> -> memref<128xi32, #tpu.memory_space<hbm>>
    %dma_wait3A_276 = arith.constant 0 : i32
    %dma_wait3A_277 = tpu.memref_slice %arg7[%dma_wait3A_269, %dma_wait3A_276] : memref<2x128xi32, #tpu.memory_space<vmem>> -> memref<1x128xi32, #tpu.memory_space<vmem>>
    %dma_wait3A_278 = tpu.memref_squeeze %dma_wait3A_277 : memref<1x128xi32, #tpu.memory_space<vmem>> -> memref<128xi32, #tpu.memory_space<vmem>>
    %dma_wait3A_279 = arith.constant 0 : i32
    %dma_wait3A_280 = tpu.memref_slice %arg4[%mul3A_168, %dma_wait3A_279] : memref<2528x128xi32, #tpu.memory_space<hbm>> -> memref<1x128xi32, #tpu.memory_space<hbm>>
    %dma_wait3A_281 = tpu.memref_squeeze %dma_wait3A_280 : memref<1x128xi32, #tpu.memory_space<hbm>> -> memref<128xi32, #tpu.memory_space<hbm>>
    tpu.wait_dma2 semaphore(%arg14 : memref<!tpu.dma_semaphore, #tpu.memory_space<semaphore_mem>>) src(%dma_wait3A_281 : memref<128xi32, #tpu.memory_space<hbm>>) dst(%dma_wait3A_278 : memref<128xi32, #tpu.memory_space<vmem>>)
    %run_scoped3A_282 = arith.constant 1 : i32
    "tpu.region"() ({
      %run_scoped3A_304 = tpu.sem_alloc : memref<!tpu.dma_semaphore, #tpu.memory_space<semaphore_mem>>
      %dma_start3A_305 = arith.constant 0 : i32
      %dma_start3A_306 = tpu.memref_slice %arg7[%run_scoped3A_282, %dma_start3A_305] : memref<2x128xi32, #tpu.memory_space<vmem>> -> memref<1x128xi32, #tpu.memory_space<vmem>>
      %dma_start3A_307 = tpu.memref_squeeze %dma_start3A_306 : memref<1x128xi32, #tpu.memory_space<vmem>> -> memref<128xi32, #tpu.memory_space<vmem>>
      %dma_start3A_308 = arith.constant 0 : i32
      %dma_start3A_309 = arith.constant 0 : i32
      %dma_start3A_310 = tpu.memref_slice %arg10[%dma_start3A_308, %dma_start3A_309] : memref<10240x128xbf16, #tpu.memory_space<vmem_shared>> -> memref<10240x128xbf16, #tpu.memory_space<vmem_shared>>
      tpu.enqueue_indirect_dma source(%arg9 : memref<128x128xbf16, #tpu.memory_space<vmem>>) target(%dma_start3A_310 : memref<10240x128xbf16, #tpu.memory_space<vmem_shared>>) offsets(%dma_start3A_307 : memref<128xi32, #tpu.memory_space<vmem>>) semaphore(%run_scoped3A_304 : memref<!tpu.dma_semaphore, #tpu.memory_space<semaphore_mem>>) {add = true}
      %dma_wait3A_311 = arith.constant 0 : i32
      %dma_wait3A_312 = tpu.memref_slice %arg7[%run_scoped3A_282, %dma_wait3A_311] : memref<2x128xi32, #tpu.memory_space<vmem>> -> memref<1x128xi32, #tpu.memory_space<vmem>>
      %dma_wait3A_313 = tpu.memref_squeeze %dma_wait3A_312 : memref<1x128xi32, #tpu.memory_space<vmem>> -> memref<128xi32, #tpu.memory_space<vmem>>
      %dma_wait3A_314 = arith.constant 0 : i32
      %dma_wait3A_315 = arith.constant 0 : i32
      %dma_wait3A_316 = tpu.memref_slice %arg10[%dma_wait3A_314, %dma_wait3A_315] : memref<10240x128xbf16, #tpu.memory_space<vmem_shared>> -> memref<10240x128xbf16, #tpu.memory_space<vmem_shared>>
      tpu.wait_indirect_dma semaphore(%run_scoped3A_304 : memref<!tpu.dma_semaphore, #tpu.memory_space<semaphore_mem>>) src(%arg9 : memref<128x128xbf16, #tpu.memory_space<vmem>>) dst(%dma_wait3A_316 : memref<10240x128xbf16, #tpu.memory_space<vmem_shared>>)
      tpu.yield
    }) : () -> ()
    %dma_wait3A_283 = arith.constant 0 : i32
    %dma_wait3A_284 = arith.constant 0 : i32
    %dma_wait3A_285 = tpu.memref_slice %arg2[%dma_wait3A_283, %dma_wait3A_284] : memref<20480x128xbf16, #tpu.memory_space<hbm>> -> memref<128x128xbf16, #tpu.memory_space<hbm>>
    %dma_wait3A_286 = arith.constant 0 : i32
    %dma_wait3A_287 = arith.constant 0 : i32
    %dma_wait3A_288 = tpu.memref_slice %arg2[%dma_wait3A_286, %dma_wait3A_287] : memref<20480x128xbf16, #tpu.memory_space<hbm>> -> memref<128x128xbf16, #tpu.memory_space<hbm>>
    tpu.wait_dma2 semaphore(%arg11 : memref<!tpu.dma_semaphore, #tpu.memory_space<semaphore_mem>>) src(%dma_wait3A_288 : memref<128x128xbf16, #tpu.memory_space<hbm>>) dst(%arg8 : memref<128x128xbf16, #tpu.memory_space<vmem>>)
    %dma_wait3A_289 = arith.constant 0 : i32
    %dma_wait3A_290 = arith.constant 0 : i32
    %dma_wait3A_291 = tpu.memref_slice %arg7[%dma_wait3A_289, %dma_wait3A_290] : memref<2x128xi32, #tpu.memory_space<vmem>> -> memref<1x128xi32, #tpu.memory_space<vmem>>
    %dma_wait3A_292 = tpu.memref_squeeze %dma_wait3A_291 : memref<1x128xi32, #tpu.memory_space<vmem>> -> memref<128xi32, #tpu.memory_space<vmem>>
    %dma_wait3A_293 = arith.constant 0 : i32
    %dma_wait3A_294 = tpu.memref_slice %arg4[%mul3A_168, %dma_wait3A_293] : memref<2528x128xi32, #tpu.memory_space<hbm>> -> memref<1x128xi32, #tpu.memory_space<hbm>>
    %dma_wait3A_295 = tpu.memref_squeeze %dma_wait3A_294 : memref<1x128xi32, #tpu.memory_space<hbm>> -> memref<128xi32, #tpu.memory_space<hbm>>
    %dma_wait3A_296 = arith.constant 0 : i32
    %dma_wait3A_297 = tpu.memref_slice %arg7[%dma_wait3A_289, %dma_wait3A_296] : memref<2x128xi32, #tpu.memory_space<vmem>> -> memref<1x128xi32, #tpu.memory_space<vmem>>
    %dma_wait3A_298 = tpu.memref_squeeze %dma_wait3A_297 : memref<1x128xi32, #tpu.memory_space<vmem>> -> memref<128xi32, #tpu.memory_space<vmem>>
    %dma_wait3A_299 = arith.constant 0 : i32
    %dma_wait3A_300 = tpu.memref_slice %arg4[%mul3A_168, %dma_wait3A_299] : memref<2528x128xi32, #tpu.memory_space<hbm>> -> memref<1x128xi32, #tpu.memory_space<hbm>>
    %dma_wait3A_301 = tpu.memref_squeeze %dma_wait3A_300 : memref<1x128xi32, #tpu.memory_space<hbm>> -> memref<128xi32, #tpu.memory_space<hbm>>
    tpu.wait_dma2 semaphore(%arg13 : memref<!tpu.dma_semaphore, #tpu.memory_space<semaphore_mem>>) src(%dma_wait3A_301 : memref<128xi32, #tpu.memory_space<hbm>>) dst(%dma_wait3A_298 : memref<128xi32, #tpu.memory_space<vmem>>)
    %run_scoped3A_302 = arith.constant 0 : i32
    "tpu.region"() ({
      %run_scoped3A_304 = tpu.sem_alloc : memref<!tpu.dma_semaphore, #tpu.memory_space<semaphore_mem>>
      %dma_start3A_305 = arith.constant 0 : i32
      %dma_start3A_306 = tpu.memref_slice %arg7[%run_scoped3A_302, %dma_start3A_305] : memref<2x128xi32, #tpu.memory_space<vmem>> -> memref<1x128xi32, #tpu.memory_space<vmem>>
      %dma_start3A_307 = tpu.memref_squeeze %dma_start3A_306 : memref<1x128xi32, #tpu.memory_space<vmem>> -> memref<128xi32, #tpu.memory_space<vmem>>
      %dma_start3A_308 = arith.constant 0 : i32
      %dma_start3A_309 = arith.constant 0 : i32
      %dma_start3A_310 = tpu.memref_slice %arg10[%dma_start3A_308, %dma_start3A_309] : memref<10240x128xbf16, #tpu.memory_space<vmem_shared>> -> memref<10240x128xbf16, #tpu.memory_space<vmem_shared>>
      tpu.enqueue_indirect_dma source(%arg8 : memref<128x128xbf16, #tpu.memory_space<vmem>>) target(%dma_start3A_310 : memref<10240x128xbf16, #tpu.memory_space<vmem_shared>>) offsets(%dma_start3A_307 : memref<128xi32, #tpu.memory_space<vmem>>) semaphore(%run_scoped3A_304 : memref<!tpu.dma_semaphore, #tpu.memory_space<semaphore_mem>>) {add = true}
      %dma_wait3A_311 = arith.constant 0 : i32
      %dma_wait3A_312 = tpu.memref_slice %arg7[%run_scoped3A_302, %dma_wait3A_311] : memref<2x128xi32, #tpu.memory_space<vmem>> -> memref<1x128xi32, #tpu.memory_space<vmem>>
      %dma_wait3A_313 = tpu.memref_squeeze %dma_wait3A_312 : memref<1x128xi32, #tpu.memory_space<vmem>> -> memref<128xi32, #tpu.memory_space<vmem>>
      %dma_wait3A_314 = arith.constant 0 : i32
      %dma_wait3A_315 = arith.constant 0 : i32
      %dma_wait3A_316 = tpu.memref_slice %arg10[%dma_wait3A_314, %dma_wait3A_315] : memref<10240x128xbf16, #tpu.memory_space<vmem_shared>> -> memref<10240x128xbf16, #tpu.memory_space<vmem_shared>>
      tpu.wait_indirect_dma semaphore(%run_scoped3A_304 : memref<!tpu.dma_semaphore, #tpu.memory_space<semaphore_mem>>) src(%arg8 : memref<128x128xbf16, #tpu.memory_space<vmem>>) dst(%dma_wait3A_316 : memref<10240x128xbf16, #tpu.memory_space<vmem_shared>>)
      tpu.yield
    }) : () -> ()
    %barrier3A_303 = arith.constant 0 : index
    tpu.barrier barrier_id(%barrier3A_303)
    "tpu.region"() ({
      %run_scoped3A_304 = tpu.sem_alloc : memref<!tpu.dma_semaphore, #tpu.memory_space<semaphore_mem>>
      %dma_start3A_305 = arith.constant 0 : i32
      %dma_start3A_306 = tpu.memref_slice %arg5[%arg0, %mul3A_0, %dma_start3A_305] : memref<2x10240x128xbf16, #tpu.memory_space<hbm>> -> memref<1x640x128xbf16, #tpu.memory_space<hbm>>
      %dma_start3A_307 = tpu.memref_squeeze %dma_start3A_306 : memref<1x640x128xbf16, #tpu.memory_space<hbm>> -> memref<640x128xbf16, #tpu.memory_space<hbm>>
      %dma_start3A_308 = arith.constant 0 : i32
      %dma_start3A_309 = tpu.memref_slice %arg10[%mul3A_0, %dma_start3A_308] : memref<10240x128xbf16, #tpu.memory_space<vmem_shared>> -> memref<640x128xbf16, #tpu.memory_space<vmem_shared>>
      tpu.enqueue_dma source(%dma_start3A_309 : memref<640x128xbf16, #tpu.memory_space<vmem_shared>>) target(%dma_start3A_307 : memref<640x128xbf16, #tpu.memory_space<hbm>>) target_semaphore(%run_scoped3A_304 : memref<!tpu.dma_semaphore, #tpu.memory_space<semaphore_mem>>)
      %dma_wait3A_310 = arith.constant 0 : i32
      %dma_wait3A_311 = tpu.memref_slice %arg5[%arg0, %mul3A_0, %dma_wait3A_310] : memref<2x10240x128xbf16, #tpu.memory_space<hbm>> -> memref<1x640x128xbf16, #tpu.memory_space<hbm>>
      %dma_wait3A_312 = tpu.memref_squeeze %dma_wait3A_311 : memref<1x640x128xbf16, #tpu.memory_space<hbm>> -> memref<640x128xbf16, #tpu.memory_space<hbm>>
      %dma_wait3A_313 = arith.constant 0 : i32
      %dma_wait3A_314 = tpu.memref_slice %arg10[%mul3A_0, %dma_wait3A_313] : memref<10240x128xbf16, #tpu.memory_space<vmem_shared>> -> memref<640x128xbf16, #tpu.memory_space<vmem_shared>>
      tpu.wait_dma2 semaphore(%run_scoped3A_304 : memref<!tpu.dma_semaphore, #tpu.memory_space<semaphore_mem>>) src(%dma_wait3A_314 : memref<640x128xbf16, #tpu.memory_space<vmem_shared>>) dst(%dma_wait3A_312 : memref<640x128xbf16, #tpu.memory_space<hbm>>)
      tpu.yield
    }) : () -> ()
    return
  }
}

#map = affine_map<(d0, d1) -> (0, 0)>
#map1 = affine_map<(d0, d1) -> (0, 0, 0)>
module attributes {stable_mosaic.version = 14 : i64} {
  func.func @k(%arg0: i32, %arg1: i32, %arg2: memref<20000x128xbf16, #tpu.memory_space<hbm>>, %arg3: memref<32x79x128xi32, #tpu.memory_space<hbm>>, %arg4: memref<2528x128xi32, #tpu.memory_space<hbm>>, %arg5: memref<2x10240x128xbf16, #tpu.memory_space<hbm>>, %arg6: memref<2x10240xf32, #tpu.memory_space<hbm>>, %arg7: memref<79x128xi32, #tpu.memory_space<vmem>>, %arg8: memref<2x128xi32, #tpu.memory_space<vmem>>, %arg9: memref<128x128xbf16, #tpu.memory_space<vmem>>, %arg10: memref<128x128xbf16, #tpu.memory_space<vmem>>, %arg11: memref<10240x128xbf16, #tpu.memory_space<vmem_shared>>, %arg12: memref<!tpu.dma_semaphore, #tpu.memory_space<semaphore_mem>>, %arg13: memref<!tpu.dma_semaphore, #tpu.memory_space<semaphore_mem>>, %arg14: memref<!tpu.dma_semaphore, #tpu.memory_space<semaphore_mem>>, %arg15: memref<!tpu.dma_semaphore, #tpu.memory_space<semaphore_mem>>, %arg16: memref<128xf32, #tpu.memory_space<vmem>>, %arg17: memref<640xf32, #tpu.memory_space<vmem>>, %arg18: memref<10240xf32, #tpu.memory_space<vmem_shared>>) attributes {dimension_semantics = [#tpu.dimension_semantics<core_parallel>, #tpu.dimension_semantics<subcore_parallel>], iteration_bounds = array<i64: 2, 16>, scalar_prefetch = 0 : i64, scratch_operands = 12 : i64, tpu.core_type = #tpu.core_type<sc_vector_subcore>, window_params = [{transform_indices = #map}, {transform_indices = #map1}, {transform_indices = #map}, {transform_indices = #map1}, {transform_indices = #map}]} {
    %mul3A = arith.constant 16 : i32
    %mul3A_0 = arith.muli %arg0, %mul3A : i32
    %add3A = arith.addi %mul3A_0, %arg1 : i32
    %mul3A_1 = arith.constant 640 : i32
    %mul3A_2 = arith.muli %arg1, %mul3A_1 : i32
    "tpu.region"() ({
      %run_scoped3A_355 = tpu.sem_alloc : memref<!tpu.dma_semaphore, #tpu.memory_space<semaphore_mem>>
      %dma_start3A_356 = arith.constant 0 : i32
      %dma_start3A_357 = arith.constant 0 : i32
      %dma_start3A_358 = tpu.memref_slice %arg3[%add3A, %dma_start3A_356, %dma_start3A_357] : memref<32x79x128xi32, #tpu.memory_space<hbm>> -> memref<1x79x128xi32, #tpu.memory_space<hbm>>
      %dma_start3A_359 = tpu.memref_squeeze %dma_start3A_358 : memref<1x79x128xi32, #tpu.memory_space<hbm>> -> memref<79x128xi32, #tpu.memory_space<hbm>>
      %dma_start3A_360 = arith.constant 0 : i32
      %dma_start3A_361 = arith.constant 0 : i32
      %dma_start3A_362 = tpu.memref_slice %arg3[%add3A, %dma_start3A_360, %dma_start3A_361] : memref<32x79x128xi32, #tpu.memory_space<hbm>> -> memref<1x79x128xi32, #tpu.memory_space<hbm>>
      %dma_start3A_363 = tpu.memref_squeeze %dma_start3A_362 : memref<1x79x128xi32, #tpu.memory_space<hbm>> -> memref<79x128xi32, #tpu.memory_space<hbm>>
      tpu.enqueue_dma source(%dma_start3A_363 : memref<79x128xi32, #tpu.memory_space<hbm>>) target(%arg7 : memref<79x128xi32, #tpu.memory_space<vmem>>) target_semaphore(%run_scoped3A_355 : memref<!tpu.dma_semaphore, #tpu.memory_space<semaphore_mem>>)
      %dma_wait3A_364 = arith.constant 0 : i32
      %dma_wait3A_365 = arith.constant 0 : i32
      %dma_wait3A_366 = tpu.memref_slice %arg3[%add3A, %dma_wait3A_364, %dma_wait3A_365] : memref<32x79x128xi32, #tpu.memory_space<hbm>> -> memref<1x79x128xi32, #tpu.memory_space<hbm>>
      %dma_wait3A_367 = tpu.memref_squeeze %dma_wait3A_366 : memref<1x79x128xi32, #tpu.memory_space<hbm>> -> memref<79x128xi32, #tpu.memory_space<hbm>>
      %dma_wait3A_368 = arith.constant 0 : i32
      %dma_wait3A_369 = arith.constant 0 : i32
      %dma_wait3A_370 = tpu.memref_slice %arg3[%add3A, %dma_wait3A_368, %dma_wait3A_369] : memref<32x79x128xi32, #tpu.memory_space<hbm>> -> memref<1x79x128xi32, #tpu.memory_space<hbm>>
      %dma_wait3A_371 = tpu.memref_squeeze %dma_wait3A_370 : memref<1x79x128xi32, #tpu.memory_space<hbm>> -> memref<79x128xi32, #tpu.memory_space<hbm>>
      tpu.wait_dma2 semaphore(%run_scoped3A_355 : memref<!tpu.dma_semaphore, #tpu.memory_space<semaphore_mem>>) src(%dma_wait3A_371 : memref<79x128xi32, #tpu.memory_space<hbm>>) dst(%arg7 : memref<79x128xi32, #tpu.memory_space<vmem>>)
      tpu.yield
    }) : () -> ()
    %mul3A_3 = arith.constant 10000 : i32
    %mul3A_4 = arith.muli %arg0, %mul3A_3 : i32
    %scan3A = arith.constant 0 : i32
    %scan3A_5 = arith.constant 0 : i32
    %scan3A_6 = arith.constant 79 : i32
    %scan3A_7 = arith.addi %scan3A_5, %scan3A_6 : i32
    %scan3A_8 = arith.constant 1 : i32
    scf.for %scan3A_355 = %scan3A_5 to %scan3A_7 step %scan3A_8  : i32 {
      %get3A = arith.index_cast %scan3A_355 : i32 to index
      %get3A_356 = arith.constant 0 : index
      %get3A_357 = tpu.vector_load %arg7[%get3A, %get3A_356] {strides = array<i32>} : memref<79x128xi32, #tpu.memory_space<vmem>>, vector<1x16xi32>,
      %get3A_358 = vector.shape_cast %get3A_357 : vector<1x16xi32> to vector<16xi32>
      %add3A_359 = vector.broadcast %mul3A_4 : i32 to vector<16xi32>
      %add3A_360 = arith.addi %get3A_358, %add3A_359 : vector<16xi32>
      %swap3A_361 = arith.index_cast %scan3A_355 : i32 to index
      %swap3A_362 = arith.constant 0 : index
      %swap3A_363 = tpu.vector_load %arg7[%swap3A_361, %swap3A_362] {strides = array<i32>} : memref<79x128xi32, #tpu.memory_space<vmem>>, vector<1x16xi32>,
      %swap3A_364 = vector.shape_cast %swap3A_363 : vector<1x16xi32> to vector<16xi32>
      %swap3A_365 = vector.shape_cast %add3A_360 : vector<16xi32> to vector<1x16xi32>
      tpu.vector_store %arg7[%swap3A_361, %swap3A_362], %swap3A_365 {strides = array<i32>} : memref<79x128xi32, #tpu.memory_space<vmem>>, vector<1x16xi32>,
      %get3A_366 = arith.index_cast %scan3A_355 : i32 to index
      %get3A_367 = arith.constant 16 : index
      %get3A_368 = tpu.vector_load %arg7[%get3A_366, %get3A_367] {strides = array<i32>} : memref<79x128xi32, #tpu.memory_space<vmem>>, vector<1x16xi32>,
      %get3A_369 = vector.shape_cast %get3A_368 : vector<1x16xi32> to vector<16xi32>
      %add3A_370 = vector.broadcast %mul3A_4 : i32 to vector<16xi32>
      %add3A_371 = arith.addi %get3A_369, %add3A_370 : vector<16xi32>
      %swap3A_372 = arith.index_cast %scan3A_355 : i32 to index
      %swap3A_373 = arith.constant 16 : index
      %swap3A_374 = tpu.vector_load %arg7[%swap3A_372, %swap3A_373] {strides = array<i32>} : memref<79x128xi32, #tpu.memory_space<vmem>>, vector<1x16xi32>,
      %swap3A_375 = vector.shape_cast %swap3A_374 : vector<1x16xi32> to vector<16xi32>
      %swap3A_376 = vector.shape_cast %add3A_371 : vector<16xi32> to vector<1x16xi32>
      tpu.vector_store %arg7[%swap3A_372, %swap3A_373], %swap3A_376 {strides = array<i32>} : memref<79x128xi32, #tpu.memory_space<vmem>>, vector<1x16xi32>,
      %get3A_377 = arith.index_cast %scan3A_355 : i32 to index
      %get3A_378 = arith.constant 32 : index
      %get3A_379 = tpu.vector_load %arg7[%get3A_377, %get3A_378] {strides = array<i32>} : memref<79x128xi32, #tpu.memory_space<vmem>>, vector<1x16xi32>,
      %get3A_380 = vector.shape_cast %get3A_379 : vector<1x16xi32> to vector<16xi32>
      %add3A_381 = vector.broadcast %mul3A_4 : i32 to vector<16xi32>
      %add3A_382 = arith.addi %get3A_380, %add3A_381 : vector<16xi32>
      %swap3A_383 = arith.index_cast %scan3A_355 : i32 to index
      %swap3A_384 = arith.constant 32 : index
      %swap3A_385 = tpu.vector_load %arg7[%swap3A_383, %swap3A_384] {strides = array<i32>} : memref<79x128xi32, #tpu.memory_space<vmem>>, vector<1x16xi32>,
      %swap3A_386 = vector.shape_cast %swap3A_385 : vector<1x16xi32> to vector<16xi32>
      %swap3A_387 = vector.shape_cast %add3A_382 : vector<16xi32> to vector<1x16xi32>
      tpu.vector_store %arg7[%swap3A_383, %swap3A_384], %swap3A_387 {strides = array<i32>} : memref<79x128xi32, #tpu.memory_space<vmem>>, vector<1x16xi32>,
      %get3A_388 = arith.index_cast %scan3A_355 : i32 to index
      %get3A_389 = arith.constant 48 : index
      %get3A_390 = tpu.vector_load %arg7[%get3A_388, %get3A_389] {strides = array<i32>} : memref<79x128xi32, #tpu.memory_space<vmem>>, vector<1x16xi32>,
      %get3A_391 = vector.shape_cast %get3A_390 : vector<1x16xi32> to vector<16xi32>
      %add3A_392 = vector.broadcast %mul3A_4 : i32 to vector<16xi32>
      %add3A_393 = arith.addi %get3A_391, %add3A_392 : vector<16xi32>
      %swap3A_394 = arith.index_cast %scan3A_355 : i32 to index
      %swap3A_395 = arith.constant 48 : index
      %swap3A_396 = tpu.vector_load %arg7[%swap3A_394, %swap3A_395] {strides = array<i32>} : memref<79x128xi32, #tpu.memory_space<vmem>>, vector<1x16xi32>,
      %swap3A_397 = vector.shape_cast %swap3A_396 : vector<1x16xi32> to vector<16xi32>
      %swap3A_398 = vector.shape_cast %add3A_393 : vector<16xi32> to vector<1x16xi32>
      tpu.vector_store %arg7[%swap3A_394, %swap3A_395], %swap3A_398 {strides = array<i32>} : memref<79x128xi32, #tpu.memory_space<vmem>>, vector<1x16xi32>,
      %get3A_399 = arith.index_cast %scan3A_355 : i32 to index
      %get3A_400 = arith.constant 64 : index
      %get3A_401 = tpu.vector_load %arg7[%get3A_399, %get3A_400] {strides = array<i32>} : memref<79x128xi32, #tpu.memory_space<vmem>>, vector<1x16xi32>,
      %get3A_402 = vector.shape_cast %get3A_401 : vector<1x16xi32> to vector<16xi32>
      %add3A_403 = vector.broadcast %mul3A_4 : i32 to vector<16xi32>
      %add3A_404 = arith.addi %get3A_402, %add3A_403 : vector<16xi32>
      %swap3A_405 = arith.index_cast %scan3A_355 : i32 to index
      %swap3A_406 = arith.constant 64 : index
      %swap3A_407 = tpu.vector_load %arg7[%swap3A_405, %swap3A_406] {strides = array<i32>} : memref<79x128xi32, #tpu.memory_space<vmem>>, vector<1x16xi32>,
      %swap3A_408 = vector.shape_cast %swap3A_407 : vector<1x16xi32> to vector<16xi32>
      %swap3A_409 = vector.shape_cast %add3A_404 : vector<16xi32> to vector<1x16xi32>
      tpu.vector_store %arg7[%swap3A_405, %swap3A_406], %swap3A_409 {strides = array<i32>} : memref<79x128xi32, #tpu.memory_space<vmem>>, vector<1x16xi32>,
      %get3A_410 = arith.index_cast %scan3A_355 : i32 to index
      %get3A_411 = arith.constant 80 : index
      %get3A_412 = tpu.vector_load %arg7[%get3A_410, %get3A_411] {strides = array<i32>} : memref<79x128xi32, #tpu.memory_space<vmem>>, vector<1x16xi32>,
      %get3A_413 = vector.shape_cast %get3A_412 : vector<1x16xi32> to vector<16xi32>
      %add3A_414 = vector.broadcast %mul3A_4 : i32 to vector<16xi32>
      %add3A_415 = arith.addi %get3A_413, %add3A_414 : vector<16xi32>
      %swap3A_416 = arith.index_cast %scan3A_355 : i32 to index
      %swap3A_417 = arith.constant 80 : index
      %swap3A_418 = tpu.vector_load %arg7[%swap3A_416, %swap3A_417] {strides = array<i32>} : memref<79x128xi32, #tpu.memory_space<vmem>>, vector<1x16xi32>,
      %swap3A_419 = vector.shape_cast %swap3A_418 : vector<1x16xi32> to vector<16xi32>
      %swap3A_420 = vector.shape_cast %add3A_415 : vector<16xi32> to vector<1x16xi32>
      tpu.vector_store %arg7[%swap3A_416, %swap3A_417], %swap3A_420 {strides = array<i32>} : memref<79x128xi32, #tpu.memory_space<vmem>>, vector<1x16xi32>,
      %get3A_421 = arith.index_cast %scan3A_355 : i32 to index
      %get3A_422 = arith.constant 96 : index
      %get3A_423 = tpu.vector_load %arg7[%get3A_421, %get3A_422] {strides = array<i32>} : memref<79x128xi32, #tpu.memory_space<vmem>>, vector<1x16xi32>,
      %get3A_424 = vector.shape_cast %get3A_423 : vector<1x16xi32> to vector<16xi32>
      %add3A_425 = vector.broadcast %mul3A_4 : i32 to vector<16xi32>
      %add3A_426 = arith.addi %get3A_424, %add3A_425 : vector<16xi32>
      %swap3A_427 = arith.index_cast %scan3A_355 : i32 to index
      %swap3A_428 = arith.constant 96 : index
      %swap3A_429 = tpu.vector_load %arg7[%swap3A_427, %swap3A_428] {strides = array<i32>} : memref<79x128xi32, #tpu.memory_space<vmem>>, vector<1x16xi32>,
      %swap3A_430 = vector.shape_cast %swap3A_429 : vector<1x16xi32> to vector<16xi32>
      %swap3A_431 = vector.shape_cast %add3A_426 : vector<16xi32> to vector<1x16xi32>
      tpu.vector_store %arg7[%swap3A_427, %swap3A_428], %swap3A_431 {strides = array<i32>} : memref<79x128xi32, #tpu.memory_space<vmem>>, vector<1x16xi32>,
      %get3A_432 = arith.index_cast %scan3A_355 : i32 to index
      %get3A_433 = arith.constant 112 : index
      %get3A_434 = tpu.vector_load %arg7[%get3A_432, %get3A_433] {strides = array<i32>} : memref<79x128xi32, #tpu.memory_space<vmem>>, vector<1x16xi32>,
      %get3A_435 = vector.shape_cast %get3A_434 : vector<1x16xi32> to vector<16xi32>
      %add3A_436 = vector.broadcast %mul3A_4 : i32 to vector<16xi32>
      %add3A_437 = arith.addi %get3A_435, %add3A_436 : vector<16xi32>
      %swap3A_438 = arith.index_cast %scan3A_355 : i32 to index
      %swap3A_439 = arith.constant 112 : index
      %swap3A_440 = tpu.vector_load %arg7[%swap3A_438, %swap3A_439] {strides = array<i32>} : memref<79x128xi32, #tpu.memory_space<vmem>>, vector<1x16xi32>,
      %swap3A_441 = vector.shape_cast %swap3A_440 : vector<1x16xi32> to vector<16xi32>
      %swap3A_442 = vector.shape_cast %add3A_437 : vector<16xi32> to vector<1x16xi32>
      tpu.vector_store %arg7[%swap3A_438, %swap3A_439], %swap3A_442 {strides = array<i32>} : memref<79x128xi32, #tpu.memory_space<vmem>>, vector<1x16xi32>,
    }
    %scan3A_9 = arith.constant 79 : i32
    %broadcast_in_dim3A = arith.constant 0.000000e+00 : bf16
    %broadcast_in_dim3A_10 = vector.broadcast %broadcast_in_dim3A : bf16 to vector<32xbf16>
    %scan3A_11 = arith.constant 0 : i32
    %scan3A_12 = arith.constant 0 : i32
    %scan3A_13 = arith.constant 128 : i32
    %scan3A_14 = arith.addi %scan3A_12, %scan3A_13 : i32
    %scan3A_15 = arith.constant 1 : i32
    scf.for %scan3A_355 = %scan3A_12 to %scan3A_14 step %scan3A_15  : i32 {
      %swap3A_356 = arith.index_cast %scan3A_355 : i32 to index
      %swap3A_357 = arith.constant 0 : index
      %swap3A_358 = tpu.vector_load %arg9[%swap3A_356, %swap3A_357] {strides = array<i32>} : memref<128x128xbf16, #tpu.memory_space<vmem>>, vector<1x32xbf16>,
      %swap3A_359 = vector.shape_cast %swap3A_358 : vector<1x32xbf16> to vector<32xbf16>
      %swap3A_360 = vector.shape_cast %broadcast_in_dim3A_10 : vector<32xbf16> to vector<1x32xbf16>
      tpu.vector_store %arg9[%swap3A_356, %swap3A_357], %swap3A_360 {strides = array<i32>} : memref<128x128xbf16, #tpu.memory_space<vmem>>, vector<1x32xbf16>,
      %swap3A_361 = arith.index_cast %scan3A_355 : i32 to index
      %swap3A_362 = arith.constant 32 : index
      %swap3A_363 = tpu.vector_load %arg9[%swap3A_361, %swap3A_362] {strides = array<i32>} : memref<128x128xbf16, #tpu.memory_space<vmem>>, vector<1x32xbf16>,
      %swap3A_364 = vector.shape_cast %swap3A_363 : vector<1x32xbf16> to vector<32xbf16>
      %swap3A_365 = vector.shape_cast %broadcast_in_dim3A_10 : vector<32xbf16> to vector<1x32xbf16>
      tpu.vector_store %arg9[%swap3A_361, %swap3A_362], %swap3A_365 {strides = array<i32>} : memref<128x128xbf16, #tpu.memory_space<vmem>>, vector<1x32xbf16>,
      %swap3A_366 = arith.index_cast %scan3A_355 : i32 to index
      %swap3A_367 = arith.constant 64 : index
      %swap3A_368 = tpu.vector_load %arg9[%swap3A_366, %swap3A_367] {strides = array<i32>} : memref<128x128xbf16, #tpu.memory_space<vmem>>, vector<1x32xbf16>,
      %swap3A_369 = vector.shape_cast %swap3A_368 : vector<1x32xbf16> to vector<32xbf16>
      %swap3A_370 = vector.shape_cast %broadcast_in_dim3A_10 : vector<32xbf16> to vector<1x32xbf16>
      tpu.vector_store %arg9[%swap3A_366, %swap3A_367], %swap3A_370 {strides = array<i32>} : memref<128x128xbf16, #tpu.memory_space<vmem>>, vector<1x32xbf16>,
      %swap3A_371 = arith.index_cast %scan3A_355 : i32 to index
      %swap3A_372 = arith.constant 96 : index
      %swap3A_373 = tpu.vector_load %arg9[%swap3A_371, %swap3A_372] {strides = array<i32>} : memref<128x128xbf16, #tpu.memory_space<vmem>>, vector<1x32xbf16>,
      %swap3A_374 = vector.shape_cast %swap3A_373 : vector<1x32xbf16> to vector<32xbf16>
      %swap3A_375 = vector.shape_cast %broadcast_in_dim3A_10 : vector<32xbf16> to vector<1x32xbf16>
      tpu.vector_store %arg9[%swap3A_371, %swap3A_372], %swap3A_375 {strides = array<i32>} : memref<128x128xbf16, #tpu.memory_space<vmem>>, vector<1x32xbf16>,
    }
    %scan3A_16 = arith.constant 128 : i32
    %scan3A_17 = arith.constant 0 : i32
    %scan3A_18 = arith.constant 0 : i32
    %scan3A_19 = arith.constant 5 : i32
    %scan3A_20 = arith.addi %scan3A_18, %scan3A_19 : i32
    %scan3A_21 = arith.constant 1 : i32
    scf.for %scan3A_355 = %scan3A_18 to %scan3A_20 step %scan3A_21  : i32 {
      %mul3A_356 = arith.constant 128 : i32
      %mul3A_357 = arith.muli %scan3A_355, %mul3A_356 : i32
      %add3A_358 = arith.addi %mul3A_2, %mul3A_357 : i32
      "tpu.region"() ({
        %run_scoped3A_359 = tpu.sem_alloc : memref<!tpu.dma_semaphore, #tpu.memory_space<semaphore_mem>>
        %dma_start3A_360 = arith.constant 0 : i32
        %dma_start3A_361 = tpu.memref_slice %arg11[%add3A_358, %dma_start3A_360] : memref<10240x128xbf16, #tpu.memory_space<vmem_shared>> -> memref<128x128xbf16, #tpu.memory_space<vmem_shared>>
        %dma_start3A_362 = arith.constant 0 : i32
        %dma_start3A_363 = tpu.memref_slice %arg11[%add3A_358, %dma_start3A_362] : memref<10240x128xbf16, #tpu.memory_space<vmem_shared>> -> memref<128x128xbf16, #tpu.memory_space<vmem_shared>>
        tpu.enqueue_dma source(%arg9 : memref<128x128xbf16, #tpu.memory_space<vmem>>) target(%dma_start3A_363 : memref<128x128xbf16, #tpu.memory_space<vmem_shared>>) target_semaphore(%run_scoped3A_359 : memref<!tpu.dma_semaphore, #tpu.memory_space<semaphore_mem>>)
        %dma_wait3A_364 = arith.constant 0 : i32
        %dma_wait3A_365 = tpu.memref_slice %arg11[%add3A_358, %dma_wait3A_364] : memref<10240x128xbf16, #tpu.memory_space<vmem_shared>> -> memref<128x128xbf16, #tpu.memory_space<vmem_shared>>
        %dma_wait3A_366 = arith.constant 0 : i32
        %dma_wait3A_367 = tpu.memref_slice %arg11[%add3A_358, %dma_wait3A_366] : memref<10240x128xbf16, #tpu.memory_space<vmem_shared>> -> memref<128x128xbf16, #tpu.memory_space<vmem_shared>>
        tpu.wait_dma2 semaphore(%run_scoped3A_359 : memref<!tpu.dma_semaphore, #tpu.memory_space<semaphore_mem>>) src(%arg9 : memref<128x128xbf16, #tpu.memory_space<vmem>>) dst(%dma_wait3A_367 : memref<128x128xbf16, #tpu.memory_space<vmem_shared>>)
        tpu.yield
      }) : () -> ()
    }
    %scan3A_22 = arith.constant 5 : i32
    %broadcast_in_dim3A_23 = arith.constant 1.000000e+00 : f32
    %broadcast_in_dim3A_24 = vector.broadcast %broadcast_in_dim3A_23 : f32 to vector<16xf32>
    %broadcast_in_dim3A_25 = arith.constant 0.000000e+00 : f32
    %broadcast_in_dim3A_26 = vector.broadcast %broadcast_in_dim3A_25 : f32 to vector<16xf32>
    %swap3A = arith.constant 0 : index
    %swap3A_27 = tpu.vector_load %arg16[%swap3A] {strides = array<i32>} : memref<128xf32, #tpu.memory_space<vmem>>, vector<16xf32>,
    %swap3A_28 = vector.shape_cast %swap3A_27 : vector<16xf32> to vector<16xf32>
    %swap3A_29 = vector.shape_cast %broadcast_in_dim3A_24 : vector<16xf32> to vector<16xf32>
    tpu.vector_store %arg16[%swap3A], %swap3A_29 {strides = array<i32>} : memref<128xf32, #tpu.memory_space<vmem>>, vector<16xf32>,
    %swap3A_30 = arith.constant 16 : index
    %swap3A_31 = tpu.vector_load %arg16[%swap3A_30] {strides = array<i32>} : memref<128xf32, #tpu.memory_space<vmem>>, vector<16xf32>,
    %swap3A_32 = vector.shape_cast %swap3A_31 : vector<16xf32> to vector<16xf32>
    %swap3A_33 = vector.shape_cast %broadcast_in_dim3A_24 : vector<16xf32> to vector<16xf32>
    tpu.vector_store %arg16[%swap3A_30], %swap3A_33 {strides = array<i32>} : memref<128xf32, #tpu.memory_space<vmem>>, vector<16xf32>,
    %swap3A_34 = arith.constant 32 : index
    %swap3A_35 = tpu.vector_load %arg16[%swap3A_34] {strides = array<i32>} : memref<128xf32, #tpu.memory_space<vmem>>, vector<16xf32>,
    %swap3A_36 = vector.shape_cast %swap3A_35 : vector<16xf32> to vector<16xf32>
    %swap3A_37 = vector.shape_cast %broadcast_in_dim3A_24 : vector<16xf32> to vector<16xf32>
    tpu.vector_store %arg16[%swap3A_34], %swap3A_37 {strides = array<i32>} : memref<128xf32, #tpu.memory_space<vmem>>, vector<16xf32>,
    %swap3A_38 = arith.constant 48 : index
    %swap3A_39 = tpu.vector_load %arg16[%swap3A_38] {strides = array<i32>} : memref<128xf32, #tpu.memory_space<vmem>>, vector<16xf32>,
    %swap3A_40 = vector.shape_cast %swap3A_39 : vector<16xf32> to vector<16xf32>
    %swap3A_41 = vector.shape_cast %broadcast_in_dim3A_24 : vector<16xf32> to vector<16xf32>
    tpu.vector_store %arg16[%swap3A_38], %swap3A_41 {strides = array<i32>} : memref<128xf32, #tpu.memory_space<vmem>>, vector<16xf32>,
    %swap3A_42 = arith.constant 64 : index
    %swap3A_43 = tpu.vector_load %arg16[%swap3A_42] {strides = array<i32>} : memref<128xf32, #tpu.memory_space<vmem>>, vector<16xf32>,
    %swap3A_44 = vector.shape_cast %swap3A_43 : vector<16xf32> to vector<16xf32>
    %swap3A_45 = vector.shape_cast %broadcast_in_dim3A_24 : vector<16xf32> to vector<16xf32>
    tpu.vector_store %arg16[%swap3A_42], %swap3A_45 {strides = array<i32>} : memref<128xf32, #tpu.memory_space<vmem>>, vector<16xf32>,
    %swap3A_46 = arith.constant 80 : index
    %swap3A_47 = tpu.vector_load %arg16[%swap3A_46] {strides = array<i32>} : memref<128xf32, #tpu.memory_space<vmem>>, vector<16xf32>,
    %swap3A_48 = vector.shape_cast %swap3A_47 : vector<16xf32> to vector<16xf32>
    %swap3A_49 = vector.shape_cast %broadcast_in_dim3A_24 : vector<16xf32> to vector<16xf32>
    tpu.vector_store %arg16[%swap3A_46], %swap3A_49 {strides = array<i32>} : memref<128xf32, #tpu.memory_space<vmem>>, vector<16xf32>,
    %swap3A_50 = arith.constant 96 : index
    %swap3A_51 = tpu.vector_load %arg16[%swap3A_50] {strides = array<i32>} : memref<128xf32, #tpu.memory_space<vmem>>, vector<16xf32>,
    %swap3A_52 = vector.shape_cast %swap3A_51 : vector<16xf32> to vector<16xf32>
    %swap3A_53 = vector.shape_cast %broadcast_in_dim3A_24 : vector<16xf32> to vector<16xf32>
    tpu.vector_store %arg16[%swap3A_50], %swap3A_53 {strides = array<i32>} : memref<128xf32, #tpu.memory_space<vmem>>, vector<16xf32>,
    %swap3A_54 = arith.constant 112 : index
    %swap3A_55 = tpu.vector_load %arg16[%swap3A_54] {strides = array<i32>} : memref<128xf32, #tpu.memory_space<vmem>>, vector<16xf32>,
    %swap3A_56 = vector.shape_cast %swap3A_55 : vector<16xf32> to vector<16xf32>
    %swap3A_57 = vector.shape_cast %broadcast_in_dim3A_24 : vector<16xf32> to vector<16xf32>
    tpu.vector_store %arg16[%swap3A_54], %swap3A_57 {strides = array<i32>} : memref<128xf32, #tpu.memory_space<vmem>>, vector<16xf32>,
    %swap3A_58 = arith.constant 0 : index
    %swap3A_59 = tpu.vector_load %arg17[%swap3A_58] {strides = array<i32>} : memref<640xf32, #tpu.memory_space<vmem>>, vector<16xf32>,
    %swap3A_60 = vector.shape_cast %swap3A_59 : vector<16xf32> to vector<16xf32>
    %swap3A_61 = vector.shape_cast %broadcast_in_dim3A_26 : vector<16xf32> to vector<16xf32>
    tpu.vector_store %arg17[%swap3A_58], %swap3A_61 {strides = array<i32>} : memref<640xf32, #tpu.memory_space<vmem>>, vector<16xf32>,
    %swap3A_62 = arith.constant 16 : index
    %swap3A_63 = tpu.vector_load %arg17[%swap3A_62] {strides = array<i32>} : memref<640xf32, #tpu.memory_space<vmem>>, vector<16xf32>,
    %swap3A_64 = vector.shape_cast %swap3A_63 : vector<16xf32> to vector<16xf32>
    %swap3A_65 = vector.shape_cast %broadcast_in_dim3A_26 : vector<16xf32> to vector<16xf32>
    tpu.vector_store %arg17[%swap3A_62], %swap3A_65 {strides = array<i32>} : memref<640xf32, #tpu.memory_space<vmem>>, vector<16xf32>,
    %swap3A_66 = arith.constant 32 : index
    %swap3A_67 = tpu.vector_load %arg17[%swap3A_66] {strides = array<i32>} : memref<640xf32, #tpu.memory_space<vmem>>, vector<16xf32>,
    %swap3A_68 = vector.shape_cast %swap3A_67 : vector<16xf32> to vector<16xf32>
    %swap3A_69 = vector.shape_cast %broadcast_in_dim3A_26 : vector<16xf32> to vector<16xf32>
    tpu.vector_store %arg17[%swap3A_66], %swap3A_69 {strides = array<i32>} : memref<640xf32, #tpu.memory_space<vmem>>, vector<16xf32>,
    %swap3A_70 = arith.constant 48 : index
    %swap3A_71 = tpu.vector_load %arg17[%swap3A_70] {strides = array<i32>} : memref<640xf32, #tpu.memory_space<vmem>>, vector<16xf32>,
    %swap3A_72 = vector.shape_cast %swap3A_71 : vector<16xf32> to vector<16xf32>
    %swap3A_73 = vector.shape_cast %broadcast_in_dim3A_26 : vector<16xf32> to vector<16xf32>
    tpu.vector_store %arg17[%swap3A_70], %swap3A_73 {strides = array<i32>} : memref<640xf32, #tpu.memory_space<vmem>>, vector<16xf32>,
    %swap3A_74 = arith.constant 64 : index
    %swap3A_75 = tpu.vector_load %arg17[%swap3A_74] {strides = array<i32>} : memref<640xf32, #tpu.memory_space<vmem>>, vector<16xf32>,
    %swap3A_76 = vector.shape_cast %swap3A_75 : vector<16xf32> to vector<16xf32>
    %swap3A_77 = vector.shape_cast %broadcast_in_dim3A_26 : vector<16xf32> to vector<16xf32>
    tpu.vector_store %arg17[%swap3A_74], %swap3A_77 {strides = array<i32>} : memref<640xf32, #tpu.memory_space<vmem>>, vector<16xf32>,
    %swap3A_78 = arith.constant 80 : index
    %swap3A_79 = tpu.vector_load %arg17[%swap3A_78] {strides = array<i32>} : memref<640xf32, #tpu.memory_space<vmem>>, vector<16xf32>,
    %swap3A_80 = vector.shape_cast %swap3A_79 : vector<16xf32> to vector<16xf32>
    %swap3A_81 = vector.shape_cast %broadcast_in_dim3A_26 : vector<16xf32> to vector<16xf32>
    tpu.vector_store %arg17[%swap3A_78], %swap3A_81 {strides = array<i32>} : memref<640xf32, #tpu.memory_space<vmem>>, vector<16xf32>,
    %swap3A_82 = arith.constant 96 : index
    %swap3A_83 = tpu.vector_load %arg17[%swap3A_82] {strides = array<i32>} : memref<640xf32, #tpu.memory_space<vmem>>, vector<16xf32>,
    %swap3A_84 = vector.shape_cast %swap3A_83 : vector<16xf32> to vector<16xf32>
    %swap3A_85 = vector.shape_cast %broadcast_in_dim3A_26 : vector<16xf32> to vector<16xf32>
    tpu.vector_store %arg17[%swap3A_82], %swap3A_85 {strides = array<i32>} : memref<640xf32, #tpu.memory_space<vmem>>, vector<16xf32>,
    %swap3A_86 = arith.constant 112 : index
    %swap3A_87 = tpu.vector_load %arg17[%swap3A_86] {strides = array<i32>} : memref<640xf32, #tpu.memory_space<vmem>>, vector<16xf32>,
    %swap3A_88 = vector.shape_cast %swap3A_87 : vector<16xf32> to vector<16xf32>
    %swap3A_89 = vector.shape_cast %broadcast_in_dim3A_26 : vector<16xf32> to vector<16xf32>
    tpu.vector_store %arg17[%swap3A_86], %swap3A_89 {strides = array<i32>} : memref<640xf32, #tpu.memory_space<vmem>>, vector<16xf32>,
    %swap3A_90 = arith.constant 128 : index
    %swap3A_91 = tpu.vector_load %arg17[%swap3A_90] {strides = array<i32>} : memref<640xf32, #tpu.memory_space<vmem>>, vector<16xf32>,
    %swap3A_92 = vector.shape_cast %swap3A_91 : vector<16xf32> to vector<16xf32>
    %swap3A_93 = vector.shape_cast %broadcast_in_dim3A_26 : vector<16xf32> to vector<16xf32>
    tpu.vector_store %arg17[%swap3A_90], %swap3A_93 {strides = array<i32>} : memref<640xf32, #tpu.memory_space<vmem>>, vector<16xf32>,
    %swap3A_94 = arith.constant 144 : index
    %swap3A_95 = tpu.vector_load %arg17[%swap3A_94] {strides = array<i32>} : memref<640xf32, #tpu.memory_space<vmem>>, vector<16xf32>,
    %swap3A_96 = vector.shape_cast %swap3A_95 : vector<16xf32> to vector<16xf32>
    %swap3A_97 = vector.shape_cast %broadcast_in_dim3A_26 : vector<16xf32> to vector<16xf32>
    tpu.vector_store %arg17[%swap3A_94], %swap3A_97 {strides = array<i32>} : memref<640xf32, #tpu.memory_space<vmem>>, vector<16xf32>,
    %swap3A_98 = arith.constant 160 : index
    %swap3A_99 = tpu.vector_load %arg17[%swap3A_98] {strides = array<i32>} : memref<640xf32, #tpu.memory_space<vmem>>, vector<16xf32>,
    %swap3A_100 = vector.shape_cast %swap3A_99 : vector<16xf32> to vector<16xf32>
    %swap3A_101 = vector.shape_cast %broadcast_in_dim3A_26 : vector<16xf32> to vector<16xf32>
    tpu.vector_store %arg17[%swap3A_98], %swap3A_101 {strides = array<i32>} : memref<640xf32, #tpu.memory_space<vmem>>, vector<16xf32>,
    %swap3A_102 = arith.constant 176 : index
    %swap3A_103 = tpu.vector_load %arg17[%swap3A_102] {strides = array<i32>} : memref<640xf32, #tpu.memory_space<vmem>>, vector<16xf32>,
    %swap3A_104 = vector.shape_cast %swap3A_103 : vector<16xf32> to vector<16xf32>
    %swap3A_105 = vector.shape_cast %broadcast_in_dim3A_26 : vector<16xf32> to vector<16xf32>
    tpu.vector_store %arg17[%swap3A_102], %swap3A_105 {strides = array<i32>} : memref<640xf32, #tpu.memory_space<vmem>>, vector<16xf32>,
    %swap3A_106 = arith.constant 192 : index
    %swap3A_107 = tpu.vector_load %arg17[%swap3A_106] {strides = array<i32>} : memref<640xf32, #tpu.memory_space<vmem>>, vector<16xf32>,
    %swap3A_108 = vector.shape_cast %swap3A_107 : vector<16xf32> to vector<16xf32>
    %swap3A_109 = vector.shape_cast %broadcast_in_dim3A_26 : vector<16xf32> to vector<16xf32>
    tpu.vector_store %arg17[%swap3A_106], %swap3A_109 {strides = array<i32>} : memref<640xf32, #tpu.memory_space<vmem>>, vector<16xf32>,
    %swap3A_110 = arith.constant 208 : index
    %swap3A_111 = tpu.vector_load %arg17[%swap3A_110] {strides = array<i32>} : memref<640xf32, #tpu.memory_space<vmem>>, vector<16xf32>,
    %swap3A_112 = vector.shape_cast %swap3A_111 : vector<16xf32> to vector<16xf32>
    %swap3A_113 = vector.shape_cast %broadcast_in_dim3A_26 : vector<16xf32> to vector<16xf32>
    tpu.vector_store %arg17[%swap3A_110], %swap3A_113 {strides = array<i32>} : memref<640xf32, #tpu.memory_space<vmem>>, vector<16xf32>,
    %swap3A_114 = arith.constant 224 : index
    %swap3A_115 = tpu.vector_load %arg17[%swap3A_114] {strides = array<i32>} : memref<640xf32, #tpu.memory_space<vmem>>, vector<16xf32>,
    %swap3A_116 = vector.shape_cast %swap3A_115 : vector<16xf32> to vector<16xf32>
    %swap3A_117 = vector.shape_cast %broadcast_in_dim3A_26 : vector<16xf32> to vector<16xf32>
    tpu.vector_store %arg17[%swap3A_114], %swap3A_117 {strides = array<i32>} : memref<640xf32, #tpu.memory_space<vmem>>, vector<16xf32>,
    %swap3A_118 = arith.constant 240 : index
    %swap3A_119 = tpu.vector_load %arg17[%swap3A_118] {strides = array<i32>} : memref<640xf32, #tpu.memory_space<vmem>>, vector<16xf32>,
    %swap3A_120 = vector.shape_cast %swap3A_119 : vector<16xf32> to vector<16xf32>
    %swap3A_121 = vector.shape_cast %broadcast_in_dim3A_26 : vector<16xf32> to vector<16xf32>
    tpu.vector_store %arg17[%swap3A_118], %swap3A_121 {strides = array<i32>} : memref<640xf32, #tpu.memory_space<vmem>>, vector<16xf32>,
    %swap3A_122 = arith.constant 256 : index
    %swap3A_123 = tpu.vector_load %arg17[%swap3A_122] {strides = array<i32>} : memref<640xf32, #tpu.memory_space<vmem>>, vector<16xf32>,
    %swap3A_124 = vector.shape_cast %swap3A_123 : vector<16xf32> to vector<16xf32>
    %swap3A_125 = vector.shape_cast %broadcast_in_dim3A_26 : vector<16xf32> to vector<16xf32>
    tpu.vector_store %arg17[%swap3A_122], %swap3A_125 {strides = array<i32>} : memref<640xf32, #tpu.memory_space<vmem>>, vector<16xf32>,
    %swap3A_126 = arith.constant 272 : index
    %swap3A_127 = tpu.vector_load %arg17[%swap3A_126] {strides = array<i32>} : memref<640xf32, #tpu.memory_space<vmem>>, vector<16xf32>,
    %swap3A_128 = vector.shape_cast %swap3A_127 : vector<16xf32> to vector<16xf32>
    %swap3A_129 = vector.shape_cast %broadcast_in_dim3A_26 : vector<16xf32> to vector<16xf32>
    tpu.vector_store %arg17[%swap3A_126], %swap3A_129 {strides = array<i32>} : memref<640xf32, #tpu.memory_space<vmem>>, vector<16xf32>,
    %swap3A_130 = arith.constant 288 : index
    %swap3A_131 = tpu.vector_load %arg17[%swap3A_130] {strides = array<i32>} : memref<640xf32, #tpu.memory_space<vmem>>, vector<16xf32>,
    %swap3A_132 = vector.shape_cast %swap3A_131 : vector<16xf32> to vector<16xf32>
    %swap3A_133 = vector.shape_cast %broadcast_in_dim3A_26 : vector<16xf32> to vector<16xf32>
    tpu.vector_store %arg17[%swap3A_130], %swap3A_133 {strides = array<i32>} : memref<640xf32, #tpu.memory_space<vmem>>, vector<16xf32>,
    %swap3A_134 = arith.constant 304 : index
    %swap3A_135 = tpu.vector_load %arg17[%swap3A_134] {strides = array<i32>} : memref<640xf32, #tpu.memory_space<vmem>>, vector<16xf32>,
    %swap3A_136 = vector.shape_cast %swap3A_135 : vector<16xf32> to vector<16xf32>
    %swap3A_137 = vector.shape_cast %broadcast_in_dim3A_26 : vector<16xf32> to vector<16xf32>
    tpu.vector_store %arg17[%swap3A_134], %swap3A_137 {strides = array<i32>} : memref<640xf32, #tpu.memory_space<vmem>>, vector<16xf32>,
    %swap3A_138 = arith.constant 320 : index
    %swap3A_139 = tpu.vector_load %arg17[%swap3A_138] {strides = array<i32>} : memref<640xf32, #tpu.memory_space<vmem>>, vector<16xf32>,
    %swap3A_140 = vector.shape_cast %swap3A_139 : vector<16xf32> to vector<16xf32>
    %swap3A_141 = vector.shape_cast %broadcast_in_dim3A_26 : vector<16xf32> to vector<16xf32>
    tpu.vector_store %arg17[%swap3A_138], %swap3A_141 {strides = array<i32>} : memref<640xf32, #tpu.memory_space<vmem>>, vector<16xf32>,
    %swap3A_142 = arith.constant 336 : index
    %swap3A_143 = tpu.vector_load %arg17[%swap3A_142] {strides = array<i32>} : memref<640xf32, #tpu.memory_space<vmem>>, vector<16xf32>,
    %swap3A_144 = vector.shape_cast %swap3A_143 : vector<16xf32> to vector<16xf32>
    %swap3A_145 = vector.shape_cast %broadcast_in_dim3A_26 : vector<16xf32> to vector<16xf32>
    tpu.vector_store %arg17[%swap3A_142], %swap3A_145 {strides = array<i32>} : memref<640xf32, #tpu.memory_space<vmem>>, vector<16xf32>,
    %swap3A_146 = arith.constant 352 : index
    %swap3A_147 = tpu.vector_load %arg17[%swap3A_146] {strides = array<i32>} : memref<640xf32, #tpu.memory_space<vmem>>, vector<16xf32>,
    %swap3A_148 = vector.shape_cast %swap3A_147 : vector<16xf32> to vector<16xf32>
    %swap3A_149 = vector.shape_cast %broadcast_in_dim3A_26 : vector<16xf32> to vector<16xf32>
    tpu.vector_store %arg17[%swap3A_146], %swap3A_149 {strides = array<i32>} : memref<640xf32, #tpu.memory_space<vmem>>, vector<16xf32>,
    %swap3A_150 = arith.constant 368 : index
    %swap3A_151 = tpu.vector_load %arg17[%swap3A_150] {strides = array<i32>} : memref<640xf32, #tpu.memory_space<vmem>>, vector<16xf32>,
    %swap3A_152 = vector.shape_cast %swap3A_151 : vector<16xf32> to vector<16xf32>
    %swap3A_153 = vector.shape_cast %broadcast_in_dim3A_26 : vector<16xf32> to vector<16xf32>
    tpu.vector_store %arg17[%swap3A_150], %swap3A_153 {strides = array<i32>} : memref<640xf32, #tpu.memory_space<vmem>>, vector<16xf32>,
    %swap3A_154 = arith.constant 384 : index
    %swap3A_155 = tpu.vector_load %arg17[%swap3A_154] {strides = array<i32>} : memref<640xf32, #tpu.memory_space<vmem>>, vector<16xf32>,
    %swap3A_156 = vector.shape_cast %swap3A_155 : vector<16xf32> to vector<16xf32>
    %swap3A_157 = vector.shape_cast %broadcast_in_dim3A_26 : vector<16xf32> to vector<16xf32>
    tpu.vector_store %arg17[%swap3A_154], %swap3A_157 {strides = array<i32>} : memref<640xf32, #tpu.memory_space<vmem>>, vector<16xf32>,
    %swap3A_158 = arith.constant 400 : index
    %swap3A_159 = tpu.vector_load %arg17[%swap3A_158] {strides = array<i32>} : memref<640xf32, #tpu.memory_space<vmem>>, vector<16xf32>,
    %swap3A_160 = vector.shape_cast %swap3A_159 : vector<16xf32> to vector<16xf32>
    %swap3A_161 = vector.shape_cast %broadcast_in_dim3A_26 : vector<16xf32> to vector<16xf32>
    tpu.vector_store %arg17[%swap3A_158], %swap3A_161 {strides = array<i32>} : memref<640xf32, #tpu.memory_space<vmem>>, vector<16xf32>,
    %swap3A_162 = arith.constant 416 : index
    %swap3A_163 = tpu.vector_load %arg17[%swap3A_162] {strides = array<i32>} : memref<640xf32, #tpu.memory_space<vmem>>, vector<16xf32>,
    %swap3A_164 = vector.shape_cast %swap3A_163 : vector<16xf32> to vector<16xf32>
    %swap3A_165 = vector.shape_cast %broadcast_in_dim3A_26 : vector<16xf32> to vector<16xf32>
    tpu.vector_store %arg17[%swap3A_162], %swap3A_165 {strides = array<i32>} : memref<640xf32, #tpu.memory_space<vmem>>, vector<16xf32>,
    %swap3A_166 = arith.constant 432 : index
    %swap3A_167 = tpu.vector_load %arg17[%swap3A_166] {strides = array<i32>} : memref<640xf32, #tpu.memory_space<vmem>>, vector<16xf32>,
    %swap3A_168 = vector.shape_cast %swap3A_167 : vector<16xf32> to vector<16xf32>
    %swap3A_169 = vector.shape_cast %broadcast_in_dim3A_26 : vector<16xf32> to vector<16xf32>
    tpu.vector_store %arg17[%swap3A_166], %swap3A_169 {strides = array<i32>} : memref<640xf32, #tpu.memory_space<vmem>>, vector<16xf32>,
    %swap3A_170 = arith.constant 448 : index
    %swap3A_171 = tpu.vector_load %arg17[%swap3A_170] {strides = array<i32>} : memref<640xf32, #tpu.memory_space<vmem>>, vector<16xf32>,
    %swap3A_172 = vector.shape_cast %swap3A_171 : vector<16xf32> to vector<16xf32>
    %swap3A_173 = vector.shape_cast %broadcast_in_dim3A_26 : vector<16xf32> to vector<16xf32>
    tpu.vector_store %arg17[%swap3A_170], %swap3A_173 {strides = array<i32>} : memref<640xf32, #tpu.memory_space<vmem>>, vector<16xf32>,
    %swap3A_174 = arith.constant 464 : index
    %swap3A_175 = tpu.vector_load %arg17[%swap3A_174] {strides = array<i32>} : memref<640xf32, #tpu.memory_space<vmem>>, vector<16xf32>,
    %swap3A_176 = vector.shape_cast %swap3A_175 : vector<16xf32> to vector<16xf32>
    %swap3A_177 = vector.shape_cast %broadcast_in_dim3A_26 : vector<16xf32> to vector<16xf32>
    tpu.vector_store %arg17[%swap3A_174], %swap3A_177 {strides = array<i32>} : memref<640xf32, #tpu.memory_space<vmem>>, vector<16xf32>,
    %swap3A_178 = arith.constant 480 : index
    %swap3A_179 = tpu.vector_load %arg17[%swap3A_178] {strides = array<i32>} : memref<640xf32, #tpu.memory_space<vmem>>, vector<16xf32>,
    %swap3A_180 = vector.shape_cast %swap3A_179 : vector<16xf32> to vector<16xf32>
    %swap3A_181 = vector.shape_cast %broadcast_in_dim3A_26 : vector<16xf32> to vector<16xf32>
    tpu.vector_store %arg17[%swap3A_178], %swap3A_181 {strides = array<i32>} : memref<640xf32, #tpu.memory_space<vmem>>, vector<16xf32>,
    %swap3A_182 = arith.constant 496 : index
    %swap3A_183 = tpu.vector_load %arg17[%swap3A_182] {strides = array<i32>} : memref<640xf32, #tpu.memory_space<vmem>>, vector<16xf32>,
    %swap3A_184 = vector.shape_cast %swap3A_183 : vector<16xf32> to vector<16xf32>
    %swap3A_185 = vector.shape_cast %broadcast_in_dim3A_26 : vector<16xf32> to vector<16xf32>
    tpu.vector_store %arg17[%swap3A_182], %swap3A_185 {strides = array<i32>} : memref<640xf32, #tpu.memory_space<vmem>>, vector<16xf32>,
    %swap3A_186 = arith.constant 512 : index
    %swap3A_187 = tpu.vector_load %arg17[%swap3A_186] {strides = array<i32>} : memref<640xf32, #tpu.memory_space<vmem>>, vector<16xf32>,
    %swap3A_188 = vector.shape_cast %swap3A_187 : vector<16xf32> to vector<16xf32>
    %swap3A_189 = vector.shape_cast %broadcast_in_dim3A_26 : vector<16xf32> to vector<16xf32>
    tpu.vector_store %arg17[%swap3A_186], %swap3A_189 {strides = array<i32>} : memref<640xf32, #tpu.memory_space<vmem>>, vector<16xf32>,
    %swap3A_190 = arith.constant 528 : index
    %swap3A_191 = tpu.vector_load %arg17[%swap3A_190] {strides = array<i32>} : memref<640xf32, #tpu.memory_space<vmem>>, vector<16xf32>,
    %swap3A_192 = vector.shape_cast %swap3A_191 : vector<16xf32> to vector<16xf32>
    %swap3A_193 = vector.shape_cast %broadcast_in_dim3A_26 : vector<16xf32> to vector<16xf32>
    tpu.vector_store %arg17[%swap3A_190], %swap3A_193 {strides = array<i32>} : memref<640xf32, #tpu.memory_space<vmem>>, vector<16xf32>,
    %swap3A_194 = arith.constant 544 : index
    %swap3A_195 = tpu.vector_load %arg17[%swap3A_194] {strides = array<i32>} : memref<640xf32, #tpu.memory_space<vmem>>, vector<16xf32>,
    %swap3A_196 = vector.shape_cast %swap3A_195 : vector<16xf32> to vector<16xf32>
    %swap3A_197 = vector.shape_cast %broadcast_in_dim3A_26 : vector<16xf32> to vector<16xf32>
    tpu.vector_store %arg17[%swap3A_194], %swap3A_197 {strides = array<i32>} : memref<640xf32, #tpu.memory_space<vmem>>, vector<16xf32>,
    %swap3A_198 = arith.constant 560 : index
    %swap3A_199 = tpu.vector_load %arg17[%swap3A_198] {strides = array<i32>} : memref<640xf32, #tpu.memory_space<vmem>>, vector<16xf32>,
    %swap3A_200 = vector.shape_cast %swap3A_199 : vector<16xf32> to vector<16xf32>
    %swap3A_201 = vector.shape_cast %broadcast_in_dim3A_26 : vector<16xf32> to vector<16xf32>
    tpu.vector_store %arg17[%swap3A_198], %swap3A_201 {strides = array<i32>} : memref<640xf32, #tpu.memory_space<vmem>>, vector<16xf32>,
    %swap3A_202 = arith.constant 576 : index
    %swap3A_203 = tpu.vector_load %arg17[%swap3A_202] {strides = array<i32>} : memref<640xf32, #tpu.memory_space<vmem>>, vector<16xf32>,
    %swap3A_204 = vector.shape_cast %swap3A_203 : vector<16xf32> to vector<16xf32>
    %swap3A_205 = vector.shape_cast %broadcast_in_dim3A_26 : vector<16xf32> to vector<16xf32>
    tpu.vector_store %arg17[%swap3A_202], %swap3A_205 {strides = array<i32>} : memref<640xf32, #tpu.memory_space<vmem>>, vector<16xf32>,
    %swap3A_206 = arith.constant 592 : index
    %swap3A_207 = tpu.vector_load %arg17[%swap3A_206] {strides = array<i32>} : memref<640xf32, #tpu.memory_space<vmem>>, vector<16xf32>,
    %swap3A_208 = vector.shape_cast %swap3A_207 : vector<16xf32> to vector<16xf32>
    %swap3A_209 = vector.shape_cast %broadcast_in_dim3A_26 : vector<16xf32> to vector<16xf32>
    tpu.vector_store %arg17[%swap3A_206], %swap3A_209 {strides = array<i32>} : memref<640xf32, #tpu.memory_space<vmem>>, vector<16xf32>,
    %swap3A_210 = arith.constant 608 : index
    %swap3A_211 = tpu.vector_load %arg17[%swap3A_210] {strides = array<i32>} : memref<640xf32, #tpu.memory_space<vmem>>, vector<16xf32>,
    %swap3A_212 = vector.shape_cast %swap3A_211 : vector<16xf32> to vector<16xf32>
    %swap3A_213 = vector.shape_cast %broadcast_in_dim3A_26 : vector<16xf32> to vector<16xf32>
    tpu.vector_store %arg17[%swap3A_210], %swap3A_213 {strides = array<i32>} : memref<640xf32, #tpu.memory_space<vmem>>, vector<16xf32>,
    %swap3A_214 = arith.constant 624 : index
    %swap3A_215 = tpu.vector_load %arg17[%swap3A_214] {strides = array<i32>} : memref<640xf32, #tpu.memory_space<vmem>>, vector<16xf32>,
    %swap3A_216 = vector.shape_cast %swap3A_215 : vector<16xf32> to vector<16xf32>
    %swap3A_217 = vector.shape_cast %broadcast_in_dim3A_26 : vector<16xf32> to vector<16xf32>
    tpu.vector_store %arg17[%swap3A_214], %swap3A_217 {strides = array<i32>} : memref<640xf32, #tpu.memory_space<vmem>>, vector<16xf32>,
    "tpu.region"() ({
      %run_scoped3A_355 = tpu.sem_alloc : memref<!tpu.dma_semaphore, #tpu.memory_space<semaphore_mem>>
      %dma_start3A_356 = tpu.memref_slice %arg18[%mul3A_2] : memref<10240xf32, #tpu.memory_space<vmem_shared>> -> memref<640xf32, #tpu.memory_space<vmem_shared>>
      %dma_start3A_357 = tpu.memref_slice %arg18[%mul3A_2] : memref<10240xf32, #tpu.memory_space<vmem_shared>> -> memref<640xf32, #tpu.memory_space<vmem_shared>>
      tpu.enqueue_dma source(%arg17 : memref<640xf32, #tpu.memory_space<vmem>>) target(%dma_start3A_357 : memref<640xf32, #tpu.memory_space<vmem_shared>>) target_semaphore(%run_scoped3A_355 : memref<!tpu.dma_semaphore, #tpu.memory_space<semaphore_mem>>)
      %dma_wait3A_358 = tpu.memref_slice %arg18[%mul3A_2] : memref<10240xf32, #tpu.memory_space<vmem_shared>> -> memref<640xf32, #tpu.memory_space<vmem_shared>>
      %dma_wait3A_359 = tpu.memref_slice %arg18[%mul3A_2] : memref<10240xf32, #tpu.memory_space<vmem_shared>> -> memref<640xf32, #tpu.memory_space<vmem_shared>>
      tpu.wait_dma2 semaphore(%run_scoped3A_355 : memref<!tpu.dma_semaphore, #tpu.memory_space<semaphore_mem>>) src(%arg17 : memref<640xf32, #tpu.memory_space<vmem>>) dst(%dma_wait3A_359 : memref<640xf32, #tpu.memory_space<vmem_shared>>)
      tpu.yield
    }) : () -> ()
    %barrier3A = arith.constant 0 : index
    tpu.barrier barrier_id(%barrier3A)
    %mul3A_218 = arith.constant 79 : i32
    %mul3A_219 = arith.muli %add3A, %mul3A_218 : i32
    %dma_start3A = arith.constant 0 : i32
    %dma_start3A_220 = arith.constant 0 : i32
    %dma_start3A_221 = tpu.memref_slice %arg7[%dma_start3A, %dma_start3A_220] : memref<79x128xi32, #tpu.memory_space<vmem>> -> memref<1x128xi32, #tpu.memory_space<vmem>>
    %dma_start3A_222 = tpu.memref_squeeze %dma_start3A_221 : memref<1x128xi32, #tpu.memory_space<vmem>> -> memref<128xi32, #tpu.memory_space<vmem>>
    %dma_start3A_223 = arith.constant 0 : i32
    %dma_start3A_224 = arith.constant 0 : i32
    %dma_start3A_225 = tpu.memref_slice %arg2[%dma_start3A_223, %dma_start3A_224] : memref<20000x128xbf16, #tpu.memory_space<hbm>> -> memref<20000x128xbf16, #tpu.memory_space<hbm>>
    tpu.enqueue_indirect_dma source(%dma_start3A_225 : memref<20000x128xbf16, #tpu.memory_space<hbm>>) target(%arg9 : memref<128x128xbf16, #tpu.memory_space<vmem>>) offsets(%dma_start3A_222 : memref<128xi32, #tpu.memory_space<vmem>>) semaphore(%arg12 : memref<!tpu.dma_semaphore, #tpu.memory_space<semaphore_mem>>)
    %add3A_226 = arith.constant 0 : i32
    %add3A_227 = arith.addi %mul3A_219, %add3A_226 : i32
    %dma_start3A_228 = arith.constant 0 : i32
    %dma_start3A_229 = arith.constant 0 : i32
    %dma_start3A_230 = tpu.memref_slice %arg8[%dma_start3A_228, %dma_start3A_229] : memref<2x128xi32, #tpu.memory_space<vmem>> -> memref<1x128xi32, #tpu.memory_space<vmem>>
    %dma_start3A_231 = tpu.memref_squeeze %dma_start3A_230 : memref<1x128xi32, #tpu.memory_space<vmem>> -> memref<128xi32, #tpu.memory_space<vmem>>
    %dma_start3A_232 = arith.constant 0 : i32
    %dma_start3A_233 = tpu.memref_slice %arg4[%add3A_227, %dma_start3A_232] : memref<2528x128xi32, #tpu.memory_space<hbm>> -> memref<1x128xi32, #tpu.memory_space<hbm>>
    %dma_start3A_234 = tpu.memref_squeeze %dma_start3A_233 : memref<1x128xi32, #tpu.memory_space<hbm>> -> memref<128xi32, #tpu.memory_space<hbm>>
    %dma_start3A_235 = arith.constant 0 : i32
    %dma_start3A_236 = tpu.memref_slice %arg8[%dma_start3A_228, %dma_start3A_235] : memref<2x128xi32, #tpu.memory_space<vmem>> -> memref<1x128xi32, #tpu.memory_space<vmem>>
    %dma_start3A_237 = tpu.memref_squeeze %dma_start3A_236 : memref<1x128xi32, #tpu.memory_space<vmem>> -> memref<128xi32, #tpu.memory_space<vmem>>
    %dma_start3A_238 = arith.constant 0 : i32
    %dma_start3A_239 = tpu.memref_slice %arg4[%add3A_227, %dma_start3A_238] : memref<2528x128xi32, #tpu.memory_space<hbm>> -> memref<1x128xi32, #tpu.memory_space<hbm>>
    %dma_start3A_240 = tpu.memref_squeeze %dma_start3A_239 : memref<1x128xi32, #tpu.memory_space<hbm>> -> memref<128xi32, #tpu.memory_space<hbm>>
    tpu.enqueue_dma source(%dma_start3A_240 : memref<128xi32, #tpu.memory_space<hbm>>) target(%dma_start3A_237 : memref<128xi32, #tpu.memory_space<vmem>>) target_semaphore(%arg14 : memref<!tpu.dma_semaphore, #tpu.memory_space<semaphore_mem>>)
    %dma_start3A_241 = arith.constant 1 : i32
    %dma_start3A_242 = arith.constant 0 : i32
    %dma_start3A_243 = tpu.memref_slice %arg7[%dma_start3A_241, %dma_start3A_242] : memref<79x128xi32, #tpu.memory_space<vmem>> -> memref<1x128xi32, #tpu.memory_space<vmem>>
    %dma_start3A_244 = tpu.memref_squeeze %dma_start3A_243 : memref<1x128xi32, #tpu.memory_space<vmem>> -> memref<128xi32, #tpu.memory_space<vmem>>
    %dma_start3A_245 = arith.constant 0 : i32
    %dma_start3A_246 = arith.constant 0 : i32
    %dma_start3A_247 = tpu.memref_slice %arg2[%dma_start3A_245, %dma_start3A_246] : memref<20000x128xbf16, #tpu.memory_space<hbm>> -> memref<20000x128xbf16, #tpu.memory_space<hbm>>
    tpu.enqueue_indirect_dma source(%dma_start3A_247 : memref<20000x128xbf16, #tpu.memory_space<hbm>>) target(%arg10 : memref<128x128xbf16, #tpu.memory_space<vmem>>) offsets(%dma_start3A_244 : memref<128xi32, #tpu.memory_space<vmem>>) semaphore(%arg13 : memref<!tpu.dma_semaphore, #tpu.memory_space<semaphore_mem>>)
    %add3A_248 = arith.constant 1 : i32
    %add3A_249 = arith.addi %mul3A_219, %add3A_248 : i32
    %dma_start3A_250 = arith.constant 1 : i32
    %dma_start3A_251 = arith.constant 0 : i32
    %dma_start3A_252 = tpu.memref_slice %arg8[%dma_start3A_250, %dma_start3A_251] : memref<2x128xi32, #tpu.memory_space<vmem>> -> memref<1x128xi32, #tpu.memory_space<vmem>>
    %dma_start3A_253 = tpu.memref_squeeze %dma_start3A_252 : memref<1x128xi32, #tpu.memory_space<vmem>> -> memref<128xi32, #tpu.memory_space<vmem>>
    %dma_start3A_254 = arith.constant 0 : i32
    %dma_start3A_255 = tpu.memref_slice %arg4[%add3A_249, %dma_start3A_254] : memref<2528x128xi32, #tpu.memory_space<hbm>> -> memref<1x128xi32, #tpu.memory_space<hbm>>
    %dma_start3A_256 = tpu.memref_squeeze %dma_start3A_255 : memref<1x128xi32, #tpu.memory_space<hbm>> -> memref<128xi32, #tpu.memory_space<hbm>>
    %dma_start3A_257 = arith.constant 0 : i32
    %dma_start3A_258 = tpu.memref_slice %arg8[%dma_start3A_250, %dma_start3A_257] : memref<2x128xi32, #tpu.memory_space<vmem>> -> memref<1x128xi32, #tpu.memory_space<vmem>>
    %dma_start3A_259 = tpu.memref_squeeze %dma_start3A_258 : memref<1x128xi32, #tpu.memory_space<vmem>> -> memref<128xi32, #tpu.memory_space<vmem>>
    %dma_start3A_260 = arith.constant 0 : i32
    %dma_start3A_261 = tpu.memref_slice %arg4[%add3A_249, %dma_start3A_260] : memref<2528x128xi32, #tpu.memory_space<hbm>> -> memref<1x128xi32, #tpu.memory_space<hbm>>
    %dma_start3A_262 = tpu.memref_squeeze %dma_start3A_261 : memref<1x128xi32, #tpu.memory_space<hbm>> -> memref<128xi32, #tpu.memory_space<hbm>>
    tpu.enqueue_dma source(%dma_start3A_262 : memref<128xi32, #tpu.memory_space<hbm>>) target(%dma_start3A_259 : memref<128xi32, #tpu.memory_space<vmem>>) target_semaphore(%arg15 : memref<!tpu.dma_semaphore, #tpu.memory_space<semaphore_mem>>)
    %scan3A_263 = arith.constant 0 : i32
    %scan3A_264 = arith.constant 0 : i32
    %scan3A_265 = arith.constant 38 : i32
    %scan3A_266 = arith.addi %scan3A_264, %scan3A_265 : i32
    %scan3A_267 = arith.constant 1 : i32
    scf.for %scan3A_355 = %scan3A_264 to %scan3A_266 step %scan3A_267  : i32 {
      %mul3A_356 = arith.constant 2 : i32
      %mul3A_357 = arith.muli %scan3A_355, %mul3A_356 : i32
      %add3A_358 = arith.constant 0 : i32
      %add3A_359 = arith.addi %mul3A_357, %add3A_358 : i32
      %dma_wait3A_360 = arith.constant 0 : i32
      %dma_wait3A_361 = arith.constant 0 : i32
      %dma_wait3A_362 = tpu.memref_slice %arg2[%dma_wait3A_360, %dma_wait3A_361] : memref<20000x128xbf16, #tpu.memory_space<hbm>> -> memref<128x128xbf16, #tpu.memory_space<hbm>>
      %dma_wait3A_363 = arith.constant 0 : i32
      %dma_wait3A_364 = arith.constant 0 : i32
      %dma_wait3A_365 = tpu.memref_slice %arg2[%dma_wait3A_363, %dma_wait3A_364] : memref<20000x128xbf16, #tpu.memory_space<hbm>> -> memref<128x128xbf16, #tpu.memory_space<hbm>>
      tpu.wait_dma2 semaphore(%arg12 : memref<!tpu.dma_semaphore, #tpu.memory_space<semaphore_mem>>) src(%dma_wait3A_365 : memref<128x128xbf16, #tpu.memory_space<hbm>>) dst(%arg9 : memref<128x128xbf16, #tpu.memory_space<vmem>>)
      %dma_wait3A_366 = arith.constant 0 : i32
      %dma_wait3A_367 = arith.constant 0 : i32
      %dma_wait3A_368 = tpu.memref_slice %arg8[%dma_wait3A_366, %dma_wait3A_367] : memref<2x128xi32, #tpu.memory_space<vmem>> -> memref<1x128xi32, #tpu.memory_space<vmem>>
      %dma_wait3A_369 = tpu.memref_squeeze %dma_wait3A_368 : memref<1x128xi32, #tpu.memory_space<vmem>> -> memref<128xi32, #tpu.memory_space<vmem>>
      %dma_wait3A_370 = arith.constant 0 : i32
      %dma_wait3A_371 = tpu.memref_slice %arg4[%mul3A_219, %dma_wait3A_370] : memref<2528x128xi32, #tpu.memory_space<hbm>> -> memref<1x128xi32, #tpu.memory_space<hbm>>
      %dma_wait3A_372 = tpu.memref_squeeze %dma_wait3A_371 : memref<1x128xi32, #tpu.memory_space<hbm>> -> memref<128xi32, #tpu.memory_space<hbm>>
      %dma_wait3A_373 = arith.constant 0 : i32
      %dma_wait3A_374 = tpu.memref_slice %arg8[%dma_wait3A_366, %dma_wait3A_373] : memref<2x128xi32, #tpu.memory_space<vmem>> -> memref<1x128xi32, #tpu.memory_space<vmem>>
      %dma_wait3A_375 = tpu.memref_squeeze %dma_wait3A_374 : memref<1x128xi32, #tpu.memory_space<vmem>> -> memref<128xi32, #tpu.memory_space<vmem>>
      %dma_wait3A_376 = arith.constant 0 : i32
      %dma_wait3A_377 = tpu.memref_slice %arg4[%mul3A_219, %dma_wait3A_376] : memref<2528x128xi32, #tpu.memory_space<hbm>> -> memref<1x128xi32, #tpu.memory_space<hbm>>
      %dma_wait3A_378 = tpu.memref_squeeze %dma_wait3A_377 : memref<1x128xi32, #tpu.memory_space<hbm>> -> memref<128xi32, #tpu.memory_space<hbm>>
      tpu.wait_dma2 semaphore(%arg14 : memref<!tpu.dma_semaphore, #tpu.memory_space<semaphore_mem>>) src(%dma_wait3A_378 : memref<128xi32, #tpu.memory_space<hbm>>) dst(%dma_wait3A_375 : memref<128xi32, #tpu.memory_space<vmem>>)
      %run_scoped3A_379 = arith.constant 0 : i32
      "tpu.region"() ({
        %run_scoped3A_452 = tpu.sem_alloc : memref<!tpu.dma_semaphore, #tpu.memory_space<semaphore_mem>>
        %dma_start3A_453 = arith.constant 0 : i32
        %dma_start3A_454 = tpu.memref_slice %arg8[%run_scoped3A_379, %dma_start3A_453] : memref<2x128xi32, #tpu.memory_space<vmem>> -> memref<1x128xi32, #tpu.memory_space<vmem>>
        %dma_start3A_455 = tpu.memref_squeeze %dma_start3A_454 : memref<1x128xi32, #tpu.memory_space<vmem>> -> memref<128xi32, #tpu.memory_space<vmem>>
        %dma_start3A_456 = arith.constant 0 : i32
        %dma_start3A_457 = arith.constant 0 : i32
        %dma_start3A_458 = tpu.memref_slice %arg11[%dma_start3A_456, %dma_start3A_457] : memref<10240x128xbf16, #tpu.memory_space<vmem_shared>> -> memref<10240x128xbf16, #tpu.memory_space<vmem_shared>>
        tpu.enqueue_indirect_dma source(%arg9 : memref<128x128xbf16, #tpu.memory_space<vmem>>) target(%dma_start3A_458 : memref<10240x128xbf16, #tpu.memory_space<vmem_shared>>) offsets(%dma_start3A_455 : memref<128xi32, #tpu.memory_space<vmem>>) semaphore(%run_scoped3A_452 : memref<!tpu.dma_semaphore, #tpu.memory_space<semaphore_mem>>) {add = true}
        %dma_wait3A_459 = arith.constant 0 : i32
        %dma_wait3A_460 = tpu.memref_slice %arg8[%run_scoped3A_379, %dma_wait3A_459] : memref<2x128xi32, #tpu.memory_space<vmem>> -> memref<1x128xi32, #tpu.memory_space<vmem>>
        %dma_wait3A_461 = tpu.memref_squeeze %dma_wait3A_460 : memref<1x128xi32, #tpu.memory_space<vmem>> -> memref<128xi32, #tpu.memory_space<vmem>>
        %dma_wait3A_462 = arith.constant 0 : i32
        %dma_wait3A_463 = arith.constant 0 : i32
        %dma_wait3A_464 = tpu.memref_slice %arg11[%dma_wait3A_462, %dma_wait3A_463] : memref<10240x128xbf16, #tpu.memory_space<vmem_shared>> -> memref<10240x128xbf16, #tpu.memory_space<vmem_shared>>
        tpu.wait_indirect_dma semaphore(%run_scoped3A_452 : memref<!tpu.dma_semaphore, #tpu.memory_space<semaphore_mem>>) src(%arg9 : memref<128x128xbf16, #tpu.memory_space<vmem>>) dst(%dma_wait3A_464 : memref<10240x128xbf16, #tpu.memory_space<vmem_shared>>)
        tpu.yield
      }) : () -> ()
      %run_scoped3A_380 = arith.constant 0 : i32
      "tpu.region"() ({
        %run_scoped3A_452 = tpu.sem_alloc : memref<!tpu.dma_semaphore, #tpu.memory_space<semaphore_mem>>
        %dma_start3A_453 = arith.constant 0 : i32
        %dma_start3A_454 = tpu.memref_slice %arg8[%run_scoped3A_380, %dma_start3A_453] : memref<2x128xi32, #tpu.memory_space<vmem>> -> memref<1x128xi32, #tpu.memory_space<vmem>>
        %dma_start3A_455 = tpu.memref_squeeze %dma_start3A_454 : memref<1x128xi32, #tpu.memory_space<vmem>> -> memref<128xi32, #tpu.memory_space<vmem>>
        %dma_start3A_456 = arith.constant 0 : i32
        %dma_start3A_457 = tpu.memref_slice %arg18[%dma_start3A_456] : memref<10240xf32, #tpu.memory_space<vmem_shared>> -> memref<10240xf32, #tpu.memory_space<vmem_shared>>
        tpu.enqueue_indirect_dma source(%arg16 : memref<128xf32, #tpu.memory_space<vmem>>) target(%dma_start3A_457 : memref<10240xf32, #tpu.memory_space<vmem_shared>>) offsets(%dma_start3A_455 : memref<128xi32, #tpu.memory_space<vmem>>) semaphore(%run_scoped3A_452 : memref<!tpu.dma_semaphore, #tpu.memory_space<semaphore_mem>>) {add = true}
        %dma_wait3A_458 = arith.constant 0 : i32
        %dma_wait3A_459 = tpu.memref_slice %arg8[%run_scoped3A_380, %dma_wait3A_458] : memref<2x128xi32, #tpu.memory_space<vmem>> -> memref<1x128xi32, #tpu.memory_space<vmem>>
        %dma_wait3A_460 = tpu.memref_squeeze %dma_wait3A_459 : memref<1x128xi32, #tpu.memory_space<vmem>> -> memref<128xi32, #tpu.memory_space<vmem>>
        %dma_wait3A_461 = arith.constant 0 : i32
        %dma_wait3A_462 = tpu.memref_slice %arg18[%dma_wait3A_461] : memref<10240xf32, #tpu.memory_space<vmem_shared>> -> memref<10240xf32, #tpu.memory_space<vmem_shared>>
        tpu.wait_indirect_dma semaphore(%run_scoped3A_452 : memref<!tpu.dma_semaphore, #tpu.memory_space<semaphore_mem>>) src(%arg16 : memref<128xf32, #tpu.memory_space<vmem>>) dst(%dma_wait3A_462 : memref<10240xf32, #tpu.memory_space<vmem_shared>>)
        tpu.yield
      }) : () -> ()
      %add3A_381 = arith.constant 2 : i32
      %add3A_382 = arith.addi %add3A_359, %add3A_381 : i32
      %dma_start3A_383 = arith.constant 0 : i32
      %dma_start3A_384 = tpu.memref_slice %arg7[%add3A_382, %dma_start3A_383] : memref<79x128xi32, #tpu.memory_space<vmem>> -> memref<1x128xi32, #tpu.memory_space<vmem>>
      %dma_start3A_385 = tpu.memref_squeeze %dma_start3A_384 : memref<1x128xi32, #tpu.memory_space<vmem>> -> memref<128xi32, #tpu.memory_space<vmem>>
      %dma_start3A_386 = arith.constant 0 : i32
      %dma_start3A_387 = arith.constant 0 : i32
      %dma_start3A_388 = tpu.memref_slice %arg2[%dma_start3A_386, %dma_start3A_387] : memref<20000x128xbf16, #tpu.memory_space<hbm>> -> memref<20000x128xbf16, #tpu.memory_space<hbm>>
      tpu.enqueue_indirect_dma source(%dma_start3A_388 : memref<20000x128xbf16, #tpu.memory_space<hbm>>) target(%arg9 : memref<128x128xbf16, #tpu.memory_space<vmem>>) offsets(%dma_start3A_385 : memref<128xi32, #tpu.memory_space<vmem>>) semaphore(%arg12 : memref<!tpu.dma_semaphore, #tpu.memory_space<semaphore_mem>>)
      %add3A_389 = arith.addi %mul3A_219, %add3A_359 : i32
      %add3A_390 = arith.constant 2 : i32
      %add3A_391 = arith.addi %add3A_389, %add3A_390 : i32
      %dma_start3A_392 = arith.constant 0 : i32
      %dma_start3A_393 = arith.constant 0 : i32
      %dma_start3A_394 = tpu.memref_slice %arg8[%dma_start3A_392, %dma_start3A_393] : memref<2x128xi32, #tpu.memory_space<vmem>> -> memref<1x128xi32, #tpu.memory_space<vmem>>
      %dma_start3A_395 = tpu.memref_squeeze %dma_start3A_394 : memref<1x128xi32, #tpu.memory_space<vmem>> -> memref<128xi32, #tpu.memory_space<vmem>>
      %dma_start3A_396 = arith.constant 0 : i32
      %dma_start3A_397 = tpu.memref_slice %arg4[%add3A_391, %dma_start3A_396] : memref<2528x128xi32, #tpu.memory_space<hbm>> -> memref<1x128xi32, #tpu.memory_space<hbm>>
      %dma_start3A_398 = tpu.memref_squeeze %dma_start3A_397 : memref<1x128xi32, #tpu.memory_space<hbm>> -> memref<128xi32, #tpu.memory_space<hbm>>
      %dma_start3A_399 = arith.constant 0 : i32
      %dma_start3A_400 = tpu.memref_slice %arg8[%dma_start3A_392, %dma_start3A_399] : memref<2x128xi32, #tpu.memory_space<vmem>> -> memref<1x128xi32, #tpu.memory_space<vmem>>
      %dma_start3A_401 = tpu.memref_squeeze %dma_start3A_400 : memref<1x128xi32, #tpu.memory_space<vmem>> -> memref<128xi32, #tpu.memory_space<vmem>>
      %dma_start3A_402 = arith.constant 0 : i32
      %dma_start3A_403 = tpu.memref_slice %arg4[%add3A_391, %dma_start3A_402] : memref<2528x128xi32, #tpu.memory_space<hbm>> -> memref<1x128xi32, #tpu.memory_space<hbm>>
      %dma_start3A_404 = tpu.memref_squeeze %dma_start3A_403 : memref<1x128xi32, #tpu.memory_space<hbm>> -> memref<128xi32, #tpu.memory_space<hbm>>
      tpu.enqueue_dma source(%dma_start3A_404 : memref<128xi32, #tpu.memory_space<hbm>>) target(%dma_start3A_401 : memref<128xi32, #tpu.memory_space<vmem>>) target_semaphore(%arg14 : memref<!tpu.dma_semaphore, #tpu.memory_space<semaphore_mem>>)
      %add3A_405 = arith.constant 1 : i32
      %add3A_406 = arith.addi %mul3A_357, %add3A_405 : i32
      %dma_wait3A_407 = arith.constant 0 : i32
      %dma_wait3A_408 = arith.constant 0 : i32
      %dma_wait3A_409 = tpu.memref_slice %arg2[%dma_wait3A_407, %dma_wait3A_408] : memref<20000x128xbf16, #tpu.memory_space<hbm>> -> memref<128x128xbf16, #tpu.memory_space<hbm>>
      %dma_wait3A_410 = arith.constant 0 : i32
      %dma_wait3A_411 = arith.constant 0 : i32
      %dma_wait3A_412 = tpu.memref_slice %arg2[%dma_wait3A_410, %dma_wait3A_411] : memref<20000x128xbf16, #tpu.memory_space<hbm>> -> memref<128x128xbf16, #tpu.memory_space<hbm>>
      tpu.wait_dma2 semaphore(%arg13 : memref<!tpu.dma_semaphore, #tpu.memory_space<semaphore_mem>>) src(%dma_wait3A_412 : memref<128x128xbf16, #tpu.memory_space<hbm>>) dst(%arg10 : memref<128x128xbf16, #tpu.memory_space<vmem>>)
      %dma_wait3A_413 = arith.constant 1 : i32
      %dma_wait3A_414 = arith.constant 0 : i32
      %dma_wait3A_415 = tpu.memref_slice %arg8[%dma_wait3A_413, %dma_wait3A_414] : memref<2x128xi32, #tpu.memory_space<vmem>> -> memref<1x128xi32, #tpu.memory_space<vmem>>
      %dma_wait3A_416 = tpu.memref_squeeze %dma_wait3A_415 : memref<1x128xi32, #tpu.memory_space<vmem>> -> memref<128xi32, #tpu.memory_space<vmem>>
      %dma_wait3A_417 = arith.constant 0 : i32
      %dma_wait3A_418 = tpu.memref_slice %arg4[%mul3A_219, %dma_wait3A_417] : memref<2528x128xi32, #tpu.memory_space<hbm>> -> memref<1x128xi32, #tpu.memory_space<hbm>>
      %dma_wait3A_419 = tpu.memref_squeeze %dma_wait3A_418 : memref<1x128xi32, #tpu.memory_space<hbm>> -> memref<128xi32, #tpu.memory_space<hbm>>
      %dma_wait3A_420 = arith.constant 0 : i32
      %dma_wait3A_421 = tpu.memref_slice %arg8[%dma_wait3A_413, %dma_wait3A_420] : memref<2x128xi32, #tpu.memory_space<vmem>> -> memref<1x128xi32, #tpu.memory_space<vmem>>
      %dma_wait3A_422 = tpu.memref_squeeze %dma_wait3A_421 : memref<1x128xi32, #tpu.memory_space<vmem>> -> memref<128xi32, #tpu.memory_space<vmem>>
      %dma_wait3A_423 = arith.constant 0 : i32
      %dma_wait3A_424 = tpu.memref_slice %arg4[%mul3A_219, %dma_wait3A_423] : memref<2528x128xi32, #tpu.memory_space<hbm>> -> memref<1x128xi32, #tpu.memory_space<hbm>>
      %dma_wait3A_425 = tpu.memref_squeeze %dma_wait3A_424 : memref<1x128xi32, #tpu.memory_space<hbm>> -> memref<128xi32, #tpu.memory_space<hbm>>
      tpu.wait_dma2 semaphore(%arg15 : memref<!tpu.dma_semaphore, #tpu.memory_space<semaphore_mem>>) src(%dma_wait3A_425 : memref<128xi32, #tpu.memory_space<hbm>>) dst(%dma_wait3A_422 : memref<128xi32, #tpu.memory_space<vmem>>)
      %run_scoped3A_426 = arith.constant 1 : i32
      "tpu.region"() ({
        %run_scoped3A_452 = tpu.sem_alloc : memref<!tpu.dma_semaphore, #tpu.memory_space<semaphore_mem>>
        %dma_start3A_453 = arith.constant 0 : i32
        %dma_start3A_454 = tpu.memref_slice %arg8[%run_scoped3A_426, %dma_start3A_453] : memref<2x128xi32, #tpu.memory_space<vmem>> -> memref<1x128xi32, #tpu.memory_space<vmem>>
        %dma_start3A_455 = tpu.memref_squeeze %dma_start3A_454 : memref<1x128xi32, #tpu.memory_space<vmem>> -> memref<128xi32, #tpu.memory_space<vmem>>
        %dma_start3A_456 = arith.constant 0 : i32
        %dma_start3A_457 = arith.constant 0 : i32
        %dma_start3A_458 = tpu.memref_slice %arg11[%dma_start3A_456, %dma_start3A_457] : memref<10240x128xbf16, #tpu.memory_space<vmem_shared>> -> memref<10240x128xbf16, #tpu.memory_space<vmem_shared>>
        tpu.enqueue_indirect_dma source(%arg10 : memref<128x128xbf16, #tpu.memory_space<vmem>>) target(%dma_start3A_458 : memref<10240x128xbf16, #tpu.memory_space<vmem_shared>>) offsets(%dma_start3A_455 : memref<128xi32, #tpu.memory_space<vmem>>) semaphore(%run_scoped3A_452 : memref<!tpu.dma_semaphore, #tpu.memory_space<semaphore_mem>>) {add = true}
        %dma_wait3A_459 = arith.constant 0 : i32
        %dma_wait3A_460 = tpu.memref_slice %arg8[%run_scoped3A_426, %dma_wait3A_459] : memref<2x128xi32, #tpu.memory_space<vmem>> -> memref<1x128xi32, #tpu.memory_space<vmem>>
        %dma_wait3A_461 = tpu.memref_squeeze %dma_wait3A_460 : memref<1x128xi32, #tpu.memory_space<vmem>> -> memref<128xi32, #tpu.memory_space<vmem>>
        %dma_wait3A_462 = arith.constant 0 : i32
        %dma_wait3A_463 = arith.constant 0 : i32
        %dma_wait3A_464 = tpu.memref_slice %arg11[%dma_wait3A_462, %dma_wait3A_463] : memref<10240x128xbf16, #tpu.memory_space<vmem_shared>> -> memref<10240x128xbf16, #tpu.memory_space<vmem_shared>>
        tpu.wait_indirect_dma semaphore(%run_scoped3A_452 : memref<!tpu.dma_semaphore, #tpu.memory_space<semaphore_mem>>) src(%arg10 : memref<128x128xbf16, #tpu.memory_space<vmem>>) dst(%dma_wait3A_464 : memref<10240x128xbf16, #tpu.memory_space<vmem_shared>>)
        tpu.yield
      }) : () -> ()
      %run_scoped3A_427 = arith.constant 1 : i32
      "tpu.region"() ({
        %run_scoped3A_452 = tpu.sem_alloc : memref<!tpu.dma_semaphore, #tpu.memory_space<semaphore_mem>>
        %dma_start3A_453 = arith.constant 0 : i32
        %dma_start3A_454 = tpu.memref_slice %arg8[%run_scoped3A_427, %dma_start3A_453] : memref<2x128xi32, #tpu.memory_space<vmem>> -> memref<1x128xi32, #tpu.memory_space<vmem>>
        %dma_start3A_455 = tpu.memref_squeeze %dma_start3A_454 : memref<1x128xi32, #tpu.memory_space<vmem>> -> memref<128xi32, #tpu.memory_space<vmem>>
        %dma_start3A_456 = arith.constant 0 : i32
        %dma_start3A_457 = tpu.memref_slice %arg18[%dma_start3A_456] : memref<10240xf32, #tpu.memory_space<vmem_shared>> -> memref<10240xf32, #tpu.memory_space<vmem_shared>>
        tpu.enqueue_indirect_dma source(%arg16 : memref<128xf32, #tpu.memory_space<vmem>>) target(%dma_start3A_457 : memref<10240xf32, #tpu.memory_space<vmem_shared>>) offsets(%dma_start3A_455 : memref<128xi32, #tpu.memory_space<vmem>>) semaphore(%run_scoped3A_452 : memref<!tpu.dma_semaphore, #tpu.memory_space<semaphore_mem>>) {add = true}
        %dma_wait3A_458 = arith.constant 0 : i32
        %dma_wait3A_459 = tpu.memref_slice %arg8[%run_scoped3A_427, %dma_wait3A_458] : memref<2x128xi32, #tpu.memory_space<vmem>> -> memref<1x128xi32, #tpu.memory_space<vmem>>
        %dma_wait3A_460 = tpu.memref_squeeze %dma_wait3A_459 : memref<1x128xi32, #tpu.memory_space<vmem>> -> memref<128xi32, #tpu.memory_space<vmem>>
        %dma_wait3A_461 = arith.constant 0 : i32
        %dma_wait3A_462 = tpu.memref_slice %arg18[%dma_wait3A_461] : memref<10240xf32, #tpu.memory_space<vmem_shared>> -> memref<10240xf32, #tpu.memory_space<vmem_shared>>
        tpu.wait_indirect_dma semaphore(%run_scoped3A_452 : memref<!tpu.dma_semaphore, #tpu.memory_space<semaphore_mem>>) src(%arg16 : memref<128xf32, #tpu.memory_space<vmem>>) dst(%dma_wait3A_462 : memref<10240xf32, #tpu.memory_space<vmem_shared>>)
        tpu.yield
      }) : () -> ()
      %add3A_428 = arith.constant 2 : i32
      %add3A_429 = arith.addi %add3A_406, %add3A_428 : i32
      %dma_start3A_430 = arith.constant 0 : i32
      %dma_start3A_431 = tpu.memref_slice %arg7[%add3A_429, %dma_start3A_430] : memref<79x128xi32, #tpu.memory_space<vmem>> -> memref<1x128xi32, #tpu.memory_space<vmem>>
      %dma_start3A_432 = tpu.memref_squeeze %dma_start3A_431 : memref<1x128xi32, #tpu.memory_space<vmem>> -> memref<128xi32, #tpu.memory_space<vmem>>
      %dma_start3A_433 = arith.constant 0 : i32
      %dma_start3A_434 = arith.constant 0 : i32
      %dma_start3A_435 = tpu.memref_slice %arg2[%dma_start3A_433, %dma_start3A_434] : memref<20000x128xbf16, #tpu.memory_space<hbm>> -> memref<20000x128xbf16, #tpu.memory_space<hbm>>
      tpu.enqueue_indirect_dma source(%dma_start3A_435 : memref<20000x128xbf16, #tpu.memory_space<hbm>>) target(%arg10 : memref<128x128xbf16, #tpu.memory_space<vmem>>) offsets(%dma_start3A_432 : memref<128xi32, #tpu.memory_space<vmem>>) semaphore(%arg13 : memref<!tpu.dma_semaphore, #tpu.memory_space<semaphore_mem>>)
      %add3A_436 = arith.addi %mul3A_219, %add3A_406 : i32
      %add3A_437 = arith.constant 2 : i32
      %add3A_438 = arith.addi %add3A_436, %add3A_437 : i32
      %dma_start3A_439 = arith.constant 1 : i32
      %dma_start3A_440 = arith.constant 0 : i32
      %dma_start3A_441 = tpu.memref_slice %arg8[%dma_start3A_439, %dma_start3A_440] : memref<2x128xi32, #tpu.memory_space<vmem>> -> memref<1x128xi32, #tpu.memory_space<vmem>>
      %dma_start3A_442 = tpu.memref_squeeze %dma_start3A_441 : memref<1x128xi32, #tpu.memory_space<vmem>> -> memref<128xi32, #tpu.memory_space<vmem>>
      %dma_start3A_443 = arith.constant 0 : i32
      %dma_start3A_444 = tpu.memref_slice %arg4[%add3A_438, %dma_start3A_443] : memref<2528x128xi32, #tpu.memory_space<hbm>> -> memref<1x128xi32, #tpu.memory_space<hbm>>
      %dma_start3A_445 = tpu.memref_squeeze %dma_start3A_444 : memref<1x128xi32, #tpu.memory_space<hbm>> -> memref<128xi32, #tpu.memory_space<hbm>>
      %dma_start3A_446 = arith.constant 0 : i32
      %dma_start3A_447 = tpu.memref_slice %arg8[%dma_start3A_439, %dma_start3A_446] : memref<2x128xi32, #tpu.memory_space<vmem>> -> memref<1x128xi32, #tpu.memory_space<vmem>>
      %dma_start3A_448 = tpu.memref_squeeze %dma_start3A_447 : memref<1x128xi32, #tpu.memory_space<vmem>> -> memref<128xi32, #tpu.memory_space<vmem>>
      %dma_start3A_449 = arith.constant 0 : i32
      %dma_start3A_450 = tpu.memref_slice %arg4[%add3A_438, %dma_start3A_449] : memref<2528x128xi32, #tpu.memory_space<hbm>> -> memref<1x128xi32, #tpu.memory_space<hbm>>
      %dma_start3A_451 = tpu.memref_squeeze %dma_start3A_450 : memref<1x128xi32, #tpu.memory_space<hbm>> -> memref<128xi32, #tpu.memory_space<hbm>>
      tpu.enqueue_dma source(%dma_start3A_451 : memref<128xi32, #tpu.memory_space<hbm>>) target(%dma_start3A_448 : memref<128xi32, #tpu.memory_space<vmem>>) target_semaphore(%arg15 : memref<!tpu.dma_semaphore, #tpu.memory_space<semaphore_mem>>)
    }
    %scan3A_268 = arith.constant 38 : i32
    %dma_wait3A = arith.constant 0 : i32
    %dma_wait3A_269 = arith.constant 0 : i32
    %dma_wait3A_270 = tpu.memref_slice %arg2[%dma_wait3A, %dma_wait3A_269] : memref<20000x128xbf16, #tpu.memory_space<hbm>> -> memref<128x128xbf16, #tpu.memory_space<hbm>>
    %dma_wait3A_271 = arith.constant 0 : i32
    %dma_wait3A_272 = arith.constant 0 : i32
    %dma_wait3A_273 = tpu.memref_slice %arg2[%dma_wait3A_271, %dma_wait3A_272] : memref<20000x128xbf16, #tpu.memory_space<hbm>> -> memref<128x128xbf16, #tpu.memory_space<hbm>>
    tpu.wait_dma2 semaphore(%arg12 : memref<!tpu.dma_semaphore, #tpu.memory_space<semaphore_mem>>) src(%dma_wait3A_273 : memref<128x128xbf16, #tpu.memory_space<hbm>>) dst(%arg9 : memref<128x128xbf16, #tpu.memory_space<vmem>>)
    %dma_wait3A_274 = arith.constant 0 : i32
    %dma_wait3A_275 = arith.constant 0 : i32
    %dma_wait3A_276 = tpu.memref_slice %arg8[%dma_wait3A_274, %dma_wait3A_275] : memref<2x128xi32, #tpu.memory_space<vmem>> -> memref<1x128xi32, #tpu.memory_space<vmem>>
    %dma_wait3A_277 = tpu.memref_squeeze %dma_wait3A_276 : memref<1x128xi32, #tpu.memory_space<vmem>> -> memref<128xi32, #tpu.memory_space<vmem>>
    %dma_wait3A_278 = arith.constant 0 : i32
    %dma_wait3A_279 = tpu.memref_slice %arg4[%mul3A_219, %dma_wait3A_278] : memref<2528x128xi32, #tpu.memory_space<hbm>> -> memref<1x128xi32, #tpu.memory_space<hbm>>
    %dma_wait3A_280 = tpu.memref_squeeze %dma_wait3A_279 : memref<1x128xi32, #tpu.memory_space<hbm>> -> memref<128xi32, #tpu.memory_space<hbm>>
    %dma_wait3A_281 = arith.constant 0 : i32
    %dma_wait3A_282 = tpu.memref_slice %arg8[%dma_wait3A_274, %dma_wait3A_281] : memref<2x128xi32, #tpu.memory_space<vmem>> -> memref<1x128xi32, #tpu.memory_space<vmem>>
    %dma_wait3A_283 = tpu.memref_squeeze %dma_wait3A_282 : memref<1x128xi32, #tpu.memory_space<vmem>> -> memref<128xi32, #tpu.memory_space<vmem>>
    %dma_wait3A_284 = arith.constant 0 : i32
    %dma_wait3A_285 = tpu.memref_slice %arg4[%mul3A_219, %dma_wait3A_284] : memref<2528x128xi32, #tpu.memory_space<hbm>> -> memref<1x128xi32, #tpu.memory_space<hbm>>
    %dma_wait3A_286 = tpu.memref_squeeze %dma_wait3A_285 : memref<1x128xi32, #tpu.memory_space<hbm>> -> memref<128xi32, #tpu.memory_space<hbm>>
    tpu.wait_dma2 semaphore(%arg14 : memref<!tpu.dma_semaphore, #tpu.memory_space<semaphore_mem>>) src(%dma_wait3A_286 : memref<128xi32, #tpu.memory_space<hbm>>) dst(%dma_wait3A_283 : memref<128xi32, #tpu.memory_space<vmem>>)
    %run_scoped3A = arith.constant 0 : i32
    "tpu.region"() ({
      %run_scoped3A_355 = tpu.sem_alloc : memref<!tpu.dma_semaphore, #tpu.memory_space<semaphore_mem>>
      %dma_start3A_356 = arith.constant 0 : i32
      %dma_start3A_357 = tpu.memref_slice %arg8[%run_scoped3A, %dma_start3A_356] : memref<2x128xi32, #tpu.memory_space<vmem>> -> memref<1x128xi32, #tpu.memory_space<vmem>>
      %dma_start3A_358 = tpu.memref_squeeze %dma_start3A_357 : memref<1x128xi32, #tpu.memory_space<vmem>> -> memref<128xi32, #tpu.memory_space<vmem>>
      %dma_start3A_359 = arith.constant 0 : i32
      %dma_start3A_360 = arith.constant 0 : i32
      %dma_start3A_361 = tpu.memref_slice %arg11[%dma_start3A_359, %dma_start3A_360] : memref<10240x128xbf16, #tpu.memory_space<vmem_shared>> -> memref<10240x128xbf16, #tpu.memory_space<vmem_shared>>
      tpu.enqueue_indirect_dma source(%arg9 : memref<128x128xbf16, #tpu.memory_space<vmem>>) target(%dma_start3A_361 : memref<10240x128xbf16, #tpu.memory_space<vmem_shared>>) offsets(%dma_start3A_358 : memref<128xi32, #tpu.memory_space<vmem>>) semaphore(%run_scoped3A_355 : memref<!tpu.dma_semaphore, #tpu.memory_space<semaphore_mem>>) {add = true}
      %dma_wait3A_362 = arith.constant 0 : i32
      %dma_wait3A_363 = tpu.memref_slice %arg8[%run_scoped3A, %dma_wait3A_362] : memref<2x128xi32, #tpu.memory_space<vmem>> -> memref<1x128xi32, #tpu.memory_space<vmem>>
      %dma_wait3A_364 = tpu.memref_squeeze %dma_wait3A_363 : memref<1x128xi32, #tpu.memory_space<vmem>> -> memref<128xi32, #tpu.memory_space<vmem>>
      %dma_wait3A_365 = arith.constant 0 : i32
      %dma_wait3A_366 = arith.constant 0 : i32
      %dma_wait3A_367 = tpu.memref_slice %arg11[%dma_wait3A_365, %dma_wait3A_366] : memref<10240x128xbf16, #tpu.memory_space<vmem_shared>> -> memref<10240x128xbf16, #tpu.memory_space<vmem_shared>>
      tpu.wait_indirect_dma semaphore(%run_scoped3A_355 : memref<!tpu.dma_semaphore, #tpu.memory_space<semaphore_mem>>) src(%arg9 : memref<128x128xbf16, #tpu.memory_space<vmem>>) dst(%dma_wait3A_367 : memref<10240x128xbf16, #tpu.memory_space<vmem_shared>>)
      tpu.yield
    }) : () -> ()
    %run_scoped3A_287 = arith.constant 0 : i32
    "tpu.region"() ({
      %run_scoped3A_355 = tpu.sem_alloc : memref<!tpu.dma_semaphore, #tpu.memory_space<semaphore_mem>>
      %dma_start3A_356 = arith.constant 0 : i32
      %dma_start3A_357 = tpu.memref_slice %arg8[%run_scoped3A_287, %dma_start3A_356] : memref<2x128xi32, #tpu.memory_space<vmem>> -> memref<1x128xi32, #tpu.memory_space<vmem>>
      %dma_start3A_358 = tpu.memref_squeeze %dma_start3A_357 : memref<1x128xi32, #tpu.memory_space<vmem>> -> memref<128xi32, #tpu.memory_space<vmem>>
      %dma_start3A_359 = arith.constant 0 : i32
      %dma_start3A_360 = tpu.memref_slice %arg18[%dma_start3A_359] : memref<10240xf32, #tpu.memory_space<vmem_shared>> -> memref<10240xf32, #tpu.memory_space<vmem_shared>>
      tpu.enqueue_indirect_dma source(%arg16 : memref<128xf32, #tpu.memory_space<vmem>>) target(%dma_start3A_360 : memref<10240xf32, #tpu.memory_space<vmem_shared>>) offsets(%dma_start3A_358 : memref<128xi32, #tpu.memory_space<vmem>>) semaphore(%run_scoped3A_355 : memref<!tpu.dma_semaphore, #tpu.memory_space<semaphore_mem>>) {add = true}
      %dma_wait3A_361 = arith.constant 0 : i32
      %dma_wait3A_362 = tpu.memref_slice %arg8[%run_scoped3A_287, %dma_wait3A_361] : memref<2x128xi32, #tpu.memory_space<vmem>> -> memref<1x128xi32, #tpu.memory_space<vmem>>
      %dma_wait3A_363 = tpu.memref_squeeze %dma_wait3A_362 : memref<1x128xi32, #tpu.memory_space<vmem>> -> memref<128xi32, #tpu.memory_space<vmem>>
      %dma_wait3A_364 = arith.constant 0 : i32
      %dma_wait3A_365 = tpu.memref_slice %arg18[%dma_wait3A_364] : memref<10240xf32, #tpu.memory_space<vmem_shared>> -> memref<10240xf32, #tpu.memory_space<vmem_shared>>
      tpu.wait_indirect_dma semaphore(%run_scoped3A_355 : memref<!tpu.dma_semaphore, #tpu.memory_space<semaphore_mem>>) src(%arg16 : memref<128xf32, #tpu.memory_space<vmem>>) dst(%dma_wait3A_365 : memref<10240xf32, #tpu.memory_space<vmem_shared>>)
      tpu.yield
    }) : () -> ()
    %dma_start3A_288 = arith.constant 78 : i32
    %dma_start3A_289 = arith.constant 0 : i32
    %dma_start3A_290 = tpu.memref_slice %arg7[%dma_start3A_288, %dma_start3A_289] : memref<79x128xi32, #tpu.memory_space<vmem>> -> memref<1x128xi32, #tpu.memory_space<vmem>>
    %dma_start3A_291 = tpu.memref_squeeze %dma_start3A_290 : memref<1x128xi32, #tpu.memory_space<vmem>> -> memref<128xi32, #tpu.memory_space<vmem>>
    %dma_start3A_292 = arith.constant 0 : i32
    %dma_start3A_293 = arith.constant 0 : i32
    %dma_start3A_294 = tpu.memref_slice %arg2[%dma_start3A_292, %dma_start3A_293] : memref<20000x128xbf16, #tpu.memory_space<hbm>> -> memref<20000x128xbf16, #tpu.memory_space<hbm>>
    tpu.enqueue_indirect_dma source(%dma_start3A_294 : memref<20000x128xbf16, #tpu.memory_space<hbm>>) target(%arg9 : memref<128x128xbf16, #tpu.memory_space<vmem>>) offsets(%dma_start3A_291 : memref<128xi32, #tpu.memory_space<vmem>>) semaphore(%arg12 : memref<!tpu.dma_semaphore, #tpu.memory_space<semaphore_mem>>)
    %add3A_295 = arith.constant 76 : i32
    %add3A_296 = arith.addi %mul3A_219, %add3A_295 : i32
    %add3A_297 = arith.constant 2 : i32
    %add3A_298 = arith.addi %add3A_296, %add3A_297 : i32
    %dma_start3A_299 = arith.constant 0 : i32
    %dma_start3A_300 = arith.constant 0 : i32
    %dma_start3A_301 = tpu.memref_slice %arg8[%dma_start3A_299, %dma_start3A_300] : memref<2x128xi32, #tpu.memory_space<vmem>> -> memref<1x128xi32, #tpu.memory_space<vmem>>
    %dma_start3A_302 = tpu.memref_squeeze %dma_start3A_301 : memref<1x128xi32, #tpu.memory_space<vmem>> -> memref<128xi32, #tpu.memory_space<vmem>>
    %dma_start3A_303 = arith.constant 0 : i32
    %dma_start3A_304 = tpu.memref_slice %arg4[%add3A_298, %dma_start3A_303] : memref<2528x128xi32, #tpu.memory_space<hbm>> -> memref<1x128xi32, #tpu.memory_space<hbm>>
    %dma_start3A_305 = tpu.memref_squeeze %dma_start3A_304 : memref<1x128xi32, #tpu.memory_space<hbm>> -> memref<128xi32, #tpu.memory_space<hbm>>
    %dma_start3A_306 = arith.constant 0 : i32
    %dma_start3A_307 = tpu.memref_slice %arg8[%dma_start3A_299, %dma_start3A_306] : memref<2x128xi32, #tpu.memory_space<vmem>> -> memref<1x128xi32, #tpu.memory_space<vmem>>
    %dma_start3A_308 = tpu.memref_squeeze %dma_start3A_307 : memref<1x128xi32, #tpu.memory_space<vmem>> -> memref<128xi32, #tpu.memory_space<vmem>>
    %dma_start3A_309 = arith.constant 0 : i32
    %dma_start3A_310 = tpu.memref_slice %arg4[%add3A_298, %dma_start3A_309] : memref<2528x128xi32, #tpu.memory_space<hbm>> -> memref<1x128xi32, #tpu.memory_space<hbm>>
    %dma_start3A_311 = tpu.memref_squeeze %dma_start3A_310 : memref<1x128xi32, #tpu.memory_space<hbm>> -> memref<128xi32, #tpu.memory_space<hbm>>
    tpu.enqueue_dma source(%dma_start3A_311 : memref<128xi32, #tpu.memory_space<hbm>>) target(%dma_start3A_308 : memref<128xi32, #tpu.memory_space<vmem>>) target_semaphore(%arg14 : memref<!tpu.dma_semaphore, #tpu.memory_space<semaphore_mem>>)
    %dma_wait3A_312 = arith.constant 0 : i32
    %dma_wait3A_313 = arith.constant 0 : i32
    %dma_wait3A_314 = tpu.memref_slice %arg2[%dma_wait3A_312, %dma_wait3A_313] : memref<20000x128xbf16, #tpu.memory_space<hbm>> -> memref<128x128xbf16, #tpu.memory_space<hbm>>
    %dma_wait3A_315 = arith.constant 0 : i32
    %dma_wait3A_316 = arith.constant 0 : i32
    %dma_wait3A_317 = tpu.memref_slice %arg2[%dma_wait3A_315, %dma_wait3A_316] : memref<20000x128xbf16, #tpu.memory_space<hbm>> -> memref<128x128xbf16, #tpu.memory_space<hbm>>
    tpu.wait_dma2 semaphore(%arg13 : memref<!tpu.dma_semaphore, #tpu.memory_space<semaphore_mem>>) src(%dma_wait3A_317 : memref<128x128xbf16, #tpu.memory_space<hbm>>) dst(%arg10 : memref<128x128xbf16, #tpu.memory_space<vmem>>)
    %dma_wait3A_318 = arith.constant 1 : i32
    %dma_wait3A_319 = arith.constant 0 : i32
    %dma_wait3A_320 = tpu.memref_slice %arg8[%dma_wait3A_318, %dma_wait3A_319] : memref<2x128xi32, #tpu.memory_space<vmem>> -> memref<1x128xi32, #tpu.memory_space<vmem>>
    %dma_wait3A_321 = tpu.memref_squeeze %dma_wait3A_320 : memref<1x128xi32, #tpu.memory_space<vmem>> -> memref<128xi32, #tpu.memory_space<vmem>>
    %dma_wait3A_322 = arith.constant 0 : i32
    %dma_wait3A_323 = tpu.memref_slice %arg4[%mul3A_219, %dma_wait3A_322] : memref<2528x128xi32, #tpu.memory_space<hbm>> -> memref<1x128xi32, #tpu.memory_space<hbm>>
    %dma_wait3A_324 = tpu.memref_squeeze %dma_wait3A_323 : memref<1x128xi32, #tpu.memory_space<hbm>> -> memref<128xi32, #tpu.memory_space<hbm>>
    %dma_wait3A_325 = arith.constant 0 : i32
    %dma_wait3A_326 = tpu.memref_slice %arg8[%dma_wait3A_318, %dma_wait3A_325] : memref<2x128xi32, #tpu.memory_space<vmem>> -> memref<1x128xi32, #tpu.memory_space<vmem>>
    %dma_wait3A_327 = tpu.memref_squeeze %dma_wait3A_326 : memref<1x128xi32, #tpu.memory_space<vmem>> -> memref<128xi32, #tpu.memory_space<vmem>>
    %dma_wait3A_328 = arith.constant 0 : i32
    %dma_wait3A_329 = tpu.memref_slice %arg4[%mul3A_219, %dma_wait3A_328] : memref<2528x128xi32, #tpu.memory_space<hbm>> -> memref<1x128xi32, #tpu.memory_space<hbm>>
    %dma_wait3A_330 = tpu.memref_squeeze %dma_wait3A_329 : memref<1x128xi32, #tpu.memory_space<hbm>> -> memref<128xi32, #tpu.memory_space<hbm>>
    tpu.wait_dma2 semaphore(%arg15 : memref<!tpu.dma_semaphore, #tpu.memory_space<semaphore_mem>>) src(%dma_wait3A_330 : memref<128xi32, #tpu.memory_space<hbm>>) dst(%dma_wait3A_327 : memref<128xi32, #tpu.memory_space<vmem>>)
    %run_scoped3A_331 = arith.constant 1 : i32
    "tpu.region"() ({
      %run_scoped3A_355 = tpu.sem_alloc : memref<!tpu.dma_semaphore, #tpu.memory_space<semaphore_mem>>
      %dma_start3A_356 = arith.constant 0 : i32
      %dma_start3A_357 = tpu.memref_slice %arg8[%run_scoped3A_331, %dma_start3A_356] : memref<2x128xi32, #tpu.memory_space<vmem>> -> memref<1x128xi32, #tpu.memory_space<vmem>>
      %dma_start3A_358 = tpu.memref_squeeze %dma_start3A_357 : memref<1x128xi32, #tpu.memory_space<vmem>> -> memref<128xi32, #tpu.memory_space<vmem>>
      %dma_start3A_359 = arith.constant 0 : i32
      %dma_start3A_360 = arith.constant 0 : i32
      %dma_start3A_361 = tpu.memref_slice %arg11[%dma_start3A_359, %dma_start3A_360] : memref<10240x128xbf16, #tpu.memory_space<vmem_shared>> -> memref<10240x128xbf16, #tpu.memory_space<vmem_shared>>
      tpu.enqueue_indirect_dma source(%arg10 : memref<128x128xbf16, #tpu.memory_space<vmem>>) target(%dma_start3A_361 : memref<10240x128xbf16, #tpu.memory_space<vmem_shared>>) offsets(%dma_start3A_358 : memref<128xi32, #tpu.memory_space<vmem>>) semaphore(%run_scoped3A_355 : memref<!tpu.dma_semaphore, #tpu.memory_space<semaphore_mem>>) {add = true}
      %dma_wait3A_362 = arith.constant 0 : i32
      %dma_wait3A_363 = tpu.memref_slice %arg8[%run_scoped3A_331, %dma_wait3A_362] : memref<2x128xi32, #tpu.memory_space<vmem>> -> memref<1x128xi32, #tpu.memory_space<vmem>>
      %dma_wait3A_364 = tpu.memref_squeeze %dma_wait3A_363 : memref<1x128xi32, #tpu.memory_space<vmem>> -> memref<128xi32, #tpu.memory_space<vmem>>
      %dma_wait3A_365 = arith.constant 0 : i32
      %dma_wait3A_366 = arith.constant 0 : i32
      %dma_wait3A_367 = tpu.memref_slice %arg11[%dma_wait3A_365, %dma_wait3A_366] : memref<10240x128xbf16, #tpu.memory_space<vmem_shared>> -> memref<10240x128xbf16, #tpu.memory_space<vmem_shared>>
      tpu.wait_indirect_dma semaphore(%run_scoped3A_355 : memref<!tpu.dma_semaphore, #tpu.memory_space<semaphore_mem>>) src(%arg10 : memref<128x128xbf16, #tpu.memory_space<vmem>>) dst(%dma_wait3A_367 : memref<10240x128xbf16, #tpu.memory_space<vmem_shared>>)
      tpu.yield
    }) : () -> ()
    %run_scoped3A_332 = arith.constant 1 : i32
    "tpu.region"() ({
      %run_scoped3A_355 = tpu.sem_alloc : memref<!tpu.dma_semaphore, #tpu.memory_space<semaphore_mem>>
      %dma_start3A_356 = arith.constant 0 : i32
      %dma_start3A_357 = tpu.memref_slice %arg8[%run_scoped3A_332, %dma_start3A_356] : memref<2x128xi32, #tpu.memory_space<vmem>> -> memref<1x128xi32, #tpu.memory_space<vmem>>
      %dma_start3A_358 = tpu.memref_squeeze %dma_start3A_357 : memref<1x128xi32, #tpu.memory_space<vmem>> -> memref<128xi32, #tpu.memory_space<vmem>>
      %dma_start3A_359 = arith.constant 0 : i32
      %dma_start3A_360 = tpu.memref_slice %arg18[%dma_start3A_359] : memref<10240xf32, #tpu.memory_space<vmem_shared>> -> memref<10240xf32, #tpu.memory_space<vmem_shared>>
      tpu.enqueue_indirect_dma source(%arg16 : memref<128xf32, #tpu.memory_space<vmem>>) target(%dma_start3A_360 : memref<10240xf32, #tpu.memory_space<vmem_shared>>) offsets(%dma_start3A_358 : memref<128xi32, #tpu.memory_space<vmem>>) semaphore(%run_scoped3A_355 : memref<!tpu.dma_semaphore, #tpu.memory_space<semaphore_mem>>) {add = true}
      %dma_wait3A_361 = arith.constant 0 : i32
      %dma_wait3A_362 = tpu.memref_slice %arg8[%run_scoped3A_332, %dma_wait3A_361] : memref<2x128xi32, #tpu.memory_space<vmem>> -> memref<1x128xi32, #tpu.memory_space<vmem>>
      %dma_wait3A_363 = tpu.memref_squeeze %dma_wait3A_362 : memref<1x128xi32, #tpu.memory_space<vmem>> -> memref<128xi32, #tpu.memory_space<vmem>>
      %dma_wait3A_364 = arith.constant 0 : i32
      %dma_wait3A_365 = tpu.memref_slice %arg18[%dma_wait3A_364] : memref<10240xf32, #tpu.memory_space<vmem_shared>> -> memref<10240xf32, #tpu.memory_space<vmem_shared>>
      tpu.wait_indirect_dma semaphore(%run_scoped3A_355 : memref<!tpu.dma_semaphore, #tpu.memory_space<semaphore_mem>>) src(%arg16 : memref<128xf32, #tpu.memory_space<vmem>>) dst(%dma_wait3A_365 : memref<10240xf32, #tpu.memory_space<vmem_shared>>)
      tpu.yield
    }) : () -> ()
    %dma_wait3A_333 = arith.constant 0 : i32
    %dma_wait3A_334 = arith.constant 0 : i32
    %dma_wait3A_335 = tpu.memref_slice %arg2[%dma_wait3A_333, %dma_wait3A_334] : memref<20000x128xbf16, #tpu.memory_space<hbm>> -> memref<128x128xbf16, #tpu.memory_space<hbm>>
    %dma_wait3A_336 = arith.constant 0 : i32
    %dma_wait3A_337 = arith.constant 0 : i32
    %dma_wait3A_338 = tpu.memref_slice %arg2[%dma_wait3A_336, %dma_wait3A_337] : memref<20000x128xbf16, #tpu.memory_space<hbm>> -> memref<128x128xbf16, #tpu.memory_space<hbm>>
    tpu.wait_dma2 semaphore(%arg12 : memref<!tpu.dma_semaphore, #tpu.memory_space<semaphore_mem>>) src(%dma_wait3A_338 : memref<128x128xbf16, #tpu.memory_space<hbm>>) dst(%arg9 : memref<128x128xbf16, #tpu.memory_space<vmem>>)
    %dma_wait3A_339 = arith.constant 0 : i32
    %dma_wait3A_340 = arith.constant 0 : i32
    %dma_wait3A_341 = tpu.memref_slice %arg8[%dma_wait3A_339, %dma_wait3A_340] : memref<2x128xi32, #tpu.memory_space<vmem>> -> memref<1x128xi32, #tpu.memory_space<vmem>>
    %dma_wait3A_342 = tpu.memref_squeeze %dma_wait3A_341 : memref<1x128xi32, #tpu.memory_space<vmem>> -> memref<128xi32, #tpu.memory_space<vmem>>
    %dma_wait3A_343 = arith.constant 0 : i32
    %dma_wait3A_344 = tpu.memref_slice %arg4[%mul3A_219, %dma_wait3A_343] : memref<2528x128xi32, #tpu.memory_space<hbm>> -> memref<1x128xi32, #tpu.memory_space<hbm>>
    %dma_wait3A_345 = tpu.memref_squeeze %dma_wait3A_344 : memref<1x128xi32, #tpu.memory_space<hbm>> -> memref<128xi32, #tpu.memory_space<hbm>>
    %dma_wait3A_346 = arith.constant 0 : i32
    %dma_wait3A_347 = tpu.memref_slice %arg8[%dma_wait3A_339, %dma_wait3A_346] : memref<2x128xi32, #tpu.memory_space<vmem>> -> memref<1x128xi32, #tpu.memory_space<vmem>>
    %dma_wait3A_348 = tpu.memref_squeeze %dma_wait3A_347 : memref<1x128xi32, #tpu.memory_space<vmem>> -> memref<128xi32, #tpu.memory_space<vmem>>
    %dma_wait3A_349 = arith.constant 0 : i32
    %dma_wait3A_350 = tpu.memref_slice %arg4[%mul3A_219, %dma_wait3A_349] : memref<2528x128xi32, #tpu.memory_space<hbm>> -> memref<1x128xi32, #tpu.memory_space<hbm>>
    %dma_wait3A_351 = tpu.memref_squeeze %dma_wait3A_350 : memref<1x128xi32, #tpu.memory_space<hbm>> -> memref<128xi32, #tpu.memory_space<hbm>>
    tpu.wait_dma2 semaphore(%arg14 : memref<!tpu.dma_semaphore, #tpu.memory_space<semaphore_mem>>) src(%dma_wait3A_351 : memref<128xi32, #tpu.memory_space<hbm>>) dst(%dma_wait3A_348 : memref<128xi32, #tpu.memory_space<vmem>>)
    %run_scoped3A_352 = arith.constant 0 : i32
    "tpu.region"() ({
      %run_scoped3A_355 = tpu.sem_alloc : memref<!tpu.dma_semaphore, #tpu.memory_space<semaphore_mem>>
      %dma_start3A_356 = arith.constant 0 : i32
      %dma_start3A_357 = tpu.memref_slice %arg8[%run_scoped3A_352, %dma_start3A_356] : memref<2x128xi32, #tpu.memory_space<vmem>> -> memref<1x128xi32, #tpu.memory_space<vmem>>
      %dma_start3A_358 = tpu.memref_squeeze %dma_start3A_357 : memref<1x128xi32, #tpu.memory_space<vmem>> -> memref<128xi32, #tpu.memory_space<vmem>>
      %dma_start3A_359 = arith.constant 0 : i32
      %dma_start3A_360 = arith.constant 0 : i32
      %dma_start3A_361 = tpu.memref_slice %arg11[%dma_start3A_359, %dma_start3A_360] : memref<10240x128xbf16, #tpu.memory_space<vmem_shared>> -> memref<10240x128xbf16, #tpu.memory_space<vmem_shared>>
      tpu.enqueue_indirect_dma source(%arg9 : memref<128x128xbf16, #tpu.memory_space<vmem>>) target(%dma_start3A_361 : memref<10240x128xbf16, #tpu.memory_space<vmem_shared>>) offsets(%dma_start3A_358 : memref<128xi32, #tpu.memory_space<vmem>>) semaphore(%run_scoped3A_355 : memref<!tpu.dma_semaphore, #tpu.memory_space<semaphore_mem>>) {add = true}
      %dma_wait3A_362 = arith.constant 0 : i32
      %dma_wait3A_363 = tpu.memref_slice %arg8[%run_scoped3A_352, %dma_wait3A_362] : memref<2x128xi32, #tpu.memory_space<vmem>> -> memref<1x128xi32, #tpu.memory_space<vmem>>
      %dma_wait3A_364 = tpu.memref_squeeze %dma_wait3A_363 : memref<1x128xi32, #tpu.memory_space<vmem>> -> memref<128xi32, #tpu.memory_space<vmem>>
      %dma_wait3A_365 = arith.constant 0 : i32
      %dma_wait3A_366 = arith.constant 0 : i32
      %dma_wait3A_367 = tpu.memref_slice %arg11[%dma_wait3A_365, %dma_wait3A_366] : memref<10240x128xbf16, #tpu.memory_space<vmem_shared>> -> memref<10240x128xbf16, #tpu.memory_space<vmem_shared>>
      tpu.wait_indirect_dma semaphore(%run_scoped3A_355 : memref<!tpu.dma_semaphore, #tpu.memory_space<semaphore_mem>>) src(%arg9 : memref<128x128xbf16, #tpu.memory_space<vmem>>) dst(%dma_wait3A_367 : memref<10240x128xbf16, #tpu.memory_space<vmem_shared>>)
      tpu.yield
    }) : () -> ()
    %run_scoped3A_353 = arith.constant 0 : i32
    "tpu.region"() ({
      %run_scoped3A_355 = tpu.sem_alloc : memref<!tpu.dma_semaphore, #tpu.memory_space<semaphore_mem>>
      %dma_start3A_356 = arith.constant 0 : i32
      %dma_start3A_357 = tpu.memref_slice %arg8[%run_scoped3A_353, %dma_start3A_356] : memref<2x128xi32, #tpu.memory_space<vmem>> -> memref<1x128xi32, #tpu.memory_space<vmem>>
      %dma_start3A_358 = tpu.memref_squeeze %dma_start3A_357 : memref<1x128xi32, #tpu.memory_space<vmem>> -> memref<128xi32, #tpu.memory_space<vmem>>
      %dma_start3A_359 = arith.constant 0 : i32
      %dma_start3A_360 = tpu.memref_slice %arg18[%dma_start3A_359] : memref<10240xf32, #tpu.memory_space<vmem_shared>> -> memref<10240xf32, #tpu.memory_space<vmem_shared>>
      tpu.enqueue_indirect_dma source(%arg16 : memref<128xf32, #tpu.memory_space<vmem>>) target(%dma_start3A_360 : memref<10240xf32, #tpu.memory_space<vmem_shared>>) offsets(%dma_start3A_358 : memref<128xi32, #tpu.memory_space<vmem>>) semaphore(%run_scoped3A_355 : memref<!tpu.dma_semaphore, #tpu.memory_space<semaphore_mem>>) {add = true}
      %dma_wait3A_361 = arith.constant 0 : i32
      %dma_wait3A_362 = tpu.memref_slice %arg8[%run_scoped3A_353, %dma_wait3A_361] : memref<2x128xi32, #tpu.memory_space<vmem>> -> memref<1x128xi32, #tpu.memory_space<vmem>>
      %dma_wait3A_363 = tpu.memref_squeeze %dma_wait3A_362 : memref<1x128xi32, #tpu.memory_space<vmem>> -> memref<128xi32, #tpu.memory_space<vmem>>
      %dma_wait3A_364 = arith.constant 0 : i32
      %dma_wait3A_365 = tpu.memref_slice %arg18[%dma_wait3A_364] : memref<10240xf32, #tpu.memory_space<vmem_shared>> -> memref<10240xf32, #tpu.memory_space<vmem_shared>>
      tpu.wait_indirect_dma semaphore(%run_scoped3A_355 : memref<!tpu.dma_semaphore, #tpu.memory_space<semaphore_mem>>) src(%arg16 : memref<128xf32, #tpu.memory_space<vmem>>) dst(%dma_wait3A_365 : memref<10240xf32, #tpu.memory_space<vmem_shared>>)
      tpu.yield
    }) : () -> ()
    %barrier3A_354 = arith.constant 0 : index
    tpu.barrier barrier_id(%barrier3A_354)
    "tpu.region"() ({
      %run_scoped3A_355 = tpu.sem_alloc : memref<!tpu.dma_semaphore, #tpu.memory_space<semaphore_mem>>
      %dma_start3A_356 = arith.constant 0 : i32
      %dma_start3A_357 = tpu.memref_slice %arg5[%arg0, %mul3A_2, %dma_start3A_356] : memref<2x10240x128xbf16, #tpu.memory_space<hbm>> -> memref<1x640x128xbf16, #tpu.memory_space<hbm>>
      %dma_start3A_358 = tpu.memref_squeeze %dma_start3A_357 : memref<1x640x128xbf16, #tpu.memory_space<hbm>> -> memref<640x128xbf16, #tpu.memory_space<hbm>>
      %dma_start3A_359 = arith.constant 0 : i32
      %dma_start3A_360 = tpu.memref_slice %arg11[%mul3A_2, %dma_start3A_359] : memref<10240x128xbf16, #tpu.memory_space<vmem_shared>> -> memref<640x128xbf16, #tpu.memory_space<vmem_shared>>
      tpu.enqueue_dma source(%dma_start3A_360 : memref<640x128xbf16, #tpu.memory_space<vmem_shared>>) target(%dma_start3A_358 : memref<640x128xbf16, #tpu.memory_space<hbm>>) target_semaphore(%run_scoped3A_355 : memref<!tpu.dma_semaphore, #tpu.memory_space<semaphore_mem>>)
      %dma_wait3A_361 = arith.constant 0 : i32
      %dma_wait3A_362 = tpu.memref_slice %arg5[%arg0, %mul3A_2, %dma_wait3A_361] : memref<2x10240x128xbf16, #tpu.memory_space<hbm>> -> memref<1x640x128xbf16, #tpu.memory_space<hbm>>
      %dma_wait3A_363 = tpu.memref_squeeze %dma_wait3A_362 : memref<1x640x128xbf16, #tpu.memory_space<hbm>> -> memref<640x128xbf16, #tpu.memory_space<hbm>>
      %dma_wait3A_364 = arith.constant 0 : i32
      %dma_wait3A_365 = tpu.memref_slice %arg11[%mul3A_2, %dma_wait3A_364] : memref<10240x128xbf16, #tpu.memory_space<vmem_shared>> -> memref<640x128xbf16, #tpu.memory_space<vmem_shared>>
      tpu.wait_dma2 semaphore(%run_scoped3A_355 : memref<!tpu.dma_semaphore, #tpu.memory_space<semaphore_mem>>) src(%dma_wait3A_365 : memref<640x128xbf16, #tpu.memory_space<vmem_shared>>) dst(%dma_wait3A_363 : memref<640x128xbf16, #tpu.memory_space<hbm>>)
      tpu.yield
    }) : () -> ()
    "tpu.region"() ({
      %run_scoped3A_355 = tpu.sem_alloc : memref<!tpu.dma_semaphore, #tpu.memory_space<semaphore_mem>>
      %dma_start3A_356 = tpu.memref_slice %arg6[%arg0, %mul3A_2] : memref<2x10240xf32, #tpu.memory_space<hbm>> -> memref<1x640xf32, #tpu.memory_space<hbm>>
      %dma_start3A_357 = tpu.memref_squeeze %dma_start3A_356 : memref<1x640xf32, #tpu.memory_space<hbm>> -> memref<640xf32, #tpu.memory_space<hbm>>
      %dma_start3A_358 = tpu.memref_slice %arg18[%mul3A_2] : memref<10240xf32, #tpu.memory_space<vmem_shared>> -> memref<640xf32, #tpu.memory_space<vmem_shared>>
      tpu.enqueue_dma source(%dma_start3A_358 : memref<640xf32, #tpu.memory_space<vmem_shared>>) target(%dma_start3A_357 : memref<640xf32, #tpu.memory_space<hbm>>) target_semaphore(%run_scoped3A_355 : memref<!tpu.dma_semaphore, #tpu.memory_space<semaphore_mem>>)
      %dma_wait3A_359 = tpu.memref_slice %arg6[%arg0, %mul3A_2] : memref<2x10240xf32, #tpu.memory_space<hbm>> -> memref<1x640xf32, #tpu.memory_space<hbm>>
      %dma_wait3A_360 = tpu.memref_squeeze %dma_wait3A_359 : memref<1x640xf32, #tpu.memory_space<hbm>> -> memref<640xf32, #tpu.memory_space<hbm>>
      %dma_wait3A_361 = tpu.memref_slice %arg18[%mul3A_2] : memref<10240xf32, #tpu.memory_space<vmem_shared>> -> memref<640xf32, #tpu.memory_space<vmem_shared>>
      tpu.wait_dma2 semaphore(%run_scoped3A_355 : memref<!tpu.dma_semaphore, #tpu.memory_space<semaphore_mem>>) src(%dma_wait3A_361 : memref<640xf32, #tpu.memory_space<vmem_shared>>) dst(%dma_wait3A_360 : memref<640xf32, #tpu.memory_space<hbm>>)
      tpu.yield
    }) : () -> ()
    return
  }
}

#map = affine_map<(d0, d1) -> (0, 0)>
#map1 = affine_map<(d0, d1) -> (0, 0, 0)>
module attributes {stable_mosaic.version = 14 : i64} {
  func.func @k(%arg0: i32, %arg1: i32, %arg2: memref<20480x64xbf16, #tpu.memory_space<hbm>>, %arg3: memref<32x79x128xi32, #tpu.memory_space<hbm>>, %arg4: memref<2528x128xi32, #tpu.memory_space<hbm>>, %arg5: memref<2x10240x64xbf16, #tpu.memory_space<hbm>>, %arg6: memref<79x128xi32, #tpu.memory_space<vmem>>, %arg7: memref<2x128xi32, #tpu.memory_space<vmem>>, %arg8: memref<128x64xbf16, #tpu.memory_space<vmem>>, %arg9: memref<128x64xbf16, #tpu.memory_space<vmem>>, %arg10: memref<10240x64xbf16, #tpu.memory_space<vmem_shared>>, %arg11: memref<!tpu.dma_semaphore, #tpu.memory_space<semaphore_mem>>, %arg12: memref<!tpu.dma_semaphore, #tpu.memory_space<semaphore_mem>>, %arg13: memref<!tpu.dma_semaphore, #tpu.memory_space<semaphore_mem>>, %arg14: memref<!tpu.dma_semaphore, #tpu.memory_space<semaphore_mem>>) attributes {dimension_semantics = [#tpu.dimension_semantics<core_parallel>, #tpu.dimension_semantics<subcore_parallel>], iteration_bounds = array<i64: 2, 16>, scalar_prefetch = 0 : i64, scratch_operands = 9 : i64, tpu.core_type = #tpu.core_type<sc_vector_subcore>, window_params = [{transform_indices = #map}, {transform_indices = #map1}, {transform_indices = #map}, {transform_indices = #map1}]} {
    %mul3A = arith.constant 16 : i32
    %mul3A_0 = arith.muli %arg0, %mul3A : i32
    %add3A = arith.addi %mul3A_0, %arg1 : i32
    %mul3A_1 = arith.constant 640 : i32
    %mul3A_2 = arith.muli %arg1, %mul3A_1 : i32
    "tpu.region"() ({
      %run_scoped3A_157 = tpu.sem_alloc : memref<!tpu.dma_semaphore, #tpu.memory_space<semaphore_mem>>
      %dma_start3A_158 = arith.constant 0 : i32
      %dma_start3A_159 = arith.constant 0 : i32
      %dma_start3A_160 = tpu.memref_slice %arg3[%add3A, %dma_start3A_158, %dma_start3A_159] : memref<32x79x128xi32, #tpu.memory_space<hbm>> -> memref<1x79x128xi32, #tpu.memory_space<hbm>>
      %dma_start3A_161 = tpu.memref_squeeze %dma_start3A_160 : memref<1x79x128xi32, #tpu.memory_space<hbm>> -> memref<79x128xi32, #tpu.memory_space<hbm>>
      %dma_start3A_162 = arith.constant 0 : i32
      %dma_start3A_163 = arith.constant 0 : i32
      %dma_start3A_164 = tpu.memref_slice %arg3[%add3A, %dma_start3A_162, %dma_start3A_163] : memref<32x79x128xi32, #tpu.memory_space<hbm>> -> memref<1x79x128xi32, #tpu.memory_space<hbm>>
      %dma_start3A_165 = tpu.memref_squeeze %dma_start3A_164 : memref<1x79x128xi32, #tpu.memory_space<hbm>> -> memref<79x128xi32, #tpu.memory_space<hbm>>
      tpu.enqueue_dma source(%dma_start3A_165 : memref<79x128xi32, #tpu.memory_space<hbm>>) target(%arg6 : memref<79x128xi32, #tpu.memory_space<vmem>>) target_semaphore(%run_scoped3A_157 : memref<!tpu.dma_semaphore, #tpu.memory_space<semaphore_mem>>)
      %dma_wait3A_166 = arith.constant 0 : i32
      %dma_wait3A_167 = arith.constant 0 : i32
      %dma_wait3A_168 = tpu.memref_slice %arg3[%add3A, %dma_wait3A_166, %dma_wait3A_167] : memref<32x79x128xi32, #tpu.memory_space<hbm>> -> memref<1x79x128xi32, #tpu.memory_space<hbm>>
      %dma_wait3A_169 = tpu.memref_squeeze %dma_wait3A_168 : memref<1x79x128xi32, #tpu.memory_space<hbm>> -> memref<79x128xi32, #tpu.memory_space<hbm>>
      %dma_wait3A_170 = arith.constant 0 : i32
      %dma_wait3A_171 = arith.constant 0 : i32
      %dma_wait3A_172 = tpu.memref_slice %arg3[%add3A, %dma_wait3A_170, %dma_wait3A_171] : memref<32x79x128xi32, #tpu.memory_space<hbm>> -> memref<1x79x128xi32, #tpu.memory_space<hbm>>
      %dma_wait3A_173 = tpu.memref_squeeze %dma_wait3A_172 : memref<1x79x128xi32, #tpu.memory_space<hbm>> -> memref<79x128xi32, #tpu.memory_space<hbm>>
      tpu.wait_dma2 semaphore(%run_scoped3A_157 : memref<!tpu.dma_semaphore, #tpu.memory_space<semaphore_mem>>) src(%dma_wait3A_173 : memref<79x128xi32, #tpu.memory_space<hbm>>) dst(%arg6 : memref<79x128xi32, #tpu.memory_space<vmem>>)
      tpu.yield
    }) : () -> ()
    %mul3A_3 = arith.constant 10240 : i32
    %mul3A_4 = arith.muli %arg0, %mul3A_3 : i32
    %scan3A = arith.constant 0 : i32
    %scan3A_5 = arith.constant 0 : i32
    %scan3A_6 = arith.constant 79 : i32
    %scan3A_7 = arith.addi %scan3A_5, %scan3A_6 : i32
    %scan3A_8 = arith.constant 1 : i32
    scf.for %scan3A_157 = %scan3A_5 to %scan3A_7 step %scan3A_8  : i32 {
      %get3A = arith.index_cast %scan3A_157 : i32 to index
      %get3A_158 = arith.constant 0 : index
      %get3A_159 = tpu.vector_load %arg6[%get3A, %get3A_158] {strides = array<i32>} : memref<79x128xi32, #tpu.memory_space<vmem>>, vector<1x16xi32>,
      %get3A_160 = vector.shape_cast %get3A_159 : vector<1x16xi32> to vector<16xi32>
      %add3A_161 = vector.broadcast %mul3A_4 : i32 to vector<16xi32>
      %add3A_162 = arith.addi %get3A_160, %add3A_161 : vector<16xi32>
      %swap3A = arith.index_cast %scan3A_157 : i32 to index
      %swap3A_163 = arith.constant 0 : index
      %swap3A_164 = tpu.vector_load %arg6[%swap3A, %swap3A_163] {strides = array<i32>} : memref<79x128xi32, #tpu.memory_space<vmem>>, vector<1x16xi32>,
      %swap3A_165 = vector.shape_cast %swap3A_164 : vector<1x16xi32> to vector<16xi32>
      %swap3A_166 = vector.shape_cast %add3A_162 : vector<16xi32> to vector<1x16xi32>
      tpu.vector_store %arg6[%swap3A, %swap3A_163], %swap3A_166 {strides = array<i32>} : memref<79x128xi32, #tpu.memory_space<vmem>>, vector<1x16xi32>,
      %get3A_167 = arith.index_cast %scan3A_157 : i32 to index
      %get3A_168 = arith.constant 16 : index
      %get3A_169 = tpu.vector_load %arg6[%get3A_167, %get3A_168] {strides = array<i32>} : memref<79x128xi32, #tpu.memory_space<vmem>>, vector<1x16xi32>,
      %get3A_170 = vector.shape_cast %get3A_169 : vector<1x16xi32> to vector<16xi32>
      %add3A_171 = vector.broadcast %mul3A_4 : i32 to vector<16xi32>
      %add3A_172 = arith.addi %get3A_170, %add3A_171 : vector<16xi32>
      %swap3A_173 = arith.index_cast %scan3A_157 : i32 to index
      %swap3A_174 = arith.constant 16 : index
      %swap3A_175 = tpu.vector_load %arg6[%swap3A_173, %swap3A_174] {strides = array<i32>} : memref<79x128xi32, #tpu.memory_space<vmem>>, vector<1x16xi32>,
      %swap3A_176 = vector.shape_cast %swap3A_175 : vector<1x16xi32> to vector<16xi32>
      %swap3A_177 = vector.shape_cast %add3A_172 : vector<16xi32> to vector<1x16xi32>
      tpu.vector_store %arg6[%swap3A_173, %swap3A_174], %swap3A_177 {strides = array<i32>} : memref<79x128xi32, #tpu.memory_space<vmem>>, vector<1x16xi32>,
      %get3A_178 = arith.index_cast %scan3A_157 : i32 to index
      %get3A_179 = arith.constant 32 : index
      %get3A_180 = tpu.vector_load %arg6[%get3A_178, %get3A_179] {strides = array<i32>} : memref<79x128xi32, #tpu.memory_space<vmem>>, vector<1x16xi32>,
      %get3A_181 = vector.shape_cast %get3A_180 : vector<1x16xi32> to vector<16xi32>
      %add3A_182 = vector.broadcast %mul3A_4 : i32 to vector<16xi32>
      %add3A_183 = arith.addi %get3A_181, %add3A_182 : vector<16xi32>
      %swap3A_184 = arith.index_cast %scan3A_157 : i32 to index
      %swap3A_185 = arith.constant 32 : index
      %swap3A_186 = tpu.vector_load %arg6[%swap3A_184, %swap3A_185] {strides = array<i32>} : memref<79x128xi32, #tpu.memory_space<vmem>>, vector<1x16xi32>,
      %swap3A_187 = vector.shape_cast %swap3A_186 : vector<1x16xi32> to vector<16xi32>
      %swap3A_188 = vector.shape_cast %add3A_183 : vector<16xi32> to vector<1x16xi32>
      tpu.vector_store %arg6[%swap3A_184, %swap3A_185], %swap3A_188 {strides = array<i32>} : memref<79x128xi32, #tpu.memory_space<vmem>>, vector<1x16xi32>,
      %get3A_189 = arith.index_cast %scan3A_157 : i32 to index
      %get3A_190 = arith.constant 48 : index
      %get3A_191 = tpu.vector_load %arg6[%get3A_189, %get3A_190] {strides = array<i32>} : memref<79x128xi32, #tpu.memory_space<vmem>>, vector<1x16xi32>,
      %get3A_192 = vector.shape_cast %get3A_191 : vector<1x16xi32> to vector<16xi32>
      %add3A_193 = vector.broadcast %mul3A_4 : i32 to vector<16xi32>
      %add3A_194 = arith.addi %get3A_192, %add3A_193 : vector<16xi32>
      %swap3A_195 = arith.index_cast %scan3A_157 : i32 to index
      %swap3A_196 = arith.constant 48 : index
      %swap3A_197 = tpu.vector_load %arg6[%swap3A_195, %swap3A_196] {strides = array<i32>} : memref<79x128xi32, #tpu.memory_space<vmem>>, vector<1x16xi32>,
      %swap3A_198 = vector.shape_cast %swap3A_197 : vector<1x16xi32> to vector<16xi32>
      %swap3A_199 = vector.shape_cast %add3A_194 : vector<16xi32> to vector<1x16xi32>
      tpu.vector_store %arg6[%swap3A_195, %swap3A_196], %swap3A_199 {strides = array<i32>} : memref<79x128xi32, #tpu.memory_space<vmem>>, vector<1x16xi32>,
      %get3A_200 = arith.index_cast %scan3A_157 : i32 to index
      %get3A_201 = arith.constant 64 : index
      %get3A_202 = tpu.vector_load %arg6[%get3A_200, %get3A_201] {strides = array<i32>} : memref<79x128xi32, #tpu.memory_space<vmem>>, vector<1x16xi32>,
      %get3A_203 = vector.shape_cast %get3A_202 : vector<1x16xi32> to vector<16xi32>
      %add3A_204 = vector.broadcast %mul3A_4 : i32 to vector<16xi32>
      %add3A_205 = arith.addi %get3A_203, %add3A_204 : vector<16xi32>
      %swap3A_206 = arith.index_cast %scan3A_157 : i32 to index
      %swap3A_207 = arith.constant 64 : index
      %swap3A_208 = tpu.vector_load %arg6[%swap3A_206, %swap3A_207] {strides = array<i32>} : memref<79x128xi32, #tpu.memory_space<vmem>>, vector<1x16xi32>,
      %swap3A_209 = vector.shape_cast %swap3A_208 : vector<1x16xi32> to vector<16xi32>
      %swap3A_210 = vector.shape_cast %add3A_205 : vector<16xi32> to vector<1x16xi32>
      tpu.vector_store %arg6[%swap3A_206, %swap3A_207], %swap3A_210 {strides = array<i32>} : memref<79x128xi32, #tpu.memory_space<vmem>>, vector<1x16xi32>,
      %get3A_211 = arith.index_cast %scan3A_157 : i32 to index
      %get3A_212 = arith.constant 80 : index
      %get3A_213 = tpu.vector_load %arg6[%get3A_211, %get3A_212] {strides = array<i32>} : memref<79x128xi32, #tpu.memory_space<vmem>>, vector<1x16xi32>,
      %get3A_214 = vector.shape_cast %get3A_213 : vector<1x16xi32> to vector<16xi32>
      %add3A_215 = vector.broadcast %mul3A_4 : i32 to vector<16xi32>
      %add3A_216 = arith.addi %get3A_214, %add3A_215 : vector<16xi32>
      %swap3A_217 = arith.index_cast %scan3A_157 : i32 to index
      %swap3A_218 = arith.constant 80 : index
      %swap3A_219 = tpu.vector_load %arg6[%swap3A_217, %swap3A_218] {strides = array<i32>} : memref<79x128xi32, #tpu.memory_space<vmem>>, vector<1x16xi32>,
      %swap3A_220 = vector.shape_cast %swap3A_219 : vector<1x16xi32> to vector<16xi32>
      %swap3A_221 = vector.shape_cast %add3A_216 : vector<16xi32> to vector<1x16xi32>
      tpu.vector_store %arg6[%swap3A_217, %swap3A_218], %swap3A_221 {strides = array<i32>} : memref<79x128xi32, #tpu.memory_space<vmem>>, vector<1x16xi32>,
      %get3A_222 = arith.index_cast %scan3A_157 : i32 to index
      %get3A_223 = arith.constant 96 : index
      %get3A_224 = tpu.vector_load %arg6[%get3A_222, %get3A_223] {strides = array<i32>} : memref<79x128xi32, #tpu.memory_space<vmem>>, vector<1x16xi32>,
      %get3A_225 = vector.shape_cast %get3A_224 : vector<1x16xi32> to vector<16xi32>
      %add3A_226 = vector.broadcast %mul3A_4 : i32 to vector<16xi32>
      %add3A_227 = arith.addi %get3A_225, %add3A_226 : vector<16xi32>
      %swap3A_228 = arith.index_cast %scan3A_157 : i32 to index
      %swap3A_229 = arith.constant 96 : index
      %swap3A_230 = tpu.vector_load %arg6[%swap3A_228, %swap3A_229] {strides = array<i32>} : memref<79x128xi32, #tpu.memory_space<vmem>>, vector<1x16xi32>,
      %swap3A_231 = vector.shape_cast %swap3A_230 : vector<1x16xi32> to vector<16xi32>
      %swap3A_232 = vector.shape_cast %add3A_227 : vector<16xi32> to vector<1x16xi32>
      tpu.vector_store %arg6[%swap3A_228, %swap3A_229], %swap3A_232 {strides = array<i32>} : memref<79x128xi32, #tpu.memory_space<vmem>>, vector<1x16xi32>,
      %get3A_233 = arith.index_cast %scan3A_157 : i32 to index
      %get3A_234 = arith.constant 112 : index
      %get3A_235 = tpu.vector_load %arg6[%get3A_233, %get3A_234] {strides = array<i32>} : memref<79x128xi32, #tpu.memory_space<vmem>>, vector<1x16xi32>,
      %get3A_236 = vector.shape_cast %get3A_235 : vector<1x16xi32> to vector<16xi32>
      %add3A_237 = vector.broadcast %mul3A_4 : i32 to vector<16xi32>
      %add3A_238 = arith.addi %get3A_236, %add3A_237 : vector<16xi32>
      %swap3A_239 = arith.index_cast %scan3A_157 : i32 to index
      %swap3A_240 = arith.constant 112 : index
      %swap3A_241 = tpu.vector_load %arg6[%swap3A_239, %swap3A_240] {strides = array<i32>} : memref<79x128xi32, #tpu.memory_space<vmem>>, vector<1x16xi32>,
      %swap3A_242 = vector.shape_cast %swap3A_241 : vector<1x16xi32> to vector<16xi32>
      %swap3A_243 = vector.shape_cast %add3A_238 : vector<16xi32> to vector<1x16xi32>
      tpu.vector_store %arg6[%swap3A_239, %swap3A_240], %swap3A_243 {strides = array<i32>} : memref<79x128xi32, #tpu.memory_space<vmem>>, vector<1x16xi32>,
    }
    %scan3A_9 = arith.constant 79 : i32
    %broadcast_in_dim3A = arith.constant 0.000000e+00 : bf16
    %broadcast_in_dim3A_10 = vector.broadcast %broadcast_in_dim3A : bf16 to vector<32xbf16>
    %scan3A_11 = arith.constant 0 : i32
    %scan3A_12 = arith.constant 0 : i32
    %scan3A_13 = arith.constant 128 : i32
    %scan3A_14 = arith.addi %scan3A_12, %scan3A_13 : i32
    %scan3A_15 = arith.constant 1 : i32
    scf.for %scan3A_157 = %scan3A_12 to %scan3A_14 step %scan3A_15  : i32 {
      %swap3A = arith.index_cast %scan3A_157 : i32 to index
      %swap3A_158 = arith.constant 0 : index
      %swap3A_159 = tpu.vector_load %arg8[%swap3A, %swap3A_158] {strides = array<i32>} : memref<128x64xbf16, #tpu.memory_space<vmem>>, vector<1x32xbf16>,
      %swap3A_160 = vector.shape_cast %swap3A_159 : vector<1x32xbf16> to vector<32xbf16>
      %swap3A_161 = vector.shape_cast %broadcast_in_dim3A_10 : vector<32xbf16> to vector<1x32xbf16>
      tpu.vector_store %arg8[%swap3A, %swap3A_158], %swap3A_161 {strides = array<i32>} : memref<128x64xbf16, #tpu.memory_space<vmem>>, vector<1x32xbf16>,
      %swap3A_162 = arith.index_cast %scan3A_157 : i32 to index
      %swap3A_163 = arith.constant 32 : index
      %swap3A_164 = tpu.vector_load %arg8[%swap3A_162, %swap3A_163] {strides = array<i32>} : memref<128x64xbf16, #tpu.memory_space<vmem>>, vector<1x32xbf16>,
      %swap3A_165 = vector.shape_cast %swap3A_164 : vector<1x32xbf16> to vector<32xbf16>
      %swap3A_166 = vector.shape_cast %broadcast_in_dim3A_10 : vector<32xbf16> to vector<1x32xbf16>
      tpu.vector_store %arg8[%swap3A_162, %swap3A_163], %swap3A_166 {strides = array<i32>} : memref<128x64xbf16, #tpu.memory_space<vmem>>, vector<1x32xbf16>,
    }
    %scan3A_16 = arith.constant 128 : i32
    %scan3A_17 = arith.constant 0 : i32
    %scan3A_18 = arith.constant 0 : i32
    %scan3A_19 = arith.constant 5 : i32
    %scan3A_20 = arith.addi %scan3A_18, %scan3A_19 : i32
    %scan3A_21 = arith.constant 1 : i32
    scf.for %scan3A_157 = %scan3A_18 to %scan3A_20 step %scan3A_21  : i32 {
      %mul3A_158 = arith.constant 128 : i32
      %mul3A_159 = arith.muli %scan3A_157, %mul3A_158 : i32
      %add3A_160 = arith.addi %mul3A_2, %mul3A_159 : i32
      "tpu.region"() ({
        %run_scoped3A_161 = tpu.sem_alloc : memref<!tpu.dma_semaphore, #tpu.memory_space<semaphore_mem>>
        %dma_start3A_162 = arith.constant 0 : i32
        %dma_start3A_163 = tpu.memref_slice %arg10[%add3A_160, %dma_start3A_162] : memref<10240x64xbf16, #tpu.memory_space<vmem_shared>> -> memref<128x64xbf16, #tpu.memory_space<vmem_shared>>
        %dma_start3A_164 = arith.constant 0 : i32
        %dma_start3A_165 = tpu.memref_slice %arg10[%add3A_160, %dma_start3A_164] : memref<10240x64xbf16, #tpu.memory_space<vmem_shared>> -> memref<128x64xbf16, #tpu.memory_space<vmem_shared>>
        tpu.enqueue_dma source(%arg8 : memref<128x64xbf16, #tpu.memory_space<vmem>>) target(%dma_start3A_165 : memref<128x64xbf16, #tpu.memory_space<vmem_shared>>) target_semaphore(%run_scoped3A_161 : memref<!tpu.dma_semaphore, #tpu.memory_space<semaphore_mem>>)
        %dma_wait3A_166 = arith.constant 0 : i32
        %dma_wait3A_167 = tpu.memref_slice %arg10[%add3A_160, %dma_wait3A_166] : memref<10240x64xbf16, #tpu.memory_space<vmem_shared>> -> memref<128x64xbf16, #tpu.memory_space<vmem_shared>>
        %dma_wait3A_168 = arith.constant 0 : i32
        %dma_wait3A_169 = tpu.memref_slice %arg10[%add3A_160, %dma_wait3A_168] : memref<10240x64xbf16, #tpu.memory_space<vmem_shared>> -> memref<128x64xbf16, #tpu.memory_space<vmem_shared>>
        tpu.wait_dma2 semaphore(%run_scoped3A_161 : memref<!tpu.dma_semaphore, #tpu.memory_space<semaphore_mem>>) src(%arg8 : memref<128x64xbf16, #tpu.memory_space<vmem>>) dst(%dma_wait3A_169 : memref<128x64xbf16, #tpu.memory_space<vmem_shared>>)
        tpu.yield
      }) : () -> ()
    }
    %scan3A_22 = arith.constant 5 : i32
    %barrier3A = arith.constant 0 : index
    tpu.barrier barrier_id(%barrier3A)
    %mul3A_23 = arith.constant 79 : i32
    %mul3A_24 = arith.muli %add3A, %mul3A_23 : i32
    %dma_start3A = arith.constant 0 : i32
    %dma_start3A_25 = arith.constant 0 : i32
    %dma_start3A_26 = tpu.memref_slice %arg6[%dma_start3A, %dma_start3A_25] : memref<79x128xi32, #tpu.memory_space<vmem>> -> memref<1x128xi32, #tpu.memory_space<vmem>>
    %dma_start3A_27 = tpu.memref_squeeze %dma_start3A_26 : memref<1x128xi32, #tpu.memory_space<vmem>> -> memref<128xi32, #tpu.memory_space<vmem>>
    %dma_start3A_28 = arith.constant 0 : i32
    %dma_start3A_29 = arith.constant 0 : i32
    %dma_start3A_30 = tpu.memref_slice %arg2[%dma_start3A_28, %dma_start3A_29] : memref<20480x64xbf16, #tpu.memory_space<hbm>> -> memref<20480x64xbf16, #tpu.memory_space<hbm>>
    tpu.enqueue_indirect_dma source(%dma_start3A_30 : memref<20480x64xbf16, #tpu.memory_space<hbm>>) target(%arg8 : memref<128x64xbf16, #tpu.memory_space<vmem>>) offsets(%dma_start3A_27 : memref<128xi32, #tpu.memory_space<vmem>>) semaphore(%arg11 : memref<!tpu.dma_semaphore, #tpu.memory_space<semaphore_mem>>)
    %add3A_31 = arith.constant 0 : i32
    %add3A_32 = arith.addi %mul3A_24, %add3A_31 : i32
    %dma_start3A_33 = arith.constant 0 : i32
    %dma_start3A_34 = arith.constant 0 : i32
    %dma_start3A_35 = tpu.memref_slice %arg7[%dma_start3A_33, %dma_start3A_34] : memref<2x128xi32, #tpu.memory_space<vmem>> -> memref<1x128xi32, #tpu.memory_space<vmem>>
    %dma_start3A_36 = tpu.memref_squeeze %dma_start3A_35 : memref<1x128xi32, #tpu.memory_space<vmem>> -> memref<128xi32, #tpu.memory_space<vmem>>
    %dma_start3A_37 = arith.constant 0 : i32
    %dma_start3A_38 = tpu.memref_slice %arg4[%add3A_32, %dma_start3A_37] : memref<2528x128xi32, #tpu.memory_space<hbm>> -> memref<1x128xi32, #tpu.memory_space<hbm>>
    %dma_start3A_39 = tpu.memref_squeeze %dma_start3A_38 : memref<1x128xi32, #tpu.memory_space<hbm>> -> memref<128xi32, #tpu.memory_space<hbm>>
    %dma_start3A_40 = arith.constant 0 : i32
    %dma_start3A_41 = tpu.memref_slice %arg7[%dma_start3A_33, %dma_start3A_40] : memref<2x128xi32, #tpu.memory_space<vmem>> -> memref<1x128xi32, #tpu.memory_space<vmem>>
    %dma_start3A_42 = tpu.memref_squeeze %dma_start3A_41 : memref<1x128xi32, #tpu.memory_space<vmem>> -> memref<128xi32, #tpu.memory_space<vmem>>
    %dma_start3A_43 = arith.constant 0 : i32
    %dma_start3A_44 = tpu.memref_slice %arg4[%add3A_32, %dma_start3A_43] : memref<2528x128xi32, #tpu.memory_space<hbm>> -> memref<1x128xi32, #tpu.memory_space<hbm>>
    %dma_start3A_45 = tpu.memref_squeeze %dma_start3A_44 : memref<1x128xi32, #tpu.memory_space<hbm>> -> memref<128xi32, #tpu.memory_space<hbm>>
    tpu.enqueue_dma source(%dma_start3A_45 : memref<128xi32, #tpu.memory_space<hbm>>) target(%dma_start3A_42 : memref<128xi32, #tpu.memory_space<vmem>>) target_semaphore(%arg13 : memref<!tpu.dma_semaphore, #tpu.memory_space<semaphore_mem>>)
    %dma_start3A_46 = arith.constant 1 : i32
    %dma_start3A_47 = arith.constant 0 : i32
    %dma_start3A_48 = tpu.memref_slice %arg6[%dma_start3A_46, %dma_start3A_47] : memref<79x128xi32, #tpu.memory_space<vmem>> -> memref<1x128xi32, #tpu.memory_space<vmem>>
    %dma_start3A_49 = tpu.memref_squeeze %dma_start3A_48 : memref<1x128xi32, #tpu.memory_space<vmem>> -> memref<128xi32, #tpu.memory_space<vmem>>
    %dma_start3A_50 = arith.constant 0 : i32
    %dma_start3A_51 = arith.constant 0 : i32
    %dma_start3A_52 = tpu.memref_slice %arg2[%dma_start3A_50, %dma_start3A_51] : memref<20480x64xbf16, #tpu.memory_space<hbm>> -> memref<20480x64xbf16, #tpu.memory_space<hbm>>
    tpu.enqueue_indirect_dma source(%dma_start3A_52 : memref<20480x64xbf16, #tpu.memory_space<hbm>>) target(%arg9 : memref<128x64xbf16, #tpu.memory_space<vmem>>) offsets(%dma_start3A_49 : memref<128xi32, #tpu.memory_space<vmem>>) semaphore(%arg12 : memref<!tpu.dma_semaphore, #tpu.memory_space<semaphore_mem>>)
    %add3A_53 = arith.constant 1 : i32
    %add3A_54 = arith.addi %mul3A_24, %add3A_53 : i32
    %dma_start3A_55 = arith.constant 1 : i32
    %dma_start3A_56 = arith.constant 0 : i32
    %dma_start3A_57 = tpu.memref_slice %arg7[%dma_start3A_55, %dma_start3A_56] : memref<2x128xi32, #tpu.memory_space<vmem>> -> memref<1x128xi32, #tpu.memory_space<vmem>>
    %dma_start3A_58 = tpu.memref_squeeze %dma_start3A_57 : memref<1x128xi32, #tpu.memory_space<vmem>> -> memref<128xi32, #tpu.memory_space<vmem>>
    %dma_start3A_59 = arith.constant 0 : i32
    %dma_start3A_60 = tpu.memref_slice %arg4[%add3A_54, %dma_start3A_59] : memref<2528x128xi32, #tpu.memory_space<hbm>> -> memref<1x128xi32, #tpu.memory_space<hbm>>
    %dma_start3A_61 = tpu.memref_squeeze %dma_start3A_60 : memref<1x128xi32, #tpu.memory_space<hbm>> -> memref<128xi32, #tpu.memory_space<hbm>>
    %dma_start3A_62 = arith.constant 0 : i32
    %dma_start3A_63 = tpu.memref_slice %arg7[%dma_start3A_55, %dma_start3A_62] : memref<2x128xi32, #tpu.memory_space<vmem>> -> memref<1x128xi32, #tpu.memory_space<vmem>>
    %dma_start3A_64 = tpu.memref_squeeze %dma_start3A_63 : memref<1x128xi32, #tpu.memory_space<vmem>> -> memref<128xi32, #tpu.memory_space<vmem>>
    %dma_start3A_65 = arith.constant 0 : i32
    %dma_start3A_66 = tpu.memref_slice %arg4[%add3A_54, %dma_start3A_65] : memref<2528x128xi32, #tpu.memory_space<hbm>> -> memref<1x128xi32, #tpu.memory_space<hbm>>
    %dma_start3A_67 = tpu.memref_squeeze %dma_start3A_66 : memref<1x128xi32, #tpu.memory_space<hbm>> -> memref<128xi32, #tpu.memory_space<hbm>>
    tpu.enqueue_dma source(%dma_start3A_67 : memref<128xi32, #tpu.memory_space<hbm>>) target(%dma_start3A_64 : memref<128xi32, #tpu.memory_space<vmem>>) target_semaphore(%arg14 : memref<!tpu.dma_semaphore, #tpu.memory_space<semaphore_mem>>)
    %scan3A_68 = arith.constant 0 : i32
    %scan3A_69 = arith.constant 0 : i32
    %scan3A_70 = arith.constant 38 : i32
    %scan3A_71 = arith.addi %scan3A_69, %scan3A_70 : i32
    %scan3A_72 = arith.constant 1 : i32
    scf.for %scan3A_157 = %scan3A_69 to %scan3A_71 step %scan3A_72  : i32 {
      %mul3A_158 = arith.constant 2 : i32
      %mul3A_159 = arith.muli %scan3A_157, %mul3A_158 : i32
      %add3A_160 = arith.constant 0 : i32
      %add3A_161 = arith.addi %mul3A_159, %add3A_160 : i32
      %dma_wait3A_162 = arith.constant 0 : i32
      %dma_wait3A_163 = arith.constant 0 : i32
      %dma_wait3A_164 = tpu.memref_slice %arg2[%dma_wait3A_162, %dma_wait3A_163] : memref<20480x64xbf16, #tpu.memory_space<hbm>> -> memref<128x64xbf16, #tpu.memory_space<hbm>>
      %dma_wait3A_165 = arith.constant 0 : i32
      %dma_wait3A_166 = arith.constant 0 : i32
      %dma_wait3A_167 = tpu.memref_slice %arg2[%dma_wait3A_165, %dma_wait3A_166] : memref<20480x64xbf16, #tpu.memory_space<hbm>> -> memref<128x64xbf16, #tpu.memory_space<hbm>>
      tpu.wait_dma2 semaphore(%arg11 : memref<!tpu.dma_semaphore, #tpu.memory_space<semaphore_mem>>) src(%dma_wait3A_167 : memref<128x64xbf16, #tpu.memory_space<hbm>>) dst(%arg8 : memref<128x64xbf16, #tpu.memory_space<vmem>>)
      %dma_wait3A_168 = arith.constant 0 : i32
      %dma_wait3A_169 = arith.constant 0 : i32
      %dma_wait3A_170 = tpu.memref_slice %arg7[%dma_wait3A_168, %dma_wait3A_169] : memref<2x128xi32, #tpu.memory_space<vmem>> -> memref<1x128xi32, #tpu.memory_space<vmem>>
      %dma_wait3A_171 = tpu.memref_squeeze %dma_wait3A_170 : memref<1x128xi32, #tpu.memory_space<vmem>> -> memref<128xi32, #tpu.memory_space<vmem>>
      %dma_wait3A_172 = arith.constant 0 : i32
      %dma_wait3A_173 = tpu.memref_slice %arg4[%mul3A_24, %dma_wait3A_172] : memref<2528x128xi32, #tpu.memory_space<hbm>> -> memref<1x128xi32, #tpu.memory_space<hbm>>
      %dma_wait3A_174 = tpu.memref_squeeze %dma_wait3A_173 : memref<1x128xi32, #tpu.memory_space<hbm>> -> memref<128xi32, #tpu.memory_space<hbm>>
      %dma_wait3A_175 = arith.constant 0 : i32
      %dma_wait3A_176 = tpu.memref_slice %arg7[%dma_wait3A_168, %dma_wait3A_175] : memref<2x128xi32, #tpu.memory_space<vmem>> -> memref<1x128xi32, #tpu.memory_space<vmem>>
      %dma_wait3A_177 = tpu.memref_squeeze %dma_wait3A_176 : memref<1x128xi32, #tpu.memory_space<vmem>> -> memref<128xi32, #tpu.memory_space<vmem>>
      %dma_wait3A_178 = arith.constant 0 : i32
      %dma_wait3A_179 = tpu.memref_slice %arg4[%mul3A_24, %dma_wait3A_178] : memref<2528x128xi32, #tpu.memory_space<hbm>> -> memref<1x128xi32, #tpu.memory_space<hbm>>
      %dma_wait3A_180 = tpu.memref_squeeze %dma_wait3A_179 : memref<1x128xi32, #tpu.memory_space<hbm>> -> memref<128xi32, #tpu.memory_space<hbm>>
      tpu.wait_dma2 semaphore(%arg13 : memref<!tpu.dma_semaphore, #tpu.memory_space<semaphore_mem>>) src(%dma_wait3A_180 : memref<128xi32, #tpu.memory_space<hbm>>) dst(%dma_wait3A_177 : memref<128xi32, #tpu.memory_space<vmem>>)
      %run_scoped3A_181 = arith.constant 0 : i32
      "tpu.region"() ({
        %run_scoped3A_252 = tpu.sem_alloc : memref<!tpu.dma_semaphore, #tpu.memory_space<semaphore_mem>>
        %dma_start3A_253 = arith.constant 0 : i32
        %dma_start3A_254 = tpu.memref_slice %arg7[%run_scoped3A_181, %dma_start3A_253] : memref<2x128xi32, #tpu.memory_space<vmem>> -> memref<1x128xi32, #tpu.memory_space<vmem>>
        %dma_start3A_255 = tpu.memref_squeeze %dma_start3A_254 : memref<1x128xi32, #tpu.memory_space<vmem>> -> memref<128xi32, #tpu.memory_space<vmem>>
        %dma_start3A_256 = arith.constant 0 : i32
        %dma_start3A_257 = arith.constant 0 : i32
        %dma_start3A_258 = tpu.memref_slice %arg10[%dma_start3A_256, %dma_start3A_257] : memref<10240x64xbf16, #tpu.memory_space<vmem_shared>> -> memref<10240x64xbf16, #tpu.memory_space<vmem_shared>>
        tpu.enqueue_indirect_dma source(%arg8 : memref<128x64xbf16, #tpu.memory_space<vmem>>) target(%dma_start3A_258 : memref<10240x64xbf16, #tpu.memory_space<vmem_shared>>) offsets(%dma_start3A_255 : memref<128xi32, #tpu.memory_space<vmem>>) semaphore(%run_scoped3A_252 : memref<!tpu.dma_semaphore, #tpu.memory_space<semaphore_mem>>) {add = true}
        %dma_wait3A_259 = arith.constant 0 : i32
        %dma_wait3A_260 = tpu.memref_slice %arg7[%run_scoped3A_181, %dma_wait3A_259] : memref<2x128xi32, #tpu.memory_space<vmem>> -> memref<1x128xi32, #tpu.memory_space<vmem>>
        %dma_wait3A_261 = tpu.memref_squeeze %dma_wait3A_260 : memref<1x128xi32, #tpu.memory_space<vmem>> -> memref<128xi32, #tpu.memory_space<vmem>>
        %dma_wait3A_262 = arith.constant 0 : i32
        %dma_wait3A_263 = arith.constant 0 : i32
        %dma_wait3A_264 = tpu.memref_slice %arg10[%dma_wait3A_262, %dma_wait3A_263] : memref<10240x64xbf16, #tpu.memory_space<vmem_shared>> -> memref<10240x64xbf16, #tpu.memory_space<vmem_shared>>
        tpu.wait_indirect_dma semaphore(%run_scoped3A_252 : memref<!tpu.dma_semaphore, #tpu.memory_space<semaphore_mem>>) src(%arg8 : memref<128x64xbf16, #tpu.memory_space<vmem>>) dst(%dma_wait3A_264 : memref<10240x64xbf16, #tpu.memory_space<vmem_shared>>)
        tpu.yield
      }) : () -> ()
      %add3A_182 = arith.constant 2 : i32
      %add3A_183 = arith.addi %add3A_161, %add3A_182 : i32
      %dma_start3A_184 = arith.constant 0 : i32
      %dma_start3A_185 = tpu.memref_slice %arg6[%add3A_183, %dma_start3A_184] : memref<79x128xi32, #tpu.memory_space<vmem>> -> memref<1x128xi32, #tpu.memory_space<vmem>>
      %dma_start3A_186 = tpu.memref_squeeze %dma_start3A_185 : memref<1x128xi32, #tpu.memory_space<vmem>> -> memref<128xi32, #tpu.memory_space<vmem>>
      %dma_start3A_187 = arith.constant 0 : i32
      %dma_start3A_188 = arith.constant 0 : i32
      %dma_start3A_189 = tpu.memref_slice %arg2[%dma_start3A_187, %dma_start3A_188] : memref<20480x64xbf16, #tpu.memory_space<hbm>> -> memref<20480x64xbf16, #tpu.memory_space<hbm>>
      tpu.enqueue_indirect_dma source(%dma_start3A_189 : memref<20480x64xbf16, #tpu.memory_space<hbm>>) target(%arg8 : memref<128x64xbf16, #tpu.memory_space<vmem>>) offsets(%dma_start3A_186 : memref<128xi32, #tpu.memory_space<vmem>>) semaphore(%arg11 : memref<!tpu.dma_semaphore, #tpu.memory_space<semaphore_mem>>)
      %add3A_190 = arith.addi %mul3A_24, %add3A_161 : i32
      %add3A_191 = arith.constant 2 : i32
      %add3A_192 = arith.addi %add3A_190, %add3A_191 : i32
      %dma_start3A_193 = arith.constant 0 : i32
      %dma_start3A_194 = arith.constant 0 : i32
      %dma_start3A_195 = tpu.memref_slice %arg7[%dma_start3A_193, %dma_start3A_194] : memref<2x128xi32, #tpu.memory_space<vmem>> -> memref<1x128xi32, #tpu.memory_space<vmem>>
      %dma_start3A_196 = tpu.memref_squeeze %dma_start3A_195 : memref<1x128xi32, #tpu.memory_space<vmem>> -> memref<128xi32, #tpu.memory_space<vmem>>
      %dma_start3A_197 = arith.constant 0 : i32
      %dma_start3A_198 = tpu.memref_slice %arg4[%add3A_192, %dma_start3A_197] : memref<2528x128xi32, #tpu.memory_space<hbm>> -> memref<1x128xi32, #tpu.memory_space<hbm>>
      %dma_start3A_199 = tpu.memref_squeeze %dma_start3A_198 : memref<1x128xi32, #tpu.memory_space<hbm>> -> memref<128xi32, #tpu.memory_space<hbm>>
      %dma_start3A_200 = arith.constant 0 : i32
      %dma_start3A_201 = tpu.memref_slice %arg7[%dma_start3A_193, %dma_start3A_200] : memref<2x128xi32, #tpu.memory_space<vmem>> -> memref<1x128xi32, #tpu.memory_space<vmem>>
      %dma_start3A_202 = tpu.memref_squeeze %dma_start3A_201 : memref<1x128xi32, #tpu.memory_space<vmem>> -> memref<128xi32, #tpu.memory_space<vmem>>
      %dma_start3A_203 = arith.constant 0 : i32
      %dma_start3A_204 = tpu.memref_slice %arg4[%add3A_192, %dma_start3A_203] : memref<2528x128xi32, #tpu.memory_space<hbm>> -> memref<1x128xi32, #tpu.memory_space<hbm>>
      %dma_start3A_205 = tpu.memref_squeeze %dma_start3A_204 : memref<1x128xi32, #tpu.memory_space<hbm>> -> memref<128xi32, #tpu.memory_space<hbm>>
      tpu.enqueue_dma source(%dma_start3A_205 : memref<128xi32, #tpu.memory_space<hbm>>) target(%dma_start3A_202 : memref<128xi32, #tpu.memory_space<vmem>>) target_semaphore(%arg13 : memref<!tpu.dma_semaphore, #tpu.memory_space<semaphore_mem>>)
      %add3A_206 = arith.constant 1 : i32
      %add3A_207 = arith.addi %mul3A_159, %add3A_206 : i32
      %dma_wait3A_208 = arith.constant 0 : i32
      %dma_wait3A_209 = arith.constant 0 : i32
      %dma_wait3A_210 = tpu.memref_slice %arg2[%dma_wait3A_208, %dma_wait3A_209] : memref<20480x64xbf16, #tpu.memory_space<hbm>> -> memref<128x64xbf16, #tpu.memory_space<hbm>>
      %dma_wait3A_211 = arith.constant 0 : i32
      %dma_wait3A_212 = arith.constant 0 : i32
      %dma_wait3A_213 = tpu.memref_slice %arg2[%dma_wait3A_211, %dma_wait3A_212] : memref<20480x64xbf16, #tpu.memory_space<hbm>> -> memref<128x64xbf16, #tpu.memory_space<hbm>>
      tpu.wait_dma2 semaphore(%arg12 : memref<!tpu.dma_semaphore, #tpu.memory_space<semaphore_mem>>) src(%dma_wait3A_213 : memref<128x64xbf16, #tpu.memory_space<hbm>>) dst(%arg9 : memref<128x64xbf16, #tpu.memory_space<vmem>>)
      %dma_wait3A_214 = arith.constant 1 : i32
      %dma_wait3A_215 = arith.constant 0 : i32
      %dma_wait3A_216 = tpu.memref_slice %arg7[%dma_wait3A_214, %dma_wait3A_215] : memref<2x128xi32, #tpu.memory_space<vmem>> -> memref<1x128xi32, #tpu.memory_space<vmem>>
      %dma_wait3A_217 = tpu.memref_squeeze %dma_wait3A_216 : memref<1x128xi32, #tpu.memory_space<vmem>> -> memref<128xi32, #tpu.memory_space<vmem>>
      %dma_wait3A_218 = arith.constant 0 : i32
      %dma_wait3A_219 = tpu.memref_slice %arg4[%mul3A_24, %dma_wait3A_218] : memref<2528x128xi32, #tpu.memory_space<hbm>> -> memref<1x128xi32, #tpu.memory_space<hbm>>
      %dma_wait3A_220 = tpu.memref_squeeze %dma_wait3A_219 : memref<1x128xi32, #tpu.memory_space<hbm>> -> memref<128xi32, #tpu.memory_space<hbm>>
      %dma_wait3A_221 = arith.constant 0 : i32
      %dma_wait3A_222 = tpu.memref_slice %arg7[%dma_wait3A_214, %dma_wait3A_221] : memref<2x128xi32, #tpu.memory_space<vmem>> -> memref<1x128xi32, #tpu.memory_space<vmem>>
      %dma_wait3A_223 = tpu.memref_squeeze %dma_wait3A_222 : memref<1x128xi32, #tpu.memory_space<vmem>> -> memref<128xi32, #tpu.memory_space<vmem>>
      %dma_wait3A_224 = arith.constant 0 : i32
      %dma_wait3A_225 = tpu.memref_slice %arg4[%mul3A_24, %dma_wait3A_224] : memref<2528x128xi32, #tpu.memory_space<hbm>> -> memref<1x128xi32, #tpu.memory_space<hbm>>
      %dma_wait3A_226 = tpu.memref_squeeze %dma_wait3A_225 : memref<1x128xi32, #tpu.memory_space<hbm>> -> memref<128xi32, #tpu.memory_space<hbm>>
      tpu.wait_dma2 semaphore(%arg14 : memref<!tpu.dma_semaphore, #tpu.memory_space<semaphore_mem>>) src(%dma_wait3A_226 : memref<128xi32, #tpu.memory_space<hbm>>) dst(%dma_wait3A_223 : memref<128xi32, #tpu.memory_space<vmem>>)
      %run_scoped3A_227 = arith.constant 1 : i32
      "tpu.region"() ({
        %run_scoped3A_252 = tpu.sem_alloc : memref<!tpu.dma_semaphore, #tpu.memory_space<semaphore_mem>>
        %dma_start3A_253 = arith.constant 0 : i32
        %dma_start3A_254 = tpu.memref_slice %arg7[%run_scoped3A_227, %dma_start3A_253] : memref<2x128xi32, #tpu.memory_space<vmem>> -> memref<1x128xi32, #tpu.memory_space<vmem>>
        %dma_start3A_255 = tpu.memref_squeeze %dma_start3A_254 : memref<1x128xi32, #tpu.memory_space<vmem>> -> memref<128xi32, #tpu.memory_space<vmem>>
        %dma_start3A_256 = arith.constant 0 : i32
        %dma_start3A_257 = arith.constant 0 : i32
        %dma_start3A_258 = tpu.memref_slice %arg10[%dma_start3A_256, %dma_start3A_257] : memref<10240x64xbf16, #tpu.memory_space<vmem_shared>> -> memref<10240x64xbf16, #tpu.memory_space<vmem_shared>>
        tpu.enqueue_indirect_dma source(%arg9 : memref<128x64xbf16, #tpu.memory_space<vmem>>) target(%dma_start3A_258 : memref<10240x64xbf16, #tpu.memory_space<vmem_shared>>) offsets(%dma_start3A_255 : memref<128xi32, #tpu.memory_space<vmem>>) semaphore(%run_scoped3A_252 : memref<!tpu.dma_semaphore, #tpu.memory_space<semaphore_mem>>) {add = true}
        %dma_wait3A_259 = arith.constant 0 : i32
        %dma_wait3A_260 = tpu.memref_slice %arg7[%run_scoped3A_227, %dma_wait3A_259] : memref<2x128xi32, #tpu.memory_space<vmem>> -> memref<1x128xi32, #tpu.memory_space<vmem>>
        %dma_wait3A_261 = tpu.memref_squeeze %dma_wait3A_260 : memref<1x128xi32, #tpu.memory_space<vmem>> -> memref<128xi32, #tpu.memory_space<vmem>>
        %dma_wait3A_262 = arith.constant 0 : i32
        %dma_wait3A_263 = arith.constant 0 : i32
        %dma_wait3A_264 = tpu.memref_slice %arg10[%dma_wait3A_262, %dma_wait3A_263] : memref<10240x64xbf16, #tpu.memory_space<vmem_shared>> -> memref<10240x64xbf16, #tpu.memory_space<vmem_shared>>
        tpu.wait_indirect_dma semaphore(%run_scoped3A_252 : memref<!tpu.dma_semaphore, #tpu.memory_space<semaphore_mem>>) src(%arg9 : memref<128x64xbf16, #tpu.memory_space<vmem>>) dst(%dma_wait3A_264 : memref<10240x64xbf16, #tpu.memory_space<vmem_shared>>)
        tpu.yield
      }) : () -> ()
      %add3A_228 = arith.constant 2 : i32
      %add3A_229 = arith.addi %add3A_207, %add3A_228 : i32
      %dma_start3A_230 = arith.constant 0 : i32
      %dma_start3A_231 = tpu.memref_slice %arg6[%add3A_229, %dma_start3A_230] : memref<79x128xi32, #tpu.memory_space<vmem>> -> memref<1x128xi32, #tpu.memory_space<vmem>>
      %dma_start3A_232 = tpu.memref_squeeze %dma_start3A_231 : memref<1x128xi32, #tpu.memory_space<vmem>> -> memref<128xi32, #tpu.memory_space<vmem>>
      %dma_start3A_233 = arith.constant 0 : i32
      %dma_start3A_234 = arith.constant 0 : i32
      %dma_start3A_235 = tpu.memref_slice %arg2[%dma_start3A_233, %dma_start3A_234] : memref<20480x64xbf16, #tpu.memory_space<hbm>> -> memref<20480x64xbf16, #tpu.memory_space<hbm>>
      tpu.enqueue_indirect_dma source(%dma_start3A_235 : memref<20480x64xbf16, #tpu.memory_space<hbm>>) target(%arg9 : memref<128x64xbf16, #tpu.memory_space<vmem>>) offsets(%dma_start3A_232 : memref<128xi32, #tpu.memory_space<vmem>>) semaphore(%arg12 : memref<!tpu.dma_semaphore, #tpu.memory_space<semaphore_mem>>)
      %add3A_236 = arith.addi %mul3A_24, %add3A_207 : i32
      %add3A_237 = arith.constant 2 : i32
      %add3A_238 = arith.addi %add3A_236, %add3A_237 : i32
      %dma_start3A_239 = arith.constant 1 : i32
      %dma_start3A_240 = arith.constant 0 : i32
      %dma_start3A_241 = tpu.memref_slice %arg7[%dma_start3A_239, %dma_start3A_240] : memref<2x128xi32, #tpu.memory_space<vmem>> -> memref<1x128xi32, #tpu.memory_space<vmem>>
      %dma_start3A_242 = tpu.memref_squeeze %dma_start3A_241 : memref<1x128xi32, #tpu.memory_space<vmem>> -> memref<128xi32, #tpu.memory_space<vmem>>
      %dma_start3A_243 = arith.constant 0 : i32
      %dma_start3A_244 = tpu.memref_slice %arg4[%add3A_238, %dma_start3A_243] : memref<2528x128xi32, #tpu.memory_space<hbm>> -> memref<1x128xi32, #tpu.memory_space<hbm>>
      %dma_start3A_245 = tpu.memref_squeeze %dma_start3A_244 : memref<1x128xi32, #tpu.memory_space<hbm>> -> memref<128xi32, #tpu.memory_space<hbm>>
      %dma_start3A_246 = arith.constant 0 : i32
      %dma_start3A_247 = tpu.memref_slice %arg7[%dma_start3A_239, %dma_start3A_246] : memref<2x128xi32, #tpu.memory_space<vmem>> -> memref<1x128xi32, #tpu.memory_space<vmem>>
      %dma_start3A_248 = tpu.memref_squeeze %dma_start3A_247 : memref<1x128xi32, #tpu.memory_space<vmem>> -> memref<128xi32, #tpu.memory_space<vmem>>
      %dma_start3A_249 = arith.constant 0 : i32
      %dma_start3A_250 = tpu.memref_slice %arg4[%add3A_238, %dma_start3A_249] : memref<2528x128xi32, #tpu.memory_space<hbm>> -> memref<1x128xi32, #tpu.memory_space<hbm>>
      %dma_start3A_251 = tpu.memref_squeeze %dma_start3A_250 : memref<1x128xi32, #tpu.memory_space<hbm>> -> memref<128xi32, #tpu.memory_space<hbm>>
      tpu.enqueue_dma source(%dma_start3A_251 : memref<128xi32, #tpu.memory_space<hbm>>) target(%dma_start3A_248 : memref<128xi32, #tpu.memory_space<vmem>>) target_semaphore(%arg14 : memref<!tpu.dma_semaphore, #tpu.memory_space<semaphore_mem>>)
    }
    %scan3A_73 = arith.constant 38 : i32
    %dma_wait3A = arith.constant 0 : i32
    %dma_wait3A_74 = arith.constant 0 : i32
    %dma_wait3A_75 = tpu.memref_slice %arg2[%dma_wait3A, %dma_wait3A_74] : memref<20480x64xbf16, #tpu.memory_space<hbm>> -> memref<128x64xbf16, #tpu.memory_space<hbm>>
    %dma_wait3A_76 = arith.constant 0 : i32
    %dma_wait3A_77 = arith.constant 0 : i32
    %dma_wait3A_78 = tpu.memref_slice %arg2[%dma_wait3A_76, %dma_wait3A_77] : memref<20480x64xbf16, #tpu.memory_space<hbm>> -> memref<128x64xbf16, #tpu.memory_space<hbm>>
    tpu.wait_dma2 semaphore(%arg11 : memref<!tpu.dma_semaphore, #tpu.memory_space<semaphore_mem>>) src(%dma_wait3A_78 : memref<128x64xbf16, #tpu.memory_space<hbm>>) dst(%arg8 : memref<128x64xbf16, #tpu.memory_space<vmem>>)
    %dma_wait3A_79 = arith.constant 0 : i32
    %dma_wait3A_80 = arith.constant 0 : i32
    %dma_wait3A_81 = tpu.memref_slice %arg7[%dma_wait3A_79, %dma_wait3A_80] : memref<2x128xi32, #tpu.memory_space<vmem>> -> memref<1x128xi32, #tpu.memory_space<vmem>>
    %dma_wait3A_82 = tpu.memref_squeeze %dma_wait3A_81 : memref<1x128xi32, #tpu.memory_space<vmem>> -> memref<128xi32, #tpu.memory_space<vmem>>
    %dma_wait3A_83 = arith.constant 0 : i32
    %dma_wait3A_84 = tpu.memref_slice %arg4[%mul3A_24, %dma_wait3A_83] : memref<2528x128xi32, #tpu.memory_space<hbm>> -> memref<1x128xi32, #tpu.memory_space<hbm>>
    %dma_wait3A_85 = tpu.memref_squeeze %dma_wait3A_84 : memref<1x128xi32, #tpu.memory_space<hbm>> -> memref<128xi32, #tpu.memory_space<hbm>>
    %dma_wait3A_86 = arith.constant 0 : i32
    %dma_wait3A_87 = tpu.memref_slice %arg7[%dma_wait3A_79, %dma_wait3A_86] : memref<2x128xi32, #tpu.memory_space<vmem>> -> memref<1x128xi32, #tpu.memory_space<vmem>>
    %dma_wait3A_88 = tpu.memref_squeeze %dma_wait3A_87 : memref<1x128xi32, #tpu.memory_space<vmem>> -> memref<128xi32, #tpu.memory_space<vmem>>
    %dma_wait3A_89 = arith.constant 0 : i32
    %dma_wait3A_90 = tpu.memref_slice %arg4[%mul3A_24, %dma_wait3A_89] : memref<2528x128xi32, #tpu.memory_space<hbm>> -> memref<1x128xi32, #tpu.memory_space<hbm>>
    %dma_wait3A_91 = tpu.memref_squeeze %dma_wait3A_90 : memref<1x128xi32, #tpu.memory_space<hbm>> -> memref<128xi32, #tpu.memory_space<hbm>>
    tpu.wait_dma2 semaphore(%arg13 : memref<!tpu.dma_semaphore, #tpu.memory_space<semaphore_mem>>) src(%dma_wait3A_91 : memref<128xi32, #tpu.memory_space<hbm>>) dst(%dma_wait3A_88 : memref<128xi32, #tpu.memory_space<vmem>>)
    %run_scoped3A = arith.constant 0 : i32
    "tpu.region"() ({
      %run_scoped3A_157 = tpu.sem_alloc : memref<!tpu.dma_semaphore, #tpu.memory_space<semaphore_mem>>
      %dma_start3A_158 = arith.constant 0 : i32
      %dma_start3A_159 = tpu.memref_slice %arg7[%run_scoped3A, %dma_start3A_158] : memref<2x128xi32, #tpu.memory_space<vmem>> -> memref<1x128xi32, #tpu.memory_space<vmem>>
      %dma_start3A_160 = tpu.memref_squeeze %dma_start3A_159 : memref<1x128xi32, #tpu.memory_space<vmem>> -> memref<128xi32, #tpu.memory_space<vmem>>
      %dma_start3A_161 = arith.constant 0 : i32
      %dma_start3A_162 = arith.constant 0 : i32
      %dma_start3A_163 = tpu.memref_slice %arg10[%dma_start3A_161, %dma_start3A_162] : memref<10240x64xbf16, #tpu.memory_space<vmem_shared>> -> memref<10240x64xbf16, #tpu.memory_space<vmem_shared>>
      tpu.enqueue_indirect_dma source(%arg8 : memref<128x64xbf16, #tpu.memory_space<vmem>>) target(%dma_start3A_163 : memref<10240x64xbf16, #tpu.memory_space<vmem_shared>>) offsets(%dma_start3A_160 : memref<128xi32, #tpu.memory_space<vmem>>) semaphore(%run_scoped3A_157 : memref<!tpu.dma_semaphore, #tpu.memory_space<semaphore_mem>>) {add = true}
      %dma_wait3A_164 = arith.constant 0 : i32
      %dma_wait3A_165 = tpu.memref_slice %arg7[%run_scoped3A, %dma_wait3A_164] : memref<2x128xi32, #tpu.memory_space<vmem>> -> memref<1x128xi32, #tpu.memory_space<vmem>>
      %dma_wait3A_166 = tpu.memref_squeeze %dma_wait3A_165 : memref<1x128xi32, #tpu.memory_space<vmem>> -> memref<128xi32, #tpu.memory_space<vmem>>
      %dma_wait3A_167 = arith.constant 0 : i32
      %dma_wait3A_168 = arith.constant 0 : i32
      %dma_wait3A_169 = tpu.memref_slice %arg10[%dma_wait3A_167, %dma_wait3A_168] : memref<10240x64xbf16, #tpu.memory_space<vmem_shared>> -> memref<10240x64xbf16, #tpu.memory_space<vmem_shared>>
      tpu.wait_indirect_dma semaphore(%run_scoped3A_157 : memref<!tpu.dma_semaphore, #tpu.memory_space<semaphore_mem>>) src(%arg8 : memref<128x64xbf16, #tpu.memory_space<vmem>>) dst(%dma_wait3A_169 : memref<10240x64xbf16, #tpu.memory_space<vmem_shared>>)
      tpu.yield
    }) : () -> ()
    %dma_start3A_92 = arith.constant 78 : i32
    %dma_start3A_93 = arith.constant 0 : i32
    %dma_start3A_94 = tpu.memref_slice %arg6[%dma_start3A_92, %dma_start3A_93] : memref<79x128xi32, #tpu.memory_space<vmem>> -> memref<1x128xi32, #tpu.memory_space<vmem>>
    %dma_start3A_95 = tpu.memref_squeeze %dma_start3A_94 : memref<1x128xi32, #tpu.memory_space<vmem>> -> memref<128xi32, #tpu.memory_space<vmem>>
    %dma_start3A_96 = arith.constant 0 : i32
    %dma_start3A_97 = arith.constant 0 : i32
    %dma_start3A_98 = tpu.memref_slice %arg2[%dma_start3A_96, %dma_start3A_97] : memref<20480x64xbf16, #tpu.memory_space<hbm>> -> memref<20480x64xbf16, #tpu.memory_space<hbm>>
    tpu.enqueue_indirect_dma source(%dma_start3A_98 : memref<20480x64xbf16, #tpu.memory_space<hbm>>) target(%arg8 : memref<128x64xbf16, #tpu.memory_space<vmem>>) offsets(%dma_start3A_95 : memref<128xi32, #tpu.memory_space<vmem>>) semaphore(%arg11 : memref<!tpu.dma_semaphore, #tpu.memory_space<semaphore_mem>>)
    %add3A_99 = arith.constant 76 : i32
    %add3A_100 = arith.addi %mul3A_24, %add3A_99 : i32
    %add3A_101 = arith.constant 2 : i32
    %add3A_102 = arith.addi %add3A_100, %add3A_101 : i32
    %dma_start3A_103 = arith.constant 0 : i32
    %dma_start3A_104 = arith.constant 0 : i32
    %dma_start3A_105 = tpu.memref_slice %arg7[%dma_start3A_103, %dma_start3A_104] : memref<2x128xi32, #tpu.memory_space<vmem>> -> memref<1x128xi32, #tpu.memory_space<vmem>>
    %dma_start3A_106 = tpu.memref_squeeze %dma_start3A_105 : memref<1x128xi32, #tpu.memory_space<vmem>> -> memref<128xi32, #tpu.memory_space<vmem>>
    %dma_start3A_107 = arith.constant 0 : i32
    %dma_start3A_108 = tpu.memref_slice %arg4[%add3A_102, %dma_start3A_107] : memref<2528x128xi32, #tpu.memory_space<hbm>> -> memref<1x128xi32, #tpu.memory_space<hbm>>
    %dma_start3A_109 = tpu.memref_squeeze %dma_start3A_108 : memref<1x128xi32, #tpu.memory_space<hbm>> -> memref<128xi32, #tpu.memory_space<hbm>>
    %dma_start3A_110 = arith.constant 0 : i32
    %dma_start3A_111 = tpu.memref_slice %arg7[%dma_start3A_103, %dma_start3A_110] : memref<2x128xi32, #tpu.memory_space<vmem>> -> memref<1x128xi32, #tpu.memory_space<vmem>>
    %dma_start3A_112 = tpu.memref_squeeze %dma_start3A_111 : memref<1x128xi32, #tpu.memory_space<vmem>> -> memref<128xi32, #tpu.memory_space<vmem>>
    %dma_start3A_113 = arith.constant 0 : i32
    %dma_start3A_114 = tpu.memref_slice %arg4[%add3A_102, %dma_start3A_113] : memref<2528x128xi32, #tpu.memory_space<hbm>> -> memref<1x128xi32, #tpu.memory_space<hbm>>
    %dma_start3A_115 = tpu.memref_squeeze %dma_start3A_114 : memref<1x128xi32, #tpu.memory_space<hbm>> -> memref<128xi32, #tpu.memory_space<hbm>>
    tpu.enqueue_dma source(%dma_start3A_115 : memref<128xi32, #tpu.memory_space<hbm>>) target(%dma_start3A_112 : memref<128xi32, #tpu.memory_space<vmem>>) target_semaphore(%arg13 : memref<!tpu.dma_semaphore, #tpu.memory_space<semaphore_mem>>)
    %dma_wait3A_116 = arith.constant 0 : i32
    %dma_wait3A_117 = arith.constant 0 : i32
    %dma_wait3A_118 = tpu.memref_slice %arg2[%dma_wait3A_116, %dma_wait3A_117] : memref<20480x64xbf16, #tpu.memory_space<hbm>> -> memref<128x64xbf16, #tpu.memory_space<hbm>>
    %dma_wait3A_119 = arith.constant 0 : i32
    %dma_wait3A_120 = arith.constant 0 : i32
    %dma_wait3A_121 = tpu.memref_slice %arg2[%dma_wait3A_119, %dma_wait3A_120] : memref<20480x64xbf16, #tpu.memory_space<hbm>> -> memref<128x64xbf16, #tpu.memory_space<hbm>>
    tpu.wait_dma2 semaphore(%arg12 : memref<!tpu.dma_semaphore, #tpu.memory_space<semaphore_mem>>) src(%dma_wait3A_121 : memref<128x64xbf16, #tpu.memory_space<hbm>>) dst(%arg9 : memref<128x64xbf16, #tpu.memory_space<vmem>>)
    %dma_wait3A_122 = arith.constant 1 : i32
    %dma_wait3A_123 = arith.constant 0 : i32
    %dma_wait3A_124 = tpu.memref_slice %arg7[%dma_wait3A_122, %dma_wait3A_123] : memref<2x128xi32, #tpu.memory_space<vmem>> -> memref<1x128xi32, #tpu.memory_space<vmem>>
    %dma_wait3A_125 = tpu.memref_squeeze %dma_wait3A_124 : memref<1x128xi32, #tpu.memory_space<vmem>> -> memref<128xi32, #tpu.memory_space<vmem>>
    %dma_wait3A_126 = arith.constant 0 : i32
    %dma_wait3A_127 = tpu.memref_slice %arg4[%mul3A_24, %dma_wait3A_126] : memref<2528x128xi32, #tpu.memory_space<hbm>> -> memref<1x128xi32, #tpu.memory_space<hbm>>
    %dma_wait3A_128 = tpu.memref_squeeze %dma_wait3A_127 : memref<1x128xi32, #tpu.memory_space<hbm>> -> memref<128xi32, #tpu.memory_space<hbm>>
    %dma_wait3A_129 = arith.constant 0 : i32
    %dma_wait3A_130 = tpu.memref_slice %arg7[%dma_wait3A_122, %dma_wait3A_129] : memref<2x128xi32, #tpu.memory_space<vmem>> -> memref<1x128xi32, #tpu.memory_space<vmem>>
    %dma_wait3A_131 = tpu.memref_squeeze %dma_wait3A_130 : memref<1x128xi32, #tpu.memory_space<vmem>> -> memref<128xi32, #tpu.memory_space<vmem>>
    %dma_wait3A_132 = arith.constant 0 : i32
    %dma_wait3A_133 = tpu.memref_slice %arg4[%mul3A_24, %dma_wait3A_132] : memref<2528x128xi32, #tpu.memory_space<hbm>> -> memref<1x128xi32, #tpu.memory_space<hbm>>
    %dma_wait3A_134 = tpu.memref_squeeze %dma_wait3A_133 : memref<1x128xi32, #tpu.memory_space<hbm>> -> memref<128xi32, #tpu.memory_space<hbm>>
    tpu.wait_dma2 semaphore(%arg14 : memref<!tpu.dma_semaphore, #tpu.memory_space<semaphore_mem>>) src(%dma_wait3A_134 : memref<128xi32, #tpu.memory_space<hbm>>) dst(%dma_wait3A_131 : memref<128xi32, #tpu.memory_space<vmem>>)
    %run_scoped3A_135 = arith.constant 1 : i32
    "tpu.region"() ({
      %run_scoped3A_157 = tpu.sem_alloc : memref<!tpu.dma_semaphore, #tpu.memory_space<semaphore_mem>>
      %dma_start3A_158 = arith.constant 0 : i32
      %dma_start3A_159 = tpu.memref_slice %arg7[%run_scoped3A_135, %dma_start3A_158] : memref<2x128xi32, #tpu.memory_space<vmem>> -> memref<1x128xi32, #tpu.memory_space<vmem>>
      %dma_start3A_160 = tpu.memref_squeeze %dma_start3A_159 : memref<1x128xi32, #tpu.memory_space<vmem>> -> memref<128xi32, #tpu.memory_space<vmem>>
      %dma_start3A_161 = arith.constant 0 : i32
      %dma_start3A_162 = arith.constant 0 : i32
      %dma_start3A_163 = tpu.memref_slice %arg10[%dma_start3A_161, %dma_start3A_162] : memref<10240x64xbf16, #tpu.memory_space<vmem_shared>> -> memref<10240x64xbf16, #tpu.memory_space<vmem_shared>>
      tpu.enqueue_indirect_dma source(%arg9 : memref<128x64xbf16, #tpu.memory_space<vmem>>) target(%dma_start3A_163 : memref<10240x64xbf16, #tpu.memory_space<vmem_shared>>) offsets(%dma_start3A_160 : memref<128xi32, #tpu.memory_space<vmem>>) semaphore(%run_scoped3A_157 : memref<!tpu.dma_semaphore, #tpu.memory_space<semaphore_mem>>) {add = true}
      %dma_wait3A_164 = arith.constant 0 : i32
      %dma_wait3A_165 = tpu.memref_slice %arg7[%run_scoped3A_135, %dma_wait3A_164] : memref<2x128xi32, #tpu.memory_space<vmem>> -> memref<1x128xi32, #tpu.memory_space<vmem>>
      %dma_wait3A_166 = tpu.memref_squeeze %dma_wait3A_165 : memref<1x128xi32, #tpu.memory_space<vmem>> -> memref<128xi32, #tpu.memory_space<vmem>>
      %dma_wait3A_167 = arith.constant 0 : i32
      %dma_wait3A_168 = arith.constant 0 : i32
      %dma_wait3A_169 = tpu.memref_slice %arg10[%dma_wait3A_167, %dma_wait3A_168] : memref<10240x64xbf16, #tpu.memory_space<vmem_shared>> -> memref<10240x64xbf16, #tpu.memory_space<vmem_shared>>
      tpu.wait_indirect_dma semaphore(%run_scoped3A_157 : memref<!tpu.dma_semaphore, #tpu.memory_space<semaphore_mem>>) src(%arg9 : memref<128x64xbf16, #tpu.memory_space<vmem>>) dst(%dma_wait3A_169 : memref<10240x64xbf16, #tpu.memory_space<vmem_shared>>)
      tpu.yield
    }) : () -> ()
    %dma_wait3A_136 = arith.constant 0 : i32
    %dma_wait3A_137 = arith.constant 0 : i32
    %dma_wait3A_138 = tpu.memref_slice %arg2[%dma_wait3A_136, %dma_wait3A_137] : memref<20480x64xbf16, #tpu.memory_space<hbm>> -> memref<128x64xbf16, #tpu.memory_space<hbm>>
    %dma_wait3A_139 = arith.constant 0 : i32
    %dma_wait3A_140 = arith.constant 0 : i32
    %dma_wait3A_141 = tpu.memref_slice %arg2[%dma_wait3A_139, %dma_wait3A_140] : memref<20480x64xbf16, #tpu.memory_space<hbm>> -> memref<128x64xbf16, #tpu.memory_space<hbm>>
    tpu.wait_dma2 semaphore(%arg11 : memref<!tpu.dma_semaphore, #tpu.memory_space<semaphore_mem>>) src(%dma_wait3A_141 : memref<128x64xbf16, #tpu.memory_space<hbm>>) dst(%arg8 : memref<128x64xbf16, #tpu.memory_space<vmem>>)
    %dma_wait3A_142 = arith.constant 0 : i32
    %dma_wait3A_143 = arith.constant 0 : i32
    %dma_wait3A_144 = tpu.memref_slice %arg7[%dma_wait3A_142, %dma_wait3A_143] : memref<2x128xi32, #tpu.memory_space<vmem>> -> memref<1x128xi32, #tpu.memory_space<vmem>>
    %dma_wait3A_145 = tpu.memref_squeeze %dma_wait3A_144 : memref<1x128xi32, #tpu.memory_space<vmem>> -> memref<128xi32, #tpu.memory_space<vmem>>
    %dma_wait3A_146 = arith.constant 0 : i32
    %dma_wait3A_147 = tpu.memref_slice %arg4[%mul3A_24, %dma_wait3A_146] : memref<2528x128xi32, #tpu.memory_space<hbm>> -> memref<1x128xi32, #tpu.memory_space<hbm>>
    %dma_wait3A_148 = tpu.memref_squeeze %dma_wait3A_147 : memref<1x128xi32, #tpu.memory_space<hbm>> -> memref<128xi32, #tpu.memory_space<hbm>>
    %dma_wait3A_149 = arith.constant 0 : i32
    %dma_wait3A_150 = tpu.memref_slice %arg7[%dma_wait3A_142, %dma_wait3A_149] : memref<2x128xi32, #tpu.memory_space<vmem>> -> memref<1x128xi32, #tpu.memory_space<vmem>>
    %dma_wait3A_151 = tpu.memref_squeeze %dma_wait3A_150 : memref<1x128xi32, #tpu.memory_space<vmem>> -> memref<128xi32, #tpu.memory_space<vmem>>
    %dma_wait3A_152 = arith.constant 0 : i32
    %dma_wait3A_153 = tpu.memref_slice %arg4[%mul3A_24, %dma_wait3A_152] : memref<2528x128xi32, #tpu.memory_space<hbm>> -> memref<1x128xi32, #tpu.memory_space<hbm>>
    %dma_wait3A_154 = tpu.memref_squeeze %dma_wait3A_153 : memref<1x128xi32, #tpu.memory_space<hbm>> -> memref<128xi32, #tpu.memory_space<hbm>>
    tpu.wait_dma2 semaphore(%arg13 : memref<!tpu.dma_semaphore, #tpu.memory_space<semaphore_mem>>) src(%dma_wait3A_154 : memref<128xi32, #tpu.memory_space<hbm>>) dst(%dma_wait3A_151 : memref<128xi32, #tpu.memory_space<vmem>>)
    %run_scoped3A_155 = arith.constant 0 : i32
    "tpu.region"() ({
      %run_scoped3A_157 = tpu.sem_alloc : memref<!tpu.dma_semaphore, #tpu.memory_space<semaphore_mem>>
      %dma_start3A_158 = arith.constant 0 : i32
      %dma_start3A_159 = tpu.memref_slice %arg7[%run_scoped3A_155, %dma_start3A_158] : memref<2x128xi32, #tpu.memory_space<vmem>> -> memref<1x128xi32, #tpu.memory_space<vmem>>
      %dma_start3A_160 = tpu.memref_squeeze %dma_start3A_159 : memref<1x128xi32, #tpu.memory_space<vmem>> -> memref<128xi32, #tpu.memory_space<vmem>>
      %dma_start3A_161 = arith.constant 0 : i32
      %dma_start3A_162 = arith.constant 0 : i32
      %dma_start3A_163 = tpu.memref_slice %arg10[%dma_start3A_161, %dma_start3A_162] : memref<10240x64xbf16, #tpu.memory_space<vmem_shared>> -> memref<10240x64xbf16, #tpu.memory_space<vmem_shared>>
      tpu.enqueue_indirect_dma source(%arg8 : memref<128x64xbf16, #tpu.memory_space<vmem>>) target(%dma_start3A_163 : memref<10240x64xbf16, #tpu.memory_space<vmem_shared>>) offsets(%dma_start3A_160 : memref<128xi32, #tpu.memory_space<vmem>>) semaphore(%run_scoped3A_157 : memref<!tpu.dma_semaphore, #tpu.memory_space<semaphore_mem>>) {add = true}
      %dma_wait3A_164 = arith.constant 0 : i32
      %dma_wait3A_165 = tpu.memref_slice %arg7[%run_scoped3A_155, %dma_wait3A_164] : memref<2x128xi32, #tpu.memory_space<vmem>> -> memref<1x128xi32, #tpu.memory_space<vmem>>
      %dma_wait3A_166 = tpu.memref_squeeze %dma_wait3A_165 : memref<1x128xi32, #tpu.memory_space<vmem>> -> memref<128xi32, #tpu.memory_space<vmem>>
      %dma_wait3A_167 = arith.constant 0 : i32
      %dma_wait3A_168 = arith.constant 0 : i32
      %dma_wait3A_169 = tpu.memref_slice %arg10[%dma_wait3A_167, %dma_wait3A_168] : memref<10240x64xbf16, #tpu.memory_space<vmem_shared>> -> memref<10240x64xbf16, #tpu.memory_space<vmem_shared>>
      tpu.wait_indirect_dma semaphore(%run_scoped3A_157 : memref<!tpu.dma_semaphore, #tpu.memory_space<semaphore_mem>>) src(%arg8 : memref<128x64xbf16, #tpu.memory_space<vmem>>) dst(%dma_wait3A_169 : memref<10240x64xbf16, #tpu.memory_space<vmem_shared>>)
      tpu.yield
    }) : () -> ()
    %barrier3A_156 = arith.constant 0 : index
    tpu.barrier barrier_id(%barrier3A_156)
    "tpu.region"() ({
      %run_scoped3A_157 = tpu.sem_alloc : memref<!tpu.dma_semaphore, #tpu.memory_space<semaphore_mem>>
      %dma_start3A_158 = arith.constant 0 : i32
      %dma_start3A_159 = tpu.memref_slice %arg5[%arg0, %mul3A_2, %dma_start3A_158] : memref<2x10240x64xbf16, #tpu.memory_space<hbm>> -> memref<1x640x64xbf16, #tpu.memory_space<hbm>>
      %dma_start3A_160 = tpu.memref_squeeze %dma_start3A_159 : memref<1x640x64xbf16, #tpu.memory_space<hbm>> -> memref<640x64xbf16, #tpu.memory_space<hbm>>
      %dma_start3A_161 = arith.constant 0 : i32
      %dma_start3A_162 = tpu.memref_slice %arg10[%mul3A_2, %dma_start3A_161] : memref<10240x64xbf16, #tpu.memory_space<vmem_shared>> -> memref<640x64xbf16, #tpu.memory_space<vmem_shared>>
      tpu.enqueue_dma source(%dma_start3A_162 : memref<640x64xbf16, #tpu.memory_space<vmem_shared>>) target(%dma_start3A_160 : memref<640x64xbf16, #tpu.memory_space<hbm>>) target_semaphore(%run_scoped3A_157 : memref<!tpu.dma_semaphore, #tpu.memory_space<semaphore_mem>>)
      %dma_wait3A_163 = arith.constant 0 : i32
      %dma_wait3A_164 = tpu.memref_slice %arg5[%arg0, %mul3A_2, %dma_wait3A_163] : memref<2x10240x64xbf16, #tpu.memory_space<hbm>> -> memref<1x640x64xbf16, #tpu.memory_space<hbm>>
      %dma_wait3A_165 = tpu.memref_squeeze %dma_wait3A_164 : memref<1x640x64xbf16, #tpu.memory_space<hbm>> -> memref<640x64xbf16, #tpu.memory_space<hbm>>
      %dma_wait3A_166 = arith.constant 0 : i32
      %dma_wait3A_167 = tpu.memref_slice %arg10[%mul3A_2, %dma_wait3A_166] : memref<10240x64xbf16, #tpu.memory_space<vmem_shared>> -> memref<640x64xbf16, #tpu.memory_space<vmem_shared>>
      tpu.wait_dma2 semaphore(%run_scoped3A_157 : memref<!tpu.dma_semaphore, #tpu.memory_space<semaphore_mem>>) src(%dma_wait3A_167 : memref<640x64xbf16, #tpu.memory_space<vmem_shared>>) dst(%dma_wait3A_165 : memref<640x64xbf16, #tpu.memory_space<hbm>>)
      tpu.yield
    }) : () -> ()
    return
  }
}

module attributes {stable_mosaic.version = 14 : i64} {
  func.func @_self0_body(%arg0: i32, %arg1: memref<512x128xf32, #tpu.memory_space<vmem>>, %arg2: memref<128x256xf32, #tpu.memory_space<vmem>>, %arg3: memref<1x256xf32, #tpu.memory_space<vmem>>, %arg4: memref<512x256xf32, #tpu.memory_space<vmem>>) attributes {dimension_semantics = [#tpu.dimension_semantics<arbitrary>], iteration_bounds = array<i64: 20>, scalar_prefetch = 0 : i64, scratch_operands = 0 : i64, tpu.core_type = #tpu.core_type<tc>, window_params = [{transform_indices = @transform_0, window_bounds = array<i64: 512, 128>}, {pipeline_mode = #tpu.pipeline_mode<synchronous>, transform_indices = @transform_1, window_bounds = array<i64: 128, 256>}, {pipeline_mode = #tpu.pipeline_mode<synchronous>, transform_indices = @transform_2, window_bounds = array<i64: 1, 256>}, {transform_indices = @transform_3, window_bounds = array<i64: 512, 256>}]} {
    %get3A = arith.constant 0 : index
    %get3A_0 = arith.constant 0 : index
    %get3A_1 = vector.load %arg1[%get3A, %get3A_0] : memref<512x128xf32, #tpu.memory_space<vmem>>, vector<512x128xf32>
    %get3A_2 = arith.constant 0 : index
    %get3A_3 = arith.constant 0 : index
    %get3A_4 = vector.load %arg2[%get3A_2, %get3A_3] : memref<128x256xf32, #tpu.memory_space<vmem>>, vector<128x256xf32>
    %dot_general3A = arith.constant dense<0.000000e+00> : vector<512x256xf32>
    %dot_general3A_5 = tpu.matmul %get3A_1, %get3A_4, %dot_general3A {dimension_numbers = #tpu.dot_dimension_numbers<[1], [0], [0], [1], [0, 0, 1, 1], [], []>, transpose_lhs_hint = false} : vector<512x128xf32>, vector<128x256xf32>, vector<512x256xf32> -> vector<512x256xf32>
    %get3A_6 = arith.constant 0 : index
    %get3A_7 = arith.constant 0 : index
    %get3A_8 = vector.load %arg3[%get3A_6, %get3A_7] : memref<1x256xf32, #tpu.memory_space<vmem>>, vector<1x256xf32>
    %add3A = vector.broadcast %get3A_8 : vector<1x256xf32> to vector<512x256xf32>
    %add3A_9 = arith.addf %dot_general3A_5, %add3A : vector<512x256xf32>
    %swap3A = arith.constant 0 : index
    %swap3A_10 = arith.constant 0 : index
    %swap3A_11 = vector.load %arg4[%swap3A, %swap3A_10] : memref<512x256xf32, #tpu.memory_space<vmem>>, vector<512x256xf32>
    tpu.vector_store %arg4[%swap3A, %swap3A_10], %add3A_9 {strides = array<i32>} : memref<512x256xf32, #tpu.memory_space<vmem>>, vector<512x256xf32>,
    return
  }
  func.func @transform_0(%arg0: i32) -> (i32, i32) {
    %c0_i32 = arith.constant 0 : i32
    %c0_i32_0 = arith.constant 0 : i32
    return %arg0, %c0_i32 : i32, i32
  }
  func.func @transform_1(%arg0: i32) -> (i32, i32) {
    %c0_i32 = arith.constant 0 : i32
    %c0_i32_0 = arith.constant 0 : i32
    %c0_i32_1 = arith.constant 0 : i32
    return %c0_i32, %c0_i32_0 : i32, i32
  }
  func.func @transform_2(%arg0: i32) -> (i32, i32) {
    %c0_i32 = arith.constant 0 : i32
    %c0_i32_0 = arith.constant 0 : i32
    %c0_i32_1 = arith.constant 0 : i32
    return %c0_i32, %c0_i32_0 : i32, i32
  }
  func.func @transform_3(%arg0: i32) -> (i32, i32) {
    %c0_i32 = arith.constant 0 : i32
    %c0_i32_0 = arith.constant 0 : i32
    return %arg0, %c0_i32 : i32, i32
  }
}

module attributes {stable_mosaic.version = 14 : i64} {
  func.func @_fuse0_body(%arg0: i32, %arg1: i32, %arg2: memref<512x256xf32, #tpu.memory_space<vmem>>, %arg3: memref<2x512x128xbf16, #tpu.memory_space<vmem>>, %arg4: memref<512x1xf32, #tpu.memory_space<vmem>>, %arg5: memref<512x1xf32, #tpu.memory_space<vmem>>, %arg6: memref<128x256xf32, #tpu.memory_space<vmem>>, %arg7: memref<1x256xf32, #tpu.memory_space<vmem>>, %arg8: memref<1x256xf32, #tpu.memory_space<vmem>>, %arg9: memref<512x256xf32, #tpu.memory_space<vmem>>, %arg10: memref<8x256xf32, #tpu.memory_space<vmem>>, %arg11: memref<2x512x128xf32, #tpu.memory_space<vmem>>, %arg12: memref<2x512x128xbf16, #tpu.memory_space<vmem>>) attributes {dimension_semantics = [#tpu.dimension_semantics<arbitrary>, #tpu.dimension_semantics<arbitrary>], iteration_bounds = array<i64: 2, 20>, scalar_prefetch = 0 : i64, scratch_operands = 0 : i64, tpu.core_type = #tpu.core_type<tc>, window_params = [{transform_indices = @transform_0, window_bounds = array<i64: 512, 256>}, {transform_indices = @transform_1, window_bounds = array<i64: 2, 512, 128>}, {transform_indices = @transform_2, window_bounds = array<i64: 512, 1>}, {transform_indices = @transform_3, window_bounds = array<i64: 512, 1>}, {pipeline_mode = #tpu.pipeline_mode<synchronous>, transform_indices = @transform_4, window_bounds = array<i64: 128, 256>}, {pipeline_mode = #tpu.pipeline_mode<synchronous>, transform_indices = @transform_5, window_bounds = array<i64: 1, 256>}, {pipeline_mode = #tpu.pipeline_mode<synchronous>, transform_indices = @transform_6, window_bounds = array<i64: 1, 256>}, {transform_indices = @transform_7, window_bounds = array<i64: 512, 256>}, {pipeline_mode = #tpu.pipeline_mode<synchronous>, transform_indices = @transform_8, window_bounds = array<i64: 8, 256>}, {transform_indices = @transform_9, window_bounds = array<i64: 2, 512, 128>}, {transform_indices = @transform_10, window_bounds = array<i64: 2, 512, 128>}]} {
    %eq3A = arith.constant 0 : i32
    %eq3A_0 = arith.cmpi eq, %arg0, %eq3A : i32
    %convert_element_type3A = arith.extui %eq3A_0 : i1 to i32
    %cond3A = arith.constant 0 : i32
    %cond3A_1 = arith.cmpi ne, %convert_element_type3A, %cond3A : i32
    scf.if %cond3A_1 {
      %get3A = arith.constant 0 : index
      %get3A_7 = arith.constant 0 : index
      %get3A_8 = vector.load %arg4[%get3A, %get3A_7] : memref<512x1xf32, #tpu.memory_space<vmem>>, vector<512x1xf32>
      %get3A_9 = arith.constant 0 : index
      %get3A_10 = arith.constant 0 : index
      %get3A_11 = vector.load %arg5[%get3A_9, %get3A_10] : memref<512x1xf32, #tpu.memory_space<vmem>>, vector<512x1xf32>
      %add3A = arith.addf %get3A_8, %get3A_11 : vector<512x1xf32>
      %max3A = arith.constant 1.000000e+00 : f32
      %max3A_12 = vector.broadcast %max3A : f32 to vector<512x1xf32>
      %max3A_13 = arith.maximumf %add3A, %max3A_12 : vector<512x1xf32>
      %div3A = arith.constant 1.000000e+00 : f32
      %div3A_14 = vector.broadcast %div3A : f32 to vector<512x1xf32>
      %div3A_15 = arith.divf %div3A_14, %max3A_13 : vector<512x1xf32>
      %get3A_16 = arith.constant 0 : index
      %get3A_17 = arith.constant 0 : index
      %get3A_18 = arith.constant 0 : index
      %get3A_19 = vector.load %arg3[%get3A_16, %get3A_17, %get3A_18] : memref<2x512x128xbf16, #tpu.memory_space<vmem>>, vector<1x512x128xbf16>
      %get3A_20 = vector.shape_cast %get3A_19 : vector<1x512x128xbf16> to vector<512x128xbf16>
      %convert_element_type3A_21 = arith.extf %get3A_20 : vector<512x128xbf16> to vector<512x128xf32>
      %get3A_22 = arith.constant 1 : index
      %get3A_23 = arith.constant 0 : index
      %get3A_24 = arith.constant 0 : index
      %get3A_25 = vector.load %arg3[%get3A_22, %get3A_23, %get3A_24] : memref<2x512x128xbf16, #tpu.memory_space<vmem>>, vector<1x512x128xbf16>
      %get3A_26 = vector.shape_cast %get3A_25 : vector<1x512x128xbf16> to vector<512x128xbf16>
      %convert_element_type3A_27 = arith.extf %get3A_26 : vector<512x128xbf16> to vector<512x128xf32>
      %add3A_28 = arith.addf %convert_element_type3A_21, %convert_element_type3A_27 : vector<512x128xf32>
      %mul3A = vector.broadcast %div3A_15 : vector<512x1xf32> to vector<512x128xf32>
      %mul3A_29 = arith.mulf %add3A_28, %mul3A : vector<512x128xf32>
      %get3A_30 = arith.constant 0 : index
      %get3A_31 = arith.constant 0 : index
      %get3A_32 = vector.load %arg2[%get3A_30, %get3A_31] : memref<512x256xf32, #tpu.memory_space<vmem>>, vector<512x256xf32>
      %get3A_33 = arith.constant 0 : index
      %get3A_34 = arith.constant 0 : index
      %get3A_35 = vector.load %arg6[%get3A_33, %get3A_34] : memref<128x256xf32, #tpu.memory_space<vmem>>, vector<128x256xf32>
      %dot_general3A = arith.constant dense<0.000000e+00> : vector<512x256xf32>
      %dot_general3A_36 = tpu.matmul %mul3A_29, %get3A_35, %dot_general3A {dimension_numbers = #tpu.dot_dimension_numbers<[1], [0], [0], [1], [0, 0, 1, 1], [], []>, transpose_lhs_hint = false} : vector<512x128xf32>, vector<128x256xf32>, vector<512x256xf32> -> vector<512x256xf32>
      %add3A_37 = arith.addf %get3A_32, %dot_general3A_36 : vector<512x256xf32>
      %swap3A = arith.constant 0 : index
      %swap3A_38 = arith.constant 0 : index
      %swap3A_39 = vector.load %arg9[%swap3A, %swap3A_38] : memref<512x256xf32, #tpu.memory_space<vmem>>, vector<512x256xf32>
      tpu.vector_store %arg9[%swap3A, %swap3A_38], %add3A_37 {strides = array<i32>} : memref<512x256xf32, #tpu.memory_space<vmem>>, vector<512x256xf32>,
      %iota3A = tpu.iota {dimensions = array<i32: 0>} : vector<512x1xi32>
      %mul3A_40 = arith.constant 512 : i32
      %mul3A_41 = arith.muli %arg1, %mul3A_40 : i32
      %add3A_42 = vector.broadcast %mul3A_41 : i32 to vector<512x1xi32>
      %add3A_43 = arith.addi %iota3A, %add3A_42 : vector<512x1xi32>
      %lt3A = arith.constant 10000 : i32
      %lt3A_44 = vector.broadcast %lt3A : i32 to vector<512x1xi32>
      %lt3A_45 = arith.cmpi slt, %add3A_43, %lt3A_44 : vector<512x1xi32>
      %convert_element_type3A_46 = arith.extui %lt3A_45 : vector<512x1xi1> to vector<512x1xi32>
      %convert_element_type3A_47 = arith.sitofp %convert_element_type3A_46 : vector<512x1xi32> to vector<512x1xf32>
      %mul3A_48 = vector.broadcast %convert_element_type3A_47 : vector<512x1xf32> to vector<512x256xf32>
      %mul3A_49 = arith.mulf %add3A_37, %mul3A_48 : vector<512x256xf32>
      %reduce_sum3A = arith.constant dense<0.000000e+00> : vector<256xf32>
      %reduce_sum3A_50 = vector.multi_reduction <add>, %mul3A_49, %reduce_sum3A [0] : vector<512x256xf32> to vector<256xf32>
      %broadcast_in_dim3A = vector.shape_cast %reduce_sum3A_50 : vector<256xf32> to vector<1x256xf32>
      %mul3A_51 = arith.mulf %mul3A_49, %mul3A_49 : vector<512x256xf32>
      %reduce_sum3A_52 = arith.constant dense<0.000000e+00> : vector<256xf32>
      %reduce_sum3A_53 = vector.multi_reduction <add>, %mul3A_51, %reduce_sum3A_52 [0] : vector<512x256xf32> to vector<256xf32>
      %broadcast_in_dim3A_54 = vector.shape_cast %reduce_sum3A_53 : vector<256xf32> to vector<1x256xf32>
      %broadcast_in_dim3A_55 = arith.constant 0.000000e+00 : f32
      %broadcast_in_dim3A_56 = vector.broadcast %broadcast_in_dim3A_55 : f32 to vector<6x256xf32>
      %concatenate3A = tpu.concatenate %broadcast_in_dim3A, %broadcast_in_dim3A_54, %broadcast_in_dim3A_56 in 0 : vector<1x256xf32>, vector<1x256xf32>, vector<6x256xf32> -> vector<8x256xf32>
      %eq3A_57 = arith.constant 0 : i32
      %eq3A_58 = arith.cmpi eq, %arg1, %eq3A_57 : i32
      %convert_element_type3A_59 = arith.extui %eq3A_58 : i1 to i32
      %cond3A_60 = arith.constant 0 : i32
      %cond3A_61 = arith.cmpi ne, %convert_element_type3A_59, %cond3A_60 : i32
      scf.if %cond3A_61 {
        %swap3A_66 = arith.constant 0 : index
        %swap3A_67 = arith.constant 0 : index
        %swap3A_68 = vector.load %arg10[%swap3A_66, %swap3A_67] : memref<8x256xf32, #tpu.memory_space<vmem>>, vector<8x256xf32>
        tpu.vector_store %arg10[%swap3A_66, %swap3A_67], %concatenate3A {strides = array<i32>} : memref<8x256xf32, #tpu.memory_space<vmem>>, vector<8x256xf32>,
      } else {
      }
      %ne3A = arith.constant 0 : i32
      %ne3A_62 = arith.cmpi ne, %arg1, %ne3A : i32
      %convert_element_type3A_63 = arith.extui %ne3A_62 : i1 to i32
      %cond3A_64 = arith.constant 0 : i32
      %cond3A_65 = arith.cmpi ne, %convert_element_type3A_63, %cond3A_64 : i32
      scf.if %cond3A_65 {
        %get3A_66 = arith.constant 0 : index
        %get3A_67 = arith.constant 0 : index
        %get3A_68 = vector.load %arg10[%get3A_66, %get3A_67] : memref<8x256xf32, #tpu.memory_space<vmem>>, vector<8x256xf32>
        %add3A_69 = arith.addf %get3A_68, %concatenate3A : vector<8x256xf32>
        %swap3A_70 = arith.constant 0 : index
        %swap3A_71 = arith.constant 0 : index
        %swap3A_72 = vector.load %arg10[%swap3A_70, %swap3A_71] : memref<8x256xf32, #tpu.memory_space<vmem>>, vector<8x256xf32>
        tpu.vector_store %arg10[%swap3A_70, %swap3A_71], %add3A_69 {strides = array<i32>} : memref<8x256xf32, #tpu.memory_space<vmem>>, vector<8x256xf32>,
      } else {
      }
    } else {
    }
    %eq3A_2 = arith.constant 1 : i32
    %eq3A_3 = arith.cmpi eq, %arg0, %eq3A_2 : i32
    %convert_element_type3A_4 = arith.extui %eq3A_3 : i1 to i32
    %cond3A_5 = arith.constant 0 : i32
    %cond3A_6 = arith.cmpi ne, %convert_element_type3A_4, %cond3A_5 : i32
    scf.if %cond3A_6 {
      %get3A = arith.constant 0 : index
      %get3A_7 = arith.constant 0 : index
      %get3A_8 = vector.load %arg2[%get3A, %get3A_7] : memref<512x256xf32, #tpu.memory_space<vmem>>, vector<512x256xf32>
      %get3A_9 = arith.constant 0 : index
      %get3A_10 = arith.constant 0 : index
      %get3A_11 = vector.load %arg10[%get3A_9, %get3A_10] : memref<8x256xf32, #tpu.memory_space<vmem>>, vector<1x256xf32>
      %mul3A = arith.constant 9.99999974E-5 : f32
      %mul3A_12 = vector.broadcast %mul3A : f32 to vector<1x256xf32>
      %mul3A_13 = arith.mulf %get3A_11, %mul3A_12 : vector<1x256xf32>
      %get3A_14 = arith.constant 1 : index
      %get3A_15 = arith.constant 0 : index
      %get3A_16 = vector.load %arg10[%get3A_14, %get3A_15] : memref<8x256xf32, #tpu.memory_space<vmem>>, vector<1x256xf32>
      %mul3A_17 = arith.constant 9.99999974E-5 : f32
      %mul3A_18 = vector.broadcast %mul3A_17 : f32 to vector<1x256xf32>
      %mul3A_19 = arith.mulf %get3A_16, %mul3A_18 : vector<1x256xf32>
      %mul3A_20 = arith.mulf %mul3A_13, %mul3A_13 : vector<1x256xf32>
      %sub3A = arith.subf %mul3A_19, %mul3A_20 : vector<1x256xf32>
      %add3A = arith.constant 9.99999974E-6 : f32
      %add3A_21 = vector.broadcast %add3A : f32 to vector<1x256xf32>
      %add3A_22 = arith.addf %sub3A, %add3A_21 : vector<1x256xf32>
      %rsqrt3A = math.rsqrt %add3A_22 : vector<1x256xf32>
      %sub3A_23 = vector.broadcast %mul3A_13 : vector<1x256xf32> to vector<512x256xf32>
      %sub3A_24 = arith.subf %get3A_8, %sub3A_23 : vector<512x256xf32>
      %mul3A_25 = vector.broadcast %rsqrt3A : vector<1x256xf32> to vector<512x256xf32>
      %mul3A_26 = arith.mulf %sub3A_24, %mul3A_25 : vector<512x256xf32>
      %get3A_27 = arith.constant 0 : index
      %get3A_28 = arith.constant 0 : index
      %get3A_29 = vector.load %arg7[%get3A_27, %get3A_28] : memref<1x256xf32, #tpu.memory_space<vmem>>, vector<1x256xf32>
      %mul3A_30 = vector.broadcast %get3A_29 : vector<1x256xf32> to vector<512x256xf32>
      %mul3A_31 = arith.mulf %mul3A_26, %mul3A_30 : vector<512x256xf32>
      %get3A_32 = arith.constant 0 : index
      %get3A_33 = arith.constant 0 : index
      %get3A_34 = vector.load %arg8[%get3A_32, %get3A_33] : memref<1x256xf32, #tpu.memory_space<vmem>>, vector<1x256xf32>
      %add3A_35 = vector.broadcast %get3A_34 : vector<1x256xf32> to vector<512x256xf32>
      %add3A_36 = arith.addf %mul3A_31, %add3A_35 : vector<512x256xf32>
      %max3A = arith.constant 0.000000e+00 : f32
      %max3A_37 = vector.broadcast %max3A : f32 to vector<512x256xf32>
      %max3A_38 = arith.maximumf %add3A_36, %max3A_37 : vector<512x256xf32>
      %slice3A = vector.extract_strided_slice %max3A_38 {offsets = [0, 0], sizes = [512, 128], strides = [1, 1]} : vector<512x256xf32> to vector<512x128xf32>
      %swap3A = arith.constant 0 : index
      %swap3A_39 = arith.constant 0 : index
      %swap3A_40 = arith.constant 0 : index
      %swap3A_41 = vector.load %arg11[%swap3A, %swap3A_39, %swap3A_40] : memref<2x512x128xf32, #tpu.memory_space<vmem>>, vector<1x512x128xf32>
      %swap3A_42 = vector.shape_cast %swap3A_41 : vector<1x512x128xf32> to vector<512x128xf32>
      %swap3A_43 = vector.shape_cast %slice3A : vector<512x128xf32> to vector<1x512x128xf32>
      tpu.vector_store %arg11[%swap3A, %swap3A_39, %swap3A_40], %swap3A_43 {strides = array<i32>} : memref<2x512x128xf32, #tpu.memory_space<vmem>>, vector<1x512x128xf32>,
      %slice3A_44 = vector.extract_strided_slice %max3A_38 {offsets = [0, 128], sizes = [512, 128], strides = [1, 1]} : vector<512x256xf32> to vector<512x128xf32>
      %swap3A_45 = arith.constant 1 : index
      %swap3A_46 = arith.constant 0 : index
      %swap3A_47 = arith.constant 0 : index
      %swap3A_48 = vector.load %arg11[%swap3A_45, %swap3A_46, %swap3A_47] : memref<2x512x128xf32, #tpu.memory_space<vmem>>, vector<1x512x128xf32>
      %swap3A_49 = vector.shape_cast %swap3A_48 : vector<1x512x128xf32> to vector<512x128xf32>
      %swap3A_50 = vector.shape_cast %slice3A_44 : vector<512x128xf32> to vector<1x512x128xf32>
      tpu.vector_store %arg11[%swap3A_45, %swap3A_46, %swap3A_47], %swap3A_50 {strides = array<i32>} : memref<2x512x128xf32, #tpu.memory_space<vmem>>, vector<1x512x128xf32>,
      %convert_element_type3A_51 = arith.truncf %max3A_38 : vector<512x256xf32> to vector<512x256xbf16>
      %slice3A_52 = vector.extract_strided_slice %convert_element_type3A_51 {offsets = [0, 0], sizes = [512, 128], strides = [1, 1]} : vector<512x256xbf16> to vector<512x128xbf16>
      %swap3A_53 = arith.constant 0 : index
      %swap3A_54 = arith.constant 0 : index
      %swap3A_55 = arith.constant 0 : index
      %swap3A_56 = vector.load %arg12[%swap3A_53, %swap3A_54, %swap3A_55] : memref<2x512x128xbf16, #tpu.memory_space<vmem>>, vector<1x512x128xbf16>
      %swap3A_57 = vector.shape_cast %swap3A_56 : vector<1x512x128xbf16> to vector<512x128xbf16>
      %swap3A_58 = vector.shape_cast %slice3A_52 : vector<512x128xbf16> to vector<1x512x128xbf16>
      tpu.vector_store %arg12[%swap3A_53, %swap3A_54, %swap3A_55], %swap3A_58 {strides = array<i32>} : memref<2x512x128xbf16, #tpu.memory_space<vmem>>, vector<1x512x128xbf16>,
      %slice3A_59 = vector.extract_strided_slice %convert_element_type3A_51 {offsets = [0, 128], sizes = [512, 128], strides = [1, 1]} : vector<512x256xbf16> to vector<512x128xbf16>
      %swap3A_60 = arith.constant 1 : index
      %swap3A_61 = arith.constant 0 : index
      %swap3A_62 = arith.constant 0 : index
      %swap3A_63 = vector.load %arg12[%swap3A_60, %swap3A_61, %swap3A_62] : memref<2x512x128xbf16, #tpu.memory_space<vmem>>, vector<1x512x128xbf16>
      %swap3A_64 = vector.shape_cast %swap3A_63 : vector<1x512x128xbf16> to vector<512x128xbf16>
      %swap3A_65 = vector.shape_cast %slice3A_59 : vector<512x128xbf16> to vector<1x512x128xbf16>
      tpu.vector_store %arg12[%swap3A_60, %swap3A_61, %swap3A_62], %swap3A_65 {strides = array<i32>} : memref<2x512x128xbf16, #tpu.memory_space<vmem>>, vector<1x512x128xbf16>,
    } else {
    }
    return
  }
  func.func @transform_0(%arg0: i32, %arg1: i32) -> (i32, i32) {
    %c0_i32 = arith.constant 0 : i32
    %c0_i32_0 = arith.constant 0 : i32
    return %arg1, %c0_i32 : i32, i32
  }
  func.func @transform_1(%arg0: i32, %arg1: i32) -> (i32, i32, i32) {
    %sub3A = arith.constant 1 : i32
    %sub3A_0 = arith.subi %sub3A, %arg0 : i32
    %mul3A = arith.muli %arg1, %sub3A_0 : i32
    %c0_i32 = arith.constant 0 : i32
    %c0_i32_1 = arith.constant 0 : i32
    %c0_i32_2 = arith.constant 0 : i32
    return %c0_i32, %mul3A, %c0_i32_1 : i32, i32, i32
  }
  func.func @transform_2(%arg0: i32, %arg1: i32) -> (i32, i32) {
    %sub3A = arith.constant 1 : i32
    %sub3A_0 = arith.subi %sub3A, %arg0 : i32
    %mul3A = arith.muli %arg1, %sub3A_0 : i32
    %c0_i32 = arith.constant 0 : i32
    %c0_i32_1 = arith.constant 0 : i32
    return %mul3A, %c0_i32 : i32, i32
  }
  func.func @transform_3(%arg0: i32, %arg1: i32) -> (i32, i32) {
    %sub3A = arith.constant 1 : i32
    %sub3A_0 = arith.subi %sub3A, %arg0 : i32
    %mul3A = arith.muli %arg1, %sub3A_0 : i32
    %c0_i32 = arith.constant 0 : i32
    %c0_i32_1 = arith.constant 0 : i32
    return %mul3A, %c0_i32 : i32, i32
  }
  func.func @transform_4(%arg0: i32, %arg1: i32) -> (i32, i32) {
    %c0_i32 = arith.constant 0 : i32
    %c0_i32_0 = arith.constant 0 : i32
    %c0_i32_1 = arith.constant 0 : i32
    return %c0_i32, %c0_i32_0 : i32, i32
  }
  func.func @transform_5(%arg0: i32, %arg1: i32) -> (i32, i32) {
    %c0_i32 = arith.constant 0 : i32
    %c0_i32_0 = arith.constant 0 : i32
    %c0_i32_1 = arith.constant 0 : i32
    return %c0_i32, %c0_i32_0 : i32, i32
  }
  func.func @transform_6(%arg0: i32, %arg1: i32) -> (i32, i32) {
    %c0_i32 = arith.constant 0 : i32
    %c0_i32_0 = arith.constant 0 : i32
    %c0_i32_1 = arith.constant 0 : i32
    return %c0_i32, %c0_i32_0 : i32, i32
  }
  func.func @transform_7(%arg0: i32, %arg1: i32) -> (i32, i32) {
    %c0_i32 = arith.constant 0 : i32
    %c0_i32_0 = arith.constant 0 : i32
    return %arg1, %c0_i32 : i32, i32
  }
  func.func @transform_8(%arg0: i32, %arg1: i32) -> (i32, i32) {
    %c0_i32 = arith.constant 0 : i32
    %c0_i32_0 = arith.constant 0 : i32
    %c0_i32_1 = arith.constant 0 : i32
    return %c0_i32, %c0_i32_0 : i32, i32
  }
  func.func @transform_9(%arg0: i32, %arg1: i32) -> (i32, i32, i32) {
    %mul3A = arith.muli %arg1, %arg0 : i32
    %c0_i32 = arith.constant 0 : i32
    %c0_i32_0 = arith.constant 0 : i32
    %c0_i32_1 = arith.constant 0 : i32
    return %c0_i32, %mul3A, %c0_i32_0 : i32, i32, i32
  }
  func.func @transform_10(%arg0: i32, %arg1: i32) -> (i32, i32, i32) {
    %mul3A = arith.muli %arg1, %arg0 : i32
    %c0_i32 = arith.constant 0 : i32
    %c0_i32_0 = arith.constant 0 : i32
    %c0_i32_1 = arith.constant 0 : i32
    return %c0_i32, %mul3A, %c0_i32_0 : i32, i32, i32
  }
}

module attributes {stable_mosaic.version = 14 : i64} {
  func.func @_self1_body(%arg0: i32, %arg1: memref<2x512x128xf32, #tpu.memory_space<vmem>>, %arg2: memref<256x256xf32, #tpu.memory_space<vmem>>, %arg3: memref<1x256xf32, #tpu.memory_space<vmem>>, %arg4: memref<512x256xf32, #tpu.memory_space<vmem>>) attributes {dimension_semantics = [#tpu.dimension_semantics<arbitrary>], iteration_bounds = array<i64: 20>, scalar_prefetch = 0 : i64, scratch_operands = 0 : i64, tpu.core_type = #tpu.core_type<tc>, window_params = [{transform_indices = @transform_0, window_bounds = array<i64: 2, 512, 128>}, {pipeline_mode = #tpu.pipeline_mode<synchronous>, transform_indices = @transform_1, window_bounds = array<i64: 256, 256>}, {pipeline_mode = #tpu.pipeline_mode<synchronous>, transform_indices = @transform_2, window_bounds = array<i64: 1, 256>}, {transform_indices = @transform_3, window_bounds = array<i64: 512, 256>}]} {
    %get3A = arith.constant 0 : index
    %get3A_0 = arith.constant 0 : index
    %get3A_1 = arith.constant 0 : index
    %get3A_2 = vector.load %arg1[%get3A, %get3A_0, %get3A_1] : memref<2x512x128xf32, #tpu.memory_space<vmem>>, vector<1x512x128xf32>
    %get3A_3 = vector.shape_cast %get3A_2 : vector<1x512x128xf32> to vector<512x128xf32>
    %get3A_4 = arith.constant 0 : index
    %get3A_5 = arith.constant 0 : index
    %get3A_6 = vector.load %arg2[%get3A_4, %get3A_5] : memref<256x256xf32, #tpu.memory_space<vmem>>, vector<128x256xf32>
    %dot_general3A = arith.constant dense<0.000000e+00> : vector<512x256xf32>
    %dot_general3A_7 = tpu.matmul %get3A_3, %get3A_6, %dot_general3A {dimension_numbers = #tpu.dot_dimension_numbers<[1], [0], [0], [1], [0, 0, 1, 1], [], []>, transpose_lhs_hint = false} : vector<512x128xf32>, vector<128x256xf32>, vector<512x256xf32> -> vector<512x256xf32>
    %get3A_8 = arith.constant 1 : index
    %get3A_9 = arith.constant 0 : index
    %get3A_10 = arith.constant 0 : index
    %get3A_11 = vector.load %arg1[%get3A_8, %get3A_9, %get3A_10] : memref<2x512x128xf32, #tpu.memory_space<vmem>>, vector<1x512x128xf32>
    %get3A_12 = vector.shape_cast %get3A_11 : vector<1x512x128xf32> to vector<512x128xf32>
    %get3A_13 = arith.constant 128 : index
    %get3A_14 = arith.constant 0 : index
    %get3A_15 = vector.load %arg2[%get3A_13, %get3A_14] : memref<256x256xf32, #tpu.memory_space<vmem>>, vector<128x256xf32>
    %dot_general3A_16 = arith.constant dense<0.000000e+00> : vector<512x256xf32>
    %dot_general3A_17 = tpu.matmul %get3A_12, %get3A_15, %dot_general3A_16 {dimension_numbers = #tpu.dot_dimension_numbers<[1], [0], [0], [1], [0, 0, 1, 1], [], []>, transpose_lhs_hint = false} : vector<512x128xf32>, vector<128x256xf32>, vector<512x256xf32> -> vector<512x256xf32>
    %add3A = arith.addf %dot_general3A_7, %dot_general3A_17 : vector<512x256xf32>
    %get3A_18 = arith.constant 0 : index
    %get3A_19 = arith.constant 0 : index
    %get3A_20 = vector.load %arg3[%get3A_18, %get3A_19] : memref<1x256xf32, #tpu.memory_space<vmem>>, vector<1x256xf32>
    %add3A_21 = vector.broadcast %get3A_20 : vector<1x256xf32> to vector<512x256xf32>
    %add3A_22 = arith.addf %add3A, %add3A_21 : vector<512x256xf32>
    %swap3A = arith.constant 0 : index
    %swap3A_23 = arith.constant 0 : index
    %swap3A_24 = vector.load %arg4[%swap3A, %swap3A_23] : memref<512x256xf32, #tpu.memory_space<vmem>>, vector<512x256xf32>
    tpu.vector_store %arg4[%swap3A, %swap3A_23], %add3A_22 {strides = array<i32>} : memref<512x256xf32, #tpu.memory_space<vmem>>, vector<512x256xf32>,
    return
  }
  func.func @transform_0(%arg0: i32) -> (i32, i32, i32) {
    %c0_i32 = arith.constant 0 : i32
    %c0_i32_0 = arith.constant 0 : i32
    %c0_i32_1 = arith.constant 0 : i32
    return %c0_i32, %arg0, %c0_i32_0 : i32, i32, i32
  }
  func.func @transform_1(%arg0: i32) -> (i32, i32) {
    %c0_i32 = arith.constant 0 : i32
    %c0_i32_0 = arith.constant 0 : i32
    %c0_i32_1 = arith.constant 0 : i32
    return %c0_i32, %c0_i32_0 : i32, i32
  }
  func.func @transform_2(%arg0: i32) -> (i32, i32) {
    %c0_i32 = arith.constant 0 : i32
    %c0_i32_0 = arith.constant 0 : i32
    %c0_i32_1 = arith.constant 0 : i32
    return %c0_i32, %c0_i32_0 : i32, i32
  }
  func.func @transform_3(%arg0: i32) -> (i32, i32) {
    %c0_i32 = arith.constant 0 : i32
    %c0_i32_0 = arith.constant 0 : i32
    return %arg0, %c0_i32 : i32, i32
  }
}

module attributes {stable_mosaic.version = 14 : i64} {
  func.func @_fuse1_body(%arg0: i32, %arg1: i32, %arg2: memref<512x256xf32, #tpu.memory_space<vmem>>, %arg3: memref<2x512x128xbf16, #tpu.memory_space<vmem>>, %arg4: memref<512x1xf32, #tpu.memory_space<vmem>>, %arg5: memref<512x1xf32, #tpu.memory_space<vmem>>, %arg6: memref<256x256xf32, #tpu.memory_space<vmem>>, %arg7: memref<1x256xf32, #tpu.memory_space<vmem>>, %arg8: memref<1x256xf32, #tpu.memory_space<vmem>>, %arg9: memref<256x64xf32, #tpu.memory_space<vmem>>, %arg10: memref<512x256xf32, #tpu.memory_space<vmem>>, %arg11: memref<8x256xf32, #tpu.memory_space<vmem>>, %arg12: memref<2x512x128xf32, #tpu.memory_space<vmem>>, %arg13: memref<2x512x64xbf16, #tpu.memory_space<vmem>>) attributes {dimension_semantics = [#tpu.dimension_semantics<arbitrary>, #tpu.dimension_semantics<arbitrary>], iteration_bounds = array<i64: 2, 20>, scalar_prefetch = 0 : i64, scratch_operands = 0 : i64, tpu.core_type = #tpu.core_type<tc>, window_params = [{transform_indices = @transform_0, window_bounds = array<i64: 512, 256>}, {transform_indices = @transform_1, window_bounds = array<i64: 2, 512, 128>}, {transform_indices = @transform_2, window_bounds = array<i64: 512, 1>}, {transform_indices = @transform_3, window_bounds = array<i64: 512, 1>}, {pipeline_mode = #tpu.pipeline_mode<synchronous>, transform_indices = @transform_4, window_bounds = array<i64: 256, 256>}, {pipeline_mode = #tpu.pipeline_mode<synchronous>, transform_indices = @transform_5, window_bounds = array<i64: 1, 256>}, {pipeline_mode = #tpu.pipeline_mode<synchronous>, transform_indices = @transform_6, window_bounds = array<i64: 1, 256>}, {pipeline_mode = #tpu.pipeline_mode<synchronous>, transform_indices = @transform_7, window_bounds = array<i64: 256, 64>}, {transform_indices = @transform_8, window_bounds = array<i64: 512, 256>}, {pipeline_mode = #tpu.pipeline_mode<synchronous>, transform_indices = @transform_9, window_bounds = array<i64: 8, 256>}, {transform_indices = @transform_10, window_bounds = array<i64: 2, 512, 128>}, {transform_indices = @transform_11, window_bounds = array<i64: 2, 512, 64>}]} {
    %eq3A = arith.constant 0 : i32
    %eq3A_0 = arith.cmpi eq, %arg0, %eq3A : i32
    %convert_element_type3A = arith.extui %eq3A_0 : i1 to i32
    %cond3A = arith.constant 0 : i32
    %cond3A_1 = arith.cmpi ne, %convert_element_type3A, %cond3A : i32
    scf.if %cond3A_1 {
      %get3A = arith.constant 0 : index
      %get3A_7 = arith.constant 0 : index
      %get3A_8 = vector.load %arg4[%get3A, %get3A_7] : memref<512x1xf32, #tpu.memory_space<vmem>>, vector<512x1xf32>
      %get3A_9 = arith.constant 0 : index
      %get3A_10 = arith.constant 0 : index
      %get3A_11 = vector.load %arg5[%get3A_9, %get3A_10] : memref<512x1xf32, #tpu.memory_space<vmem>>, vector<512x1xf32>
      %add3A = arith.addf %get3A_8, %get3A_11 : vector<512x1xf32>
      %max3A = arith.constant 1.000000e+00 : f32
      %max3A_12 = vector.broadcast %max3A : f32 to vector<512x1xf32>
      %max3A_13 = arith.maximumf %add3A, %max3A_12 : vector<512x1xf32>
      %div3A = arith.constant 1.000000e+00 : f32
      %div3A_14 = vector.broadcast %div3A : f32 to vector<512x1xf32>
      %div3A_15 = arith.divf %div3A_14, %max3A_13 : vector<512x1xf32>
      %get3A_16 = arith.constant 0 : index
      %get3A_17 = arith.constant 0 : index
      %get3A_18 = arith.constant 0 : index
      %get3A_19 = vector.load %arg3[%get3A_16, %get3A_17, %get3A_18] : memref<2x512x128xbf16, #tpu.memory_space<vmem>>, vector<1x512x128xbf16>
      %get3A_20 = vector.shape_cast %get3A_19 : vector<1x512x128xbf16> to vector<512x128xbf16>
      %convert_element_type3A_21 = arith.extf %get3A_20 : vector<512x128xbf16> to vector<512x128xf32>
      %mul3A = vector.broadcast %div3A_15 : vector<512x1xf32> to vector<512x128xf32>
      %mul3A_22 = arith.mulf %convert_element_type3A_21, %mul3A : vector<512x128xf32>
      %get3A_23 = arith.constant 1 : index
      %get3A_24 = arith.constant 0 : index
      %get3A_25 = arith.constant 0 : index
      %get3A_26 = vector.load %arg3[%get3A_23, %get3A_24, %get3A_25] : memref<2x512x128xbf16, #tpu.memory_space<vmem>>, vector<1x512x128xbf16>
      %get3A_27 = vector.shape_cast %get3A_26 : vector<1x512x128xbf16> to vector<512x128xbf16>
      %convert_element_type3A_28 = arith.extf %get3A_27 : vector<512x128xbf16> to vector<512x128xf32>
      %mul3A_29 = vector.broadcast %div3A_15 : vector<512x1xf32> to vector<512x128xf32>
      %mul3A_30 = arith.mulf %convert_element_type3A_28, %mul3A_29 : vector<512x128xf32>
      %get3A_31 = arith.constant 0 : index
      %get3A_32 = arith.constant 0 : index
      %get3A_33 = vector.load %arg2[%get3A_31, %get3A_32] : memref<512x256xf32, #tpu.memory_space<vmem>>, vector<512x256xf32>
      %get3A_34 = arith.constant 0 : index
      %get3A_35 = arith.constant 0 : index
      %get3A_36 = vector.load %arg6[%get3A_34, %get3A_35] : memref<256x256xf32, #tpu.memory_space<vmem>>, vector<128x256xf32>
      %dot_general3A = arith.constant dense<0.000000e+00> : vector<512x256xf32>
      %dot_general3A_37 = tpu.matmul %mul3A_22, %get3A_36, %dot_general3A {dimension_numbers = #tpu.dot_dimension_numbers<[1], [0], [0], [1], [0, 0, 1, 1], [], []>, transpose_lhs_hint = false} : vector<512x128xf32>, vector<128x256xf32>, vector<512x256xf32> -> vector<512x256xf32>
      %add3A_38 = arith.addf %get3A_33, %dot_general3A_37 : vector<512x256xf32>
      %get3A_39 = arith.constant 128 : index
      %get3A_40 = arith.constant 0 : index
      %get3A_41 = vector.load %arg6[%get3A_39, %get3A_40] : memref<256x256xf32, #tpu.memory_space<vmem>>, vector<128x256xf32>
      %dot_general3A_42 = arith.constant dense<0.000000e+00> : vector<512x256xf32>
      %dot_general3A_43 = tpu.matmul %mul3A_30, %get3A_41, %dot_general3A_42 {dimension_numbers = #tpu.dot_dimension_numbers<[1], [0], [0], [1], [0, 0, 1, 1], [], []>, transpose_lhs_hint = false} : vector<512x128xf32>, vector<128x256xf32>, vector<512x256xf32> -> vector<512x256xf32>
      %add3A_44 = arith.addf %add3A_38, %dot_general3A_43 : vector<512x256xf32>
      %swap3A = arith.constant 0 : index
      %swap3A_45 = arith.constant 0 : index
      %swap3A_46 = vector.load %arg10[%swap3A, %swap3A_45] : memref<512x256xf32, #tpu.memory_space<vmem>>, vector<512x256xf32>
      tpu.vector_store %arg10[%swap3A, %swap3A_45], %add3A_44 {strides = array<i32>} : memref<512x256xf32, #tpu.memory_space<vmem>>, vector<512x256xf32>,
      %iota3A = tpu.iota {dimensions = array<i32: 0>} : vector<512x1xi32>
      %mul3A_47 = arith.constant 512 : i32
      %mul3A_48 = arith.muli %arg1, %mul3A_47 : i32
      %add3A_49 = vector.broadcast %mul3A_48 : i32 to vector<512x1xi32>
      %add3A_50 = arith.addi %iota3A, %add3A_49 : vector<512x1xi32>
      %lt3A = arith.constant 10000 : i32
      %lt3A_51 = vector.broadcast %lt3A : i32 to vector<512x1xi32>
      %lt3A_52 = arith.cmpi slt, %add3A_50, %lt3A_51 : vector<512x1xi32>
      %convert_element_type3A_53 = arith.extui %lt3A_52 : vector<512x1xi1> to vector<512x1xi32>
      %convert_element_type3A_54 = arith.sitofp %convert_element_type3A_53 : vector<512x1xi32> to vector<512x1xf32>
      %mul3A_55 = vector.broadcast %convert_element_type3A_54 : vector<512x1xf32> to vector<512x256xf32>
      %mul3A_56 = arith.mulf %add3A_44, %mul3A_55 : vector<512x256xf32>
      %reduce_sum3A = arith.constant dense<0.000000e+00> : vector<256xf32>
      %reduce_sum3A_57 = vector.multi_reduction <add>, %mul3A_56, %reduce_sum3A [0] : vector<512x256xf32> to vector<256xf32>
      %broadcast_in_dim3A = vector.shape_cast %reduce_sum3A_57 : vector<256xf32> to vector<1x256xf32>
      %mul3A_58 = arith.mulf %mul3A_56, %mul3A_56 : vector<512x256xf32>
      %reduce_sum3A_59 = arith.constant dense<0.000000e+00> : vector<256xf32>
      %reduce_sum3A_60 = vector.multi_reduction <add>, %mul3A_58, %reduce_sum3A_59 [0] : vector<512x256xf32> to vector<256xf32>
      %broadcast_in_dim3A_61 = vector.shape_cast %reduce_sum3A_60 : vector<256xf32> to vector<1x256xf32>
      %broadcast_in_dim3A_62 = arith.constant 0.000000e+00 : f32
      %broadcast_in_dim3A_63 = vector.broadcast %broadcast_in_dim3A_62 : f32 to vector<6x256xf32>
      %concatenate3A = tpu.concatenate %broadcast_in_dim3A, %broadcast_in_dim3A_61, %broadcast_in_dim3A_63 in 0 : vector<1x256xf32>, vector<1x256xf32>, vector<6x256xf32> -> vector<8x256xf32>
      %eq3A_64 = arith.constant 0 : i32
      %eq3A_65 = arith.cmpi eq, %arg1, %eq3A_64 : i32
      %convert_element_type3A_66 = arith.extui %eq3A_65 : i1 to i32
      %cond3A_67 = arith.constant 0 : i32
      %cond3A_68 = arith.cmpi ne, %convert_element_type3A_66, %cond3A_67 : i32
      scf.if %cond3A_68 {
        %swap3A_73 = arith.constant 0 : index
        %swap3A_74 = arith.constant 0 : index
        %swap3A_75 = vector.load %arg11[%swap3A_73, %swap3A_74] : memref<8x256xf32, #tpu.memory_space<vmem>>, vector<8x256xf32>
        tpu.vector_store %arg11[%swap3A_73, %swap3A_74], %concatenate3A {strides = array<i32>} : memref<8x256xf32, #tpu.memory_space<vmem>>, vector<8x256xf32>,
      } else {
      }
      %ne3A = arith.constant 0 : i32
      %ne3A_69 = arith.cmpi ne, %arg1, %ne3A : i32
      %convert_element_type3A_70 = arith.extui %ne3A_69 : i1 to i32
      %cond3A_71 = arith.constant 0 : i32
      %cond3A_72 = arith.cmpi ne, %convert_element_type3A_70, %cond3A_71 : i32
      scf.if %cond3A_72 {
        %get3A_73 = arith.constant 0 : index
        %get3A_74 = arith.constant 0 : index
        %get3A_75 = vector.load %arg11[%get3A_73, %get3A_74] : memref<8x256xf32, #tpu.memory_space<vmem>>, vector<8x256xf32>
        %add3A_76 = arith.addf %get3A_75, %concatenate3A : vector<8x256xf32>
        %swap3A_77 = arith.constant 0 : index
        %swap3A_78 = arith.constant 0 : index
        %swap3A_79 = vector.load %arg11[%swap3A_77, %swap3A_78] : memref<8x256xf32, #tpu.memory_space<vmem>>, vector<8x256xf32>
        tpu.vector_store %arg11[%swap3A_77, %swap3A_78], %add3A_76 {strides = array<i32>} : memref<8x256xf32, #tpu.memory_space<vmem>>, vector<8x256xf32>,
      } else {
      }
    } else {
    }
    %eq3A_2 = arith.constant 1 : i32
    %eq3A_3 = arith.cmpi eq, %arg0, %eq3A_2 : i32
    %convert_element_type3A_4 = arith.extui %eq3A_3 : i1 to i32
    %cond3A_5 = arith.constant 0 : i32
    %cond3A_6 = arith.cmpi ne, %convert_element_type3A_4, %cond3A_5 : i32
    scf.if %cond3A_6 {
      %get3A = arith.constant 0 : index
      %get3A_7 = arith.constant 0 : index
      %get3A_8 = vector.load %arg2[%get3A, %get3A_7] : memref<512x256xf32, #tpu.memory_space<vmem>>, vector<512x256xf32>
      %get3A_9 = arith.constant 0 : index
      %get3A_10 = arith.constant 0 : index
      %get3A_11 = vector.load %arg11[%get3A_9, %get3A_10] : memref<8x256xf32, #tpu.memory_space<vmem>>, vector<1x256xf32>
      %mul3A = arith.constant 9.99999974E-5 : f32
      %mul3A_12 = vector.broadcast %mul3A : f32 to vector<1x256xf32>
      %mul3A_13 = arith.mulf %get3A_11, %mul3A_12 : vector<1x256xf32>
      %get3A_14 = arith.constant 1 : index
      %get3A_15 = arith.constant 0 : index
      %get3A_16 = vector.load %arg11[%get3A_14, %get3A_15] : memref<8x256xf32, #tpu.memory_space<vmem>>, vector<1x256xf32>
      %mul3A_17 = arith.constant 9.99999974E-5 : f32
      %mul3A_18 = vector.broadcast %mul3A_17 : f32 to vector<1x256xf32>
      %mul3A_19 = arith.mulf %get3A_16, %mul3A_18 : vector<1x256xf32>
      %mul3A_20 = arith.mulf %mul3A_13, %mul3A_13 : vector<1x256xf32>
      %sub3A = arith.subf %mul3A_19, %mul3A_20 : vector<1x256xf32>
      %add3A = arith.constant 9.99999974E-6 : f32
      %add3A_21 = vector.broadcast %add3A : f32 to vector<1x256xf32>
      %add3A_22 = arith.addf %sub3A, %add3A_21 : vector<1x256xf32>
      %rsqrt3A = math.rsqrt %add3A_22 : vector<1x256xf32>
      %sub3A_23 = vector.broadcast %mul3A_13 : vector<1x256xf32> to vector<512x256xf32>
      %sub3A_24 = arith.subf %get3A_8, %sub3A_23 : vector<512x256xf32>
      %mul3A_25 = vector.broadcast %rsqrt3A : vector<1x256xf32> to vector<512x256xf32>
      %mul3A_26 = arith.mulf %sub3A_24, %mul3A_25 : vector<512x256xf32>
      %get3A_27 = arith.constant 0 : index
      %get3A_28 = arith.constant 0 : index
      %get3A_29 = vector.load %arg7[%get3A_27, %get3A_28] : memref<1x256xf32, #tpu.memory_space<vmem>>, vector<1x256xf32>
      %mul3A_30 = vector.broadcast %get3A_29 : vector<1x256xf32> to vector<512x256xf32>
      %mul3A_31 = arith.mulf %mul3A_26, %mul3A_30 : vector<512x256xf32>
      %get3A_32 = arith.constant 0 : index
      %get3A_33 = arith.constant 0 : index
      %get3A_34 = vector.load %arg8[%get3A_32, %get3A_33] : memref<1x256xf32, #tpu.memory_space<vmem>>, vector<1x256xf32>
      %add3A_35 = vector.broadcast %get3A_34 : vector<1x256xf32> to vector<512x256xf32>
      %add3A_36 = arith.addf %mul3A_31, %add3A_35 : vector<512x256xf32>
      %max3A = arith.constant 0.000000e+00 : f32
      %max3A_37 = vector.broadcast %max3A : f32 to vector<512x256xf32>
      %max3A_38 = arith.maximumf %add3A_36, %max3A_37 : vector<512x256xf32>
      %slice3A = vector.extract_strided_slice %max3A_38 {offsets = [0, 0], sizes = [512, 128], strides = [1, 1]} : vector<512x256xf32> to vector<512x128xf32>
      %swap3A = arith.constant 0 : index
      %swap3A_39 = arith.constant 0 : index
      %swap3A_40 = arith.constant 0 : index
      %swap3A_41 = vector.load %arg12[%swap3A, %swap3A_39, %swap3A_40] : memref<2x512x128xf32, #tpu.memory_space<vmem>>, vector<1x512x128xf32>
      %swap3A_42 = vector.shape_cast %swap3A_41 : vector<1x512x128xf32> to vector<512x128xf32>
      %swap3A_43 = vector.shape_cast %slice3A : vector<512x128xf32> to vector<1x512x128xf32>
      tpu.vector_store %arg12[%swap3A, %swap3A_39, %swap3A_40], %swap3A_43 {strides = array<i32>} : memref<2x512x128xf32, #tpu.memory_space<vmem>>, vector<1x512x128xf32>,
      %slice3A_44 = vector.extract_strided_slice %max3A_38 {offsets = [0, 128], sizes = [512, 128], strides = [1, 1]} : vector<512x256xf32> to vector<512x128xf32>
      %swap3A_45 = arith.constant 1 : index
      %swap3A_46 = arith.constant 0 : index
      %swap3A_47 = arith.constant 0 : index
      %swap3A_48 = vector.load %arg12[%swap3A_45, %swap3A_46, %swap3A_47] : memref<2x512x128xf32, #tpu.memory_space<vmem>>, vector<1x512x128xf32>
      %swap3A_49 = vector.shape_cast %swap3A_48 : vector<1x512x128xf32> to vector<512x128xf32>
      %swap3A_50 = vector.shape_cast %slice3A_44 : vector<512x128xf32> to vector<1x512x128xf32>
      tpu.vector_store %arg12[%swap3A_45, %swap3A_46, %swap3A_47], %swap3A_50 {strides = array<i32>} : memref<2x512x128xf32, #tpu.memory_space<vmem>>, vector<1x512x128xf32>,
      %slice3A_51 = vector.extract_strided_slice %max3A_38 {offsets = [0, 0], sizes = [512, 128], strides = [1, 1]} : vector<512x256xf32> to vector<512x128xf32>
      %get3A_52 = arith.constant 0 : index
      %get3A_53 = arith.constant 0 : index
      %get3A_54 = vector.load %arg9[%get3A_52, %get3A_53] : memref<256x64xf32, #tpu.memory_space<vmem>>, vector<128x64xf32>
      %dot_general3A = arith.constant dense<0.000000e+00> : vector<512x64xf32>
      %dot_general3A_55 = tpu.matmul %slice3A_51, %get3A_54, %dot_general3A {dimension_numbers = #tpu.dot_dimension_numbers<[1], [0], [0], [1], [0, 0, 1, 1], [], []>, transpose_lhs_hint = false} : vector<512x128xf32>, vector<128x64xf32>, vector<512x64xf32> -> vector<512x64xf32>
      %slice3A_56 = vector.extract_strided_slice %max3A_38 {offsets = [0, 128], sizes = [512, 128], strides = [1, 1]} : vector<512x256xf32> to vector<512x128xf32>
      %get3A_57 = arith.constant 128 : index
      %get3A_58 = arith.constant 0 : index
      %get3A_59 = vector.load %arg9[%get3A_57, %get3A_58] : memref<256x64xf32, #tpu.memory_space<vmem>>, vector<128x64xf32>
      %dot_general3A_60 = arith.constant dense<0.000000e+00> : vector<512x64xf32>
      %dot_general3A_61 = tpu.matmul %slice3A_56, %get3A_59, %dot_general3A_60 {dimension_numbers = #tpu.dot_dimension_numbers<[1], [0], [0], [1], [0, 0, 1, 1], [], []>, transpose_lhs_hint = false} : vector<512x128xf32>, vector<128x64xf32>, vector<512x64xf32> -> vector<512x64xf32>
      %add3A_62 = arith.addf %dot_general3A_55, %dot_general3A_61 : vector<512x64xf32>
      %convert_element_type3A_63 = arith.truncf %add3A_62 : vector<512x64xf32> to vector<512x64xbf16>
      %swap3A_64 = arith.constant 0 : index
      %swap3A_65 = arith.constant 0 : index
      %swap3A_66 = arith.constant 0 : index
      %swap3A_67 = vector.load %arg13[%swap3A_64, %swap3A_65, %swap3A_66] : memref<2x512x64xbf16, #tpu.memory_space<vmem>>, vector<1x512x64xbf16>
      %swap3A_68 = vector.shape_cast %swap3A_67 : vector<1x512x64xbf16> to vector<512x64xbf16>
      %swap3A_69 = vector.shape_cast %convert_element_type3A_63 : vector<512x64xbf16> to vector<1x512x64xbf16>
      tpu.vector_store %arg13[%swap3A_64, %swap3A_65, %swap3A_66], %swap3A_69 {strides = array<i32>} : memref<2x512x64xbf16, #tpu.memory_space<vmem>>, vector<1x512x64xbf16>,
      %swap3A_70 = arith.constant 1 : index
      %swap3A_71 = arith.constant 0 : index
      %swap3A_72 = arith.constant 0 : index
      %swap3A_73 = vector.load %arg13[%swap3A_70, %swap3A_71, %swap3A_72] : memref<2x512x64xbf16, #tpu.memory_space<vmem>>, vector<1x512x64xbf16>
      %swap3A_74 = vector.shape_cast %swap3A_73 : vector<1x512x64xbf16> to vector<512x64xbf16>
      %swap3A_75 = vector.shape_cast %convert_element_type3A_63 : vector<512x64xbf16> to vector<1x512x64xbf16>
      tpu.vector_store %arg13[%swap3A_70, %swap3A_71, %swap3A_72], %swap3A_75 {strides = array<i32>} : memref<2x512x64xbf16, #tpu.memory_space<vmem>>, vector<1x512x64xbf16>,
    } else {
    }
    return
  }
  func.func @transform_0(%arg0: i32, %arg1: i32) -> (i32, i32) {
    %c0_i32 = arith.constant 0 : i32
    %c0_i32_0 = arith.constant 0 : i32
    return %arg1, %c0_i32 : i32, i32
  }
  func.func @transform_1(%arg0: i32, %arg1: i32) -> (i32, i32, i32) {
    %sub3A = arith.constant 1 : i32
    %sub3A_0 = arith.subi %sub3A, %arg0 : i32
    %mul3A = arith.muli %arg1, %sub3A_0 : i32
    %c0_i32 = arith.constant 0 : i32
    %c0_i32_1 = arith.constant 0 : i32
    %c0_i32_2 = arith.constant 0 : i32
    return %c0_i32, %mul3A, %c0_i32_1 : i32, i32, i32
  }
  func.func @transform_2(%arg0: i32, %arg1: i32) -> (i32, i32) {
    %sub3A = arith.constant 1 : i32
    %sub3A_0 = arith.subi %sub3A, %arg0 : i32
    %mul3A = arith.muli %arg1, %sub3A_0 : i32
    %c0_i32 = arith.constant 0 : i32
    %c0_i32_1 = arith.constant 0 : i32
    return %mul3A, %c0_i32 : i32, i32
  }
  func.func @transform_3(%arg0: i32, %arg1: i32) -> (i32, i32) {
    %sub3A = arith.constant 1 : i32
    %sub3A_0 = arith.subi %sub3A, %arg0 : i32
    %mul3A = arith.muli %arg1, %sub3A_0 : i32
    %c0_i32 = arith.constant 0 : i32
    %c0_i32_1 = arith.constant 0 : i32
    return %mul3A, %c0_i32 : i32, i32
  }
  func.func @transform_4(%arg0: i32, %arg1: i32) -> (i32, i32) {
    %c0_i32 = arith.constant 0 : i32
    %c0_i32_0 = arith.constant 0 : i32
    %c0_i32_1 = arith.constant 0 : i32
    return %c0_i32, %c0_i32_0 : i32, i32
  }
  func.func @transform_5(%arg0: i32, %arg1: i32) -> (i32, i32) {
    %c0_i32 = arith.constant 0 : i32
    %c0_i32_0 = arith.constant 0 : i32
    %c0_i32_1 = arith.constant 0 : i32
    return %c0_i32, %c0_i32_0 : i32, i32
  }
  func.func @transform_6(%arg0: i32, %arg1: i32) -> (i32, i32) {
    %c0_i32 = arith.constant 0 : i32
    %c0_i32_0 = arith.constant 0 : i32
    %c0_i32_1 = arith.constant 0 : i32
    return %c0_i32, %c0_i32_0 : i32, i32
  }
  func.func @transform_7(%arg0: i32, %arg1: i32) -> (i32, i32) {
    %c0_i32 = arith.constant 0 : i32
    %c0_i32_0 = arith.constant 0 : i32
    %c0_i32_1 = arith.constant 0 : i32
    return %c0_i32, %c0_i32_0 : i32, i32
  }
  func.func @transform_8(%arg0: i32, %arg1: i32) -> (i32, i32) {
    %c0_i32 = arith.constant 0 : i32
    %c0_i32_0 = arith.constant 0 : i32
    return %arg1, %c0_i32 : i32, i32
  }
  func.func @transform_9(%arg0: i32, %arg1: i32) -> (i32, i32) {
    %c0_i32 = arith.constant 0 : i32
    %c0_i32_0 = arith.constant 0 : i32
    %c0_i32_1 = arith.constant 0 : i32
    return %c0_i32, %c0_i32_0 : i32, i32
  }
  func.func @transform_10(%arg0: i32, %arg1: i32) -> (i32, i32, i32) {
    %mul3A = arith.muli %arg1, %arg0 : i32
    %c0_i32 = arith.constant 0 : i32
    %c0_i32_0 = arith.constant 0 : i32
    %c0_i32_1 = arith.constant 0 : i32
    return %c0_i32, %mul3A, %c0_i32_0 : i32, i32, i32
  }
  func.func @transform_11(%arg0: i32, %arg1: i32) -> (i32, i32, i32) {
    %mul3A = arith.muli %arg1, %arg0 : i32
    %c0_i32 = arith.constant 0 : i32
    %c0_i32_0 = arith.constant 0 : i32
    %c0_i32_1 = arith.constant 0 : i32
    return %c0_i32, %mul3A, %c0_i32_0 : i32, i32, i32
  }
}

module attributes {stable_mosaic.version = 14 : i64} {
  func.func @_self1_body(%arg0: i32, %arg1: memref<2x512x128xf32, #tpu.memory_space<vmem>>, %arg2: memref<256x64xf32, #tpu.memory_space<vmem>>, %arg3: memref<1x64xf32, #tpu.memory_space<vmem>>, %arg4: memref<512x64xf32, #tpu.memory_space<vmem>>) attributes {dimension_semantics = [#tpu.dimension_semantics<arbitrary>], iteration_bounds = array<i64: 20>, scalar_prefetch = 0 : i64, scratch_operands = 0 : i64, tpu.core_type = #tpu.core_type<tc>, window_params = [{transform_indices = @transform_0, window_bounds = array<i64: 2, 512, 128>}, {pipeline_mode = #tpu.pipeline_mode<synchronous>, transform_indices = @transform_1, window_bounds = array<i64: 256, 64>}, {pipeline_mode = #tpu.pipeline_mode<synchronous>, transform_indices = @transform_2, window_bounds = array<i64: 1, 64>}, {transform_indices = @transform_3, window_bounds = array<i64: 512, 64>}]} {
    %get3A = arith.constant 0 : index
    %get3A_0 = arith.constant 0 : index
    %get3A_1 = arith.constant 0 : index
    %get3A_2 = vector.load %arg1[%get3A, %get3A_0, %get3A_1] : memref<2x512x128xf32, #tpu.memory_space<vmem>>, vector<1x512x128xf32>
    %get3A_3 = vector.shape_cast %get3A_2 : vector<1x512x128xf32> to vector<512x128xf32>
    %get3A_4 = arith.constant 0 : index
    %get3A_5 = arith.constant 0 : index
    %get3A_6 = vector.load %arg2[%get3A_4, %get3A_5] : memref<256x64xf32, #tpu.memory_space<vmem>>, vector<128x64xf32>
    %dot_general3A = arith.constant dense<0.000000e+00> : vector<512x64xf32>
    %dot_general3A_7 = tpu.matmul %get3A_3, %get3A_6, %dot_general3A {dimension_numbers = #tpu.dot_dimension_numbers<[1], [0], [0], [1], [0, 0, 1, 1], [], []>, transpose_lhs_hint = false} : vector<512x128xf32>, vector<128x64xf32>, vector<512x64xf32> -> vector<512x64xf32>
    %get3A_8 = arith.constant 1 : index
    %get3A_9 = arith.constant 0 : index
    %get3A_10 = arith.constant 0 : index
    %get3A_11 = vector.load %arg1[%get3A_8, %get3A_9, %get3A_10] : memref<2x512x128xf32, #tpu.memory_space<vmem>>, vector<1x512x128xf32>
    %get3A_12 = vector.shape_cast %get3A_11 : vector<1x512x128xf32> to vector<512x128xf32>
    %get3A_13 = arith.constant 128 : index
    %get3A_14 = arith.constant 0 : index
    %get3A_15 = vector.load %arg2[%get3A_13, %get3A_14] : memref<256x64xf32, #tpu.memory_space<vmem>>, vector<128x64xf32>
    %dot_general3A_16 = arith.constant dense<0.000000e+00> : vector<512x64xf32>
    %dot_general3A_17 = tpu.matmul %get3A_12, %get3A_15, %dot_general3A_16 {dimension_numbers = #tpu.dot_dimension_numbers<[1], [0], [0], [1], [0, 0, 1, 1], [], []>, transpose_lhs_hint = false} : vector<512x128xf32>, vector<128x64xf32>, vector<512x64xf32> -> vector<512x64xf32>
    %add3A = arith.addf %dot_general3A_7, %dot_general3A_17 : vector<512x64xf32>
    %get3A_18 = arith.constant 0 : index
    %get3A_19 = arith.constant 0 : index
    %get3A_20 = vector.load %arg3[%get3A_18, %get3A_19] : memref<1x64xf32, #tpu.memory_space<vmem>>, vector<1x64xf32>
    %add3A_21 = vector.broadcast %get3A_20 : vector<1x64xf32> to vector<512x64xf32>
    %add3A_22 = arith.addf %add3A, %add3A_21 : vector<512x64xf32>
    %swap3A = arith.constant 0 : index
    %swap3A_23 = arith.constant 0 : index
    %swap3A_24 = vector.load %arg4[%swap3A, %swap3A_23] : memref<512x64xf32, #tpu.memory_space<vmem>>, vector<512x64xf32>
    tpu.vector_store %arg4[%swap3A, %swap3A_23], %add3A_22 {strides = array<i32>} : memref<512x64xf32, #tpu.memory_space<vmem>>, vector<512x64xf32>,
    return
  }
  func.func @transform_0(%arg0: i32) -> (i32, i32, i32) {
    %c0_i32 = arith.constant 0 : i32
    %c0_i32_0 = arith.constant 0 : i32
    %c0_i32_1 = arith.constant 0 : i32
    return %c0_i32, %arg0, %c0_i32_0 : i32, i32, i32
  }
  func.func @transform_1(%arg0: i32) -> (i32, i32) {
    %c0_i32 = arith.constant 0 : i32
    %c0_i32_0 = arith.constant 0 : i32
    %c0_i32_1 = arith.constant 0 : i32
    return %c0_i32, %c0_i32_0 : i32, i32
  }
  func.func @transform_2(%arg0: i32) -> (i32, i32) {
    %c0_i32 = arith.constant 0 : i32
    %c0_i32_0 = arith.constant 0 : i32
    %c0_i32_1 = arith.constant 0 : i32
    return %c0_i32, %c0_i32_0 : i32, i32
  }
  func.func @transform_3(%arg0: i32) -> (i32, i32) {
    %c0_i32 = arith.constant 0 : i32
    %c0_i32_0 = arith.constant 0 : i32
    return %arg0, %c0_i32 : i32, i32
  }
}

module attributes {stable_mosaic.version = 14 : i64} {
  func.func @_final_body(%arg0: i32, %arg1: memref<512x64xf32, #tpu.memory_space<vmem>>, %arg2: memref<2x512x64xbf16, #tpu.memory_space<vmem>>, %arg3: memref<512x1xf32, #tpu.memory_space<vmem>>, %arg4: memref<512x1xf32, #tpu.memory_space<vmem>>, %arg5: memref<512x64xf32, #tpu.memory_space<vmem>>) attributes {dimension_semantics = [#tpu.dimension_semantics<arbitrary>], iteration_bounds = array<i64: 20>, scalar_prefetch = 0 : i64, scratch_operands = 0 : i64, tpu.core_type = #tpu.core_type<tc>, window_params = [{transform_indices = @transform_0, window_bounds = array<i64: 512, 64>}, {transform_indices = @transform_1, window_bounds = array<i64: 2, 512, 64>}, {transform_indices = @transform_2, window_bounds = array<i64: 512, 1>}, {transform_indices = @transform_3, window_bounds = array<i64: 512, 1>}, {transform_indices = @transform_4, window_bounds = array<i64: 512, 64>}]} {
    %get3A = arith.constant 0 : index
    %get3A_0 = arith.constant 0 : index
    %get3A_1 = vector.load %arg1[%get3A, %get3A_0] : memref<512x64xf32, #tpu.memory_space<vmem>>, vector<512x64xf32>
    %get3A_2 = arith.constant 0 : index
    %get3A_3 = arith.constant 0 : index
    %get3A_4 = arith.constant 0 : index
    %get3A_5 = vector.load %arg2[%get3A_2, %get3A_3, %get3A_4] : memref<2x512x64xbf16, #tpu.memory_space<vmem>>, vector<1x512x64xbf16>
    %get3A_6 = vector.shape_cast %get3A_5 : vector<1x512x64xbf16> to vector<512x64xbf16>
    %convert_element_type3A = arith.extf %get3A_6 : vector<512x64xbf16> to vector<512x64xf32>
    %get3A_7 = arith.constant 1 : index
    %get3A_8 = arith.constant 0 : index
    %get3A_9 = arith.constant 0 : index
    %get3A_10 = vector.load %arg2[%get3A_7, %get3A_8, %get3A_9] : memref<2x512x64xbf16, #tpu.memory_space<vmem>>, vector<1x512x64xbf16>
    %get3A_11 = vector.shape_cast %get3A_10 : vector<1x512x64xbf16> to vector<512x64xbf16>
    %convert_element_type3A_12 = arith.extf %get3A_11 : vector<512x64xbf16> to vector<512x64xf32>
    %add3A = arith.addf %convert_element_type3A, %convert_element_type3A_12 : vector<512x64xf32>
    %get3A_13 = arith.constant 0 : index
    %get3A_14 = arith.constant 0 : index
    %get3A_15 = vector.load %arg3[%get3A_13, %get3A_14] : memref<512x1xf32, #tpu.memory_space<vmem>>, vector<512x1xf32>
    %get3A_16 = arith.constant 0 : index
    %get3A_17 = arith.constant 0 : index
    %get3A_18 = vector.load %arg4[%get3A_16, %get3A_17] : memref<512x1xf32, #tpu.memory_space<vmem>>, vector<512x1xf32>
    %add3A_19 = arith.addf %get3A_15, %get3A_18 : vector<512x1xf32>
    %max3A = arith.constant 1.000000e+00 : f32
    %max3A_20 = vector.broadcast %max3A : f32 to vector<512x1xf32>
    %max3A_21 = arith.maximumf %add3A_19, %max3A_20 : vector<512x1xf32>
    %div3A = arith.constant 1.000000e+00 : f32
    %div3A_22 = vector.broadcast %div3A : f32 to vector<512x1xf32>
    %div3A_23 = arith.divf %div3A_22, %max3A_21 : vector<512x1xf32>
    %mul3A = vector.broadcast %div3A_23 : vector<512x1xf32> to vector<512x64xf32>
    %mul3A_24 = arith.mulf %add3A, %mul3A : vector<512x64xf32>
    %add3A_25 = arith.addf %get3A_1, %mul3A_24 : vector<512x64xf32>
    %swap3A = arith.constant 0 : index
    %swap3A_26 = arith.constant 0 : index
    %swap3A_27 = vector.load %arg5[%swap3A, %swap3A_26] : memref<512x64xf32, #tpu.memory_space<vmem>>, vector<512x64xf32>
    tpu.vector_store %arg5[%swap3A, %swap3A_26], %add3A_25 {strides = array<i32>} : memref<512x64xf32, #tpu.memory_space<vmem>>, vector<512x64xf32>,
    return
  }
  func.func @transform_0(%arg0: i32) -> (i32, i32) {
    %c0_i32 = arith.constant 0 : i32
    %c0_i32_0 = arith.constant 0 : i32
    return %arg0, %c0_i32 : i32, i32
  }
  func.func @transform_1(%arg0: i32) -> (i32, i32, i32) {
    %c0_i32 = arith.constant 0 : i32
    %c0_i32_0 = arith.constant 0 : i32
    %c0_i32_1 = arith.constant 0 : i32
    return %c0_i32, %arg0, %c0_i32_0 : i32, i32, i32
  }
  func.func @transform_2(%arg0: i32) -> (i32, i32) {
    %c0_i32 = arith.constant 0 : i32
    %c0_i32_0 = arith.constant 0 : i32
    return %arg0, %c0_i32 : i32, i32
  }
  func.func @transform_3(%arg0: i32) -> (i32, i32) {
    %c0_i32 = arith.constant 0 : i32
    %c0_i32_0 = arith.constant 0 : i32
    return %arg0, %c0_i32 : i32, i32
  }
  func.func @transform_4(%arg0: i32) -> (i32, i32) {
    %c0_i32 = arith.constant 0 : i32
    %c0_i32_0 = arith.constant 0 : i32
    return %arg0, %c0_i32 : i32, i32
  }
}

</mosaic_0001>

<sc_bundles>
// kernel: kernel.11.cloned.1.call-start
scs
__scs_entry_jumppad:
0x0: {  	(pc) =	sbr.rel $0x88, $3  }
0x1: {  	(tag) =	ssettag $0x0;
	lr =	simm.s32 $0x1  }
0x2: {  	[smem:$0x3F92] =	sst lr;
	_ =	strace $0xD0000000  }
0x3: {  	_ = 	snop  }
0x4: {  	_ = 	snop  }
0x5: {  	_ = 	snop  }
0x6: {  	_ = 	snop  }
0x7: {  	_ = 	snop  }
__scs_overlays_trampoline_lowered:
0x8: {  	[smem:$0x3FA1] =	sst s0  }
0x9: {  	[smem:$0x3FA2] =	sst s1  }
0xa: {  	[smem:$0x3FA3] =	sst s2  }
0xb: {  	[smem:$0x3FA4] =	sst s3  }
0xc: {  	[smem:$0x3FA5] =	sst s4  }
0xd: {  	[smem:$0x3FA6] =	sst s5  }
0xe: {  	[smem:$0x3FA7] =	sst s6  }
0xf: {  	[smem:$0x3FA8] =	sst s7  }
0x10: {  	[smem:$0x3FA9] =	sst s8  }
0x11: {  	[smem:$0x3FAA] =	sst s9;
	s0 =	simm.s32 @!p0 $0x0  }
0x12: {  	s1 =	sld [smem:$0x3F90];
	s0 =	simm.s32 @p0 $0x1  }
0x13: {  	[smem:$0x3FAB] =	sst s0;
	s0 =	simm.s32 @!p1 $0x0  }
0x14: {  	s2 =	sld [smem:$0x3F8F];
	s0 =	simm.s32 @p1 $0x1  }
0x15: {  	[smem:$0x3FAC] =	sst s0;
	s0 =	simm.s32 @!p2 $0x0  }
0x16: {  	s3 =	sld [smem:$0x3FDB];
	s0 =	simm.s32 @p2 $0x1  }
0x17: {  	s4 =	simm.s32 $0x1BF5;
	[smem:$0x3FAE] =	sst s0  }
0x18: {  	s0 =	sld [smem:$0x3F91];
	_ =	swait.ge [sflag:s4], $0x0  }
0x19: {  	s7 =	sld [smem:$0x3F92]  }
0x1a: {  	s8 =	sadd.s32 $0xFFFFE003, lr  }
0x1b: {  	s9 =	sadd.s32 $0xFFFFFEF7, lr;
	s5 =	simm.s32 $0xFFFFFFFF;
	p2 =	slt.u32 s8, $0xFFFFF086  }
0x1c: {  	p1 =	slt.u32 s9, $0xF7A;
	s5 =	simm.s32 @!p2 $0x0  }
0x1d: {  	s5 =	simm.s32 @p1 $0x1;
	p0 =	seq.s32 s7, s2  }
0x1e: {  	s7 =	smul.u32 @!p0 $0xF7A, s2;
	p2 =	seq.s32 @!p0 s5, $0x0  }
0x1f: {  	s9 =	smul.u32 $0xF7A, s1;
	s8 =	simm.s32 @!p0 $0x1BF5;
	p2 =	por !p2, p0  }
0x20: {  	[sflag:s8] =	ssyncset.s32 @!p0 $0xFFFFF086;
	s6 =	sadd.s32 @!p0 s3, s7;
	s7 =	simm.s32 @!p0 $0x108  }
0x21: {  	s3 =	sadd.s32 s3, s9;
	s6 =	sadd.s32 @!p0 $0x88, s6;
	s7 =	simm.s32 @p2 $0x1082  }
0x22: {  	[simem:s7], [sflag:s8] =	dma.local @!p0 [hbm:s6], $0xF7A  }
0x23: {  	s9 =	sor.u32 $0xD0000000, s2;
	s6 =	simm.s32 $0x108;
	_ =	swait.ge @!p0 [sflag:s8], $0x0  }
0x24: {  	s3 =	sadd.s32 $0x88, s3;
	s6 =	simm.s32 @!p1 $0x1082;
	[sflag:s4] =	ssyncset.s32 $0xFFFFF086  }
0x25: {  	[simem:s6], [sflag:s4] =	dma.local [hbm:s3], $0xF7A  }
0x26: {  	[smem:$0x3F92] =	sst s1;
	(tag) =	ssettag s2;
	_ =	strace s9  }
0x27: {  	s1 =	sld [smem:$0x3FA2]  }
0x28: {  	s2 =	sld [smem:$0x3FA3]  }
0x29: {  	s4 =	sld [smem:$0x3FA5]  }
0x2a: {  	p0 =	seq.s32 s5, $0x0;
	s5 =	sld [smem:$0x3FA6]  }
0x2b: {  	s6 =	sld [smem:$0x3FA7]  }
0x2c: {  	s7 =	sld [smem:$0x3FA8]  }
0x2d: {  	s3 =	simm.s32 $0x108;
	s8 =	sld [smem:$0x3FA9]  }
0x2e: {  	s3 =	simm.s32 @!p0 $0x1082;
	s9 =	sld [smem:$0x3FAA]  }
0x2f: {  	lr =	sadd.s32 s0, s3;
	s0 =	sld [smem:$0x3FA1]  }
0x30: {  	s3 =	sld [smem:$0x3FA4]  }
0x31: {  	[smem:$0x3FAD] =	sst s10  }
0x32: {  	s10 =	sld [smem:$0x3FAB];
	_ =	sdelay $0x3  }
0x33: {  	p0 =	seq.s32 s10, $0x1;
	s10 =	sld [smem:$0x3FAD];
	_ =	sdelay $0x3  }
0x34: {  	[smem:$0x3FAD] =	sst s10  }
0x35: {  	s10 =	sld [smem:$0x3FAC];
	_ =	sdelay $0x3  }
0x36: {  	p1 =	seq.s32 s10, $0x1;
	s10 =	sld [smem:$0x3FAD];
	_ =	sdelay $0x3  }
0x37: {  	[smem:$0x3FAD] =	sst s10  }
0x38: {  	s10 =	sld [smem:$0x3FAE]  }
0x39: {  	_ = 	snop;
	(pc) =	sbr.ind lr, $3  }
0x3a: {  	_ = 	snop  }
0x3b: {  	_ = 	snop  }
0x3c: {  	p2 =	seq.s32 s10, $0x1;
	s10 =	sld [smem:$0x3FAD]  }
0x3d: {  	_ =	shalt  }
0x3e: {  	_ =	shalt  }
0x3f: {  	_ =	shalt  }
0x40: {  	_ =	shalt  }
0x41: {  	_ =	shalt  }
0x42: {  	_ =	shalt  }
0x43: {  	_ =	shalt  }
0x44: {  	_ =	shalt  }
0x45: {  	_ =	shalt  }
0x46: {  	_ =	shalt  }
0x47: {  	_ =	shalt  }
0x48: {  	_ =	shalt  }
0x49: {  	_ =	shalt  }
0x4a: {  	_ =	shalt  }
0x4b: {  	_ =	shalt  }
0x4c: {  	_ =	shalt  }
0x4d: {  	_ =	shalt  }
0x4e: {  	_ =	shalt  }
0x4f: {  	_ =	shalt  }
0x50: {  	_ =	shalt  }
0x51: {  	_ =	shalt  }
0x52: {  	_ =	shalt  }
0x53: {  	_ =	shalt  }
0x54: {  	_ =	shalt  }
0x55: {  	_ =	shalt  }
0x56: {  	_ =	shalt  }
0x57: {  	_ =	shalt  }
0x58: {  	_ =	shalt  }
0x59: {  	_ =	shalt  }
0x5a: {  	_ =	shalt  }
0x5b: {  	_ =	shalt  }
0x5c: {  	_ =	shalt  }
0x5d: {  	_ =	shalt  }
0x5e: {  	_ =	shalt  }
0x5f: {  	_ =	shalt  }
0x60: {  	_ =	shalt  }
0x61: {  	_ =	shalt  }
0x62: {  	_ =	shalt  }
0x63: {  	_ =	shalt  }
0x64: {  	_ =	shalt  }
0x65: {  	_ =	shalt  }
0x66: {  	_ =	shalt  }
0x67: {  	_ =	shalt  }
0x68: {  	_ =	shalt  }
0x69: {  	_ =	shalt  }
0x6a: {  	_ =	shalt  }
0x6b: {  	_ =	shalt  }
0x6c: {  	_ =	shalt  }
0x6d: {  	_ =	shalt  }
0x6e: {  	_ =	shalt  }
0x6f: {  	_ =	shalt  }
0x70: {  	_ =	shalt  }
0x71: {  	_ =	shalt  }
0x72: {  	_ =	shalt  }
0x73: {  	_ =	shalt  }
0x74: {  	_ =	shalt  }
0x75: {  	_ =	shalt  }
0x76: {  	_ =	shalt  }
0x77: {  	_ =	shalt  }
0x78: {  	_ =	shalt  }
0x79: {  	_ =	shalt  }
0x7a: {  	_ =	shalt  }
0x7b: {  	_ =	shalt  }
0x7c: {  	_ =	shalt  }
0x7d: {  	_ =	shalt  }
0x7e: {  	_ =	shalt  }
0x7f: {  	_ =	shalt  }
0x80: {  	_ =	shalt  }
0x81: {  	_ =	shalt  }
0x82: {  	_ =	shalt  }
0x83: {  	_ =	shalt  }
0x84: {  	_ =	shalt  }
0x85: {  	_ =	shalt  }
0x86: {  	_ =	shalt  }
0x87: {  	_ =	shalt  }
.Lfunc_end0:
.L_simem_size_0:
called_computation_lowered:
.L_overlay_start_0:
0x88: {  	s2 =	sld [smem:$0x3FD9]  }
0x89: {  	s3 =	sld [smem:$0x3FFE];
	_ =	sdelay $0x1  }
0x8a: {  	s1 =	srdreg.scid  }
0x8b: {  	s0 =	sand.u32 $0x1, s1  }
0x8c: {  	s17 =	sshll.u32 s0, $0xA;
	s2 =	sadd.s32 s3, s2  }
0x8d: {  	s2 =	sadd.s32 s2, s17  }
0x8e: {  	[smem:$0x3FB9] =	sst s2  }
0x8f: {  	_ = 	snop  }
0x90: {  	s2 =	sld [smem:$0x3FD0];
	(tm) =	ssettm $0x1  }
0x91: {  	s18 =	sld [smem:$0x3FFB];
	_ =	sdelay $0x3  }
0x92: {  	_ =	strace s18  }
0x93: {  	s3 =	sld [smem:$0x3FFC];
	_ =	sdelay $0x3  }
0x94: {  	_ =	strace s3  }
0x95: {  	s3 =	sld [smem:$0x3FFD];
	_ =	sdelay $0x3  }
0x96: {  	_ =	strace s3  }
0x97: {  	_ =	strace $0x8FFFFFFF  }
0x98: {  	s19 =	sld [smem:$0x3FDB];
	_ =	sdelay $0x1  }
0x99: {  	s4 =	simm.s32 $_scs_section_size  }
0x9a: {  	s5 =	simm.s32 $_size__tile_overlayer_lowered;
	s6 =	simm.s32 $_tile_overlayer_lowered  }
0x9b: {  	s22 =	simm.s32 $0x1BFF;
	s21 =	sshll.u32 s6, $0x1;
	s3 =	sadd.s32 s4, s19  }
0x9c: {  	s7 =	simm.s32 $0x0;
	s20 =	sshll.u32 s5, $0x1;
	s5 =	sadd.s32 s21, s3  }
0x9d: {  	[timem:s7], [sflag:s22] =	dma.local [hbm:s5], s20  }
0x9e: {  	_ =	swait.ge [sflag:s22], s20  }
0x9f: {  	s4 =	ssub.s32 $0x0, s20;
	[sflag:s22] =	ssyncset.done $0x0  }
0xa0: {  	[sflag:s22] =	ssyncadd.s32 s4;
	_ =	sdelay $0x1  }
0xa1: {  	s23 =	simm.s32 $0x1B8B  }
0xa2: {  	_ =	swait.ge [sflag:s23], $0x1  }
0xa3: {  	[sflag:s23] =	ssyncset.done $0x0  }
0xa4: {  	s25 =	simm.s32 $0x1B8E;
	s24 =	sld [smem:$0x3FFE];
	[sflag:s23] =	ssyncadd.s32 $0xFFFFFFFF  }
0xa5: {  	s26 =	simm.s32 $execute0_lowered;
	[smem:$0x3FD2] =	sst s25  }
0xa6: {  	s5 =	sshll.u32 s26, $0x1;
	_ =	strace $0x80000046;
	[dreg:$0x1] =	wrdreg $0xFFFFFFFF  }
0xa7: {  	s28 =	simm.s32 $_size_execute0_lowered;
	s3 =	sadd.s32 s3, s5;
	[dreg:$0x0] =	wrdreg $0x0  }
0xa8: {  	s5 =	sshll.u32 s28, $0x1;
	[dreg:$0x2] =	wrdreg s3  }
0xa9: {  	[dreg:$0x3] =	wrdreg s5  }
0xaa: {  	[dreg:$0x4] =	wrdreg $0xC0  }
0xab: {  	_ =	task [dreg:s7], $0x5FFFF  }
0xac: {  	[dreg:$0x1] =	wrdreg $0xFFFFFFFF  }
0xad: {  	[dreg:$0x0] =	wrdreg $0x60  }
0xae: {  	[dreg:$0x2] =	wrdreg s24  }
0xaf: {  	[dreg:$0x3] =	wrdreg s2  }
0xb0: {  	[dreg:$0x4] =	wrdreg $0x68800  }
0xb1: {  	[dreg:$0x5] =	wrdreg $0x10B800  }
0xb2: {  	[dreg:$0x6] =	wrdreg $0x9  }
0xb3: {  	_ =	task.clear_ibuf [dreg:s7], $0x7FFFF;
	_ =	strace $0x90000046  }
0xb4: {  	s29 =	simm.s32 $0x9;
	_ =	strace $0x80000048  }
0xb5: {  	_ =	swait.ge [sflag:s29], $0x1  }
0xb6: {  	[sflag:s29] =	ssyncadd.s32 $0xFFFFFFFF  }
0xb7: {  	_ =	strace $0x90000048  }
0xb8: {  	_ =	sfence  }
0xb9: {  	s30 =	sld [smem:$0x0];
	_ =	sdelay $0x2  }
0xba: {  	s31 =	sshll.u32 s1, $0xD;
	s1 =	sshrl.u32 s1, $0x2  }
0xbb: {  	s3 =	sand.u32 $0x4000, s31;
	s1 =	sadd.s32 s1, s30  }
0xbc: {  	s0 =	sor.u32 s3, s0;
	s1 =	sshll.u32 s1, $0x11  }
0xbd: {  	s0 =	sor.u32 s1, s0  }
0xbe: {  	s0 =	sadd.s32 $0x8F2B, s0  }
0xbf: {  	[sflag:s0] =	ssyncadd.remote.s32 $0x1  }
0xc0: {  	_ =	sfence.sel $0xFFFF  }
0xc1: {  	[dreg:$0x0] =	wrdreg $0xFFFFFFFF;
	(pc) =	sbr.abs _section_cstart, $3  }
0xc2: {  	[dreg:$0x1] =	wrdreg $0xFFFFFFFF  }
0xc3: {  	_ =	task.clear_ibuf [dreg:s7], $0x2FFFF;
	_ =	strace $0x9FFFFFFF  }
0xc4: {  	(tm) =	ssettm $0x7FFFFFFF  }
0xc5: {  	_ =	shalt  }
tec
execute0_lowered:
.L_overlay_start_1:
0x0: {  	(tag) =	ssettag $0x1  }
0x1: {  	s0 =	rddreg [dreg:$0x0]  }
0x2: {  	s3 =	rddreg [dreg:$0x1]  }
0x3: {  	s1 =	rddreg [dreg:$0x2];
	s18 =	stileid.u32  }
0x4: {  	s2 =	rddreg [dreg:$0x3];
	s9 =	smul.u32 $0x14000, s18  }
0x5: {  	s4 =	simm.s32 $0x0;
	s5 =	srdreg.scid;
	s8 =	smul.u32 $0x280, s18  }
0x6: {  	s28 =	simm.s32 $0x2800;
	s29 =	simm.s32 $0x1;
	s14 =	smul.u32 $0x28000, s18  }
0x7: {  	s30 =	simm.s32 $0x3;
	s6 =	sand.u32 $0x1, s5;
	s25 =	smul.u32 $0x4F0, s18  }
0x8: {  	s31 =	simm.s32 $0x10880;
	[smem:$0x7FF] =	sst s4;
	s7 =	smul.u32 $0x140000, s6  }
0x9: {  	s5 =	sadd.s32 $0x4A00, s0;
	s15 =	sadd.s32 $0x2BC00, s0;
	s11 =	smul.u32 $0x2800, s6  }
0xa: {  	_ =	strace $0x80000047;
	s10 =	sshll.u32 s6, $0x4;
	s19 =	smul.u32 $0x2710, s6  }
0xb: {  	s13 =	ssub.s32 $0x2, s6;
	s6 =	smul.u32 $0x4F00, s6;
	s10 =	sor.u32 s18, s10  }
0xc: {  	s16 =	sshrl.u32 s13, $0x1;
	s14 =	sshrl.u32 s14, $0x2;
	s23 =	sshrl.u32 s9, $0x1  }
0xd: {  	s7 =	sadd.s32 s9, s7;
	s12 =	smul.u32 $0x4F0, s10;
	s11 =	sadd.s32 s8, s11  }
0xe: {  	s10 =	smul.u32 $0x2780, s10;
	s16 =	ssub.s32 s13, s16;
	s8 =	sadd.s32 s8, s2  }
0xf: {  	s26 =	sadd.s32 s6, s15;
	s7 =	sshrl.u32 s7, $0x4;
	s11 =	sshrl.u32 s11, $0x3  }
0x10: {  	s17 =	sadd.s32 s7, s0;
	s0 =	sadd.s32 s11, s0;
	s3 =	sadd.s32 s3, s12  }
0x11: {  	s10 =	sshrl.u32 s10, $0x3;
	s7 =	sadd.s32 s14, s1;
	s21 =	sadd.s32 s15, s12  }
0x12: {  	s14 =	smax.u32 s16, $0x1;
	[dreg:$0x5] =	wrdreg s3;
	s20 =	sadd.s32 s15, s10  }
0x13: {  	[dreg:$0x6] =	wrdreg s21;
	s24 =	sadd.s32 $0x36400, s17;
	s13 =	sadd.s32 $0x35A00, s0  }
0x14: {  	s15 =	sadd.s32 $0x2000, s7;
	s16 =	sadd.s32 $0x4000, s7;
	s0 =	sadd.s32 s25, s26  }
0x15: {  	s17 =	sadd.s32 $0x6000, s7;
	s18 =	sadd.s32 $0x8000, s7;
	s21 =	simm.s32 $0x2880  }
0x16: {  	s25 =	simm.s32 $0x2780;
	s26 =	simm.s32 $0x4880;
	s22 =	sadd.s32 $0x10, s20  }
0x17: {  	s3 =	sadd.s32 $0x4E0, s20;
	[dreg:$0x9] =	wrdreg s24;
	s10 =	sadd.s32 $0x30, s0  }
0x18: {  	s20 =	simm.s32 $0x5;
	s0 =	simm.s32 $0x2;
	[dreg:$0x7] =	wrdreg s22  }
0x19: {  	v1 =	vimm.bf16 $0.0e+00;
	[dreg:$0x8] =	wrdreg s3;
	s3 =	sadd.s32 s23, s1;
	s23 =	simm.s32 $0x80  }
0x1a: {  	v2 =	vimm.f32 $1.000000000e+00;
	v3 =	vimm.f32 $0.0e+00;
	v0 =	vmov s19;
	s22 =	simm.s32 $0x4;
	s24 =	sshrl.u32 s3, $0x3;
	s3 =	simm.s32 $0x0  }
.LBB2_1:
0x1b: {  	s6 =	rddreg [dreg:$0x5]  }
0x1c: {  	[tilespmem:s4], [sflag:$0x5] =	stream.linear.gather [hbm4b:s6+s4], $0x2780, $0x38;
	[tilespmem:$0x10E00] =	vst v63  }
0x1d: {  	_ =	swait.ge [sflag:s20], $0x2780  }
0x1e: {  	[sflag:s20] =	ssyncset.done $0x0  }
0x1f: {  	s6 =	simm.s32 $0x0;
	[sflag:s20] =	ssyncadd.s32 $0xFFFFD880  }
0x20: {  	v6 =	vld [tilespmem:s6+$0x0]  }
0x21: {  	v8 =	vld [tilespmem:s6+$0x10]  }
0x22: {  	v7 =	vld [tilespmem:s6+$0x20]  }
0x23: {  	v5 =	vld [tilespmem:s6+$0x30]  }
0x24: {  	v4 =	vld [tilespmem:s6+$0x40]  }
0x25: {  	v9 =	vadd.s32 v0, v6;
	v6 =	vld [tilespmem:s6+$0x50]  }
0x26: {  	s9 =	simm.s32 $0x200;
	[tilespmem:s6+$0x0] =	vst v9;
	v9 =	vadd.s32 v0, v8;
	v8 =	vld [tilespmem:s6+$0x60]  }
.LBB2_2:
0x27: {  	s19 =	sshra.s32 s9, $0x2;
	p0 =	sne.s32 s9, $0x9C00;
	[tilespmem:s6+$0x10] =	vst v9;
	v7 =	vadd.s32 v0, v7;
	v9 =	vld [tilespmem:s6+$0x70]  }
0x28: {  	v10 =	vld [tilespmem:s19+$0x0];
	[tilespmem:s6+$0x20] =	vst v7;
	v5 =	vadd.s32 v0, v5  }
0x29: {  	v11 =	vld [tilespmem:s19+$0x10];
	[tilespmem:s6+$0x30] =	vst v5;
	v4 =	vadd.s32 v0, v4  }
.Ltmp0:
0x2a: {  	v7 =	vld [tilespmem:s19+$0x20];
	[tilespmem:s6+$0x40] =	vst v4;
	v4 =	vadd.s32 v0, v6;
	(pc) =	sbr.rel @p0 .LBB2_2-.Ltmp0, $4  }
0x2b: {  	v5 =	vld [tilespmem:s19+$0x30];
	[tilespmem:s6+$0x50] =	vst v4;
	v6 =	vadd.s32 v0, v8  }
0x2c: {  	v4 =	vld [tilespmem:s19+$0x40];
	[tilespmem:s6+$0x60] =	vst v6;
	v8 =	vadd.s32 v0, v9  }
0x2d: {  	v9 =	vadd.s32 v0, v10;
	v6 =	vld [tilespmem:s19+$0x50];
	[tilespmem:s6+$0x70] =	vst v8;
	s6 =	smov.u32 s19  }
0x2e: {  	s9 =	sadd.s32 $0x200, s9;
	[tilespmem:s6+$0x0] =	vst v9;
	v9 =	vadd.s32 v0, v11;
	v8 =	vld [tilespmem:s6+$0x60]  }
0x2f: {  	[tilespmem:s6+$0x10] =	vst v9;
	v7 =	vadd.s32 v0, v7;
	v63 =	vld [tilespmem:s6+$0x70]  }
0x30: {  	[tilespmem:s6+$0x20] =	vst v7;
	v5 =	vadd.s32 v0, v5  }
0x31: {  	[tilespmem:s6+$0x30] =	vst v5;
	v4 =	vadd.s32 v0, v4  }
0x32: {  	[tilespmem:s6+$0x40] =	vst v4;
	v4 =	vadd.s32 v0, v6  }
0x33: {  	[tilespmem:s6+$0x50] =	vst v4;
	v4 =	vadd.s32 v0, v8  }
0x34: {  	[tilespmem:s6+$0x60] =	vst v4;
	v4 =	vadd.s32 v0, v63  }
0x35: {  	s9 =	simm.s32 $0x100;
	[tilespmem:s6+$0x70] =	vst v4;
	s6 =	simm.s32 $0x0  }
.LBB2_4:
0x36: {  	p0 =	sne.s32 s9, $0x7F00;
	[tilespmem:s6+$0x28B0] =	vst v1;
	s19 =	smov.u32 s9;
	s9 =	sadd.s32 $0x100, s9  }
.Ltmp1:
0x37: {  	[tilespmem:s6+$0x28A0] =	vst v1;
	(pc) =	sbr.rel @p0 .LBB2_4-.Ltmp1, $3  }
0x38: {  	[tilespmem:s6+$0x2880] =	vst v1  }
0x39: {  	[tilespmem:s6+$0x2890] =	vst v1;
	_ =	sdelay $0x1  }
0x3a: {  	s6 =	sshra.s32 s19, $0x2  }
0x3b: {  	[tilespmem:s6+$0x28B0] =	vst v1  }
0x3c: {  	[tilespmem:s6+$0x28A0] =	vst v1  }
0x3d: {  	[tilespmem:s6+$0x2880] =	vst v1  }
0x3e: {  	[tilespmem:s6+$0x2890] =	vst v1  }
0x3f: {  	[spmem:s7] =	stream.linear.scatter [tilespmem:s21], [sflag:$0x5], $0x2000, $0x38;
	[tilespmem:$0x10E00] =	vst v63  }
0x40: {  	_ =	swait.ge [sflag:s20], $0x2000  }
0x41: {  	[sflag:s20] =	ssyncset.done $0x0  }
0x42: {  	[sflag:s20] =	ssyncadd.s32 $0xFFFFE000  }
0x43: {  	[spmem:s15] =	stream.linear.scatter [tilespmem:s21], [sflag:$0x5], $0x2000, $0x38;
	[tilespmem:$0x10E00] =	vst v63  }
0x44: {  	_ =	swait.ge [sflag:s20], $0x2000  }
0x45: {  	[sflag:s20] =	ssyncset.done $0x0  }
0x46: {  	[sflag:s20] =	ssyncadd.s32 $0xFFFFE000  }
0x47: {  	[spmem:s16] =	stream.linear.scatter [tilespmem:s21], [sflag:$0x5], $0x2000, $0x38;
	[tilespmem:$0x10E00] =	vst v63  }
0x48: {  	_ =	swait.ge [sflag:s20], $0x2000  }
0x49: {  	[sflag:s20] =	ssyncset.done $0x0  }
0x4a: {  	[sflag:s20] =	ssyncadd.s32 $0xFFFFE000  }
0x4b: {  	[spmem:s17] =	stream.linear.scatter [tilespmem:s21], [sflag:$0x5], $0x2000, $0x38;
	[tilespmem:$0x10E00] =	vst v63  }
0x4c: {  	_ =	swait.ge [sflag:s20], $0x2000  }
0x4d: {  	[sflag:s20] =	ssyncset.done $0x0  }
0x4e: {  	[sflag:s20] =	ssyncadd.s32 $0xFFFFE000  }
0x4f: {  	[spmem:s18] =	stream.linear.scatter [tilespmem:s21], [sflag:$0x5], $0x2000, $0x38;
	[tilespmem:$0x10E00] =	vst v63  }
0x50: {  	_ =	swait.ge [sflag:s20], $0x2000  }
0x51: {  	[sflag:s20] =	ssyncset.done $0x0  }
0x52: {  	[sflag:s20] =	ssyncadd.s32 $0xFFFFE000  }
0x53: {  	[tilespmem:$0x10880] =	vst v2  }
0x54: {  	[tilespmem:$0x10890] =	vst v2  }
0x55: {  	[tilespmem:$0x108A0] =	vst v2  }
0x56: {  	[tilespmem:$0x108B0] =	vst v2  }
0x57: {  	[tilespmem:$0x108C0] =	vst v2  }
0x58: {  	[tilespmem:$0x108D0] =	vst v2  }
0x59: {  	[tilespmem:$0x108E0] =	vst v2  }
0x5a: {  	[tilespmem:$0x108F0] =	vst v2  }
0x5b: {  	[tilespmem:$0x10900] =	vst v3  }
0x5c: {  	[tilespmem:$0x10910] =	vst v3  }
0x5d: {  	[tilespmem:$0x10920] =	vst v3  }
0x5e: {  	[tilespmem:$0x10930] =	vst v3  }
0x5f: {  	[tilespmem:$0x10940] =	vst v3  }
0x60: {  	[tilespmem:$0x10950] =	vst v3  }
0x61: {  	[tilespmem:$0x10960] =	vst v3  }
0x62: {  	[tilespmem:$0x10970] =	vst v3  }
0x63: {  	[tilespmem:$0x10980] =	vst v3  }
0x64: {  	[tilespmem:$0x10990] =	vst v3  }
0x65: {  	[tilespmem:$0x109A0] =	vst v3  }
0x66: {  	[tilespmem:$0x109B0] =	vst v3  }
0x67: {  	[tilespmem:$0x109C0] =	vst v3  }
0x68: {  	[tilespmem:$0x109D0] =	vst v3  }
0x69: {  	[tilespmem:$0x109E0] =	vst v3  }
0x6a: {  	[tilespmem:$0x109F0] =	vst v3  }
0x6b: {  	[tilespmem:$0x10A00] =	vst v3  }
0x6c: {  	[tilespmem:$0x10A10] =	vst v3  }
0x6d: {  	[tilespmem:$0x10A20] =	vst v3  }
0x6e: {  	[tilespmem:$0x10A30] =	vst v3  }
0x6f: {  	[tilespmem:$0x10A40] =	vst v3  }
0x70: {  	[tilespmem:$0x10A50] =	vst v3  }
0x71: {  	[tilespmem:$0x10A60] =	vst v3  }
0x72: {  	[tilespmem:$0x10A70] =	vst v3  }
0x73: {  	[tilespmem:$0x10A80] =	vst v3  }
0x74: {  	[tilespmem:$0x10A90] =	vst v3  }
0x75: {  	[tilespmem:$0x10AA0] =	vst v3  }
0x76: {  	[tilespmem:$0x10AB0] =	vst v3  }
0x77: {  	[tilespmem:$0x10AC0] =	vst v3  }
0x78: {  	[tilespmem:$0x10AD0] =	vst v3  }
0x79: {  	[tilespmem:$0x10AE0] =	vst v3  }
0x7a: {  	[tilespmem:$0x10AF0] =	vst v3  }
0x7b: {  	[tilespmem:$0x10B00] =	vst v3  }
0x7c: {  	[tilespmem:$0x10B10] =	vst v3  }
0x7d: {  	[tilespmem:$0x10B20] =	vst v3  }
0x7e: {  	[tilespmem:$0x10B30] =	vst v3  }
0x7f: {  	[tilespmem:$0x10B40] =	vst v3  }
0x80: {  	[tilespmem:$0x10B50] =	vst v3  }
0x81: {  	[tilespmem:$0x10B60] =	vst v3  }
0x82: {  	s11 =	simm.s32 $0x10900;
	[tilespmem:$0x10B70] =	vst v3  }
0x83: {  	[spmem:s8] =	stream.linear.scatter [tilespmem:s11], [sflag:$0x5], $0x280, $0x38;
	[tilespmem:$0x10E00] =	vst v63  }
0x84: {  	_ =	swait.ge [sflag:s20], $0x280  }
0x85: {  	[sflag:s20] =	ssyncset.done $0x0  }
0x86: {  	[sflag:s20] =	ssyncadd.s32 $0xFFFFFD80  }
0x87: {  	s12 =	simm.s32 $0x0;
	[bflag:$0x0] =	sbarrier.arrive $0xFFFF  }
0x88: {  	[tilespmem:s21], [sflag:$0x1] =	stream.indirect.gather [hbm4b:s5+s23], $0x40, s12, s23, $0xb8;
	[tilespmem:$0x10E00] =	vst v63  }
0x89: {  	s9 =	rddreg [dreg:$0x6]  }
0x8a: {  	[tilespmem:s25], [sflag:$0x3] =	stream.linear.gather [hbm4b:s9+s12], $0x80, $0x38;
	[tilespmem:$0x10E00] =	vst v63  }
0x8b: {  	_ = 	snop  }
0x8c: {  	[tilespmem:s26], [sflag:$0x2] =	stream.indirect.gather [hbm4b:s5+s23], $0x40, s23, s23, $0xb8;
	[tilespmem:$0x10E00] =	vst v63  }
0x8d: {  	s19 =	rddreg [dreg:$0x7]  }
0x8e: {  	[tilespmem:s28], [sflag:$0x4] =	stream.linear.gather [hbm4b:s19+s12], $0x80, $0x38;
	[tilespmem:$0x10E00] =	vst v63  }
0x8f: {  	_ =	swait.ge [sflag:s29], $0x2000  }
0x90: {  	[sflag:s29] =	ssyncset.done $0x0  }
0x91: {  	[sflag:s29] =	ssyncadd.s32 $0xFFFFE000  }
0x92: {  	_ =	swait.ge [sflag:s30], $0x80  }
0x93: {  	[sflag:s30] =	ssyncset.done $0x0  }
0x94: {  	[sflag:s30] =	ssyncadd.s32 $0xFFFFFF80  }
0x95: {  	[spmem:s1] =	stream.indirect.scatter.add.bf16 [tilespmem:s21], [sflag:$0x5], $0x40, s25, s23, $0xb8;
	[tilespmem:$0x10E00] =	vst v63  }
0x96: {  	_ =	swait.ge [sflag:s20], $0x2000  }
0x97: {  	[sflag:s20] =	ssyncset.done $0x0  }
0x98: {  	[sflag:s20] =	ssyncadd.s32 $0xFFFFE000  }
0x99: {  	[spmem:s2] =	stream.indirect.scatter.add.f32 [tilespmem:s31], [sflag:$0x5], $0x1, s25, s23, $0xb8;
	[tilespmem:$0x10E00] =	vst v63  }
0x9a: {  	_ =	swait.ge [sflag:s20], $0x80  }
0x9b: {  	[sflag:s20] =	ssyncset.done $0x0  }
0x9c: {  	s11 =	simm.s32 $0x100;
	[sflag:s20] =	ssyncadd.s32 $0xFFFFFF80  }
0x9d: {  	[tilespmem:s21], [sflag:$0x1] =	stream.indirect.gather [hbm4b:s5+s23], $0x40, s11, s23, $0xb8;
	[tilespmem:$0x10E00] =	vst v63  }
0x9e: {  	s12 =	sadd.s32 $0xFFFFFFF0, s10  }
0x9f: {  	[tilespmem:s25], [sflag:$0x3] =	stream.linear.gather [hbm4b:s12+s4], $0x80, $0x38;
	[tilespmem:$0x10E00] =	vst v63  }
0xa0: {  	_ =	swait.ge [sflag:s0], $0x2000  }
0xa1: {  	[sflag:s0] =	ssyncset.done $0x0  }
0xa2: {  	[sflag:s0] =	ssyncadd.s32 $0xFFFFE000  }
0xa3: {  	_ =	swait.ge [sflag:s22], $0x80  }
0xa4: {  	[sflag:s22] =	ssyncset.done $0x0  }
0xa5: {  	[sflag:s22] =	ssyncadd.s32 $0xFFFFFF80  }
0xa6: {  	[spmem:s1] =	stream.indirect.scatter.add.bf16 [tilespmem:s26], [sflag:$0x5], $0x40, s28, s23, $0xb8;
	[tilespmem:$0x10E00] =	vst v63  }
0xa7: {  	_ =	swait.ge [sflag:s20], $0x2000  }
0xa8: {  	[sflag:s20] =	ssyncset.done $0x0  }
0xa9: {  	[sflag:s20] =	ssyncadd.s32 $0xFFFFE000  }
0xaa: {  	[spmem:s2] =	stream.indirect.scatter.add.f32 [tilespmem:s31], [sflag:$0x5], $0x1, s28, s23, $0xb8;
	[tilespmem:$0x10E00] =	vst v63  }
0xab: {  	_ =	swait.ge [sflag:s20], $0x80  }
0xac: {  	[sflag:s20] =	ssyncset.done $0x0  }
0xad: {  	s19 =	simm.s32 $0x180;
	[sflag:s20] =	ssyncadd.s32 $0xFFFFFF80  }
0xae: {  	[tilespmem:s26], [sflag:$0x2] =	stream.indirect.gather [hbm4b:s5+s23], $0x40, s19, s23, $0xb8;
	[tilespmem:$0x10E00] =	vst v63  }
0xaf: {  	s6 =	simm.s32 $0x400;
	s9 =	sadd.s32 $0x20, s10;
	s19 =	smov.u32 s10  }
.LBB2_6:
0xb0: {  	[tilespmem:s28], [sflag:$0x4] =	stream.linear.gather [hbm4b:s19+s4], $0x80, $0x38;
	[tilespmem:$0x10E00] =	vst v63  }
0xb1: {  	s11 =	smov.u32 s6;
	s19 =	smov.u32 s9  }
0xb2: {  	p0 =	sne.s32 s6, $0x9400;
	s6 =	sadd.s32 $0x400, s6;
	_ =	swait.ge [sflag:s29], $0x2000  }
0xb3: {  	[sflag:s29] =	ssyncset.done $0x0  }
0xb4: {  	[sflag:s29] =	ssyncadd.s32 $0xFFFFE000  }
0xb5: {  	_ =	swait.ge [sflag:s30], $0x80  }
0xb6: {  	[sflag:s30] =	ssyncset.done $0x0  }
0xb7: {  	[sflag:s30] =	ssyncadd.s32 $0xFFFFFF80  }
0xb8: {  	[spmem:s1] =	stream.indirect.scatter.add.bf16 [tilespmem:s21], [sflag:$0x5], $0x40, s25, s23, $0xb8;
	[tilespmem:$0x10E00] =	vst v63  }
0xb9: {  	_ =	swait.ge [sflag:s20], $0x2000  }
0xba: {  	[sflag:s20] =	ssyncset.done $0x0  }
0xbb: {  	[sflag:s20] =	ssyncadd.s32 $0xFFFFE000  }
0xbc: {  	[spmem:s2] =	stream.indirect.scatter.add.f32 [tilespmem:s31], [sflag:$0x5], $0x1, s25, s23, $0xb8;
	[tilespmem:$0x10E00] =	vst v63  }
0xbd: {  	_ =	swait.ge [sflag:s20], $0x80  }
0xbe: {  	s11 =	sshra.s32 s11, $0x2;
	[sflag:s20] =	ssyncset.done $0x0  }
0xbf: {  	s12 =	sadd.s32 $0x100, s11;
	[sflag:s20] =	ssyncadd.s32 $0xFFFFFF80  }
0xc0: {  	[tilespmem:s21], [sflag:$0x1] =	stream.indirect.gather [hbm4b:s5+s23], $0x40, s12, s23, $0xb8;
	[tilespmem:$0x10E00] =	vst v63  }
0xc1: {  	s12 =	sadd.s32 $0xFFFFFFF0, s9  }
0xc2: {  	[tilespmem:s25], [sflag:$0x3] =	stream.linear.gather [hbm4b:s12+s4], $0x80, $0x38;
	[tilespmem:$0x10E00] =	vst v63  }
0xc3: {  	_ =	swait.ge [sflag:s0], $0x2000  }
0xc4: {  	[sflag:s0] =	ssyncset.done $0x0  }
0xc5: {  	[sflag:s0] =	ssyncadd.s32 $0xFFFFE000  }
0xc6: {  	_ =	swait.ge [sflag:s22], $0x80  }
0xc7: {  	[sflag:s22] =	ssyncset.done $0x0  }
0xc8: {  	[sflag:s22] =	ssyncadd.s32 $0xFFFFFF80  }
0xc9: {  	[spmem:s1] =	stream.indirect.scatter.add.bf16 [tilespmem:s26], [sflag:$0x5], $0x40, s28, s23, $0xb8;
	[tilespmem:$0x10E00] =	vst v63  }
0xca: {  	_ =	swait.ge [sflag:s20], $0x2000  }
0xcb: {  	[sflag:s20] =	ssyncset.done $0x0  }
0xcc: {  	[sflag:s20] =	ssyncadd.s32 $0xFFFFE000  }
0xcd: {  	[spmem:s2] =	stream.indirect.scatter.add.f32 [tilespmem:s31], [sflag:$0x5], $0x1, s28, s23, $0xb8;
	[tilespmem:$0x10E00] =	vst v63  }
.Ltmp2:
0xce: {  	_ =	swait.ge [sflag:s20], $0x80;
	(pc) =	sbr.rel @p0 .LBB2_6-.Ltmp2, $4  }
0xcf: {  	[sflag:s20] =	ssyncset.done $0x0  }
0xd0: {  	s11 =	sadd.s32 $0x180, s11;
	[sflag:s20] =	ssyncadd.s32 $0xFFFFFF80  }
0xd1: {  	[tilespmem:s26], [sflag:$0x2] =	stream.indirect.gather [hbm4b:s5+s23], $0x40, s11, s23, $0xb8;
	[tilespmem:$0x10E00] =	vst v63  }
0xd2: {  	s9 =	sadd.s32 $0x20, s9  }
0xd3: {  	[tilespmem:s28], [sflag:$0x4] =	stream.linear.gather [hbm4b:s19+s4], $0x80, $0x38;
	[tilespmem:$0x10E00] =	vst v63  }
0xd4: {  	_ =	swait.ge [sflag:s29], $0x2000  }
0xd5: {  	[sflag:s29] =	ssyncset.done $0x0  }
0xd6: {  	[sflag:s29] =	ssyncadd.s32 $0xFFFFE000  }
0xd7: {  	_ =	swait.ge [sflag:s30], $0x80  }
0xd8: {  	[sflag:s30] =	ssyncset.done $0x0  }
0xd9: {  	[sflag:s30] =	ssyncadd.s32 $0xFFFFFF80  }
0xda: {  	[spmem:s1] =	stream.indirect.scatter.add.bf16 [tilespmem:s21], [sflag:$0x5], $0x40, s25, s23, $0xb8;
	[tilespmem:$0x10E00] =	vst v63  }
0xdb: {  	_ =	swait.ge [sflag:s20], $0x2000  }
0xdc: {  	[sflag:s20] =	ssyncset.done $0x0  }
0xdd: {  	[sflag:s20] =	ssyncadd.s32 $0xFFFFE000  }
0xde: {  	[spmem:s2] =	stream.indirect.scatter.add.f32 [tilespmem:s31], [sflag:$0x5], $0x1, s25, s23, $0xb8;
	[tilespmem:$0x10E00] =	vst v63  }
0xdf: {  	_ =	swait.ge [sflag:s20], $0x80  }
0xe0: {  	[sflag:s20] =	ssyncset.done $0x0  }
0xe1: {  	s6 =	simm.s32 $0x2700;
	[sflag:s20] =	ssyncadd.s32 $0xFFFFFF80  }
0xe2: {  	[tilespmem:s21], [sflag:$0x1] =	stream.indirect.gather [hbm4b:s5+s23], $0x40, s6, s23, $0xb8;
	[tilespmem:$0x10E00] =	vst v63  }
0xe3: {  	s11 =	rddreg [dreg:$0x8]  }
0xe4: {  	[tilespmem:s25], [sflag:$0x3] =	stream.linear.gather [hbm4b:s11+s4], $0x80, $0x38;
	[tilespmem:$0x10E00] =	vst v63  }
0xe5: {  	_ =	swait.ge [sflag:s0], $0x2000  }
0xe6: {  	[sflag:s0] =	ssyncset.done $0x0  }
0xe7: {  	[sflag:s0] =	ssyncadd.s32 $0xFFFFE000  }
0xe8: {  	_ =	swait.ge [sflag:s22], $0x80  }
0xe9: {  	[sflag:s22] =	ssyncset.done $0x0  }
0xea: {  	[sflag:s22] =	ssyncadd.s32 $0xFFFFFF80  }
0xeb: {  	[spmem:s1] =	stream.indirect.scatter.add.bf16 [tilespmem:s26], [sflag:$0x5], $0x40, s28, s23, $0xb8;
	[tilespmem:$0x10E00] =	vst v63  }
0xec: {  	_ =	swait.ge [sflag:s20], $0x2000  }
0xed: {  	[sflag:s20] =	ssyncset.done $0x0  }
0xee: {  	[sflag:s20] =	ssyncadd.s32 $0xFFFFE000  }
0xef: {  	[spmem:s2] =	stream.indirect.scatter.add.f32 [tilespmem:s31], [sflag:$0x5], $0x1, s28, s23, $0xb8;
	[tilespmem:$0x10E00] =	vst v63  }
0xf0: {  	_ =	swait.ge [sflag:s20], $0x80  }
0xf1: {  	[sflag:s20] =	ssyncset.done $0x0  }
0xf2: {  	[sflag:s20] =	ssyncadd.s32 $0xFFFFFF80  }
0xf3: {  	_ =	swait.ge [sflag:s29], $0x2000  }
0xf4: {  	[sflag:s29] =	ssyncset.done $0x0  }
0xf5: {  	[sflag:s29] =	ssyncadd.s32 $0xFFFFE000  }
0xf6: {  	_ =	swait.ge [sflag:s30], $0x80  }
0xf7: {  	[sflag:s30] =	ssyncset.done $0x0  }
0xf8: {  	[sflag:s30] =	ssyncadd.s32 $0xFFFFFF80  }
0xf9: {  	[spmem:s1] =	stream.indirect.scatter.add.bf16 [tilespmem:s21], [sflag:$0x5], $0x40, s25, s23, $0xb8;
	[tilespmem:$0x10E00] =	vst v63  }
0xfa: {  	_ =	swait.ge [sflag:s20], $0x2000  }
0xfb: {  	[sflag:s20] =	ssyncset.done $0x0  }
0xfc: {  	[sflag:s20] =	ssyncadd.s32 $0xFFFFE000  }
0xfd: {  	[spmem:s2] =	stream.indirect.scatter.add.f32 [tilespmem:s31], [sflag:$0x5], $0x1, s25, s23, $0xb8;
	[tilespmem:$0x10E00] =	vst v63  }
0xfe: {  	_ =	swait.ge [sflag:s20], $0x80  }
0xff: {  	[sflag:s20] =	ssyncset.done $0x0  }
0x100: {  	s12 =	stileid.u32;
	[sflag:s20] =	ssyncadd.s32 $0xFFFFFF80  }
0x101: {  	s6 =	sshll.u32 s12, $0x6;
	[bflag:$0x0] =	sbarrier.arrive $0xFFFF  }
0x102: {  	s6 =	sor.u32 $0x1C05, s6;
	s9 =	rddreg [dreg:$0x9]  }
0x103: {  	[hbm:s9], [sflag:s6] =	dma.local [spmem:s24], $0x1400  }
0x104: {  	s3 =	sadd.s32 $0x1, s3;
	_ =	swait.ge [sflag:s20], $0x1400  }
0x105: {  	p0 =	sne.s32 s3, s14;
	[sflag:s20] =	ssyncset.done $0x0  }
.Ltmp3:
0x106: {  	s19 =	sshrl.u32 s8, $0x3;
	[sflag:s20] =	ssyncadd.s32 $0xFFFFEC00;
	(pc) =	sbr.rel @p0 .LBB2_1-.Ltmp3, $4  }
0x107: {  	[hbm:s13], [sflag:s6] =	dma.local [spmem:s19], $0x50  }
0x108: {  	_ =	swait.ge [sflag:s20], $0x50  }
0x109: {  	[sflag:s20] =	ssyncset.done $0x0  }
0x10a: {  	[sflag:s20] =	ssyncadd.s32 $0xFFFFFFB0  }
0x10b: {  	_ =	sfence.sel $0x180000  }
0x10c: {  	[bflag:$0x0] =	sbarrier.arrive $0xFFFF  }
0x10d: {  	_ =	strace $0x90000047  }
0x10e: {  	s0 =	stileid.u32;
	[bflag:$0x2] =	sbarrier.arrive $0xFFFF  }
0x10f: {  	p0 =	sne.s32 s0, $0x0;
	s0 =	rddreg [dreg:$0x4]  }
0x110: {  	s0 =	sadd.s32 @!p0 $0x100000, s0  }
0x111: {  	[sflag:s0] =	ssyncadd.tile.s32 @!p0 $0x1;
	_ =	shalt  }
.Lfunc_end2:
_tile_overlayer_lowered:
.L_overlay_start_2:
0x112: {  	(tag) =	ssettag $0x2  }
0x113: {  	s0 =	rddreg [dreg:$0x0];
	s2 =	stileid.u32  }
0x114: {  	s1 =	rddreg [dreg:$0x1];
	p0 =	sne.s32 s2, $0x0  }
0x115: {  	s3 =	rddreg [dreg:$0x2];
	[bflag:$0x3] =	sbarrier.arrive $0xFFFF;
	s2 =	simm.s32 @!p0 $0x1C05  }
0x116: {  	[timem:s3], [sflag:s2] =	dma.local @!p0 [hbm:s0], s1  }
0x117: {  	s0 =	simm.s32 @!p0 $0x5  }
0x118: {  	_ =	swait.ge @!p0 [sflag:s0], s1  }
0x119: {  	s1 =	ssub.s32 @!p0 $0x0, s1;
	[sflag:s0] =	ssyncset.done @!p0 $0x0  }
0x11a: {  	[sflag:s0] =	ssyncadd.s32 @!p0 s1  }
0x11b: {  	[bflag:$0x3] =	sbarrier.arrive $0xFFFF  }
0x11c: {  	_ =	shalt  }

// kernel: kernel.14.cloned.1.call-start
scs
__scs_entry_jumppad:
0x0: {  	(pc) =	sbr.rel $0x88, $3  }
0x1: {  	(tag) =	ssettag $0x0;
	lr =	simm.s32 $0x1  }
0x2: {  	[smem:$0x3F92] =	sst lr;
	_ =	strace $0xD0000000  }
0x3: {  	_ = 	snop  }
0x4: {  	_ = 	snop  }
0x5: {  	_ = 	snop  }
0x6: {  	_ = 	snop  }
0x7: {  	_ = 	snop  }
__scs_overlays_trampoline_lowered:
0x8: {  	[smem:$0x3FA1] =	sst s0  }
0x9: {  	[smem:$0x3FA2] =	sst s1  }
0xa: {  	[smem:$0x3FA3] =	sst s2  }
0xb: {  	[smem:$0x3FA4] =	sst s3  }
0xc: {  	[smem:$0x3FA5] =	sst s4  }
0xd: {  	[smem:$0x3FA6] =	sst s5  }
0xe: {  	[smem:$0x3FA7] =	sst s6  }
0xf: {  	[smem:$0x3FA8] =	sst s7  }
0x10: {  	[smem:$0x3FA9] =	sst s8  }
0x11: {  	[smem:$0x3FAA] =	sst s9;
	s0 =	simm.s32 @!p0 $0x0  }
0x12: {  	s1 =	sld [smem:$0x3F90];
	s0 =	simm.s32 @p0 $0x1  }
0x13: {  	[smem:$0x3FAB] =	sst s0;
	s0 =	simm.s32 @!p1 $0x0  }
0x14: {  	s2 =	sld [smem:$0x3F8F];
	s0 =	simm.s32 @p1 $0x1  }
0x15: {  	[smem:$0x3FAC] =	sst s0;
	s0 =	simm.s32 @!p2 $0x0  }
0x16: {  	s3 =	sld [smem:$0x3FDB];
	s0 =	simm.s32 @p2 $0x1  }
0x17: {  	s4 =	simm.s32 $0x1BF5;
	[smem:$0x3FAE] =	sst s0  }
0x18: {  	s0 =	sld [smem:$0x3F91];
	_ =	swait.ge [sflag:s4], $0x0  }
0x19: {  	s7 =	sld [smem:$0x3F92]  }
0x1a: {  	s8 =	sadd.s32 $0xFFFFE003, lr  }
0x1b: {  	s9 =	sadd.s32 $0xFFFFFEF7, lr;
	s5 =	simm.s32 $0xFFFFFFFF;
	p2 =	slt.u32 s8, $0xFFFFF086  }
0x1c: {  	p1 =	slt.u32 s9, $0xF7A;
	s5 =	simm.s32 @!p2 $0x0  }
0x1d: {  	s5 =	simm.s32 @p1 $0x1;
	p0 =	seq.s32 s7, s2  }
0x1e: {  	s7 =	smul.u32 @!p0 $0xF7A, s2;
	p2 =	seq.s32 @!p0 s5, $0x0  }
0x1f: {  	s9 =	smul.u32 $0xF7A, s1;
	s8 =	simm.s32 @!p0 $0x1BF5;
	p2 =	por !p2, p0  }
0x20: {  	[sflag:s8] =	ssyncset.s32 @!p0 $0xFFFFF086;
	s6 =	sadd.s32 @!p0 s3, s7;
	s7 =	simm.s32 @!p0 $0x108  }
0x21: {  	s3 =	sadd.s32 s3, s9;
	s6 =	sadd.s32 @!p0 $0x88, s6;
	s7 =	simm.s32 @p2 $0x1082  }
0x22: {  	[simem:s7], [sflag:s8] =	dma.local @!p0 [hbm:s6], $0xF7A  }
0x23: {  	s9 =	sor.u32 $0xD0000000, s2;
	s6 =	simm.s32 $0x108;
	_ =	swait.ge @!p0 [sflag:s8], $0x0  }
0x24: {  	s3 =	sadd.s32 $0x88, s3;
	s6 =	simm.s32 @!p1 $0x1082;
	[sflag:s4] =	ssyncset.s32 $0xFFFFF086  }
0x25: {  	[simem:s6], [sflag:s4] =	dma.local [hbm:s3], $0xF7A  }
0x26: {  	[smem:$0x3F92] =	sst s1;
	(tag) =	ssettag s2;
	_ =	strace s9  }
0x27: {  	s1 =	sld [smem:$0x3FA2]  }
0x28: {  	s2 =	sld [smem:$0x3FA3]  }
0x29: {  	s4 =	sld [smem:$0x3FA5]  }
0x2a: {  	p0 =	seq.s32 s5, $0x0;
	s5 =	sld [smem:$0x3FA6]  }
0x2b: {  	s6 =	sld [smem:$0x3FA7]  }
0x2c: {  	s7 =	sld [smem:$0x3FA8]  }
0x2d: {  	s3 =	simm.s32 $0x108;
	s8 =	sld [smem:$0x3FA9]  }
0x2e: {  	s3 =	simm.s32 @!p0 $0x1082;
	s9 =	sld [smem:$0x3FAA]  }
0x2f: {  	lr =	sadd.s32 s0, s3;
	s0 =	sld [smem:$0x3FA1]  }
0x30: {  	s3 =	sld [smem:$0x3FA4]  }
0x31: {  	[smem:$0x3FAD] =	sst s10  }
0x32: {  	s10 =	sld [smem:$0x3FAB];
	_ =	sdelay $0x3  }
0x33: {  	p0 =	seq.s32 s10, $0x1;
	s10 =	sld [smem:$0x3FAD];
	_ =	sdelay $0x3  }
0x34: {  	[smem:$0x3FAD] =	sst s10  }
0x35: {  	s10 =	sld [smem:$0x3FAC];
	_ =	sdelay $0x3  }
0x36: {  	p1 =	seq.s32 s10, $0x1;
	s10 =	sld [smem:$0x3FAD];
	_ =	sdelay $0x3  }
0x37: {  	[smem:$0x3FAD] =	sst s10  }
0x38: {  	s10 =	sld [smem:$0x3FAE]  }
0x39: {  	_ = 	snop;
	(pc) =	sbr.ind lr, $3  }
0x3a: {  	_ = 	snop  }
0x3b: {  	_ = 	snop  }
0x3c: {  	p2 =	seq.s32 s10, $0x1;
	s10 =	sld [smem:$0x3FAD]  }
0x3d: {  	_ =	shalt  }
0x3e: {  	_ =	shalt  }
0x3f: {  	_ =	shalt  }
0x40: {  	_ =	shalt  }
0x41: {  	_ =	shalt  }
0x42: {  	_ =	shalt  }
0x43: {  	_ =	shalt  }
0x44: {  	_ =	shalt  }
0x45: {  	_ =	shalt  }
0x46: {  	_ =	shalt  }
0x47: {  	_ =	shalt  }
0x48: {  	_ =	shalt  }
0x49: {  	_ =	shalt  }
0x4a: {  	_ =	shalt  }
0x4b: {  	_ =	shalt  }
0x4c: {  	_ =	shalt  }
0x4d: {  	_ =	shalt  }
0x4e: {  	_ =	shalt  }
0x4f: {  	_ =	shalt  }
0x50: {  	_ =	shalt  }
0x51: {  	_ =	shalt  }
0x52: {  	_ =	shalt  }
0x53: {  	_ =	shalt  }
0x54: {  	_ =	shalt  }
0x55: {  	_ =	shalt  }
0x56: {  	_ =	shalt  }
0x57: {  	_ =	shalt  }
0x58: {  	_ =	shalt  }
0x59: {  	_ =	shalt  }
0x5a: {  	_ =	shalt  }
0x5b: {  	_ =	shalt  }
0x5c: {  	_ =	shalt  }
0x5d: {  	_ =	shalt  }
0x5e: {  	_ =	shalt  }
0x5f: {  	_ =	shalt  }
0x60: {  	_ =	shalt  }
0x61: {  	_ =	shalt  }
0x62: {  	_ =	shalt  }
0x63: {  	_ =	shalt  }
0x64: {  	_ =	shalt  }
0x65: {  	_ =	shalt  }
0x66: {  	_ =	shalt  }
0x67: {  	_ =	shalt  }
0x68: {  	_ =	shalt  }
0x69: {  	_ =	shalt  }
0x6a: {  	_ =	shalt  }
0x6b: {  	_ =	shalt  }
0x6c: {  	_ =	shalt  }
0x6d: {  	_ =	shalt  }
0x6e: {  	_ =	shalt  }
0x6f: {  	_ =	shalt  }
0x70: {  	_ =	shalt  }
0x71: {  	_ =	shalt  }
0x72: {  	_ =	shalt  }
0x73: {  	_ =	shalt  }
0x74: {  	_ =	shalt  }
0x75: {  	_ =	shalt  }
0x76: {  	_ =	shalt  }
0x77: {  	_ =	shalt  }
0x78: {  	_ =	shalt  }
0x79: {  	_ =	shalt  }
0x7a: {  	_ =	shalt  }
0x7b: {  	_ =	shalt  }
0x7c: {  	_ =	shalt  }
0x7d: {  	_ =	shalt  }
0x7e: {  	_ =	shalt  }
0x7f: {  	_ =	shalt  }
0x80: {  	_ =	shalt  }
0x81: {  	_ =	shalt  }
0x82: {  	_ =	shalt  }
0x83: {  	_ =	shalt  }
0x84: {  	_ =	shalt  }
0x85: {  	_ =	shalt  }
0x86: {  	_ =	shalt  }
0x87: {  	_ =	shalt  }
.Lfunc_end0:
.L_simem_size_0:
called_computation.1_lowered:
.L_overlay_start_0:
0x88: {  	s2 =	sld [smem:$0x3FD9]  }
0x89: {  	s3 =	sld [smem:$0x3FFE];
	_ =	sdelay $0x1  }
0x8a: {  	s1 =	srdreg.scid  }
0x8b: {  	s0 =	sand.u32 $0x1, s1  }
0x8c: {  	s17 =	sshll.u32 s0, $0xA;
	s2 =	sadd.s32 s3, s2  }
0x8d: {  	s2 =	sadd.s32 s2, s17  }
0x8e: {  	[smem:$0x3FB9] =	sst s2  }
0x8f: {  	_ = 	snop  }
0x90: {  	s2 =	sld [smem:$0x3FD0];
	(tm) =	ssettm $0x1  }
0x91: {  	s18 =	sld [smem:$0x3FFB];
	_ =	sdelay $0x3  }
0x92: {  	_ =	strace s18  }
0x93: {  	s3 =	sld [smem:$0x3FFC];
	_ =	sdelay $0x3  }
0x94: {  	_ =	strace s3  }
0x95: {  	s3 =	sld [smem:$0x3FFD];
	_ =	sdelay $0x3  }
0x96: {  	_ =	strace s3  }
0x97: {  	_ =	strace $0x8FFFFFFF  }
0x98: {  	s19 =	sld [smem:$0x3FDB];
	_ =	sdelay $0x1  }
0x99: {  	s4 =	simm.s32 $_scs_section_size  }
0x9a: {  	s5 =	simm.s32 $_size__tile_overlayer_lowered;
	s6 =	simm.s32 $_tile_overlayer_lowered  }
0x9b: {  	s22 =	simm.s32 $0x1BFF;
	s21 =	sshll.u32 s6, $0x1;
	s3 =	sadd.s32 s4, s19  }
0x9c: {  	s7 =	simm.s32 $0x0;
	s20 =	sshll.u32 s5, $0x1;
	s5 =	sadd.s32 s21, s3  }
0x9d: {  	[timem:s7], [sflag:s22] =	dma.local [hbm:s5], s20  }
0x9e: {  	_ =	swait.ge [sflag:s22], s20  }
0x9f: {  	s4 =	ssub.s32 $0x0, s20;
	[sflag:s22] =	ssyncset.done $0x0  }
0xa0: {  	[sflag:s22] =	ssyncadd.s32 s4;
	_ =	sdelay $0x1  }
0xa1: {  	s23 =	simm.s32 $0x1B8B  }
0xa2: {  	_ =	swait.ge [sflag:s23], $0x1  }
0xa3: {  	[sflag:s23] =	ssyncset.done $0x0  }
0xa4: {  	s25 =	simm.s32 $0x1B8E;
	s24 =	sld [smem:$0x3FFE];
	[sflag:s23] =	ssyncadd.s32 $0xFFFFFFFF  }
0xa5: {  	s26 =	simm.s32 $execute0_lowered;
	[smem:$0x3FD2] =	sst s25  }
0xa6: {  	s5 =	sshll.u32 s26, $0x1;
	_ =	strace $0x80000049;
	[dreg:$0x1] =	wrdreg $0xFFFFFFFF  }
0xa7: {  	s28 =	simm.s32 $_size_execute0_lowered;
	s3 =	sadd.s32 s3, s5;
	[dreg:$0x0] =	wrdreg $0x0  }
0xa8: {  	s5 =	sshll.u32 s28, $0x1;
	[dreg:$0x2] =	wrdreg s3  }
0xa9: {  	[dreg:$0x3] =	wrdreg s5  }
0xaa: {  	[dreg:$0x4] =	wrdreg $0xC0  }
0xab: {  	_ =	task [dreg:s7], $0x5FFFF  }
0xac: {  	[dreg:$0x1] =	wrdreg $0xFFFFFFFF  }
0xad: {  	[dreg:$0x0] =	wrdreg $0x60  }
0xae: {  	[dreg:$0x2] =	wrdreg s24  }
0xaf: {  	[dreg:$0x3] =	wrdreg s2  }
0xb0: {  	[dreg:$0x4] =	wrdreg $0x68800  }
0xb1: {  	[dreg:$0x5] =	wrdreg $0x9  }
0xb2: {  	_ =	task.clear_ibuf [dreg:s7], $0x6FFFF;
	_ =	strace $0x90000049  }
0xb3: {  	s29 =	simm.s32 $0x9;
	_ =	strace $0x8000004B  }
0xb4: {  	_ =	swait.ge [sflag:s29], $0x1  }
0xb5: {  	[sflag:s29] =	ssyncadd.s32 $0xFFFFFFFF  }
0xb6: {  	_ =	strace $0x9000004B  }
0xb7: {  	_ =	sfence  }
0xb8: {  	s30 =	sld [smem:$0x0];
	_ =	sdelay $0x2  }
0xb9: {  	s31 =	sshll.u32 s1, $0xD;
	s1 =	sshrl.u32 s1, $0x2  }
0xba: {  	s3 =	sand.u32 $0x4000, s31;
	s1 =	sadd.s32 s1, s30  }
0xbb: {  	s0 =	sor.u32 s3, s0;
	s1 =	sshll.u32 s1, $0x11  }
0xbc: {  	s0 =	sor.u32 s1, s0  }
0xbd: {  	s0 =	sadd.s32 $0x8F2B, s0  }
0xbe: {  	[sflag:s0] =	ssyncadd.remote.s32 $0x1  }
0xbf: {  	_ =	sfence.sel $0xFFFF  }
0xc0: {  	[dreg:$0x0] =	wrdreg $0xFFFFFFFF;
	(pc) =	sbr.abs _section_cstart, $3  }
0xc1: {  	[dreg:$0x1] =	wrdreg $0xFFFFFFFF  }
0xc2: {  	_ =	task.clear_ibuf [dreg:s7], $0x2FFFF;
	_ =	strace $0x9FFFFFFF  }
0xc3: {  	(tm) =	ssettm $0x7FFFFFFF  }
tec
execute0_lowered:
.L_overlay_start_1:
0x0: {  	(tag) =	ssettag $0x1  }
0x1: {  	s0 =	rddreg [dreg:$0x0]  }
0x2: {  	s2 =	rddreg [dreg:$0x1];
	s13 =	stileid.u32  }
0x3: {  	s1 =	rddreg [dreg:$0x2];
	s8 =	smul.u32 $0x14000, s13  }
0x4: {  	s3 =	srdreg.scid;
	s7 =	smul.u32 $0x28000, s13  }
0x5: {  	s28 =	simm.s32 $0x2780;
	s29 =	simm.s32 $0x2800;
	s11 =	smul.u32 $0x4F0, s13  }
0x6: {  	s30 =	simm.s32 $0x1;
	s5 =	sand.u32 $0x1, s3;
	s12 =	smul.u32 $0x2780, s13  }
0x7: {  	s31 =	simm.s32 $0x3;
	s3 =	simm.s32 $0x0;
	s6 =	smul.u32 $0x140000, s5  }
0x8: {  	s4 =	sadd.s32 $0x35A00, s0;
	s13 =	sor.u32 $0x10, s13;
	s10 =	smul.u32 $0x2800, s5  }
0x9: {  	s9 =	sadd.s32 $0x2BC00, s0;
	[smem:$0x7FF] =	sst s3;
	s14 =	smul.u32 $0x2780, s13  }
0xa: {  	s5 =	ssub.s32 $0x2, s5;
	s19 =	smul.u32 $0x4F0, s13;
	_ =	strace $0x8000004A  }
0xb: {  	s16 =	sshrl.u32 s5, $0x1;
	s7 =	sshrl.u32 s7, $0x2;
	s17 =	sadd.s32 s2, s11  }
0xc: {  	s18 =	sshrl.u32 s12, $0x3;
	s26 =	sshrl.u32 s8, $0x1;
	s6 =	sadd.s32 s8, s6  }
0xd: {  	[dreg:$0x4] =	wrdreg s17;
	s20 =	sshrl.u32 s14, $0x3;
	s2 =	sadd.s32 s2, s19  }
0xe: {  	s23 =	sadd.s32 s9, s19;
	s8 =	simm.s32 $0x0;
	[dreg:$0x7] =	wrdreg s2  }
0xf: {  	s6 =	sshrl.u32 s6, $0x4;
	s22 =	sadd.s32 s9, s20;
	[dreg:$0x8] =	wrdreg s23  }
0x10: {  	s23 =	simm.s32 $0x5;
	s2 =	simm.s32 $0x4;
	s0 =	sadd.s32 s6, s0  }
0x11: {  	s6 =	ssub.s32 s5, s16;
	s5 =	sadd.s32 s7, s1;
	s7 =	sadd.s32 s9, s11  }
0x12: {  	s11 =	sadd.s32 s9, s18;
	s24 =	sadd.s32 $0x10, s22;
	s25 =	sadd.s32 $0x4E0, s22  }
0x13: {  	s22 =	simm.s32 $0x4880;
	s21 =	sadd.s32 $0x10, s11;
	[dreg:$0x9] =	wrdreg s24  }
0x14: {  	s11 =	sadd.s32 $0x4E0, s11;
	[dreg:$0xa] =	wrdreg s25;
	s14 =	sadd.s32 $0x5DA00, s0  }
0x15: {  	s0 =	sadd.s32 s26, s1;
	s15 =	smax.u32 s6, $0x1;
	s16 =	sadd.s32 $0x2000, s5  }
0x16: {  	s17 =	sadd.s32 $0x4000, s5;
	s18 =	sadd.s32 $0x6000, s5;
	s19 =	sadd.s32 $0x8000, s5  }
0x17: {  	s25 =	simm.s32 $0x80;
	s26 =	simm.s32 $0x2880;
	[dreg:$0x5] =	wrdreg s21  }
0x18: {  	s6 =	simm.s32 $0x2700;
	[dreg:$0x6] =	wrdreg s11;
	s11 =	sadd.s32 $0x30, s7  }
0x19: {  	v1 =	vimm.bf16 $0.0e+00;
	v0 =	vmov s10;
	s21 =	sadd.s32 $0x4F30, s7;
	s24 =	sshrl.u32 s0, $0x3;
	s0 =	simm.s32 $0x2  }
.LBB2_1:
0x1a: {  	s10 =	simm.s32 $0x100;
	s9 =	simm.s32 $0x0  }
.LBB2_2:
0x1b: {  	p0 =	sne.s32 s10, $0x7F00;
	[tilespmem:s9+$0x48B0] =	vst v1;
	s20 =	smov.u32 s10;
	s10 =	sadd.s32 $0x100, s10  }
.Ltmp0:
0x1c: {  	[tilespmem:s9+$0x48A0] =	vst v1;
	(pc) =	sbr.rel @p0 .LBB2_2-.Ltmp0, $3  }
0x1d: {  	[tilespmem:s9+$0x4880] =	vst v1  }
0x1e: {  	[tilespmem:s9+$0x4890] =	vst v1;
	_ =	sdelay $0x1  }
0x1f: {  	s9 =	sshra.s32 s20, $0x2  }
0x20: {  	[tilespmem:s9+$0x48B0] =	vst v1  }
0x21: {  	[tilespmem:s9+$0x48A0] =	vst v1  }
0x22: {  	[tilespmem:s9+$0x4880] =	vst v1  }
0x23: {  	[tilespmem:s9+$0x4890] =	vst v1  }
0x24: {  	[spmem:s5] =	stream.linear.scatter [tilespmem:s22], [sflag:$0x5], $0x2000, $0x38;
	[tilespmem:$0x10880] =	vst v63  }
0x25: {  	_ =	swait.ge [sflag:s23], $0x2000  }
0x26: {  	[sflag:s23] =	ssyncset.done $0x0  }
0x27: {  	[sflag:s23] =	ssyncadd.s32 $0xFFFFE000  }
0x28: {  	[spmem:s16] =	stream.linear.scatter [tilespmem:s22], [sflag:$0x5], $0x2000, $0x38;
	[tilespmem:$0x10880] =	vst v63  }
0x29: {  	_ =	swait.ge [sflag:s23], $0x2000  }
0x2a: {  	[sflag:s23] =	ssyncset.done $0x0  }
0x2b: {  	[sflag:s23] =	ssyncadd.s32 $0xFFFFE000  }
0x2c: {  	[spmem:s17] =	stream.linear.scatter [tilespmem:s22], [sflag:$0x5], $0x2000, $0x38;
	[tilespmem:$0x10880] =	vst v63  }
0x2d: {  	_ =	swait.ge [sflag:s23], $0x2000  }
0x2e: {  	[sflag:s23] =	ssyncset.done $0x0  }
0x2f: {  	[sflag:s23] =	ssyncadd.s32 $0xFFFFE000  }
0x30: {  	[spmem:s18] =	stream.linear.scatter [tilespmem:s22], [sflag:$0x5], $0x2000, $0x38;
	[tilespmem:$0x10880] =	vst v63  }
0x31: {  	_ =	swait.ge [sflag:s23], $0x2000  }
0x32: {  	[sflag:s23] =	ssyncset.done $0x0  }
0x33: {  	[sflag:s23] =	ssyncadd.s32 $0xFFFFE000  }
0x34: {  	[spmem:s19] =	stream.linear.scatter [tilespmem:s22], [sflag:$0x5], $0x2000, $0x38;
	[tilespmem:$0x10880] =	vst v63  }
0x35: {  	_ =	swait.ge [sflag:s23], $0x2000  }
0x36: {  	[sflag:s23] =	ssyncset.done $0x0  }
0x37: {  	[sflag:s23] =	ssyncadd.s32 $0xFFFFE000  }
0x38: {  	[bflag:$0x0] =	sbarrier.arrive $0xFFFF  }
0x39: {  	s20 =	simm.s32 $0x0;
	s10 =	rddreg [dreg:$0x4]  }
0x3a: {  	[tilespmem:s20], [sflag:$0x5] =	stream.linear.gather [hbm4b:s10+s20], $0x2780, $0x38;
	[tilespmem:$0x10880] =	vst v63  }
0x3b: {  	_ =	swait.ge [sflag:s23], $0x2780  }
0x3c: {  	[sflag:s23] =	ssyncset.done $0x0  }
0x3d: {  	s9 =	simm.s32 $0x0;
	[sflag:s23] =	ssyncadd.s32 $0xFFFFD880  }
0x3e: {  	v4 =	vld [tilespmem:s9+$0x0]  }
0x3f: {  	v6 =	vld [tilespmem:s9+$0x10]  }
0x40: {  	v5 =	vld [tilespmem:s9+$0x20]  }
0x41: {  	v3 =	vld [tilespmem:s9+$0x30]  }
0x42: {  	v2 =	vld [tilespmem:s9+$0x40]  }
0x43: {  	v7 =	vadd.s32 v0, v4;
	v4 =	vld [tilespmem:s9+$0x50]  }
0x44: {  	s10 =	simm.s32 $0x200;
	[tilespmem:s9+$0x0] =	vst v7;
	v7 =	vadd.s32 v0, v6;
	v6 =	vld [tilespmem:s9+$0x60]  }
.LBB2_4:
0x45: {  	s20 =	sshra.s32 s10, $0x2;
	p0 =	sne.s32 s10, $0x9C00;
	[tilespmem:s9+$0x10] =	vst v7;
	v5 =	vadd.s32 v0, v5;
	v7 =	vld [tilespmem:s9+$0x70]  }
0x46: {  	v8 =	vld [tilespmem:s20+$0x0];
	[tilespmem:s9+$0x20] =	vst v5;
	v3 =	vadd.s32 v0, v3  }
0x47: {  	v9 =	vld [tilespmem:s20+$0x10];
	[tilespmem:s9+$0x30] =	vst v3;
	v2 =	vadd.s32 v0, v2  }
.Ltmp1:
0x48: {  	v5 =	vld [tilespmem:s20+$0x20];
	[tilespmem:s9+$0x40] =	vst v2;
	v2 =	vadd.s32 v0, v4;
	(pc) =	sbr.rel @p0 .LBB2_4-.Ltmp1, $4  }
0x49: {  	v3 =	vld [tilespmem:s20+$0x30];
	[tilespmem:s9+$0x50] =	vst v2;
	v4 =	vadd.s32 v0, v6  }
0x4a: {  	v2 =	vld [tilespmem:s20+$0x40];
	[tilespmem:s9+$0x60] =	vst v4;
	v6 =	vadd.s32 v0, v7  }
0x4b: {  	v7 =	vadd.s32 v0, v8;
	v4 =	vld [tilespmem:s20+$0x50];
	[tilespmem:s9+$0x70] =	vst v6;
	s9 =	smov.u32 s20  }
0x4c: {  	s10 =	sadd.s32 $0x200, s10;
	[tilespmem:s9+$0x0] =	vst v7;
	v7 =	vadd.s32 v0, v9;
	v6 =	vld [tilespmem:s9+$0x60]  }
0x4d: {  	[tilespmem:s9+$0x10] =	vst v7;
	v5 =	vadd.s32 v0, v5;
	v63 =	vld [tilespmem:s9+$0x70]  }
0x4e: {  	[tilespmem:s9+$0x20] =	vst v5;
	v3 =	vadd.s32 v0, v3  }
0x4f: {  	[tilespmem:s9+$0x30] =	vst v3;
	v2 =	vadd.s32 v0, v2  }
0x50: {  	[tilespmem:s9+$0x40] =	vst v2;
	v2 =	vadd.s32 v0, v4  }
0x51: {  	[tilespmem:s9+$0x50] =	vst v2;
	v2 =	vadd.s32 v0, v6  }
0x52: {  	[tilespmem:s9+$0x60] =	vst v2;
	v2 =	vadd.s32 v0, v63  }
0x53: {  	[tilespmem:s9+$0x70] =	vst v2  }
0x54: {  	[tilespmem:s26], [sflag:$0x1] =	stream.indirect.gather [hbm4b:s4+s25], $0x40, s3, s25, $0xb8;
	[tilespmem:$0x10880] =	vst v63  }
0x55: {  	_ = 	snop  }
0x56: {  	[tilespmem:s28], [sflag:$0x3] =	stream.linear.gather [hbm4b:s7+s3], $0x80, $0x38;
	[tilespmem:$0x10880] =	vst v63  }
0x57: {  	_ = 	snop  }
0x58: {  	[tilespmem:s22], [sflag:$0x2] =	stream.indirect.gather [hbm4b:s4+s25], $0x40, s25, s25, $0xb8;
	[tilespmem:$0x10880] =	vst v63  }
0x59: {  	s10 =	rddreg [dreg:$0x5]  }
0x5a: {  	[tilespmem:s29], [sflag:$0x4] =	stream.linear.gather [hbm4b:s10+s3], $0x80, $0x38;
	[tilespmem:$0x10880] =	vst v63  }
0x5b: {  	_ =	swait.ge [sflag:s30], $0x2000  }
0x5c: {  	[sflag:s30] =	ssyncset.done $0x0  }
0x5d: {  	[sflag:s30] =	ssyncadd.s32 $0xFFFFE000  }
0x5e: {  	_ =	swait.ge [sflag:s31], $0x80  }
0x5f: {  	[sflag:s31] =	ssyncset.done $0x0  }
0x60: {  	[sflag:s31] =	ssyncadd.s32 $0xFFFFFF80  }
0x61: {  	[spmem:s1] =	stream.indirect.scatter.add.bf16 [tilespmem:s26], [sflag:$0x5], $0x40, s28, s25, $0xb8;
	[tilespmem:$0x10880] =	vst v63  }
0x62: {  	_ =	swait.ge [sflag:s23], $0x2000  }
0x63: {  	[sflag:s23] =	ssyncset.done $0x0  }
0x64: {  	s12 =	simm.s32 $0x100;
	[sflag:s23] =	ssyncadd.s32 $0xFFFFE000  }
0x65: {  	[tilespmem:s26], [sflag:$0x1] =	stream.indirect.gather [hbm4b:s4+s25], $0x40, s12, s25, $0xb8;
	[tilespmem:$0x10880] =	vst v63  }
0x66: {  	s13 =	sadd.s32 $0xFFFFFFF0, s11  }
0x67: {  	[tilespmem:s28], [sflag:$0x3] =	stream.linear.gather [hbm4b:s13+s3], $0x80, $0x38;
	[tilespmem:$0x10880] =	vst v63  }
0x68: {  	_ =	swait.ge [sflag:s0], $0x2000  }
0x69: {  	[sflag:s0] =	ssyncset.done $0x0  }
0x6a: {  	[sflag:s0] =	ssyncadd.s32 $0xFFFFE000  }
0x6b: {  	_ =	swait.ge [sflag:s2], $0x80  }
0x6c: {  	[sflag:s2] =	ssyncset.done $0x0  }
0x6d: {  	[sflag:s2] =	ssyncadd.s32 $0xFFFFFF80  }
0x6e: {  	[spmem:s1] =	stream.indirect.scatter.add.bf16 [tilespmem:s22], [sflag:$0x5], $0x40, s29, s25, $0xb8;
	[tilespmem:$0x10880] =	vst v63  }
0x6f: {  	_ =	swait.ge [sflag:s23], $0x2000  }
0x70: {  	[sflag:s23] =	ssyncset.done $0x0  }
0x71: {  	s20 =	simm.s32 $0x180;
	[sflag:s23] =	ssyncadd.s32 $0xFFFFE000  }
0x72: {  	[tilespmem:s22], [sflag:$0x2] =	stream.indirect.gather [hbm4b:s4+s25], $0x40, s20, s25, $0xb8;
	[tilespmem:$0x10880] =	vst v63  }
0x73: {  	s9 =	simm.s32 $0xFFFF6C00;
	s10 =	sadd.s32 $0x20, s11;
	s20 =	smov.u32 s11  }
.LBB2_6:
0x74: {  	[tilespmem:s29], [sflag:$0x4] =	stream.linear.gather [hbm4b:s20+s3], $0x80, $0x38;
	[tilespmem:$0x10880] =	vst v63  }
0x75: {  	s12 =	smov.u32 s9;
	s20 =	smov.u32 s10  }
0x76: {  	p0 =	sne.s32 s9, $0xFFFFFC00;
	s9 =	sadd.s32 $0x400, s9;
	_ =	swait.ge [sflag:s30], $0x2000  }
0x77: {  	[sflag:s30] =	ssyncset.done $0x0  }
0x78: {  	[sflag:s30] =	ssyncadd.s32 $0xFFFFE000  }
0x79: {  	_ =	swait.ge [sflag:s31], $0x80  }
0x7a: {  	[sflag:s31] =	ssyncset.done $0x0  }
0x7b: {  	[sflag:s31] =	ssyncadd.s32 $0xFFFFFF80  }
0x7c: {  	[spmem:s1] =	stream.indirect.scatter.add.bf16 [tilespmem:s26], [sflag:$0x5], $0x40, s28, s25, $0xb8;
	[tilespmem:$0x10880] =	vst v63  }
0x7d: {  	_ =	swait.ge [sflag:s23], $0x2000  }
0x7e: {  	s12 =	sshra.s32 s12, $0x2;
	[sflag:s23] =	ssyncset.done $0x0  }
0x7f: {  	s13 =	sadd.s32 $0x2700, s12;
	[sflag:s23] =	ssyncadd.s32 $0xFFFFE000  }
0x80: {  	[tilespmem:s26], [sflag:$0x1] =	stream.indirect.gather [hbm4b:s4+s25], $0x40, s13, s25, $0xb8;
	[tilespmem:$0x10880] =	vst v63  }
0x81: {  	s13 =	sadd.s32 $0xFFFFFFF0, s10  }
0x82: {  	[tilespmem:s28], [sflag:$0x3] =	stream.linear.gather [hbm4b:s13+s3], $0x80, $0x38;
	[tilespmem:$0x10880] =	vst v63  }
0x83: {  	_ =	swait.ge [sflag:s0], $0x2000  }
0x84: {  	[sflag:s0] =	ssyncset.done $0x0  }
0x85: {  	[sflag:s0] =	ssyncadd.s32 $0xFFFFE000  }
0x86: {  	_ =	swait.ge [sflag:s2], $0x80  }
0x87: {  	[sflag:s2] =	ssyncset.done $0x0  }
0x88: {  	[sflag:s2] =	ssyncadd.s32 $0xFFFFFF80  }
0x89: {  	[spmem:s1] =	stream.indirect.scatter.add.bf16 [tilespmem:s22], [sflag:$0x5], $0x40, s29, s25, $0xb8;
	[tilespmem:$0x10880] =	vst v63  }
.Ltmp2:
0x8a: {  	_ =	swait.ge [sflag:s23], $0x2000;
	(pc) =	sbr.rel @p0 .LBB2_6-.Ltmp2, $4  }
0x8b: {  	[sflag:s23] =	ssyncset.done $0x0  }
0x8c: {  	s12 =	sadd.s32 $0x2780, s12;
	[sflag:s23] =	ssyncadd.s32 $0xFFFFE000  }
0x8d: {  	[tilespmem:s22], [sflag:$0x2] =	stream.indirect.gather [hbm4b:s4+s25], $0x40, s12, s25, $0xb8;
	[tilespmem:$0x10880] =	vst v63  }
0x8e: {  	s10 =	sadd.s32 $0x20, s10  }
0x8f: {  	[tilespmem:s29], [sflag:$0x4] =	stream.linear.gather [hbm4b:s20+s3], $0x80, $0x38;
	[tilespmem:$0x10880] =	vst v63  }
0x90: {  	_ =	swait.ge [sflag:s30], $0x2000  }
0x91: {  	[sflag:s30] =	ssyncset.done $0x0  }
0x92: {  	[sflag:s30] =	ssyncadd.s32 $0xFFFFE000  }
0x93: {  	_ =	swait.ge [sflag:s31], $0x80  }
0x94: {  	[sflag:s31] =	ssyncset.done $0x0  }
0x95: {  	[sflag:s31] =	ssyncadd.s32 $0xFFFFFF80  }
0x96: {  	[spmem:s1] =	stream.indirect.scatter.add.bf16 [tilespmem:s26], [sflag:$0x5], $0x40, s28, s25, $0xb8;
	[tilespmem:$0x10880] =	vst v63  }
0x97: {  	_ =	swait.ge [sflag:s23], $0x2000  }
0x98: {  	[sflag:s23] =	ssyncset.done $0x0  }
0x99: {  	[sflag:s23] =	ssyncadd.s32 $0xFFFFE000  }
0x9a: {  	[tilespmem:s26], [sflag:$0x1] =	stream.indirect.gather [hbm4b:s4+s25], $0x40, s6, s25, $0xb8;
	[tilespmem:$0x10880] =	vst v63  }
0x9b: {  	s9 =	simm.s32 $0x0;
	s10 =	rddreg [dreg:$0x6]  }
0x9c: {  	[tilespmem:s28], [sflag:$0x3] =	stream.linear.gather [hbm4b:s10+s9], $0x80, $0x38;
	[tilespmem:$0x10880] =	vst v63  }
0x9d: {  	_ =	swait.ge [sflag:s0], $0x2000  }
0x9e: {  	[sflag:s0] =	ssyncset.done $0x0  }
0x9f: {  	[sflag:s0] =	ssyncadd.s32 $0xFFFFE000  }
0xa0: {  	_ =	swait.ge [sflag:s2], $0x80  }
0xa1: {  	[sflag:s2] =	ssyncset.done $0x0  }
0xa2: {  	[sflag:s2] =	ssyncadd.s32 $0xFFFFFF80  }
0xa3: {  	[spmem:s1] =	stream.indirect.scatter.add.bf16 [tilespmem:s22], [sflag:$0x5], $0x40, s29, s25, $0xb8;
	[tilespmem:$0x10880] =	vst v63  }
0xa4: {  	_ =	swait.ge [sflag:s23], $0x2000  }
0xa5: {  	[sflag:s23] =	ssyncset.done $0x0  }
0xa6: {  	[sflag:s23] =	ssyncadd.s32 $0xFFFFE000  }
0xa7: {  	_ =	swait.ge [sflag:s30], $0x2000  }
0xa8: {  	[sflag:s30] =	ssyncset.done $0x0  }
0xa9: {  	[sflag:s30] =	ssyncadd.s32 $0xFFFFE000  }
0xaa: {  	_ =	swait.ge [sflag:s31], $0x80  }
0xab: {  	[sflag:s31] =	ssyncset.done $0x0  }
0xac: {  	[sflag:s31] =	ssyncadd.s32 $0xFFFFFF80  }
0xad: {  	[spmem:s1] =	stream.indirect.scatter.add.bf16 [tilespmem:s26], [sflag:$0x5], $0x40, s28, s25, $0xb8;
	[tilespmem:$0x10880] =	vst v63  }
0xae: {  	_ =	swait.ge [sflag:s23], $0x2000  }
0xaf: {  	[sflag:s23] =	ssyncset.done $0x0  }
0xb0: {  	s20 =	rddreg [dreg:$0x7];
	[sflag:s23] =	ssyncadd.s32 $0xFFFFE000  }
0xb1: {  	[tilespmem:s9], [sflag:$0x5] =	stream.linear.gather [hbm4b:s20+s9], $0x2780, $0x38;
	[tilespmem:$0x10880] =	vst v63  }
0xb2: {  	_ =	swait.ge [sflag:s23], $0x2780  }
0xb3: {  	[sflag:s23] =	ssyncset.done $0x0  }
0xb4: {  	s9 =	simm.s32 $0x0;
	[sflag:s23] =	ssyncadd.s32 $0xFFFFD880  }
0xb5: {  	v4 =	vld [tilespmem:s9+$0x0]  }
0xb6: {  	v6 =	vld [tilespmem:s9+$0x10]  }
0xb7: {  	v5 =	vld [tilespmem:s9+$0x20]  }
0xb8: {  	v3 =	vld [tilespmem:s9+$0x30]  }
0xb9: {  	v2 =	vld [tilespmem:s9+$0x40]  }
0xba: {  	v7 =	vadd.s32 v0, v4;
	v4 =	vld [tilespmem:s9+$0x50]  }
0xbb: {  	s10 =	simm.s32 $0x200;
	[tilespmem:s9+$0x0] =	vst v7;
	v7 =	vadd.s32 v0, v6;
	v6 =	vld [tilespmem:s9+$0x60]  }
.LBB2_8:
0xbc: {  	s12 =	sshra.s32 s10, $0x2;
	p0 =	sne.s32 s10, $0x9C00;
	[tilespmem:s9+$0x10] =	vst v7;
	v5 =	vadd.s32 v0, v5;
	v7 =	vld [tilespmem:s9+$0x70]  }
0xbd: {  	v8 =	vld [tilespmem:s12+$0x0];
	[tilespmem:s9+$0x20] =	vst v5;
	v3 =	vadd.s32 v0, v3  }
0xbe: {  	v9 =	vld [tilespmem:s12+$0x10];
	[tilespmem:s9+$0x30] =	vst v3;
	v2 =	vadd.s32 v0, v2  }
.Ltmp3:
0xbf: {  	v5 =	vld [tilespmem:s12+$0x20];
	[tilespmem:s9+$0x40] =	vst v2;
	v2 =	vadd.s32 v0, v4;
	(pc) =	sbr.rel @p0 .LBB2_8-.Ltmp3, $4  }
0xc0: {  	v3 =	vld [tilespmem:s12+$0x30];
	[tilespmem:s9+$0x50] =	vst v2;
	v4 =	vadd.s32 v0, v6  }
0xc1: {  	v2 =	vld [tilespmem:s12+$0x40];
	[tilespmem:s9+$0x60] =	vst v4;
	v6 =	vadd.s32 v0, v7  }
0xc2: {  	v7 =	vadd.s32 v0, v8;
	v4 =	vld [tilespmem:s12+$0x50];
	[tilespmem:s9+$0x70] =	vst v6;
	s9 =	smov.u32 s12  }
0xc3: {  	s10 =	sadd.s32 $0x200, s10;
	[tilespmem:s9+$0x0] =	vst v7;
	v7 =	vadd.s32 v0, v9;
	v6 =	vld [tilespmem:s9+$0x60]  }
0xc4: {  	[tilespmem:s9+$0x10] =	vst v7;
	v5 =	vadd.s32 v0, v5;
	v63 =	vld [tilespmem:s9+$0x70]  }
0xc5: {  	[tilespmem:s9+$0x20] =	vst v5;
	v3 =	vadd.s32 v0, v3  }
0xc6: {  	[tilespmem:s9+$0x30] =	vst v3;
	v2 =	vadd.s32 v0, v2  }
0xc7: {  	[tilespmem:s9+$0x40] =	vst v2;
	v2 =	vadd.s32 v0, v4  }
0xc8: {  	[tilespmem:s9+$0x50] =	vst v2;
	v2 =	vadd.s32 v0, v6  }
0xc9: {  	[tilespmem:s9+$0x60] =	vst v2;
	v2 =	vadd.s32 v0, v63  }
0xca: {  	[tilespmem:s9+$0x70] =	vst v2  }
0xcb: {  	[tilespmem:s26], [sflag:$0x1] =	stream.indirect.gather [hbm4b:s4+s25], $0x40, s3, s25, $0xb8;
	[tilespmem:$0x10880] =	vst v63  }
0xcc: {  	s20 =	rddreg [dreg:$0x8]  }
0xcd: {  	[tilespmem:s28], [sflag:$0x3] =	stream.linear.gather [hbm4b:s20+s3], $0x80, $0x38;
	[tilespmem:$0x10880] =	vst v63  }
0xce: {  	_ = 	snop  }
0xcf: {  	[tilespmem:s22], [sflag:$0x2] =	stream.indirect.gather [hbm4b:s4+s25], $0x40, s25, s25, $0xb8;
	[tilespmem:$0x10880] =	vst v63  }
0xd0: {  	s10 =	rddreg [dreg:$0x9]  }
0xd1: {  	[tilespmem:s29], [sflag:$0x4] =	stream.linear.gather [hbm4b:s10+s3], $0x80, $0x38;
	[tilespmem:$0x10880] =	vst v63  }
0xd2: {  	_ =	swait.ge [sflag:s30], $0x2000  }
0xd3: {  	[sflag:s30] =	ssyncset.done $0x0  }
0xd4: {  	[sflag:s30] =	ssyncadd.s32 $0xFFFFE000  }
0xd5: {  	_ =	swait.ge [sflag:s31], $0x80  }
0xd6: {  	[sflag:s31] =	ssyncset.done $0x0  }
0xd7: {  	[sflag:s31] =	ssyncadd.s32 $0xFFFFFF80  }
0xd8: {  	[spmem:s1] =	stream.indirect.scatter.add.bf16 [tilespmem:s26], [sflag:$0x5], $0x40, s28, s25, $0xb8;
	[tilespmem:$0x10880] =	vst v63  }
0xd9: {  	_ =	swait.ge [sflag:s23], $0x2000  }
0xda: {  	[sflag:s23] =	ssyncset.done $0x0  }
0xdb: {  	s12 =	simm.s32 $0x100;
	[sflag:s23] =	ssyncadd.s32 $0xFFFFE000  }
0xdc: {  	[tilespmem:s26], [sflag:$0x1] =	stream.indirect.gather [hbm4b:s4+s25], $0x40, s12, s25, $0xb8;
	[tilespmem:$0x10880] =	vst v63  }
0xdd: {  	s13 =	sadd.s32 $0xFFFFFFF0, s21  }
0xde: {  	[tilespmem:s28], [sflag:$0x3] =	stream.linear.gather [hbm4b:s13+s3], $0x80, $0x38;
	[tilespmem:$0x10880] =	vst v63  }
0xdf: {  	_ =	swait.ge [sflag:s0], $0x2000  }
0xe0: {  	[sflag:s0] =	ssyncset.done $0x0  }
0xe1: {  	[sflag:s0] =	ssyncadd.s32 $0xFFFFE000  }
0xe2: {  	_ =	swait.ge [sflag:s2], $0x80  }
0xe3: {  	[sflag:s2] =	ssyncset.done $0x0  }
0xe4: {  	[sflag:s2] =	ssyncadd.s32 $0xFFFFFF80  }
0xe5: {  	[spmem:s1] =	stream.indirect.scatter.add.bf16 [tilespmem:s22], [sflag:$0x5], $0x40, s29, s25, $0xb8;
	[tilespmem:$0x10880] =	vst v63  }
0xe6: {  	_ =	swait.ge [sflag:s23], $0x2000  }
0xe7: {  	[sflag:s23] =	ssyncset.done $0x0  }
0xe8: {  	s20 =	simm.s32 $0x180;
	[sflag:s23] =	ssyncadd.s32 $0xFFFFE000  }
0xe9: {  	[tilespmem:s22], [sflag:$0x2] =	stream.indirect.gather [hbm4b:s4+s25], $0x40, s20, s25, $0xb8;
	[tilespmem:$0x10880] =	vst v63  }
0xea: {  	s9 =	simm.s32 $0xFFFF6C00;
	s10 =	sadd.s32 $0x20, s21;
	s20 =	smov.u32 s21  }
.LBB2_10:
0xeb: {  	[tilespmem:s29], [sflag:$0x4] =	stream.linear.gather [hbm4b:s20+s3], $0x80, $0x38;
	[tilespmem:$0x10880] =	vst v63  }
0xec: {  	s12 =	smov.u32 s9;
	s20 =	smov.u32 s10  }
0xed: {  	p0 =	sne.s32 s9, $0xFFFFFC00;
	s9 =	sadd.s32 $0x400, s9;
	_ =	swait.ge [sflag:s30], $0x2000  }
0xee: {  	[sflag:s30] =	ssyncset.done $0x0  }
0xef: {  	[sflag:s30] =	ssyncadd.s32 $0xFFFFE000  }
0xf0: {  	_ =	swait.ge [sflag:s31], $0x80  }
0xf1: {  	[sflag:s31] =	ssyncset.done $0x0  }
0xf2: {  	[sflag:s31] =	ssyncadd.s32 $0xFFFFFF80  }
0xf3: {  	[spmem:s1] =	stream.indirect.scatter.add.bf16 [tilespmem:s26], [sflag:$0x5], $0x40, s28, s25, $0xb8;
	[tilespmem:$0x10880] =	vst v63  }
0xf4: {  	_ =	swait.ge [sflag:s23], $0x2000  }
0xf5: {  	s12 =	sshra.s32 s12, $0x2;
	[sflag:s23] =	ssyncset.done $0x0  }
0xf6: {  	s13 =	sadd.s32 $0x2700, s12;
	[sflag:s23] =	ssyncadd.s32 $0xFFFFE000  }
0xf7: {  	[tilespmem:s26], [sflag:$0x1] =	stream.indirect.gather [hbm4b:s4+s25], $0x40, s13, s25, $0xb8;
	[tilespmem:$0x10880] =	vst v63  }
0xf8: {  	s13 =	sadd.s32 $0xFFFFFFF0, s10  }
0xf9: {  	[tilespmem:s28], [sflag:$0x3] =	stream.linear.gather [hbm4b:s13+s3], $0x80, $0x38;
	[tilespmem:$0x10880] =	vst v63  }
0xfa: {  	_ =	swait.ge [sflag:s0], $0x2000  }
0xfb: {  	[sflag:s0] =	ssyncset.done $0x0  }
0xfc: {  	[sflag:s0] =	ssyncadd.s32 $0xFFFFE000  }
0xfd: {  	_ =	swait.ge [sflag:s2], $0x80  }
0xfe: {  	[sflag:s2] =	ssyncset.done $0x0  }
0xff: {  	[sflag:s2] =	ssyncadd.s32 $0xFFFFFF80  }
0x100: {  	[spmem:s1] =	stream.indirect.scatter.add.bf16 [tilespmem:s22], [sflag:$0x5], $0x40, s29, s25, $0xb8;
	[tilespmem:$0x10880] =	vst v63  }
.Ltmp4:
0x101: {  	_ =	swait.ge [sflag:s23], $0x2000;
	(pc) =	sbr.rel @p0 .LBB2_10-.Ltmp4, $4  }
0x102: {  	[sflag:s23] =	ssyncset.done $0x0  }
0x103: {  	s12 =	sadd.s32 $0x2780, s12;
	[sflag:s23] =	ssyncadd.s32 $0xFFFFE000  }
0x104: {  	[tilespmem:s22], [sflag:$0x2] =	stream.indirect.gather [hbm4b:s4+s25], $0x40, s12, s25, $0xb8;
	[tilespmem:$0x10880] =	vst v63  }
0x105: {  	s10 =	sadd.s32 $0x20, s10  }
0x106: {  	[tilespmem:s29], [sflag:$0x4] =	stream.linear.gather [hbm4b:s20+s3], $0x80, $0x38;
	[tilespmem:$0x10880] =	vst v63  }
0x107: {  	_ =	swait.ge [sflag:s30], $0x2000  }
0x108: {  	[sflag:s30] =	ssyncset.done $0x0  }
0x109: {  	[sflag:s30] =	ssyncadd.s32 $0xFFFFE000  }
0x10a: {  	_ =	swait.ge [sflag:s31], $0x80  }
0x10b: {  	[sflag:s31] =	ssyncset.done $0x0  }
0x10c: {  	[sflag:s31] =	ssyncadd.s32 $0xFFFFFF80  }
0x10d: {  	[spmem:s1] =	stream.indirect.scatter.add.bf16 [tilespmem:s26], [sflag:$0x5], $0x40, s28, s25, $0xb8;
	[tilespmem:$0x10880] =	vst v63  }
0x10e: {  	_ =	swait.ge [sflag:s23], $0x2000  }
0x10f: {  	[sflag:s23] =	ssyncset.done $0x0  }
0x110: {  	[sflag:s23] =	ssyncadd.s32 $0xFFFFE000  }
0x111: {  	[tilespmem:s26], [sflag:$0x1] =	stream.indirect.gather [hbm4b:s4+s25], $0x40, s6, s25, $0xb8;
	[tilespmem:$0x10880] =	vst v63  }
0x112: {  	s9 =	rddreg [dreg:$0xa]  }
0x113: {  	[tilespmem:s28], [sflag:$0x3] =	stream.linear.gather [hbm4b:s9+s3], $0x80, $0x38;
	[tilespmem:$0x10880] =	vst v63  }
0x114: {  	_ =	swait.ge [sflag:s0], $0x2000  }
0x115: {  	[sflag:s0] =	ssyncset.done $0x0  }
0x116: {  	[sflag:s0] =	ssyncadd.s32 $0xFFFFE000  }
0x117: {  	_ =	swait.ge [sflag:s2], $0x80  }
0x118: {  	[sflag:s2] =	ssyncset.done $0x0  }
0x119: {  	[sflag:s2] =	ssyncadd.s32 $0xFFFFFF80  }
0x11a: {  	[spmem:s1] =	stream.indirect.scatter.add.bf16 [tilespmem:s22], [sflag:$0x5], $0x40, s29, s25, $0xb8;
	[tilespmem:$0x10880] =	vst v63  }
0x11b: {  	_ =	swait.ge [sflag:s23], $0x2000  }
0x11c: {  	[sflag:s23] =	ssyncset.done $0x0  }
0x11d: {  	[sflag:s23] =	ssyncadd.s32 $0xFFFFE000  }
0x11e: {  	_ =	swait.ge [sflag:s30], $0x2000  }
0x11f: {  	[sflag:s30] =	ssyncset.done $0x0  }
0x120: {  	[sflag:s30] =	ssyncadd.s32 $0xFFFFE000  }
0x121: {  	_ =	swait.ge [sflag:s31], $0x80  }
0x122: {  	[sflag:s31] =	ssyncset.done $0x0  }
0x123: {  	[sflag:s31] =	ssyncadd.s32 $0xFFFFFF80  }
0x124: {  	[spmem:s1] =	stream.indirect.scatter.add.bf16 [tilespmem:s26], [sflag:$0x5], $0x40, s28, s25, $0xb8;
	[tilespmem:$0x10880] =	vst v63  }
0x125: {  	_ =	swait.ge [sflag:s23], $0x2000  }
0x126: {  	s20 =	stileid.u32;
	s8 =	sadd.s32 $0x1, s8;
	[sflag:s23] =	ssyncset.done $0x0  }
0x127: {  	p0 =	sne.s32 s8, s15;
	s9 =	sshll.u32 s20, $0x6;
	[sflag:s23] =	ssyncadd.s32 $0xFFFFE000  }
.Ltmp5:
0x128: {  	s9 =	sor.u32 $0x1C05, s9;
	[bflag:$0x0] =	sbarrier.arrive $0xFFFF;
	(pc) =	sbr.rel @p0 .LBB2_1-.Ltmp5, $4  }
0x129: {  	[hbm:s14], [sflag:s9] =	dma.local [spmem:s24], $0x1400  }
0x12a: {  	_ =	swait.ge [sflag:s23], $0x1400  }
0x12b: {  	[sflag:s23] =	ssyncset.done $0x0  }
0x12c: {  	[sflag:s23] =	ssyncadd.s32 $0xFFFFEC00  }
0x12d: {  	_ =	sfence.sel $0x180000  }
0x12e: {  	[bflag:$0x0] =	sbarrier.arrive $0xFFFF  }
0x12f: {  	_ =	strace $0x9000004A  }
0x130: {  	s0 =	stileid.u32;
	[bflag:$0x2] =	sbarrier.arrive $0xFFFF  }
0x131: {  	p0 =	sne.s32 s0, $0x0;
	s0 =	rddreg [dreg:$0x3]  }
0x132: {  	s0 =	sadd.s32 @!p0 $0x100000, s0  }
0x133: {  	[sflag:s0] =	ssyncadd.tile.s32 @!p0 $0x1;
	_ =	shalt  }
.Lfunc_end2:
_tile_overlayer_lowered:
.L_overlay_start_2:
0x134: {  	(tag) =	ssettag $0x2  }
0x135: {  	s0 =	rddreg [dreg:$0x0];
	s2 =	stileid.u32  }
0x136: {  	s1 =	rddreg [dreg:$0x1];
	p0 =	sne.s32 s2, $0x0  }
0x137: {  	s3 =	rddreg [dreg:$0x2];
	[bflag:$0x3] =	sbarrier.arrive $0xFFFF;
	s2 =	simm.s32 @!p0 $0x1C05  }
0x138: {  	[timem:s3], [sflag:s2] =	dma.local @!p0 [hbm:s0], s1  }
0x139: {  	s0 =	simm.s32 @!p0 $0x5  }
0x13a: {  	_ =	swait.ge @!p0 [sflag:s0], s1  }
0x13b: {  	s1 =	ssub.s32 @!p0 $0x0, s1;
	[sflag:s0] =	ssyncset.done @!p0 $0x0  }
0x13c: {  	[sflag:s0] =	ssyncadd.s32 @!p0 s1  }
0x13d: {  	[bflag:$0x3] =	sbarrier.arrive $0xFFFF  }
0x13e: {  	_ =	shalt  }

// kernel: kernel.17.cloned.1.call-start
scs
__scs_entry_jumppad:
0x0: {  	(pc) =	sbr.rel $0x88, $3  }
0x1: {  	(tag) =	ssettag $0x0;
	lr =	simm.s32 $0x1  }
0x2: {  	[smem:$0x3F92] =	sst lr;
	_ =	strace $0xD0000000  }
0x3: {  	_ = 	snop  }
0x4: {  	_ = 	snop  }
0x5: {  	_ = 	snop  }
0x6: {  	_ = 	snop  }
0x7: {  	_ = 	snop  }
__scs_overlays_trampoline_lowered:
0x8: {  	[smem:$0x3FA1] =	sst s0  }
0x9: {  	[smem:$0x3FA2] =	sst s1  }
0xa: {  	[smem:$0x3FA3] =	sst s2  }
0xb: {  	[smem:$0x3FA4] =	sst s3  }
0xc: {  	[smem:$0x3FA5] =	sst s4  }
0xd: {  	[smem:$0x3FA6] =	sst s5  }
0xe: {  	[smem:$0x3FA7] =	sst s6  }
0xf: {  	[smem:$0x3FA8] =	sst s7  }
0x10: {  	[smem:$0x3FA9] =	sst s8  }
0x11: {  	[smem:$0x3FAA] =	sst s9;
	s0 =	simm.s32 @!p0 $0x0  }
0x12: {  	s1 =	sld [smem:$0x3F90];
	s0 =	simm.s32 @p0 $0x1  }
0x13: {  	[smem:$0x3FAB] =	sst s0;
	s0 =	simm.s32 @!p1 $0x0  }
0x14: {  	s2 =	sld [smem:$0x3F8F];
	s0 =	simm.s32 @p1 $0x1  }
0x15: {  	[smem:$0x3FAC] =	sst s0;
	s0 =	simm.s32 @!p2 $0x0  }
0x16: {  	s3 =	sld [smem:$0x3FDB];
	s0 =	simm.s32 @p2 $0x1  }
0x17: {  	s4 =	simm.s32 $0x1BF5;
	[smem:$0x3FAE] =	sst s0  }
0x18: {  	s0 =	sld [smem:$0x3F91];
	_ =	swait.ge [sflag:s4], $0x0  }
0x19: {  	s7 =	sld [smem:$0x3F92]  }
0x1a: {  	s8 =	sadd.s32 $0xFFFFE003, lr  }
0x1b: {  	s9 =	sadd.s32 $0xFFFFFEF7, lr;
	s5 =	simm.s32 $0xFFFFFFFF;
	p2 =	slt.u32 s8, $0xFFFFF086  }
0x1c: {  	p1 =	slt.u32 s9, $0xF7A;
	s5 =	simm.s32 @!p2 $0x0  }
0x1d: {  	s5 =	simm.s32 @p1 $0x1;
	p0 =	seq.s32 s7, s2  }
0x1e: {  	s7 =	smul.u32 @!p0 $0xF7A, s2;
	p2 =	seq.s32 @!p0 s5, $0x0  }
0x1f: {  	s9 =	smul.u32 $0xF7A, s1;
	s8 =	simm.s32 @!p0 $0x1BF5;
	p2 =	por !p2, p0  }
0x20: {  	[sflag:s8] =	ssyncset.s32 @!p0 $0xFFFFF086;
	s6 =	sadd.s32 @!p0 s3, s7;
	s7 =	simm.s32 @!p0 $0x108  }
0x21: {  	s3 =	sadd.s32 s3, s9;
	s6 =	sadd.s32 @!p0 $0x88, s6;
	s7 =	simm.s32 @p2 $0x1082  }
0x22: {  	[simem:s7], [sflag:s8] =	dma.local @!p0 [hbm:s6], $0xF7A  }
0x23: {  	s9 =	sor.u32 $0xD0000000, s2;
	s6 =	simm.s32 $0x108;
	_ =	swait.ge @!p0 [sflag:s8], $0x0  }
0x24: {  	s3 =	sadd.s32 $0x88, s3;
	s6 =	simm.s32 @!p1 $0x1082;
	[sflag:s4] =	ssyncset.s32 $0xFFFFF086  }
0x25: {  	[simem:s6], [sflag:s4] =	dma.local [hbm:s3], $0xF7A  }
0x26: {  	[smem:$0x3F92] =	sst s1;
	(tag) =	ssettag s2;
	_ =	strace s9  }
0x27: {  	s1 =	sld [smem:$0x3FA2]  }
0x28: {  	s2 =	sld [smem:$0x3FA3]  }
0x29: {  	s4 =	sld [smem:$0x3FA5]  }
0x2a: {  	p0 =	seq.s32 s5, $0x0;
	s5 =	sld [smem:$0x3FA6]  }
0x2b: {  	s6 =	sld [smem:$0x3FA7]  }
0x2c: {  	s7 =	sld [smem:$0x3FA8]  }
0x2d: {  	s3 =	simm.s32 $0x108;
	s8 =	sld [smem:$0x3FA9]  }
0x2e: {  	s3 =	simm.s32 @!p0 $0x1082;
	s9 =	sld [smem:$0x3FAA]  }
0x2f: {  	lr =	sadd.s32 s0, s3;
	s0 =	sld [smem:$0x3FA1]  }
0x30: {  	s3 =	sld [smem:$0x3FA4]  }
0x31: {  	[smem:$0x3FAD] =	sst s10  }
0x32: {  	s10 =	sld [smem:$0x3FAB];
	_ =	sdelay $0x3  }
0x33: {  	p0 =	seq.s32 s10, $0x1;
	s10 =	sld [smem:$0x3FAD];
	_ =	sdelay $0x3  }
0x34: {  	[smem:$0x3FAD] =	sst s10  }
0x35: {  	s10 =	sld [smem:$0x3FAC];
	_ =	sdelay $0x3  }
0x36: {  	p1 =	seq.s32 s10, $0x1;
	s10 =	sld [smem:$0x3FAD];
	_ =	sdelay $0x3  }
0x37: {  	[smem:$0x3FAD] =	sst s10  }
0x38: {  	s10 =	sld [smem:$0x3FAE]  }
0x39: {  	_ = 	snop;
	(pc) =	sbr.ind lr, $3  }
0x3a: {  	_ = 	snop  }
0x3b: {  	_ = 	snop  }
0x3c: {  	p2 =	seq.s32 s10, $0x1;
	s10 =	sld [smem:$0x3FAD]  }
0x3d: {  	_ =	shalt  }
0x3e: {  	_ =	shalt  }
0x3f: {  	_ =	shalt  }
0x40: {  	_ =	shalt  }
0x41: {  	_ =	shalt  }
0x42: {  	_ =	shalt  }
0x43: {  	_ =	shalt  }
0x44: {  	_ =	shalt  }
0x45: {  	_ =	shalt  }
0x46: {  	_ =	shalt  }
0x47: {  	_ =	shalt  }
0x48: {  	_ =	shalt  }
0x49: {  	_ =	shalt  }
0x4a: {  	_ =	shalt  }
0x4b: {  	_ =	shalt  }
0x4c: {  	_ =	shalt  }
0x4d: {  	_ =	shalt  }
0x4e: {  	_ =	shalt  }
0x4f: {  	_ =	shalt  }
0x50: {  	_ =	shalt  }
0x51: {  	_ =	shalt  }
0x52: {  	_ =	shalt  }
0x53: {  	_ =	shalt  }
0x54: {  	_ =	shalt  }
0x55: {  	_ =	shalt  }
0x56: {  	_ =	shalt  }
0x57: {  	_ =	shalt  }
0x58: {  	_ =	shalt  }
0x59: {  	_ =	shalt  }
0x5a: {  	_ =	shalt  }
0x5b: {  	_ =	shalt  }
0x5c: {  	_ =	shalt  }
0x5d: {  	_ =	shalt  }
0x5e: {  	_ =	shalt  }
0x5f: {  	_ =	shalt  }
0x60: {  	_ =	shalt  }
0x61: {  	_ =	shalt  }
0x62: {  	_ =	shalt  }
0x63: {  	_ =	shalt  }
0x64: {  	_ =	shalt  }
0x65: {  	_ =	shalt  }
0x66: {  	_ =	shalt  }
0x67: {  	_ =	shalt  }
0x68: {  	_ =	shalt  }
0x69: {  	_ =	shalt  }
0x6a: {  	_ =	shalt  }
0x6b: {  	_ =	shalt  }
0x6c: {  	_ =	shalt  }
0x6d: {  	_ =	shalt  }
0x6e: {  	_ =	shalt  }
0x6f: {  	_ =	shalt  }
0x70: {  	_ =	shalt  }
0x71: {  	_ =	shalt  }
0x72: {  	_ =	shalt  }
0x73: {  	_ =	shalt  }
0x74: {  	_ =	shalt  }
0x75: {  	_ =	shalt  }
0x76: {  	_ =	shalt  }
0x77: {  	_ =	shalt  }
0x78: {  	_ =	shalt  }
0x79: {  	_ =	shalt  }
0x7a: {  	_ =	shalt  }
0x7b: {  	_ =	shalt  }
0x7c: {  	_ =	shalt  }
0x7d: {  	_ =	shalt  }
0x7e: {  	_ =	shalt  }
0x7f: {  	_ =	shalt  }
0x80: {  	_ =	shalt  }
0x81: {  	_ =	shalt  }
0x82: {  	_ =	shalt  }
0x83: {  	_ =	shalt  }
0x84: {  	_ =	shalt  }
0x85: {  	_ =	shalt  }
0x86: {  	_ =	shalt  }
0x87: {  	_ =	shalt  }
.Lfunc_end0:
.L_simem_size_0:
called_computation.2_lowered:
.L_overlay_start_0:
0x88: {  	s2 =	sld [smem:$0x3FD9]  }
0x89: {  	s3 =	sld [smem:$0x3FFE];
	_ =	sdelay $0x1  }
0x8a: {  	s1 =	srdreg.scid  }
0x8b: {  	s0 =	sand.u32 $0x1, s1  }
0x8c: {  	s17 =	sshll.u32 s0, $0xA;
	s2 =	sadd.s32 s3, s2  }
0x8d: {  	s2 =	sadd.s32 s2, s17  }
0x8e: {  	[smem:$0x3FB9] =	sst s2  }
0x8f: {  	_ = 	snop  }
0x90: {  	s2 =	sld [smem:$0x3FD0];
	(tm) =	ssettm $0x1  }
0x91: {  	s18 =	sld [smem:$0x3FFB];
	_ =	sdelay $0x3  }
0x92: {  	_ =	strace s18  }
0x93: {  	s3 =	sld [smem:$0x3FFC];
	_ =	sdelay $0x3  }
0x94: {  	_ =	strace s3  }
0x95: {  	s3 =	sld [smem:$0x3FFD];
	_ =	sdelay $0x3  }
0x96: {  	_ =	strace s3  }
0x97: {  	_ =	strace $0x8FFFFFFF  }
0x98: {  	s19 =	sld [smem:$0x3FDB];
	_ =	sdelay $0x1  }
0x99: {  	s4 =	simm.s32 $_scs_section_size  }
0x9a: {  	s5 =	simm.s32 $_size__tile_overlayer_lowered;
	s6 =	simm.s32 $_tile_overlayer_lowered  }
0x9b: {  	s22 =	simm.s32 $0x1BFF;
	s21 =	sshll.u32 s6, $0x1;
	s3 =	sadd.s32 s4, s19  }
0x9c: {  	s7 =	simm.s32 $0x0;
	s20 =	sshll.u32 s5, $0x1;
	s5 =	sadd.s32 s21, s3  }
0x9d: {  	[timem:s7], [sflag:s22] =	dma.local [hbm:s5], s20  }
0x9e: {  	_ =	swait.ge [sflag:s22], s20  }
0x9f: {  	s4 =	ssub.s32 $0x0, s20;
	[sflag:s22] =	ssyncset.done $0x0  }
0xa0: {  	[sflag:s22] =	ssyncadd.s32 s4;
	_ =	sdelay $0x1  }
0xa1: {  	s23 =	simm.s32 $0x1B8B  }
0xa2: {  	_ =	swait.ge [sflag:s23], $0x1  }
0xa3: {  	[sflag:s23] =	ssyncset.done $0x0  }
0xa4: {  	s25 =	simm.s32 $0x1B8E;
	s24 =	sld [smem:$0x3FFE];
	[sflag:s23] =	ssyncadd.s32 $0xFFFFFFFF  }
0xa5: {  	s26 =	simm.s32 $execute0_lowered;
	[smem:$0x3FD2] =	sst s25  }
0xa6: {  	s5 =	sshll.u32 s26, $0x1;
	_ =	strace $0x8000004C;
	[dreg:$0x1] =	wrdreg $0xFFFFFFFF  }
0xa7: {  	s28 =	simm.s32 $_size_execute0_lowered;
	s3 =	sadd.s32 s3, s5;
	[dreg:$0x0] =	wrdreg $0x0  }
0xa8: {  	s5 =	sshll.u32 s28, $0x1;
	[dreg:$0x2] =	wrdreg s3  }
0xa9: {  	[dreg:$0x3] =	wrdreg s5  }
0xaa: {  	[dreg:$0x4] =	wrdreg $0xC0  }
0xab: {  	_ =	task [dreg:s7], $0x5FFFF  }
0xac: {  	[dreg:$0x1] =	wrdreg $0xFFFFFFFF  }
0xad: {  	[dreg:$0x0] =	wrdreg $0x60  }
0xae: {  	[dreg:$0x2] =	wrdreg s24  }
0xaf: {  	[dreg:$0x3] =	wrdreg s2  }
0xb0: {  	[dreg:$0x4] =	wrdreg $0x48800  }
0xb1: {  	[dreg:$0x5] =	wrdreg $0x9  }
0xb2: {  	_ =	task.clear_ibuf [dreg:s7], $0x6FFFF;
	_ =	strace $0x9000004C  }
0xb3: {  	s29 =	simm.s32 $0x9;
	_ =	strace $0x8000004E  }
0xb4: {  	_ =	swait.ge [sflag:s29], $0x1  }
0xb5: {  	[sflag:s29] =	ssyncadd.s32 $0xFFFFFFFF  }
0xb6: {  	_ =	strace $0x9000004E  }
0xb7: {  	_ =	sfence  }
0xb8: {  	s30 =	sld [smem:$0x0];
	_ =	sdelay $0x2  }
0xb9: {  	s31 =	sshll.u32 s1, $0xD;
	s1 =	sshrl.u32 s1, $0x2  }
0xba: {  	s3 =	sand.u32 $0x4000, s31;
	s1 =	sadd.s32 s1, s30  }
0xbb: {  	s0 =	sor.u32 s3, s0;
	s1 =	sshll.u32 s1, $0x11  }
0xbc: {  	s0 =	sor.u32 s1, s0  }
0xbd: {  	s0 =	sadd.s32 $0x8F2B, s0  }
0xbe: {  	[sflag:s0] =	ssyncadd.remote.s32 $0x1  }
0xbf: {  	_ =	sfence.sel $0xFFFF  }
0xc0: {  	[dreg:$0x0] =	wrdreg $0xFFFFFFFF;
	(pc) =	sbr.abs _section_cstart, $3  }
0xc1: {  	[dreg:$0x1] =	wrdreg $0xFFFFFFFF  }
0xc2: {  	_ =	task.clear_ibuf [dreg:s7], $0x2FFFF;
	_ =	strace $0x9FFFFFFF  }
0xc3: {  	(tm) =	ssettm $0x7FFFFFFF  }
tec
execute0_lowered:
.L_overlay_start_1:
0x0: {  	(tag) =	ssettag $0x1  }
0x1: {  	s0 =	rddreg [dreg:$0x0]  }
0x2: {  	s2 =	rddreg [dreg:$0x1]  }
0x3: {  	s1 =	rddreg [dreg:$0x2]  }
0x4: {  	s3 =	srdreg.scid;
	s15 =	stileid.u32  }
0x5: {  	s17 =	simm.s32 $0x5;
	s18 =	simm.s32 $0x2880;
	s19 =	simm.s32 $0x80  }
0x6: {  	s20 =	simm.s32 $0x2780;
	s21 =	simm.s32 $0x3880;
	s11 =	smul.u32 $0xA000, s15  }
0x7: {  	s28 =	simm.s32 $0x4;
	s30 =	simm.s32 $0x0;
	s9 =	smul.u32 $0x14000, s15  }
0x8: {  	s10 =	sand.u32 $0x1, s3;
	s3 =	simm.s32 $0x0;
	s29 =	smul.u32 $0x4F0, s15  }
0x9: {  	s4 =	sadd.s32 $0x4A00, s0;
	s13 =	sadd.s32 $0x2BC00, s0;
	s5 =	smul.u32 $0xA0000, s10  }
0xa: {  	[smem:$0x7FF] =	sst s3;
	s6 =	sshll.u32 s10, $0x4;
	s16 =	smul.u32 $0x2800, s10  }
0xb: {  	s8 =	ssub.s32 $0x2, s10;
	s14 =	smul.u32 $0x4F00, s10;
	_ =	strace $0x8000004D  }
0xc: {  	s6 =	sor.u32 s15, s6;
	s22 =	sshrl.u32 s8, $0x1;
	s24 =	sshrl.u32 s9, $0x2  }
0xd: {  	s25 =	sshrl.u32 s11, $0x1;
	s5 =	sadd.s32 s11, s5;
	s7 =	smul.u32 $0x4F0, s6  }
0xe: {  	s6 =	smul.u32 $0x2780, s6;
	s12 =	ssub.s32 s8, s22;
	s26 =	sadd.s32 s25, s1  }
0xf: {  	s31 =	sadd.s32 s14, s13;
	s22 =	simm.s32 $0x2800;
	s5 =	sshrl.u32 s5, $0x4  }
0x10: {  	s25 =	simm.s32 $0x3;
	s11 =	smax.u32 s12, $0x1;
	s0 =	sadd.s32 s5, s0  }
0x11: {  	s2 =	sadd.s32 s2, s7;
	s23 =	sshrl.u32 s6, $0x3;
	s6 =	sadd.s32 s24, s1  }
0x12: {  	s7 =	sadd.s32 s13, s7;
	s24 =	sshrl.u32 s26, $0x3;
	s26 =	simm.s32 $0x2  }
0x13: {  	[dreg:$0x4] =	wrdreg s2;
	s2 =	sadd.s32 s13, s23;
	s10 =	sadd.s32 $0x85A00, s0  }
0x14: {  	s12 =	sadd.s32 $0x1000, s6;
	s13 =	sadd.s32 $0x2000, s6;
	s14 =	sadd.s32 $0x3000, s6  }
0x15: {  	s8 =	sadd.s32 $0x10, s2;
	s9 =	sadd.s32 $0x4E0, s2;
	s2 =	sadd.s32 s29, s31  }
0x16: {  	v1 =	vimm.bf16 $0.0e+00;
	v0 =	vmov s16;
	s15 =	sadd.s32 $0x4000, s6;
	s23 =	simm.s32 $0x1;
	s2 =	sadd.s32 $0x30, s2  }
.LBB2_1:
0x17: {  	s0 =	rddreg [dreg:$0x4]  }
0x18: {  	[tilespmem:s3], [sflag:$0x5] =	stream.linear.gather [hbm4b:s0+s3], $0x2780, $0x38;
	[tilespmem:$0x9880] =	vst v63  }
0x19: {  	_ =	swait.ge [sflag:s17], $0x2780  }
0x1a: {  	[sflag:s17] =	ssyncset.done $0x0  }
0x1b: {  	s0 =	simm.s32 $0x0;
	[sflag:s17] =	ssyncadd.s32 $0xFFFFD880  }
0x1c: {  	v4 =	vld [tilespmem:s0+$0x0]  }
0x1d: {  	v6 =	vld [tilespmem:s0+$0x10]  }
0x1e: {  	v5 =	vld [tilespmem:s0+$0x20]  }
0x1f: {  	v3 =	vld [tilespmem:s0+$0x30]  }
0x20: {  	v2 =	vld [tilespmem:s0+$0x40]  }
0x21: {  	v7 =	vadd.s32 v0, v4;
	v4 =	vld [tilespmem:s0+$0x50]  }
0x22: {  	s16 =	simm.s32 $0x200;
	[tilespmem:s0+$0x0] =	vst v7;
	v7 =	vadd.s32 v0, v6;
	v6 =	vld [tilespmem:s0+$0x60]  }
.LBB2_2:
0x23: {  	s31 =	sshra.s32 s16, $0x2;
	p0 =	sne.s32 s16, $0x9C00;
	[tilespmem:s0+$0x10] =	vst v7;
	v5 =	vadd.s32 v0, v5;
	v7 =	vld [tilespmem:s0+$0x70]  }
0x24: {  	v8 =	vld [tilespmem:s31+$0x0];
	[tilespmem:s0+$0x20] =	vst v5;
	v3 =	vadd.s32 v0, v3  }
0x25: {  	v9 =	vld [tilespmem:s31+$0x10];
	[tilespmem:s0+$0x30] =	vst v3;
	v2 =	vadd.s32 v0, v2  }
.Ltmp0:
0x26: {  	v5 =	vld [tilespmem:s31+$0x20];
	[tilespmem:s0+$0x40] =	vst v2;
	v2 =	vadd.s32 v0, v4;
	(pc) =	sbr.rel @p0 .LBB2_2-.Ltmp0, $4  }
0x27: {  	v3 =	vld [tilespmem:s31+$0x30];
	[tilespmem:s0+$0x50] =	vst v2;
	v4 =	vadd.s32 v0, v6  }
0x28: {  	v2 =	vld [tilespmem:s31+$0x40];
	[tilespmem:s0+$0x60] =	vst v4;
	v6 =	vadd.s32 v0, v7  }
0x29: {  	v7 =	vadd.s32 v0, v8;
	v4 =	vld [tilespmem:s31+$0x50];
	[tilespmem:s0+$0x70] =	vst v6;
	s0 =	smov.u32 s31  }
0x2a: {  	s16 =	sadd.s32 $0x200, s16;
	[tilespmem:s0+$0x0] =	vst v7;
	v7 =	vadd.s32 v0, v9;
	v6 =	vld [tilespmem:s0+$0x60]  }
0x2b: {  	[tilespmem:s0+$0x10] =	vst v7;
	v5 =	vadd.s32 v0, v5;
	v63 =	vld [tilespmem:s0+$0x70]  }
0x2c: {  	[tilespmem:s0+$0x20] =	vst v5;
	v3 =	vadd.s32 v0, v3  }
0x2d: {  	[tilespmem:s0+$0x30] =	vst v3;
	v2 =	vadd.s32 v0, v2  }
0x2e: {  	[tilespmem:s0+$0x40] =	vst v2;
	v2 =	vadd.s32 v0, v4  }
0x2f: {  	[tilespmem:s0+$0x50] =	vst v2;
	v2 =	vadd.s32 v0, v6  }
0x30: {  	[tilespmem:s0+$0x60] =	vst v2;
	v2 =	vadd.s32 v0, v63  }
0x31: {  	s16 =	simm.s32 $0x0;
	[tilespmem:s0+$0x70] =	vst v2;
	s0 =	simm.s32 $0x80  }
.LBB2_4:
0x32: {  	p0 =	sne.s32 s0, $0x3F80;
	[tilespmem:s16+$0x2880] =	vst v1;
	s31 =	smov.u32 s0;
	s0 =	sadd.s32 $0x80, s0  }
.Ltmp1:
0x33: {  	[tilespmem:s16+$0x2890] =	vst v1;
	(pc) =	sbr.rel @p0 .LBB2_4-.Ltmp1, $2  }
0x34: {  	_ =	sdelay $0x2  }
0x35: {  	s16 =	sshra.s32 s31, $0x2  }
0x36: {  	[tilespmem:s16+$0x2880] =	vst v1  }
0x37: {  	[tilespmem:s16+$0x2890] =	vst v1  }
0x38: {  	[spmem:s6] =	stream.linear.scatter [tilespmem:s18], [sflag:$0x5], $0x1000, $0x38;
	[tilespmem:$0x9880] =	vst v63  }
0x39: {  	_ =	swait.ge [sflag:s17], $0x1000  }
0x3a: {  	[sflag:s17] =	ssyncset.done $0x0  }
0x3b: {  	[sflag:s17] =	ssyncadd.s32 $0xFFFFF000  }
0x3c: {  	[spmem:s12] =	stream.linear.scatter [tilespmem:s18], [sflag:$0x5], $0x1000, $0x38;
	[tilespmem:$0x9880] =	vst v63  }
0x3d: {  	_ =	swait.ge [sflag:s17], $0x1000  }
0x3e: {  	[sflag:s17] =	ssyncset.done $0x0  }
0x3f: {  	[sflag:s17] =	ssyncadd.s32 $0xFFFFF000  }
0x40: {  	[spmem:s13] =	stream.linear.scatter [tilespmem:s18], [sflag:$0x5], $0x1000, $0x38;
	[tilespmem:$0x9880] =	vst v63  }
0x41: {  	_ =	swait.ge [sflag:s17], $0x1000  }
0x42: {  	[sflag:s17] =	ssyncset.done $0x0  }
0x43: {  	[sflag:s17] =	ssyncadd.s32 $0xFFFFF000  }
0x44: {  	[spmem:s14] =	stream.linear.scatter [tilespmem:s18], [sflag:$0x5], $0x1000, $0x38;
	[tilespmem:$0x9880] =	vst v63  }
0x45: {  	_ =	swait.ge [sflag:s17], $0x1000  }
0x46: {  	[sflag:s17] =	ssyncset.done $0x0  }
0x47: {  	[sflag:s17] =	ssyncadd.s32 $0xFFFFF000  }
0x48: {  	[spmem:s15] =	stream.linear.scatter [tilespmem:s18], [sflag:$0x5], $0x1000, $0x38;
	[tilespmem:$0x9880] =	vst v63  }
0x49: {  	_ =	swait.ge [sflag:s17], $0x1000  }
0x4a: {  	[sflag:s17] =	ssyncset.done $0x0  }
0x4b: {  	[sflag:s17] =	ssyncadd.s32 $0xFFFFF000  }
0x4c: {  	s0 =	simm.s32 $0x0;
	[bflag:$0x0] =	sbarrier.arrive $0xFFFF  }
0x4d: {  	[tilespmem:s18], [sflag:$0x1] =	stream.indirect.gather [hbm4b:s4+s19], $0x20, s0, s19, $0xb8;
	[tilespmem:$0x9880] =	vst v63  }
0x4e: {  	_ = 	snop  }
0x4f: {  	[tilespmem:s20], [sflag:$0x3] =	stream.linear.gather [hbm4b:s7+s0], $0x80, $0x38;
	[tilespmem:$0x9880] =	vst v63  }
0x50: {  	_ = 	snop  }
0x51: {  	[tilespmem:s21], [sflag:$0x2] =	stream.indirect.gather [hbm4b:s4+s19], $0x20, s19, s19, $0xb8;
	[tilespmem:$0x9880] =	vst v63  }
0x52: {  	_ = 	snop  }
0x53: {  	[tilespmem:s22], [sflag:$0x4] =	stream.linear.gather [hbm4b:s8+s0], $0x80, $0x38;
	[tilespmem:$0x9880] =	vst v63  }
0x54: {  	_ =	swait.ge [sflag:s23], $0x1000  }
0x55: {  	[sflag:s23] =	ssyncset.done $0x0  }
0x56: {  	[sflag:s23] =	ssyncadd.s32 $0xFFFFF000  }
0x57: {  	_ =	swait.ge [sflag:s25], $0x80  }
0x58: {  	[sflag:s25] =	ssyncset.done $0x0  }
0x59: {  	[sflag:s25] =	ssyncadd.s32 $0xFFFFFF80  }
0x5a: {  	[spmem:s1] =	stream.indirect.scatter.add.bf16 [tilespmem:s18], [sflag:$0x5], $0x20, s20, s19, $0xb8;
	[tilespmem:$0x9880] =	vst v63  }
0x5b: {  	_ =	swait.ge [sflag:s17], $0x1000  }
0x5c: {  	[sflag:s17] =	ssyncset.done $0x0  }
0x5d: {  	s5 =	simm.s32 $0x100;
	[sflag:s17] =	ssyncadd.s32 $0xFFFFF000  }
0x5e: {  	[tilespmem:s18], [sflag:$0x1] =	stream.indirect.gather [hbm4b:s4+s19], $0x20, s5, s19, $0xb8;
	[tilespmem:$0x9880] =	vst v63  }
0x5f: {  	s16 =	sadd.s32 $0xFFFFFFF0, s2  }
0x60: {  	[tilespmem:s20], [sflag:$0x3] =	stream.linear.gather [hbm4b:s16+s3], $0x80, $0x38;
	[tilespmem:$0x9880] =	vst v63  }
0x61: {  	_ =	swait.ge [sflag:s26], $0x1000  }
0x62: {  	[sflag:s26] =	ssyncset.done $0x0  }
0x63: {  	[sflag:s26] =	ssyncadd.s32 $0xFFFFF000  }
0x64: {  	_ =	swait.ge [sflag:s28], $0x80  }
0x65: {  	[sflag:s28] =	ssyncset.done $0x0  }
0x66: {  	[sflag:s28] =	ssyncadd.s32 $0xFFFFFF80  }
0x67: {  	[spmem:s1] =	stream.indirect.scatter.add.bf16 [tilespmem:s21], [sflag:$0x5], $0x20, s22, s19, $0xb8;
	[tilespmem:$0x9880] =	vst v63  }
0x68: {  	_ =	swait.ge [sflag:s17], $0x1000  }
0x69: {  	s29 =	simm.s32 $0x180;
	s31 =	simm.s32 $0x400;
	[sflag:s17] =	ssyncset.done $0x0  }
0x6a: {  	s0 =	sadd.s32 $0x20, s2;
	s16 =	smov.u32 s2;
	[sflag:s17] =	ssyncadd.s32 $0xFFFFF000  }
0x6b: {  	[tilespmem:s21], [sflag:$0x2] =	stream.indirect.gather [hbm4b:s4+s19], $0x20, s29, s19, $0xb8;
	[tilespmem:$0x9880] =	vst v63  }
.LBB2_6:
0x6c: {  	[tilespmem:s22], [sflag:$0x4] =	stream.linear.gather [hbm4b:s16+s3], $0x80, $0x38;
	[tilespmem:$0x9880] =	vst v63  }
0x6d: {  	s29 =	smov.u32 s31;
	s16 =	smov.u32 s0  }
0x6e: {  	p0 =	sne.s32 s31, $0x9400;
	s31 =	sadd.s32 $0x400, s31;
	_ =	swait.ge [sflag:s23], $0x1000  }
0x6f: {  	[sflag:s23] =	ssyncset.done $0x0  }
0x70: {  	[sflag:s23] =	ssyncadd.s32 $0xFFFFF000  }
0x71: {  	_ =	swait.ge [sflag:s25], $0x80  }
0x72: {  	[sflag:s25] =	ssyncset.done $0x0  }
0x73: {  	[sflag:s25] =	ssyncadd.s32 $0xFFFFFF80  }
0x74: {  	[spmem:s1] =	stream.indirect.scatter.add.bf16 [tilespmem:s18], [sflag:$0x5], $0x20, s20, s19, $0xb8;
	[tilespmem:$0x9880] =	vst v63  }
0x75: {  	_ =	swait.ge [sflag:s17], $0x1000  }
0x76: {  	s29 =	sshra.s32 s29, $0x2;
	[sflag:s17] =	ssyncset.done $0x0  }
0x77: {  	s5 =	sadd.s32 $0x100, s29;
	[sflag:s17] =	ssyncadd.s32 $0xFFFFF000  }
0x78: {  	[tilespmem:s18], [sflag:$0x1] =	stream.indirect.gather [hbm4b:s4+s19], $0x20, s5, s19, $0xb8;
	[tilespmem:$0x9880] =	vst v63  }
0x79: {  	s5 =	sadd.s32 $0xFFFFFFF0, s0  }
0x7a: {  	[tilespmem:s20], [sflag:$0x3] =	stream.linear.gather [hbm4b:s5+s3], $0x80, $0x38;
	[tilespmem:$0x9880] =	vst v63  }
0x7b: {  	_ =	swait.ge [sflag:s26], $0x1000  }
0x7c: {  	[sflag:s26] =	ssyncset.done $0x0  }
0x7d: {  	[sflag:s26] =	ssyncadd.s32 $0xFFFFF000  }
0x7e: {  	_ =	swait.ge [sflag:s28], $0x80  }
0x7f: {  	[sflag:s28] =	ssyncset.done $0x0  }
0x80: {  	[sflag:s28] =	ssyncadd.s32 $0xFFFFFF80  }
0x81: {  	[spmem:s1] =	stream.indirect.scatter.add.bf16 [tilespmem:s21], [sflag:$0x5], $0x20, s22, s19, $0xb8;
	[tilespmem:$0x9880] =	vst v63  }
.Ltmp2:
0x82: {  	_ =	swait.ge [sflag:s17], $0x1000;
	(pc) =	sbr.rel @p0 .LBB2_6-.Ltmp2, $4  }
0x83: {  	[sflag:s17] =	ssyncset.done $0x0  }
0x84: {  	s5 =	sadd.s32 $0x180, s29;
	[sflag:s17] =	ssyncadd.s32 $0xFFFFF000  }
0x85: {  	[tilespmem:s21], [sflag:$0x2] =	stream.indirect.gather [hbm4b:s4+s19], $0x20, s5, s19, $0xb8;
	[tilespmem:$0x9880] =	vst v63  }
0x86: {  	s0 =	sadd.s32 $0x20, s0  }
0x87: {  	[tilespmem:s22], [sflag:$0x4] =	stream.linear.gather [hbm4b:s16+s3], $0x80, $0x38;
	[tilespmem:$0x9880] =	vst v63  }
0x88: {  	_ =	swait.ge [sflag:s23], $0x1000  }
0x89: {  	[sflag:s23] =	ssyncset.done $0x0  }
0x8a: {  	[sflag:s23] =	ssyncadd.s32 $0xFFFFF000  }
0x8b: {  	_ =	swait.ge [sflag:s25], $0x80  }
0x8c: {  	[sflag:s25] =	ssyncset.done $0x0  }
0x8d: {  	[sflag:s25] =	ssyncadd.s32 $0xFFFFFF80  }
0x8e: {  	[spmem:s1] =	stream.indirect.scatter.add.bf16 [tilespmem:s18], [sflag:$0x5], $0x20, s20, s19, $0xb8;
	[tilespmem:$0x9880] =	vst v63  }
0x8f: {  	_ =	swait.ge [sflag:s17], $0x1000  }
0x90: {  	[sflag:s17] =	ssyncset.done $0x0  }
0x91: {  	s0 =	simm.s32 $0x2700;
	[sflag:s17] =	ssyncadd.s32 $0xFFFFF000  }
0x92: {  	[tilespmem:s18], [sflag:$0x1] =	stream.indirect.gather [hbm4b:s4+s19], $0x20, s0, s19, $0xb8;
	[tilespmem:$0x9880] =	vst v63  }
0x93: {  	_ = 	snop  }
0x94: {  	[tilespmem:s20], [sflag:$0x3] =	stream.linear.gather [hbm4b:s9+s3], $0x80, $0x38;
	[tilespmem:$0x9880] =	vst v63  }
0x95: {  	_ =	swait.ge [sflag:s26], $0x1000  }
0x96: {  	[sflag:s26] =	ssyncset.done $0x0  }
0x97: {  	[sflag:s26] =	ssyncadd.s32 $0xFFFFF000  }
0x98: {  	_ =	swait.ge [sflag:s28], $0x80  }
0x99: {  	[sflag:s28] =	ssyncset.done $0x0  }
0x9a: {  	[sflag:s28] =	ssyncadd.s32 $0xFFFFFF80  }
0x9b: {  	[spmem:s1] =	stream.indirect.scatter.add.bf16 [tilespmem:s21], [sflag:$0x5], $0x20, s22, s19, $0xb8;
	[tilespmem:$0x9880] =	vst v63  }
0x9c: {  	_ =	swait.ge [sflag:s17], $0x1000  }
0x9d: {  	[sflag:s17] =	ssyncset.done $0x0  }
0x9e: {  	[sflag:s17] =	ssyncadd.s32 $0xFFFFF000  }
0x9f: {  	_ =	swait.ge [sflag:s23], $0x1000  }
0xa0: {  	[sflag:s23] =	ssyncset.done $0x0  }
0xa1: {  	[sflag:s23] =	ssyncadd.s32 $0xFFFFF000  }
0xa2: {  	_ =	swait.ge [sflag:s25], $0x80  }
0xa3: {  	[sflag:s25] =	ssyncset.done $0x0  }
0xa4: {  	[sflag:s25] =	ssyncadd.s32 $0xFFFFFF80  }
0xa5: {  	[spmem:s1] =	stream.indirect.scatter.add.bf16 [tilespmem:s18], [sflag:$0x5], $0x20, s20, s19, $0xb8;
	[tilespmem:$0x9880] =	vst v63  }
0xa6: {  	_ =	swait.ge [sflag:s17], $0x1000  }
0xa7: {  	s31 =	stileid.u32;
	s30 =	sadd.s32 $0x1, s30;
	[sflag:s17] =	ssyncset.done $0x0  }
0xa8: {  	p0 =	sne.s32 s30, s11;
	s0 =	sshll.u32 s31, $0x6;
	[sflag:s17] =	ssyncadd.s32 $0xFFFFF000  }
.Ltmp3:
0xa9: {  	s0 =	sor.u32 $0x1C05, s0;
	[bflag:$0x0] =	sbarrier.arrive $0xFFFF;
	(pc) =	sbr.rel @p0 .LBB2_1-.Ltmp3, $4  }
0xaa: {  	[hbm:s10], [sflag:s0] =	dma.local [spmem:s24], $0xA00  }
0xab: {  	_ =	swait.ge [sflag:s17], $0xA00  }
0xac: {  	[sflag:s17] =	ssyncset.done $0x0  }
0xad: {  	[sflag:s17] =	ssyncadd.s32 $0xFFFFF600  }
0xae: {  	_ =	sfence.sel $0x180000  }
0xaf: {  	[bflag:$0x0] =	sbarrier.arrive $0xFFFF  }
0xb0: {  	_ =	strace $0x9000004D  }
0xb1: {  	s0 =	stileid.u32;
	[bflag:$0x2] =	sbarrier.arrive $0xFFFF  }
0xb2: {  	p0 =	sne.s32 s0, $0x0;
	s0 =	rddreg [dreg:$0x3]  }
0xb3: {  	s0 =	sadd.s32 @!p0 $0x100000, s0  }
0xb4: {  	[sflag:s0] =	ssyncadd.tile.s32 @!p0 $0x1;
	_ =	shalt  }
.Lfunc_end2:
_tile_overlayer_lowered:
.L_overlay_start_2:
0xb5: {  	(tag) =	ssettag $0x2  }
0xb6: {  	s0 =	rddreg [dreg:$0x0];
	s2 =	stileid.u32  }
0xb7: {  	s1 =	rddreg [dreg:$0x1];
	p0 =	sne.s32 s2, $0x0  }
0xb8: {  	s3 =	rddreg [dreg:$0x2];
	[bflag:$0x3] =	sbarrier.arrive $0xFFFF;
	s2 =	simm.s32 @!p0 $0x1C05  }
0xb9: {  	[timem:s3], [sflag:s2] =	dma.local @!p0 [hbm:s0], s1  }
0xba: {  	s0 =	simm.s32 @!p0 $0x5  }
0xbb: {  	_ =	swait.ge @!p0 [sflag:s0], s1  }
0xbc: {  	s1 =	ssub.s32 @!p0 $0x0, s1;
	[sflag:s0] =	ssyncset.done @!p0 $0x0  }
0xbd: {  	[sflag:s0] =	ssyncadd.s32 @!p0 s1  }
0xbe: {  	[bflag:$0x3] =	sbarrier.arrive $0xFFFF  }
0xbf: {  	_ =	shalt  }

</sc_bundles>
